<compile_context>
chip_gen: v7x
topology: tpu7x:2x2x1
jax: 0.10.2.dev20260603
libtpu: 0.0.44.dev20260713+nightly
codegen_flags: <defaults>
</compile_context>

<pallas_src>
import functools

import jax
import jax.numpy as jnp
from jax import lax
from jax.experimental import pallas as pl
from jax.experimental.pallas import tpu as pltpu
from jax.experimental.pallas import tpu_sc as plsc

N_NODES = 10000
N_PAD = 10240
PAD_ROWS = N_PAD - N_NODES
NC = 2
NS = 16
NW = NC * NS
CHUNK = 125
RPT = N_PAD // NS
EPS = 1e-5
ROW_BLK = 2560
NBUF = 8


def _worker(c, s):
    return c * NS + s


def _sc_degree(edges, ones, z, n_chunks):
    mesh = plsc.VectorSubcoreMesh(core_axis_name="c", subcore_axis_name="s")

    @functools.partial(
        pl.kernel,
        out_type=jax.ShapeDtypeStruct((NC, N_PAD, 8), jnp.float32),
        mesh=mesh,
        scratch_types=[
            pltpu.VMEM((n_chunks, CHUNK), jnp.int32),
            pltpu.VMEM((CHUNK, 8), jnp.float32),
            pltpu.VMEM_SHARED((N_PAD, 8), jnp.float32),
            pltpu.SemaphoreType.DMA,
        ],
        compiler_params=pltpu.CompilerParams(use_tc_tiling_on_sc=False),
    )
    def deg_kernel(e_hbm, ones_hbm, z_hbm, out_hbm, idx_v, ones_v, hist_sh,
                   sem):
        c = lax.axis_index("c")
        s = lax.axis_index("s")
        w = _worker(c, s)
        pltpu.sync_copy(e_hbm.at[1, w], idx_v)
        pltpu.sync_copy(ones_hbm, ones_v)
        pltpu.sync_copy(z_hbm, hist_sh.at[pl.ds(s * RPT, RPT)])
        plsc.subcore_barrier()

        def body(j, carry):
            pltpu.async_copy(ones_v, hist_sh.at[idx_v.at[j]], sem, add=True)
            return carry

        lax.fori_loop(0, n_chunks, body, 0)

        def drain(j, carry):
            pltpu.make_async_copy(ones_v, hist_sh.at[idx_v.at[0]], sem).wait()
            return carry

        lax.fori_loop(0, n_chunks, drain, 0)
        plsc.subcore_barrier()
        pltpu.sync_copy(hist_sh.at[pl.ds(s * RPT, RPT)],
                        out_hbm.at[c, pl.ds(s * RPT, RPT)])

    return deg_kernel(edges, ones, z)


def _sc_aggregate(yp, edges, z, n_chunks, d):
    mesh = plsc.VectorSubcoreMesh(core_axis_name="c", subcore_axis_name="s")
    nbuf = NBUF if d > 32 else 2 * NBUF

    @functools.partial(
        pl.kernel,
        out_type=jax.ShapeDtypeStruct((NC, N_PAD, d), jnp.float32),
        mesh=mesh,
        scratch_types=[
            pltpu.VMEM((n_chunks, CHUNK), jnp.int32),
            pltpu.VMEM((n_chunks, CHUNK), jnp.int32),
            pltpu.VMEM((nbuf, CHUNK, d), jnp.float32),
            pltpu.VMEM_SHARED((N_PAD, d), jnp.float32),
        ] + [pltpu.SemaphoreType.DMA] * nbuf,
        compiler_params=pltpu.CompilerParams(use_tc_tiling_on_sc=False),
    )
    def agg_kernel(y_hbm, e_hbm, z_hbm, out_hbm,
                   src_v, dst_v, rows_v, acc_sh, *sems):
        c = lax.axis_index("c")
        s = lax.axis_index("s")
        w = _worker(c, s)
        gsems = sems[:nbuf]

        def ygath(j):
            return y_hbm.at[src_v.at[j]]

        pltpu.sync_copy(e_hbm.at[0, w], src_v)
        pltpu.sync_copy(e_hbm.at[1, w], dst_v)
        for b in range(nbuf):
            pltpu.async_copy(ygath(b), rows_v.at[b], gsems[b])
        pltpu.sync_copy(z_hbm, acc_sh.at[pl.ds(s * RPT, RPT)])
        plsc.subcore_barrier()

        def gwait(j, b):
            pltpu.make_async_copy(ygath(j), rows_v.at[b], gsems[b]).wait()

        def body(g, carry):
            base = g * nbuf
            for b in range(nbuf):
                j = base + b
                gwait(j, b)
                pltpu.sync_copy(rows_v.at[b], acc_sh.at[dst_v.at[j]],
                                add=True)
                pltpu.async_copy(ygath(j + nbuf), rows_v.at[b], gsems[b])
            return carry

        lax.fori_loop(0, n_chunks // nbuf - 1, body, 0)
        for b in range(nbuf):
            j = n_chunks - nbuf + b
            gwait(j, b)
            pltpu.sync_copy(rows_v.at[b], acc_sh.at[dst_v.at[j]], add=True)
        plsc.subcore_barrier()
        pltpu.sync_copy(acc_sh.at[pl.ds(s * RPT, RPT)],
                        out_hbm.at[c, pl.ds(s * RPT, RPT)])

    return agg_kernel(yp.reshape(N_PAD, d), edges, z)


def _tc_prep(x, w1b):
    def body(x_ref, w_ref, y_ref):
        xm = x_ref[...].reshape(x_ref.shape[0] // 2, 256)
        y_ref[...] = jnp.dot(xm, w_ref[...],
                             preferred_element_type=jnp.float32)

    grid = N_PAD // ROW_BLK
    rb = ROW_BLK // 2
    return pl.pallas_call(
        body,
        grid=(grid,),
        in_specs=[
            pl.BlockSpec((ROW_BLK, 128), lambda i: (i, 0)),
            pl.BlockSpec((256, 128), lambda i: (0, 0)),
        ],
        out_specs=pl.BlockSpec((rb, 128), lambda i: (i, 0)),
        out_shape=jax.ShapeDtypeStruct((N_PAD // 2, 128), jnp.float32),
    )(x, w1b)


def _tc_mid(parts, y1p, dinvp1, dinvp2, b1p, g1p, be1p, w2b4):
    def body(p_ref, y_ref, d1_ref, d2_ref, b_ref, g_ref, be_ref, w_ref,
             o_ref):
        pre = (p_ref[0] + p_ref[1] + y_ref[...]) * d1_ref[...] + b_ref[...]
        bns = g_ref[...] * (1.0 / jnp.sqrt(1.0 + EPS))
        h = jnp.maximum(pre * bns + be_ref[...], 0.0)
        hm = h.reshape(h.shape[0] // 2, 256)
        o_ref[...] = jnp.dot(hm, w_ref[...],
                             preferred_element_type=jnp.float32) * d2_ref[...]

    grid = N_PAD // ROW_BLK
    rb = ROW_BLK // 2
    rq = ROW_BLK // 4
    return pl.pallas_call(
        body,
        grid=(grid,),
        in_specs=[
            pl.BlockSpec((2, rb, 128), lambda i: (0, i, 0)),
            pl.BlockSpec((rb, 128), lambda i: (i, 0)),
            pl.BlockSpec((rb, 128), lambda i: (i, 0)),
            pl.BlockSpec((rq, 128), lambda i: (i, 0)),
            pl.BlockSpec((1, 128), lambda i: (0, 0)),
            pl.BlockSpec((1, 128), lambda i: (0, 0)),
            pl.BlockSpec((1, 128), lambda i: (0, 0)),
            pl.BlockSpec((256, 128), lambda i: (0, 0)),
        ],
        out_specs=pl.BlockSpec((rq, 128), lambda i: (i, 0)),
        out_shape=jax.ShapeDtypeStruct((N_PAD // 4, 128), jnp.float32),
    )(parts, y1p, dinvp1, dinvp2, b1p, g1p, be1p, w2b4)


def _tc_out(parts, y2p, dinvp2, b2p, g2p, be2p, wlq, blq):
    def body(p_ref, y_ref, d_ref, b_ref, g_ref, be_ref, w_ref, bl_ref,
             o_ref):
        pre = (p_ref[0] + p_ref[1] + y_ref[...]) * d_ref[...] + b_ref[...]
        bns = g_ref[...] * (1.0 / jnp.sqrt(1.0 + EPS))
        h = jnp.maximum(pre * bns + be_ref[...], 0.0)
        o_ref[...] = jnp.dot(h, w_ref[...],
                             preferred_element_type=jnp.float32) + bl_ref[...]

    grid = N_PAD // ROW_BLK
    rq = ROW_BLK // 4
    return pl.pallas_call(
        body,
        grid=(grid,),
        in_specs=[
            pl.BlockSpec((2, rq, 128), lambda i: (0, i, 0)),
            pl.BlockSpec((rq, 128), lambda i: (i, 0)),
            pl.BlockSpec((rq, 128), lambda i: (i, 0)),
            pl.BlockSpec((1, 128), lambda i: (0, 0)),
            pl.BlockSpec((1, 128), lambda i: (0, 0)),
            pl.BlockSpec((1, 128), lambda i: (0, 0)),
            pl.BlockSpec((128, 8), lambda i: (0, 0)),
            pl.BlockSpec((1, 8), lambda i: (0, 0)),
        ],
        out_specs=pl.BlockSpec((rq, 8), lambda i: (i, 0)),
        out_shape=jax.ShapeDtypeStruct((N_PAD // 4, 8), jnp.float32),
    )(parts, y2p, dinvp2, b2p, g2p, be2p, wlq, blq)


def kernel(x, edge_index, W1, b1, g1, be1, W2, b2, g2, be2, Wl, bl):
    src = edge_index[0].astype(jnp.int32)
    dst = edge_index[1].astype(jnp.int32)
    e = src.shape[0]
    n_chunks = -(-e // (NW * CHUNK))
    n_chunks = -(-n_chunks // (2 * NBUF)) * (2 * NBUF)
    epad = NW * n_chunks * CHUNK
    pad_n = epad - e
    if pad_n:
        pad_idx = N_NODES + (jnp.arange(pad_n, dtype=jnp.int32) % PAD_ROWS)
        src = jnp.concatenate([src, pad_idx])
        dst = jnp.concatenate([dst, pad_idx])
        edges = jnp.stack([src, dst]).reshape(2, NW, n_chunks, CHUNK)
    else:
        edges = jnp.stack([src, dst]).reshape(2, NW, n_chunks, CHUNK)

    xp = jnp.zeros((N_PAD, 128), jnp.float32).at[:N_NODES].set(x)
    ones8 = jnp.ones((CHUNK, 8), jnp.float32)
    z8 = jnp.zeros((RPT, 8), jnp.float32)
    z64 = jnp.zeros((RPT, 64), jnp.float32)
    z32 = jnp.zeros((RPT, 32), jnp.float32)

    w1b = jnp.zeros((256, 128), jnp.float32)
    w1b = w1b.at[:128, :64].set(W1).at[128:, 64:].set(W1)
    w2b4 = jnp.zeros((256, 128), jnp.float32)
    for i in range(4):
        w2b4 = w2b4.at[i * 64:(i + 1) * 64, i * 32:(i + 1) * 32].set(W2)
    wlq = jnp.zeros((128, 8), jnp.float32)
    for i in range(4):
        wlq = wlq.at[i * 32:(i + 1) * 32, i * 2:(i + 1) * 2].set(Wl)
    b1p = jnp.tile(b1, 2).reshape(1, 128)
    g1p = jnp.tile(g1, 2).reshape(1, 128)
    be1p = jnp.tile(be1, 2).reshape(1, 128)
    b2p = jnp.tile(b2, 4).reshape(1, 128)
    g2p = jnp.tile(g2, 4).reshape(1, 128)
    be2p = jnp.tile(be2, 4).reshape(1, 128)
    blq = jnp.tile(bl, 4).reshape(1, 8)

    degp = _sc_degree(edges, ones8, z8, n_chunks)
    xwp = _tc_prep(xp, w1b)
    deg = degp[0, :, 0] + degp[1, :, 0] + 1.0
    dinv = lax.rsqrt(deg)
    dinvp1 = jnp.repeat(dinv, 64).reshape(N_PAD // 2, 128)
    dinvp2 = jnp.repeat(dinv, 32).reshape(N_PAD // 4, 128)

    y1p = xwp * dinvp1
    parts1 = _sc_aggregate(y1p, edges, z64, n_chunks, 64)
    parts1 = parts1.reshape(NC, N_PAD // 2, 128)
    y2p = _tc_mid(parts1, y1p, dinvp1, dinvp2, b1p, g1p, be1p, w2b4)
    parts2 = _sc_aggregate(y2p, edges, z32, n_chunks, 32)
    parts2 = parts2.reshape(NC, N_PAD // 4, 128)
    out = _tc_out(parts2, y2p, dinvp2, b2p, g2p, be2p, wlq, blq)
    return out.reshape(N_PAD, 2)[:N_NODES]

# --- scband reference (transcript-rebuilt; emitter-appended) ---
"""Pipeline reference for scband-gcn-7687991459994 (READ-ONLY COPY).

The authoritative reference and input builder live on the scoring server;
editing this copy changes nothing except your own understanding.
"""

import jax, jax.numpy as jnp
import numpy as np

N_NODES = 10000
N_EDGES = 320000
IN_CH = 128
HIDDEN = 64
OUT_CH = 2
EPS = 1e-5


def _gcn_conv(x, edge_index, W, b):
    N = x.shape[0]
    src = edge_index[0]
    dst = edge_index[1]
    loop = jnp.arange(N, dtype=edge_index.dtype)
    src = jnp.concatenate([src, loop])
    dst = jnp.concatenate([dst, loop])
    ew = jnp.ones(src.shape[0], dtype=x.dtype)
    deg = jnp.zeros(N, dtype=x.dtype).at[dst].add(ew)
    dinv = jnp.where(deg > 0, 1.0 / jnp.sqrt(deg), 0.0)
    norm = dinv[src] * dinv[dst] * ew
    xw = x @ W
    msg = xw[src] * norm[:, None]
    out = jnp.zeros((N, xw.shape[1]), dtype=x.dtype).at[dst].add(msg)
    return out + b


def _bn_eval(h, gamma, beta):
    # inference-mode BatchNorm1d with running_mean=0, running_var=1
    return h * (gamma / jnp.sqrt(1.0 + EPS)) + beta


def setup_inputs(seed: int = 0) -> dict:
    key = jax.random.key(seed)
    ks = jax.random.split(key, 12)
    x = jax.random.normal(ks[0], (N_NODES, IN_CH), dtype=jnp.float32)
    edge_index = jax.random.randint(ks[1], (2, N_EDGES), 0, N_NODES, dtype=jnp.int64)
    W1 = jax.random.normal(ks[2], (IN_CH, HIDDEN), dtype=jnp.float32) * (1.0 / np.sqrt(IN_CH))
    b1 = jnp.zeros((HIDDEN,), dtype=jnp.float32)
    g1 = jnp.ones((HIDDEN,), dtype=jnp.float32)
    be1 = jnp.zeros((HIDDEN,), dtype=jnp.float32)
    W2 = jax.random.normal(ks[3], (HIDDEN, HIDDEN // 2), dtype=jnp.float32) * (1.0 / np.sqrt(HIDDEN))
    b2 = jnp.zeros((HIDDEN // 2,), dtype=jnp.float32)
    g2 = jnp.ones((HIDDEN // 2,), dtype=jnp.float32)
    be2 = jnp.zeros((HIDDEN // 2,), dtype=jnp.float32)
    Wl = jax.random.normal(ks[4], (HIDDEN // 2, OUT_CH), dtype=jnp.float32) * (1.0 / np.sqrt(HIDDEN // 2))
    bl = jnp.zeros((OUT_CH,), dtype=jnp.float32)
    return {"x": x, "edge_index": edge_index, "W1": W1, "b1": b1, "g1": g1, "be1": be1,
            "W2": W2, "b2": b2, "g2": g2, "be2": be2, "Wl": Wl, "bl": bl}


def reference(x, edge_index, W1, b1, g1, be1, W2, b2, g2, be2, Wl, bl):
    h = _gcn_conv(x, edge_index, W1, b1)
    h = jax.nn.relu(_bn_eval(h, g1, be1))
    # dropout is identity in eval mode
    h = _gcn_conv(h, edge_index, W2, b2)
    h = jax.nn.relu(_bn_eval(h, g2, be2))
    return h @ Wl + bl

if __name__ == "__main__":
    import jax
    _d = setup_inputs()
    print(jax.jit(kernel)(*tuple(_d.values())))

</pallas_src>

<mosaic_0001>
#map = affine_map<(d0, d1) -> (0, 0)>
#map1 = affine_map<(d0, d1) -> (0, 0, 0, 0)>
#map2 = affine_map<(d0, d1) -> (0, 0, 0)>
module attributes {stable_mosaic.version = 14 : i64} {
  func.func @agg_kernel(%arg0: i32, %arg1: i32, %arg2: memref<10240x32xf32, #tpu.memory_space<hbm>>, %arg3: memref<2x32x80x125xi32, #tpu.memory_space<hbm>>, %arg4: memref<640x32xf32, #tpu.memory_space<hbm>>, %arg5: memref<2x10240x32xf32, #tpu.memory_space<hbm>>, %arg6: memref<80x125xi32, #tpu.memory_space<vmem>>, %arg7: memref<80x125xi32, #tpu.memory_space<vmem>>, %arg8: memref<16x125x32xf32, #tpu.memory_space<vmem>>, %arg9: memref<10240x32xf32, #tpu.memory_space<vmem_shared>>, %arg10: memref<!tpu.dma_semaphore, #tpu.memory_space<semaphore_mem>>, %arg11: memref<!tpu.dma_semaphore, #tpu.memory_space<semaphore_mem>>, %arg12: memref<!tpu.dma_semaphore, #tpu.memory_space<semaphore_mem>>, %arg13: memref<!tpu.dma_semaphore, #tpu.memory_space<semaphore_mem>>, %arg14: memref<!tpu.dma_semaphore, #tpu.memory_space<semaphore_mem>>, %arg15: memref<!tpu.dma_semaphore, #tpu.memory_space<semaphore_mem>>, %arg16: memref<!tpu.dma_semaphore, #tpu.memory_space<semaphore_mem>>, %arg17: memref<!tpu.dma_semaphore, #tpu.memory_space<semaphore_mem>>, %arg18: memref<!tpu.dma_semaphore, #tpu.memory_space<semaphore_mem>>, %arg19: memref<!tpu.dma_semaphore, #tpu.memory_space<semaphore_mem>>, %arg20: memref<!tpu.dma_semaphore, #tpu.memory_space<semaphore_mem>>, %arg21: memref<!tpu.dma_semaphore, #tpu.memory_space<semaphore_mem>>, %arg22: memref<!tpu.dma_semaphore, #tpu.memory_space<semaphore_mem>>, %arg23: memref<!tpu.dma_semaphore, #tpu.memory_space<semaphore_mem>>, %arg24: memref<!tpu.dma_semaphore, #tpu.memory_space<semaphore_mem>>, %arg25: memref<!tpu.dma_semaphore, #tpu.memory_space<semaphore_mem>>) attributes {dimension_semantics = [#tpu.dimension_semantics<core_parallel>, #tpu.dimension_semantics<subcore_parallel>], iteration_bounds = array<i64: 2, 16>, scalar_prefetch = 0 : i64, scratch_operands = 20 : i64, tpu.core_type = #tpu.core_type<sc_vector_subcore>, window_params = [{transform_indices = #map}, {transform_indices = #map1}, {transform_indices = #map}, {transform_indices = #map2}]} {
    %mul3A = arith.constant 16 : i32
    %mul3A_0 = arith.muli %arg0, %mul3A : i32
    %add3A = arith.addi %mul3A_0, %arg1 : i32
    %run_scoped3A = arith.constant 0 : i32
    "tpu.region"() ({
      %run_scoped3A_428 = tpu.sem_alloc : memref<!tpu.dma_semaphore, #tpu.memory_space<semaphore_mem>>
      %dma_start3A_429 = arith.constant 0 : i32
      %dma_start3A_430 = arith.constant 0 : i32
      %dma_start3A_431 = tpu.memref_slice %arg3[%run_scoped3A, %add3A, %dma_start3A_429, %dma_start3A_430] : memref<2x32x80x125xi32, #tpu.memory_space<hbm>> -> memref<1x1x80x125xi32, #tpu.memory_space<hbm>>
      %dma_start3A_432 = tpu.memref_squeeze %dma_start3A_431 : memref<1x1x80x125xi32, #tpu.memory_space<hbm>> -> memref<80x125xi32, #tpu.memory_space<hbm>>
      %dma_start3A_433 = arith.constant 0 : i32
      %dma_start3A_434 = arith.constant 0 : i32
      %dma_start3A_435 = tpu.memref_slice %arg3[%run_scoped3A, %add3A, %dma_start3A_433, %dma_start3A_434] : memref<2x32x80x125xi32, #tpu.memory_space<hbm>> -> memref<1x1x80x125xi32, #tpu.memory_space<hbm>>
      %dma_start3A_436 = tpu.memref_squeeze %dma_start3A_435 : memref<1x1x80x125xi32, #tpu.memory_space<hbm>> -> memref<80x125xi32, #tpu.memory_space<hbm>>
      tpu.enqueue_dma source(%dma_start3A_436 : memref<80x125xi32, #tpu.memory_space<hbm>>) target(%arg6 : memref<80x125xi32, #tpu.memory_space<vmem>>) target_semaphore(%run_scoped3A_428 : memref<!tpu.dma_semaphore, #tpu.memory_space<semaphore_mem>>)
      %dma_wait3A_437 = arith.constant 0 : i32
      %dma_wait3A_438 = arith.constant 0 : i32
      %dma_wait3A_439 = tpu.memref_slice %arg3[%run_scoped3A, %add3A, %dma_wait3A_437, %dma_wait3A_438] : memref<2x32x80x125xi32, #tpu.memory_space<hbm>> -> memref<1x1x80x125xi32, #tpu.memory_space<hbm>>
      %dma_wait3A_440 = tpu.memref_squeeze %dma_wait3A_439 : memref<1x1x80x125xi32, #tpu.memory_space<hbm>> -> memref<80x125xi32, #tpu.memory_space<hbm>>
      %dma_wait3A_441 = arith.constant 0 : i32
      %dma_wait3A_442 = arith.constant 0 : i32
      %dma_wait3A_443 = tpu.memref_slice %arg3[%run_scoped3A, %add3A, %dma_wait3A_441, %dma_wait3A_442] : memref<2x32x80x125xi32, #tpu.memory_space<hbm>> -> memref<1x1x80x125xi32, #tpu.memory_space<hbm>>
      %dma_wait3A_444 = tpu.memref_squeeze %dma_wait3A_443 : memref<1x1x80x125xi32, #tpu.memory_space<hbm>> -> memref<80x125xi32, #tpu.memory_space<hbm>>
      tpu.wait_dma2 semaphore(%run_scoped3A_428 : memref<!tpu.dma_semaphore, #tpu.memory_space<semaphore_mem>>) src(%dma_wait3A_444 : memref<80x125xi32, #tpu.memory_space<hbm>>) dst(%arg6 : memref<80x125xi32, #tpu.memory_space<vmem>>)
      tpu.yield
    }) : () -> ()
    %run_scoped3A_1 = arith.constant 1 : i32
    "tpu.region"() ({
      %run_scoped3A_428 = tpu.sem_alloc : memref<!tpu.dma_semaphore, #tpu.memory_space<semaphore_mem>>
      %dma_start3A_429 = arith.constant 0 : i32
      %dma_start3A_430 = arith.constant 0 : i32
      %dma_start3A_431 = tpu.memref_slice %arg3[%run_scoped3A_1, %add3A, %dma_start3A_429, %dma_start3A_430] : memref<2x32x80x125xi32, #tpu.memory_space<hbm>> -> memref<1x1x80x125xi32, #tpu.memory_space<hbm>>
      %dma_start3A_432 = tpu.memref_squeeze %dma_start3A_431 : memref<1x1x80x125xi32, #tpu.memory_space<hbm>> -> memref<80x125xi32, #tpu.memory_space<hbm>>
      %dma_start3A_433 = arith.constant 0 : i32
      %dma_start3A_434 = arith.constant 0 : i32
      %dma_start3A_435 = tpu.memref_slice %arg3[%run_scoped3A_1, %add3A, %dma_start3A_433, %dma_start3A_434] : memref<2x32x80x125xi32, #tpu.memory_space<hbm>> -> memref<1x1x80x125xi32, #tpu.memory_space<hbm>>
      %dma_start3A_436 = tpu.memref_squeeze %dma_start3A_435 : memref<1x1x80x125xi32, #tpu.memory_space<hbm>> -> memref<80x125xi32, #tpu.memory_space<hbm>>
      tpu.enqueue_dma source(%dma_start3A_436 : memref<80x125xi32, #tpu.memory_space<hbm>>) target(%arg7 : memref<80x125xi32, #tpu.memory_space<vmem>>) target_semaphore(%run_scoped3A_428 : memref<!tpu.dma_semaphore, #tpu.memory_space<semaphore_mem>>)
      %dma_wait3A_437 = arith.constant 0 : i32
      %dma_wait3A_438 = arith.constant 0 : i32
      %dma_wait3A_439 = tpu.memref_slice %arg3[%run_scoped3A_1, %add3A, %dma_wait3A_437, %dma_wait3A_438] : memref<2x32x80x125xi32, #tpu.memory_space<hbm>> -> memref<1x1x80x125xi32, #tpu.memory_space<hbm>>
      %dma_wait3A_440 = tpu.memref_squeeze %dma_wait3A_439 : memref<1x1x80x125xi32, #tpu.memory_space<hbm>> -> memref<80x125xi32, #tpu.memory_space<hbm>>
      %dma_wait3A_441 = arith.constant 0 : i32
      %dma_wait3A_442 = arith.constant 0 : i32
      %dma_wait3A_443 = tpu.memref_slice %arg3[%run_scoped3A_1, %add3A, %dma_wait3A_441, %dma_wait3A_442] : memref<2x32x80x125xi32, #tpu.memory_space<hbm>> -> memref<1x1x80x125xi32, #tpu.memory_space<hbm>>
      %dma_wait3A_444 = tpu.memref_squeeze %dma_wait3A_443 : memref<1x1x80x125xi32, #tpu.memory_space<hbm>> -> memref<80x125xi32, #tpu.memory_space<hbm>>
      tpu.wait_dma2 semaphore(%run_scoped3A_428 : memref<!tpu.dma_semaphore, #tpu.memory_space<semaphore_mem>>) src(%dma_wait3A_444 : memref<80x125xi32, #tpu.memory_space<hbm>>) dst(%arg7 : memref<80x125xi32, #tpu.memory_space<vmem>>)
      tpu.yield
    }) : () -> ()
    %dma_start3A = arith.constant 0 : i32
    %dma_start3A_2 = arith.constant 0 : i32
    %dma_start3A_3 = arith.constant 0 : i32
    %dma_start3A_4 = arith.constant 0 : i32
    %dma_start3A_5 = tpu.memref_slice %arg8[%dma_start3A_2, %dma_start3A_3, %dma_start3A_4] : memref<16x125x32xf32, #tpu.memory_space<vmem>> -> memref<1x125x32xf32, #tpu.memory_space<vmem>>
    %dma_start3A_6 = tpu.memref_squeeze %dma_start3A_5 : memref<1x125x32xf32, #tpu.memory_space<vmem>> -> memref<125x32xf32, #tpu.memory_space<vmem>>
    %dma_start3A_7 = arith.constant 0 : i32
    %dma_start3A_8 = tpu.memref_slice %arg6[%dma_start3A, %dma_start3A_7] : memref<80x125xi32, #tpu.memory_space<vmem>> -> memref<1x125xi32, #tpu.memory_space<vmem>>
    %dma_start3A_9 = tpu.memref_squeeze %dma_start3A_8 : memref<1x125xi32, #tpu.memory_space<vmem>> -> memref<125xi32, #tpu.memory_space<vmem>>
    %dma_start3A_10 = arith.constant 0 : i32
    %dma_start3A_11 = arith.constant 0 : i32
    %dma_start3A_12 = tpu.memref_slice %arg2[%dma_start3A_10, %dma_start3A_11] : memref<10240x32xf32, #tpu.memory_space<hbm>> -> memref<10240x32xf32, #tpu.memory_space<hbm>>
    tpu.enqueue_indirect_dma source(%dma_start3A_12 : memref<10240x32xf32, #tpu.memory_space<hbm>>) target(%dma_start3A_6 : memref<125x32xf32, #tpu.memory_space<vmem>>) offsets(%dma_start3A_9 : memref<125xi32, #tpu.memory_space<vmem>>) semaphore(%arg10 : memref<!tpu.dma_semaphore, #tpu.memory_space<semaphore_mem>>)
    %dma_start3A_13 = arith.constant 1 : i32
    %dma_start3A_14 = arith.constant 1 : i32
    %dma_start3A_15 = arith.constant 0 : i32
    %dma_start3A_16 = arith.constant 0 : i32
    %dma_start3A_17 = tpu.memref_slice %arg8[%dma_start3A_14, %dma_start3A_15, %dma_start3A_16] : memref<16x125x32xf32, #tpu.memory_space<vmem>> -> memref<1x125x32xf32, #tpu.memory_space<vmem>>
    %dma_start3A_18 = tpu.memref_squeeze %dma_start3A_17 : memref<1x125x32xf32, #tpu.memory_space<vmem>> -> memref<125x32xf32, #tpu.memory_space<vmem>>
    %dma_start3A_19 = arith.constant 0 : i32
    %dma_start3A_20 = tpu.memref_slice %arg6[%dma_start3A_13, %dma_start3A_19] : memref<80x125xi32, #tpu.memory_space<vmem>> -> memref<1x125xi32, #tpu.memory_space<vmem>>
    %dma_start3A_21 = tpu.memref_squeeze %dma_start3A_20 : memref<1x125xi32, #tpu.memory_space<vmem>> -> memref<125xi32, #tpu.memory_space<vmem>>
    %dma_start3A_22 = arith.constant 0 : i32
    %dma_start3A_23 = arith.constant 0 : i32
    %dma_start3A_24 = tpu.memref_slice %arg2[%dma_start3A_22, %dma_start3A_23] : memref<10240x32xf32, #tpu.memory_space<hbm>> -> memref<10240x32xf32, #tpu.memory_space<hbm>>
    tpu.enqueue_indirect_dma source(%dma_start3A_24 : memref<10240x32xf32, #tpu.memory_space<hbm>>) target(%dma_start3A_18 : memref<125x32xf32, #tpu.memory_space<vmem>>) offsets(%dma_start3A_21 : memref<125xi32, #tpu.memory_space<vmem>>) semaphore(%arg11 : memref<!tpu.dma_semaphore, #tpu.memory_space<semaphore_mem>>)
    %dma_start3A_25 = arith.constant 2 : i32
    %dma_start3A_26 = arith.constant 2 : i32
    %dma_start3A_27 = arith.constant 0 : i32
    %dma_start3A_28 = arith.constant 0 : i32
    %dma_start3A_29 = tpu.memref_slice %arg8[%dma_start3A_26, %dma_start3A_27, %dma_start3A_28] : memref<16x125x32xf32, #tpu.memory_space<vmem>> -> memref<1x125x32xf32, #tpu.memory_space<vmem>>
    %dma_start3A_30 = tpu.memref_squeeze %dma_start3A_29 : memref<1x125x32xf32, #tpu.memory_space<vmem>> -> memref<125x32xf32, #tpu.memory_space<vmem>>
    %dma_start3A_31 = arith.constant 0 : i32
    %dma_start3A_32 = tpu.memref_slice %arg6[%dma_start3A_25, %dma_start3A_31] : memref<80x125xi32, #tpu.memory_space<vmem>> -> memref<1x125xi32, #tpu.memory_space<vmem>>
    %dma_start3A_33 = tpu.memref_squeeze %dma_start3A_32 : memref<1x125xi32, #tpu.memory_space<vmem>> -> memref<125xi32, #tpu.memory_space<vmem>>
    %dma_start3A_34 = arith.constant 0 : i32
    %dma_start3A_35 = arith.constant 0 : i32
    %dma_start3A_36 = tpu.memref_slice %arg2[%dma_start3A_34, %dma_start3A_35] : memref<10240x32xf32, #tpu.memory_space<hbm>> -> memref<10240x32xf32, #tpu.memory_space<hbm>>
    tpu.enqueue_indirect_dma source(%dma_start3A_36 : memref<10240x32xf32, #tpu.memory_space<hbm>>) target(%dma_start3A_30 : memref<125x32xf32, #tpu.memory_space<vmem>>) offsets(%dma_start3A_33 : memref<125xi32, #tpu.memory_space<vmem>>) semaphore(%arg12 : memref<!tpu.dma_semaphore, #tpu.memory_space<semaphore_mem>>)
    %dma_start3A_37 = arith.constant 3 : i32
    %dma_start3A_38 = arith.constant 3 : i32
    %dma_start3A_39 = arith.constant 0 : i32
    %dma_start3A_40 = arith.constant 0 : i32
    %dma_start3A_41 = tpu.memref_slice %arg8[%dma_start3A_38, %dma_start3A_39, %dma_start3A_40] : memref<16x125x32xf32, #tpu.memory_space<vmem>> -> memref<1x125x32xf32, #tpu.memory_space<vmem>>
    %dma_start3A_42 = tpu.memref_squeeze %dma_start3A_41 : memref<1x125x32xf32, #tpu.memory_space<vmem>> -> memref<125x32xf32, #tpu.memory_space<vmem>>
    %dma_start3A_43 = arith.constant 0 : i32
    %dma_start3A_44 = tpu.memref_slice %arg6[%dma_start3A_37, %dma_start3A_43] : memref<80x125xi32, #tpu.memory_space<vmem>> -> memref<1x125xi32, #tpu.memory_space<vmem>>
    %dma_start3A_45 = tpu.memref_squeeze %dma_start3A_44 : memref<1x125xi32, #tpu.memory_space<vmem>> -> memref<125xi32, #tpu.memory_space<vmem>>
    %dma_start3A_46 = arith.constant 0 : i32
    %dma_start3A_47 = arith.constant 0 : i32
    %dma_start3A_48 = tpu.memref_slice %arg2[%dma_start3A_46, %dma_start3A_47] : memref<10240x32xf32, #tpu.memory_space<hbm>> -> memref<10240x32xf32, #tpu.memory_space<hbm>>
    tpu.enqueue_indirect_dma source(%dma_start3A_48 : memref<10240x32xf32, #tpu.memory_space<hbm>>) target(%dma_start3A_42 : memref<125x32xf32, #tpu.memory_space<vmem>>) offsets(%dma_start3A_45 : memref<125xi32, #tpu.memory_space<vmem>>) semaphore(%arg13 : memref<!tpu.dma_semaphore, #tpu.memory_space<semaphore_mem>>)
    %dma_start3A_49 = arith.constant 4 : i32
    %dma_start3A_50 = arith.constant 4 : i32
    %dma_start3A_51 = arith.constant 0 : i32
    %dma_start3A_52 = arith.constant 0 : i32
    %dma_start3A_53 = tpu.memref_slice %arg8[%dma_start3A_50, %dma_start3A_51, %dma_start3A_52] : memref<16x125x32xf32, #tpu.memory_space<vmem>> -> memref<1x125x32xf32, #tpu.memory_space<vmem>>
    %dma_start3A_54 = tpu.memref_squeeze %dma_start3A_53 : memref<1x125x32xf32, #tpu.memory_space<vmem>> -> memref<125x32xf32, #tpu.memory_space<vmem>>
    %dma_start3A_55 = arith.constant 0 : i32
    %dma_start3A_56 = tpu.memref_slice %arg6[%dma_start3A_49, %dma_start3A_55] : memref<80x125xi32, #tpu.memory_space<vmem>> -> memref<1x125xi32, #tpu.memory_space<vmem>>
    %dma_start3A_57 = tpu.memref_squeeze %dma_start3A_56 : memref<1x125xi32, #tpu.memory_space<vmem>> -> memref<125xi32, #tpu.memory_space<vmem>>
    %dma_start3A_58 = arith.constant 0 : i32
    %dma_start3A_59 = arith.constant 0 : i32
    %dma_start3A_60 = tpu.memref_slice %arg2[%dma_start3A_58, %dma_start3A_59] : memref<10240x32xf32, #tpu.memory_space<hbm>> -> memref<10240x32xf32, #tpu.memory_space<hbm>>
    tpu.enqueue_indirect_dma source(%dma_start3A_60 : memref<10240x32xf32, #tpu.memory_space<hbm>>) target(%dma_start3A_54 : memref<125x32xf32, #tpu.memory_space<vmem>>) offsets(%dma_start3A_57 : memref<125xi32, #tpu.memory_space<vmem>>) semaphore(%arg14 : memref<!tpu.dma_semaphore, #tpu.memory_space<semaphore_mem>>)
    %dma_start3A_61 = arith.constant 5 : i32
    %dma_start3A_62 = arith.constant 5 : i32
    %dma_start3A_63 = arith.constant 0 : i32
    %dma_start3A_64 = arith.constant 0 : i32
    %dma_start3A_65 = tpu.memref_slice %arg8[%dma_start3A_62, %dma_start3A_63, %dma_start3A_64] : memref<16x125x32xf32, #tpu.memory_space<vmem>> -> memref<1x125x32xf32, #tpu.memory_space<vmem>>
    %dma_start3A_66 = tpu.memref_squeeze %dma_start3A_65 : memref<1x125x32xf32, #tpu.memory_space<vmem>> -> memref<125x32xf32, #tpu.memory_space<vmem>>
    %dma_start3A_67 = arith.constant 0 : i32
    %dma_start3A_68 = tpu.memref_slice %arg6[%dma_start3A_61, %dma_start3A_67] : memref<80x125xi32, #tpu.memory_space<vmem>> -> memref<1x125xi32, #tpu.memory_space<vmem>>
    %dma_start3A_69 = tpu.memref_squeeze %dma_start3A_68 : memref<1x125xi32, #tpu.memory_space<vmem>> -> memref<125xi32, #tpu.memory_space<vmem>>
    %dma_start3A_70 = arith.constant 0 : i32
    %dma_start3A_71 = arith.constant 0 : i32
    %dma_start3A_72 = tpu.memref_slice %arg2[%dma_start3A_70, %dma_start3A_71] : memref<10240x32xf32, #tpu.memory_space<hbm>> -> memref<10240x32xf32, #tpu.memory_space<hbm>>
    tpu.enqueue_indirect_dma source(%dma_start3A_72 : memref<10240x32xf32, #tpu.memory_space<hbm>>) target(%dma_start3A_66 : memref<125x32xf32, #tpu.memory_space<vmem>>) offsets(%dma_start3A_69 : memref<125xi32, #tpu.memory_space<vmem>>) semaphore(%arg15 : memref<!tpu.dma_semaphore, #tpu.memory_space<semaphore_mem>>)
    %dma_start3A_73 = arith.constant 6 : i32
    %dma_start3A_74 = arith.constant 6 : i32
    %dma_start3A_75 = arith.constant 0 : i32
    %dma_start3A_76 = arith.constant 0 : i32
    %dma_start3A_77 = tpu.memref_slice %arg8[%dma_start3A_74, %dma_start3A_75, %dma_start3A_76] : memref<16x125x32xf32, #tpu.memory_space<vmem>> -> memref<1x125x32xf32, #tpu.memory_space<vmem>>
    %dma_start3A_78 = tpu.memref_squeeze %dma_start3A_77 : memref<1x125x32xf32, #tpu.memory_space<vmem>> -> memref<125x32xf32, #tpu.memory_space<vmem>>
    %dma_start3A_79 = arith.constant 0 : i32
    %dma_start3A_80 = tpu.memref_slice %arg6[%dma_start3A_73, %dma_start3A_79] : memref<80x125xi32, #tpu.memory_space<vmem>> -> memref<1x125xi32, #tpu.memory_space<vmem>>
    %dma_start3A_81 = tpu.memref_squeeze %dma_start3A_80 : memref<1x125xi32, #tpu.memory_space<vmem>> -> memref<125xi32, #tpu.memory_space<vmem>>
    %dma_start3A_82 = arith.constant 0 : i32
    %dma_start3A_83 = arith.constant 0 : i32
    %dma_start3A_84 = tpu.memref_slice %arg2[%dma_start3A_82, %dma_start3A_83] : memref<10240x32xf32, #tpu.memory_space<hbm>> -> memref<10240x32xf32, #tpu.memory_space<hbm>>
    tpu.enqueue_indirect_dma source(%dma_start3A_84 : memref<10240x32xf32, #tpu.memory_space<hbm>>) target(%dma_start3A_78 : memref<125x32xf32, #tpu.memory_space<vmem>>) offsets(%dma_start3A_81 : memref<125xi32, #tpu.memory_space<vmem>>) semaphore(%arg16 : memref<!tpu.dma_semaphore, #tpu.memory_space<semaphore_mem>>)
    %dma_start3A_85 = arith.constant 7 : i32
    %dma_start3A_86 = arith.constant 7 : i32
    %dma_start3A_87 = arith.constant 0 : i32
    %dma_start3A_88 = arith.constant 0 : i32
    %dma_start3A_89 = tpu.memref_slice %arg8[%dma_start3A_86, %dma_start3A_87, %dma_start3A_88] : memref<16x125x32xf32, #tpu.memory_space<vmem>> -> memref<1x125x32xf32, #tpu.memory_space<vmem>>
    %dma_start3A_90 = tpu.memref_squeeze %dma_start3A_89 : memref<1x125x32xf32, #tpu.memory_space<vmem>> -> memref<125x32xf32, #tpu.memory_space<vmem>>
    %dma_start3A_91 = arith.constant 0 : i32
    %dma_start3A_92 = tpu.memref_slice %arg6[%dma_start3A_85, %dma_start3A_91] : memref<80x125xi32, #tpu.memory_space<vmem>> -> memref<1x125xi32, #tpu.memory_space<vmem>>
    %dma_start3A_93 = tpu.memref_squeeze %dma_start3A_92 : memref<1x125xi32, #tpu.memory_space<vmem>> -> memref<125xi32, #tpu.memory_space<vmem>>
    %dma_start3A_94 = arith.constant 0 : i32
    %dma_start3A_95 = arith.constant 0 : i32
    %dma_start3A_96 = tpu.memref_slice %arg2[%dma_start3A_94, %dma_start3A_95] : memref<10240x32xf32, #tpu.memory_space<hbm>> -> memref<10240x32xf32, #tpu.memory_space<hbm>>
    tpu.enqueue_indirect_dma source(%dma_start3A_96 : memref<10240x32xf32, #tpu.memory_space<hbm>>) target(%dma_start3A_90 : memref<125x32xf32, #tpu.memory_space<vmem>>) offsets(%dma_start3A_93 : memref<125xi32, #tpu.memory_space<vmem>>) semaphore(%arg17 : memref<!tpu.dma_semaphore, #tpu.memory_space<semaphore_mem>>)
    %dma_start3A_97 = arith.constant 8 : i32
    %dma_start3A_98 = arith.constant 8 : i32
    %dma_start3A_99 = arith.constant 0 : i32
    %dma_start3A_100 = arith.constant 0 : i32
    %dma_start3A_101 = tpu.memref_slice %arg8[%dma_start3A_98, %dma_start3A_99, %dma_start3A_100] : memref<16x125x32xf32, #tpu.memory_space<vmem>> -> memref<1x125x32xf32, #tpu.memory_space<vmem>>
    %dma_start3A_102 = tpu.memref_squeeze %dma_start3A_101 : memref<1x125x32xf32, #tpu.memory_space<vmem>> -> memref<125x32xf32, #tpu.memory_space<vmem>>
    %dma_start3A_103 = arith.constant 0 : i32
    %dma_start3A_104 = tpu.memref_slice %arg6[%dma_start3A_97, %dma_start3A_103] : memref<80x125xi32, #tpu.memory_space<vmem>> -> memref<1x125xi32, #tpu.memory_space<vmem>>
    %dma_start3A_105 = tpu.memref_squeeze %dma_start3A_104 : memref<1x125xi32, #tpu.memory_space<vmem>> -> memref<125xi32, #tpu.memory_space<vmem>>
    %dma_start3A_106 = arith.constant 0 : i32
    %dma_start3A_107 = arith.constant 0 : i32
    %dma_start3A_108 = tpu.memref_slice %arg2[%dma_start3A_106, %dma_start3A_107] : memref<10240x32xf32, #tpu.memory_space<hbm>> -> memref<10240x32xf32, #tpu.memory_space<hbm>>
    tpu.enqueue_indirect_dma source(%dma_start3A_108 : memref<10240x32xf32, #tpu.memory_space<hbm>>) target(%dma_start3A_102 : memref<125x32xf32, #tpu.memory_space<vmem>>) offsets(%dma_start3A_105 : memref<125xi32, #tpu.memory_space<vmem>>) semaphore(%arg18 : memref<!tpu.dma_semaphore, #tpu.memory_space<semaphore_mem>>)
    %dma_start3A_109 = arith.constant 9 : i32
    %dma_start3A_110 = arith.constant 9 : i32
    %dma_start3A_111 = arith.constant 0 : i32
    %dma_start3A_112 = arith.constant 0 : i32
    %dma_start3A_113 = tpu.memref_slice %arg8[%dma_start3A_110, %dma_start3A_111, %dma_start3A_112] : memref<16x125x32xf32, #tpu.memory_space<vmem>> -> memref<1x125x32xf32, #tpu.memory_space<vmem>>
    %dma_start3A_114 = tpu.memref_squeeze %dma_start3A_113 : memref<1x125x32xf32, #tpu.memory_space<vmem>> -> memref<125x32xf32, #tpu.memory_space<vmem>>
    %dma_start3A_115 = arith.constant 0 : i32
    %dma_start3A_116 = tpu.memref_slice %arg6[%dma_start3A_109, %dma_start3A_115] : memref<80x125xi32, #tpu.memory_space<vmem>> -> memref<1x125xi32, #tpu.memory_space<vmem>>
    %dma_start3A_117 = tpu.memref_squeeze %dma_start3A_116 : memref<1x125xi32, #tpu.memory_space<vmem>> -> memref<125xi32, #tpu.memory_space<vmem>>
    %dma_start3A_118 = arith.constant 0 : i32
    %dma_start3A_119 = arith.constant 0 : i32
    %dma_start3A_120 = tpu.memref_slice %arg2[%dma_start3A_118, %dma_start3A_119] : memref<10240x32xf32, #tpu.memory_space<hbm>> -> memref<10240x32xf32, #tpu.memory_space<hbm>>
    tpu.enqueue_indirect_dma source(%dma_start3A_120 : memref<10240x32xf32, #tpu.memory_space<hbm>>) target(%dma_start3A_114 : memref<125x32xf32, #tpu.memory_space<vmem>>) offsets(%dma_start3A_117 : memref<125xi32, #tpu.memory_space<vmem>>) semaphore(%arg19 : memref<!tpu.dma_semaphore, #tpu.memory_space<semaphore_mem>>)
    %dma_start3A_121 = arith.constant 10 : i32
    %dma_start3A_122 = arith.constant 10 : i32
    %dma_start3A_123 = arith.constant 0 : i32
    %dma_start3A_124 = arith.constant 0 : i32
    %dma_start3A_125 = tpu.memref_slice %arg8[%dma_start3A_122, %dma_start3A_123, %dma_start3A_124] : memref<16x125x32xf32, #tpu.memory_space<vmem>> -> memref<1x125x32xf32, #tpu.memory_space<vmem>>
    %dma_start3A_126 = tpu.memref_squeeze %dma_start3A_125 : memref<1x125x32xf32, #tpu.memory_space<vmem>> -> memref<125x32xf32, #tpu.memory_space<vmem>>
    %dma_start3A_127 = arith.constant 0 : i32
    %dma_start3A_128 = tpu.memref_slice %arg6[%dma_start3A_121, %dma_start3A_127] : memref<80x125xi32, #tpu.memory_space<vmem>> -> memref<1x125xi32, #tpu.memory_space<vmem>>
    %dma_start3A_129 = tpu.memref_squeeze %dma_start3A_128 : memref<1x125xi32, #tpu.memory_space<vmem>> -> memref<125xi32, #tpu.memory_space<vmem>>
    %dma_start3A_130 = arith.constant 0 : i32
    %dma_start3A_131 = arith.constant 0 : i32
    %dma_start3A_132 = tpu.memref_slice %arg2[%dma_start3A_130, %dma_start3A_131] : memref<10240x32xf32, #tpu.memory_space<hbm>> -> memref<10240x32xf32, #tpu.memory_space<hbm>>
    tpu.enqueue_indirect_dma source(%dma_start3A_132 : memref<10240x32xf32, #tpu.memory_space<hbm>>) target(%dma_start3A_126 : memref<125x32xf32, #tpu.memory_space<vmem>>) offsets(%dma_start3A_129 : memref<125xi32, #tpu.memory_space<vmem>>) semaphore(%arg20 : memref<!tpu.dma_semaphore, #tpu.memory_space<semaphore_mem>>)
    %dma_start3A_133 = arith.constant 11 : i32
    %dma_start3A_134 = arith.constant 11 : i32
    %dma_start3A_135 = arith.constant 0 : i32
    %dma_start3A_136 = arith.constant 0 : i32
    %dma_start3A_137 = tpu.memref_slice %arg8[%dma_start3A_134, %dma_start3A_135, %dma_start3A_136] : memref<16x125x32xf32, #tpu.memory_space<vmem>> -> memref<1x125x32xf32, #tpu.memory_space<vmem>>
    %dma_start3A_138 = tpu.memref_squeeze %dma_start3A_137 : memref<1x125x32xf32, #tpu.memory_space<vmem>> -> memref<125x32xf32, #tpu.memory_space<vmem>>
    %dma_start3A_139 = arith.constant 0 : i32
    %dma_start3A_140 = tpu.memref_slice %arg6[%dma_start3A_133, %dma_start3A_139] : memref<80x125xi32, #tpu.memory_space<vmem>> -> memref<1x125xi32, #tpu.memory_space<vmem>>
    %dma_start3A_141 = tpu.memref_squeeze %dma_start3A_140 : memref<1x125xi32, #tpu.memory_space<vmem>> -> memref<125xi32, #tpu.memory_space<vmem>>
    %dma_start3A_142 = arith.constant 0 : i32
    %dma_start3A_143 = arith.constant 0 : i32
    %dma_start3A_144 = tpu.memref_slice %arg2[%dma_start3A_142, %dma_start3A_143] : memref<10240x32xf32, #tpu.memory_space<hbm>> -> memref<10240x32xf32, #tpu.memory_space<hbm>>
    tpu.enqueue_indirect_dma source(%dma_start3A_144 : memref<10240x32xf32, #tpu.memory_space<hbm>>) target(%dma_start3A_138 : memref<125x32xf32, #tpu.memory_space<vmem>>) offsets(%dma_start3A_141 : memref<125xi32, #tpu.memory_space<vmem>>) semaphore(%arg21 : memref<!tpu.dma_semaphore, #tpu.memory_space<semaphore_mem>>)
    %dma_start3A_145 = arith.constant 12 : i32
    %dma_start3A_146 = arith.constant 12 : i32
    %dma_start3A_147 = arith.constant 0 : i32
    %dma_start3A_148 = arith.constant 0 : i32
    %dma_start3A_149 = tpu.memref_slice %arg8[%dma_start3A_146, %dma_start3A_147, %dma_start3A_148] : memref<16x125x32xf32, #tpu.memory_space<vmem>> -> memref<1x125x32xf32, #tpu.memory_space<vmem>>
    %dma_start3A_150 = tpu.memref_squeeze %dma_start3A_149 : memref<1x125x32xf32, #tpu.memory_space<vmem>> -> memref<125x32xf32, #tpu.memory_space<vmem>>
    %dma_start3A_151 = arith.constant 0 : i32
    %dma_start3A_152 = tpu.memref_slice %arg6[%dma_start3A_145, %dma_start3A_151] : memref<80x125xi32, #tpu.memory_space<vmem>> -> memref<1x125xi32, #tpu.memory_space<vmem>>
    %dma_start3A_153 = tpu.memref_squeeze %dma_start3A_152 : memref<1x125xi32, #tpu.memory_space<vmem>> -> memref<125xi32, #tpu.memory_space<vmem>>
    %dma_start3A_154 = arith.constant 0 : i32
    %dma_start3A_155 = arith.constant 0 : i32
    %dma_start3A_156 = tpu.memref_slice %arg2[%dma_start3A_154, %dma_start3A_155] : memref<10240x32xf32, #tpu.memory_space<hbm>> -> memref<10240x32xf32, #tpu.memory_space<hbm>>
    tpu.enqueue_indirect_dma source(%dma_start3A_156 : memref<10240x32xf32, #tpu.memory_space<hbm>>) target(%dma_start3A_150 : memref<125x32xf32, #tpu.memory_space<vmem>>) offsets(%dma_start3A_153 : memref<125xi32, #tpu.memory_space<vmem>>) semaphore(%arg22 : memref<!tpu.dma_semaphore, #tpu.memory_space<semaphore_mem>>)
    %dma_start3A_157 = arith.constant 13 : i32
    %dma_start3A_158 = arith.constant 13 : i32
    %dma_start3A_159 = arith.constant 0 : i32
    %dma_start3A_160 = arith.constant 0 : i32
    %dma_start3A_161 = tpu.memref_slice %arg8[%dma_start3A_158, %dma_start3A_159, %dma_start3A_160] : memref<16x125x32xf32, #tpu.memory_space<vmem>> -> memref<1x125x32xf32, #tpu.memory_space<vmem>>
    %dma_start3A_162 = tpu.memref_squeeze %dma_start3A_161 : memref<1x125x32xf32, #tpu.memory_space<vmem>> -> memref<125x32xf32, #tpu.memory_space<vmem>>
    %dma_start3A_163 = arith.constant 0 : i32
    %dma_start3A_164 = tpu.memref_slice %arg6[%dma_start3A_157, %dma_start3A_163] : memref<80x125xi32, #tpu.memory_space<vmem>> -> memref<1x125xi32, #tpu.memory_space<vmem>>
    %dma_start3A_165 = tpu.memref_squeeze %dma_start3A_164 : memref<1x125xi32, #tpu.memory_space<vmem>> -> memref<125xi32, #tpu.memory_space<vmem>>
    %dma_start3A_166 = arith.constant 0 : i32
    %dma_start3A_167 = arith.constant 0 : i32
    %dma_start3A_168 = tpu.memref_slice %arg2[%dma_start3A_166, %dma_start3A_167] : memref<10240x32xf32, #tpu.memory_space<hbm>> -> memref<10240x32xf32, #tpu.memory_space<hbm>>
    tpu.enqueue_indirect_dma source(%dma_start3A_168 : memref<10240x32xf32, #tpu.memory_space<hbm>>) target(%dma_start3A_162 : memref<125x32xf32, #tpu.memory_space<vmem>>) offsets(%dma_start3A_165 : memref<125xi32, #tpu.memory_space<vmem>>) semaphore(%arg23 : memref<!tpu.dma_semaphore, #tpu.memory_space<semaphore_mem>>)
    %dma_start3A_169 = arith.constant 14 : i32
    %dma_start3A_170 = arith.constant 14 : i32
    %dma_start3A_171 = arith.constant 0 : i32
    %dma_start3A_172 = arith.constant 0 : i32
    %dma_start3A_173 = tpu.memref_slice %arg8[%dma_start3A_170, %dma_start3A_171, %dma_start3A_172] : memref<16x125x32xf32, #tpu.memory_space<vmem>> -> memref<1x125x32xf32, #tpu.memory_space<vmem>>
    %dma_start3A_174 = tpu.memref_squeeze %dma_start3A_173 : memref<1x125x32xf32, #tpu.memory_space<vmem>> -> memref<125x32xf32, #tpu.memory_space<vmem>>
    %dma_start3A_175 = arith.constant 0 : i32
    %dma_start3A_176 = tpu.memref_slice %arg6[%dma_start3A_169, %dma_start3A_175] : memref<80x125xi32, #tpu.memory_space<vmem>> -> memref<1x125xi32, #tpu.memory_space<vmem>>
    %dma_start3A_177 = tpu.memref_squeeze %dma_start3A_176 : memref<1x125xi32, #tpu.memory_space<vmem>> -> memref<125xi32, #tpu.memory_space<vmem>>
    %dma_start3A_178 = arith.constant 0 : i32
    %dma_start3A_179 = arith.constant 0 : i32
    %dma_start3A_180 = tpu.memref_slice %arg2[%dma_start3A_178, %dma_start3A_179] : memref<10240x32xf32, #tpu.memory_space<hbm>> -> memref<10240x32xf32, #tpu.memory_space<hbm>>
    tpu.enqueue_indirect_dma source(%dma_start3A_180 : memref<10240x32xf32, #tpu.memory_space<hbm>>) target(%dma_start3A_174 : memref<125x32xf32, #tpu.memory_space<vmem>>) offsets(%dma_start3A_177 : memref<125xi32, #tpu.memory_space<vmem>>) semaphore(%arg24 : memref<!tpu.dma_semaphore, #tpu.memory_space<semaphore_mem>>)
    %dma_start3A_181 = arith.constant 15 : i32
    %dma_start3A_182 = arith.constant 15 : i32
    %dma_start3A_183 = arith.constant 0 : i32
    %dma_start3A_184 = arith.constant 0 : i32
    %dma_start3A_185 = tpu.memref_slice %arg8[%dma_start3A_182, %dma_start3A_183, %dma_start3A_184] : memref<16x125x32xf32, #tpu.memory_space<vmem>> -> memref<1x125x32xf32, #tpu.memory_space<vmem>>
    %dma_start3A_186 = tpu.memref_squeeze %dma_start3A_185 : memref<1x125x32xf32, #tpu.memory_space<vmem>> -> memref<125x32xf32, #tpu.memory_space<vmem>>
    %dma_start3A_187 = arith.constant 0 : i32
    %dma_start3A_188 = tpu.memref_slice %arg6[%dma_start3A_181, %dma_start3A_187] : memref<80x125xi32, #tpu.memory_space<vmem>> -> memref<1x125xi32, #tpu.memory_space<vmem>>
    %dma_start3A_189 = tpu.memref_squeeze %dma_start3A_188 : memref<1x125xi32, #tpu.memory_space<vmem>> -> memref<125xi32, #tpu.memory_space<vmem>>
    %dma_start3A_190 = arith.constant 0 : i32
    %dma_start3A_191 = arith.constant 0 : i32
    %dma_start3A_192 = tpu.memref_slice %arg2[%dma_start3A_190, %dma_start3A_191] : memref<10240x32xf32, #tpu.memory_space<hbm>> -> memref<10240x32xf32, #tpu.memory_space<hbm>>
    tpu.enqueue_indirect_dma source(%dma_start3A_192 : memref<10240x32xf32, #tpu.memory_space<hbm>>) target(%dma_start3A_186 : memref<125x32xf32, #tpu.memory_space<vmem>>) offsets(%dma_start3A_189 : memref<125xi32, #tpu.memory_space<vmem>>) semaphore(%arg25 : memref<!tpu.dma_semaphore, #tpu.memory_space<semaphore_mem>>)
    %mul3A_193 = arith.constant 640 : i32
    %mul3A_194 = arith.muli %arg1, %mul3A_193 : i32
    "tpu.region"() ({
      %run_scoped3A_428 = tpu.sem_alloc : memref<!tpu.dma_semaphore, #tpu.memory_space<semaphore_mem>>
      %dma_start3A_429 = arith.constant 0 : i32
      %dma_start3A_430 = tpu.memref_slice %arg9[%mul3A_194, %dma_start3A_429] : memref<10240x32xf32, #tpu.memory_space<vmem_shared>> -> memref<640x32xf32, #tpu.memory_space<vmem_shared>>
      tpu.enqueue_dma source(%arg4 : memref<640x32xf32, #tpu.memory_space<hbm>>) target(%dma_start3A_430 : memref<640x32xf32, #tpu.memory_space<vmem_shared>>) target_semaphore(%run_scoped3A_428 : memref<!tpu.dma_semaphore, #tpu.memory_space<semaphore_mem>>)
      %dma_wait3A_431 = arith.constant 0 : i32
      %dma_wait3A_432 = tpu.memref_slice %arg9[%mul3A_194, %dma_wait3A_431] : memref<10240x32xf32, #tpu.memory_space<vmem_shared>> -> memref<640x32xf32, #tpu.memory_space<vmem_shared>>
      tpu.wait_dma2 semaphore(%run_scoped3A_428 : memref<!tpu.dma_semaphore, #tpu.memory_space<semaphore_mem>>) src(%arg4 : memref<640x32xf32, #tpu.memory_space<hbm>>) dst(%dma_wait3A_432 : memref<640x32xf32, #tpu.memory_space<vmem_shared>>)
      tpu.yield
    }) : () -> ()
    %barrier3A = arith.constant 0 : index
    tpu.barrier barrier_id(%barrier3A)
    %scan3A = arith.constant 0 : i32
    %scan3A_195 = arith.constant 0 : i32
    %scan3A_196 = arith.constant 4 : i32
    %scan3A_197 = arith.addi %scan3A_195, %scan3A_196 : i32
    %scan3A_198 = arith.constant 1 : i32
    scf.for %scan3A_428 = %scan3A_195 to %scan3A_197 step %scan3A_198  : i32 {
      %mul3A_429 = arith.constant 16 : i32
      %mul3A_430 = arith.muli %scan3A_428, %mul3A_429 : i32
      %add3A_431 = arith.constant 0 : i32
      %add3A_432 = arith.addi %mul3A_430, %add3A_431 : i32
      %dma_wait3A_433 = arith.constant 0 : i32
      %dma_wait3A_434 = arith.constant 0 : i32
      %dma_wait3A_435 = arith.constant 0 : i32
      %dma_wait3A_436 = tpu.memref_slice %arg8[%dma_wait3A_433, %dma_wait3A_434, %dma_wait3A_435] : memref<16x125x32xf32, #tpu.memory_space<vmem>> -> memref<1x125x32xf32, #tpu.memory_space<vmem>>
      %dma_wait3A_437 = tpu.memref_squeeze %dma_wait3A_436 : memref<1x125x32xf32, #tpu.memory_space<vmem>> -> memref<125x32xf32, #tpu.memory_space<vmem>>
      %dma_wait3A_438 = arith.constant 0 : i32
      %dma_wait3A_439 = tpu.memref_slice %arg6[%add3A_432, %dma_wait3A_438] : memref<80x125xi32, #tpu.memory_space<vmem>> -> memref<1x125xi32, #tpu.memory_space<vmem>>
      %dma_wait3A_440 = tpu.memref_squeeze %dma_wait3A_439 : memref<1x125xi32, #tpu.memory_space<vmem>> -> memref<125xi32, #tpu.memory_space<vmem>>
      %dma_wait3A_441 = arith.constant 0 : i32
      %dma_wait3A_442 = arith.constant 0 : i32
      %dma_wait3A_443 = tpu.memref_slice %arg2[%dma_wait3A_441, %dma_wait3A_442] : memref<10240x32xf32, #tpu.memory_space<hbm>> -> memref<10240x32xf32, #tpu.memory_space<hbm>>
      tpu.wait_indirect_dma semaphore(%arg10 : memref<!tpu.dma_semaphore, #tpu.memory_space<semaphore_mem>>) src(%dma_wait3A_443 : memref<10240x32xf32, #tpu.memory_space<hbm>>) dst(%dma_wait3A_437 : memref<125x32xf32, #tpu.memory_space<vmem>>)
      %run_scoped3A_444 = arith.constant 0 : i32
      "tpu.region"() ({
        %run_scoped3A_863 = tpu.sem_alloc : memref<!tpu.dma_semaphore, #tpu.memory_space<semaphore_mem>>
        %dma_start3A_864 = arith.constant 0 : i32
        %dma_start3A_865 = arith.constant 0 : i32
        %dma_start3A_866 = tpu.memref_slice %arg8[%run_scoped3A_444, %dma_start3A_864, %dma_start3A_865] : memref<16x125x32xf32, #tpu.memory_space<vmem>> -> memref<1x125x32xf32, #tpu.memory_space<vmem>>
        %dma_start3A_867 = tpu.memref_squeeze %dma_start3A_866 : memref<1x125x32xf32, #tpu.memory_space<vmem>> -> memref<125x32xf32, #tpu.memory_space<vmem>>
        %dma_start3A_868 = arith.constant 0 : i32
        %dma_start3A_869 = tpu.memref_slice %arg7[%add3A_432, %dma_start3A_868] : memref<80x125xi32, #tpu.memory_space<vmem>> -> memref<1x125xi32, #tpu.memory_space<vmem>>
        %dma_start3A_870 = tpu.memref_squeeze %dma_start3A_869 : memref<1x125xi32, #tpu.memory_space<vmem>> -> memref<125xi32, #tpu.memory_space<vmem>>
        %dma_start3A_871 = arith.constant 0 : i32
        %dma_start3A_872 = arith.constant 0 : i32
        %dma_start3A_873 = tpu.memref_slice %arg9[%dma_start3A_871, %dma_start3A_872] : memref<10240x32xf32, #tpu.memory_space<vmem_shared>> -> memref<10240x32xf32, #tpu.memory_space<vmem_shared>>
        tpu.enqueue_indirect_dma source(%dma_start3A_867 : memref<125x32xf32, #tpu.memory_space<vmem>>) target(%dma_start3A_873 : memref<10240x32xf32, #tpu.memory_space<vmem_shared>>) offsets(%dma_start3A_870 : memref<125xi32, #tpu.memory_space<vmem>>) semaphore(%run_scoped3A_863 : memref<!tpu.dma_semaphore, #tpu.memory_space<semaphore_mem>>) {add = true}
        %dma_wait3A_874 = arith.constant 0 : i32
        %dma_wait3A_875 = arith.constant 0 : i32
        %dma_wait3A_876 = tpu.memref_slice %arg8[%run_scoped3A_444, %dma_wait3A_874, %dma_wait3A_875] : memref<16x125x32xf32, #tpu.memory_space<vmem>> -> memref<1x125x32xf32, #tpu.memory_space<vmem>>
        %dma_wait3A_877 = tpu.memref_squeeze %dma_wait3A_876 : memref<1x125x32xf32, #tpu.memory_space<vmem>> -> memref<125x32xf32, #tpu.memory_space<vmem>>
        %dma_wait3A_878 = arith.constant 0 : i32
        %dma_wait3A_879 = tpu.memref_slice %arg7[%add3A_432, %dma_wait3A_878] : memref<80x125xi32, #tpu.memory_space<vmem>> -> memref<1x125xi32, #tpu.memory_space<vmem>>
        %dma_wait3A_880 = tpu.memref_squeeze %dma_wait3A_879 : memref<1x125xi32, #tpu.memory_space<vmem>> -> memref<125xi32, #tpu.memory_space<vmem>>
        %dma_wait3A_881 = arith.constant 0 : i32
        %dma_wait3A_882 = arith.constant 0 : i32
        %dma_wait3A_883 = tpu.memref_slice %arg9[%dma_wait3A_881, %dma_wait3A_882] : memref<10240x32xf32, #tpu.memory_space<vmem_shared>> -> memref<10240x32xf32, #tpu.memory_space<vmem_shared>>
        tpu.wait_indirect_dma semaphore(%run_scoped3A_863 : memref<!tpu.dma_semaphore, #tpu.memory_space<semaphore_mem>>) src(%dma_wait3A_877 : memref<125x32xf32, #tpu.memory_space<vmem>>) dst(%dma_wait3A_883 : memref<10240x32xf32, #tpu.memory_space<vmem_shared>>)
        tpu.yield
      }) : () -> ()
      %add3A_445 = arith.constant 16 : i32
      %add3A_446 = arith.addi %add3A_432, %add3A_445 : i32
      %dma_start3A_447 = arith.constant 0 : i32
      %dma_start3A_448 = arith.constant 0 : i32
      %dma_start3A_449 = arith.constant 0 : i32
      %dma_start3A_450 = tpu.memref_slice %arg8[%dma_start3A_447, %dma_start3A_448, %dma_start3A_449] : memref<16x125x32xf32, #tpu.memory_space<vmem>> -> memref<1x125x32xf32, #tpu.memory_space<vmem>>
      %dma_start3A_451 = tpu.memref_squeeze %dma_start3A_450 : memref<1x125x32xf32, #tpu.memory_space<vmem>> -> memref<125x32xf32, #tpu.memory_space<vmem>>
      %dma_start3A_452 = arith.constant 0 : i32
      %dma_start3A_453 = tpu.memref_slice %arg6[%add3A_446, %dma_start3A_452] : memref<80x125xi32, #tpu.memory_space<vmem>> -> memref<1x125xi32, #tpu.memory_space<vmem>>
      %dma_start3A_454 = tpu.memref_squeeze %dma_start3A_453 : memref<1x125xi32, #tpu.memory_space<vmem>> -> memref<125xi32, #tpu.memory_space<vmem>>
      %dma_start3A_455 = arith.constant 0 : i32
      %dma_start3A_456 = arith.constant 0 : i32
      %dma_start3A_457 = tpu.memref_slice %arg2[%dma_start3A_455, %dma_start3A_456] : memref<10240x32xf32, #tpu.memory_space<hbm>> -> memref<10240x32xf32, #tpu.memory_space<hbm>>
      tpu.enqueue_indirect_dma source(%dma_start3A_457 : memref<10240x32xf32, #tpu.memory_space<hbm>>) target(%dma_start3A_451 : memref<125x32xf32, #tpu.memory_space<vmem>>) offsets(%dma_start3A_454 : memref<125xi32, #tpu.memory_space<vmem>>) semaphore(%arg10 : memref<!tpu.dma_semaphore, #tpu.memory_space<semaphore_mem>>)
      %add3A_458 = arith.constant 1 : i32
      %add3A_459 = arith.addi %mul3A_430, %add3A_458 : i32
      %dma_wait3A_460 = arith.constant 1 : i32
      %dma_wait3A_461 = arith.constant 0 : i32
      %dma_wait3A_462 = arith.constant 0 : i32
      %dma_wait3A_463 = tpu.memref_slice %arg8[%dma_wait3A_460, %dma_wait3A_461, %dma_wait3A_462] : memref<16x125x32xf32, #tpu.memory_space<vmem>> -> memref<1x125x32xf32, #tpu.memory_space<vmem>>
      %dma_wait3A_464 = tpu.memref_squeeze %dma_wait3A_463 : memref<1x125x32xf32, #tpu.memory_space<vmem>> -> memref<125x32xf32, #tpu.memory_space<vmem>>
      %dma_wait3A_465 = arith.constant 0 : i32
      %dma_wait3A_466 = tpu.memref_slice %arg6[%add3A_459, %dma_wait3A_465] : memref<80x125xi32, #tpu.memory_space<vmem>> -> memref<1x125xi32, #tpu.memory_space<vmem>>
      %dma_wait3A_467 = tpu.memref_squeeze %dma_wait3A_466 : memref<1x125xi32, #tpu.memory_space<vmem>> -> memref<125xi32, #tpu.memory_space<vmem>>
      %dma_wait3A_468 = arith.constant 0 : i32
      %dma_wait3A_469 = arith.constant 0 : i32
      %dma_wait3A_470 = tpu.memref_slice %arg2[%dma_wait3A_468, %dma_wait3A_469] : memref<10240x32xf32, #tpu.memory_space<hbm>> -> memref<10240x32xf32, #tpu.memory_space<hbm>>
      tpu.wait_indirect_dma semaphore(%arg11 : memref<!tpu.dma_semaphore, #tpu.memory_space<semaphore_mem>>) src(%dma_wait3A_470 : memref<10240x32xf32, #tpu.memory_space<hbm>>) dst(%dma_wait3A_464 : memref<125x32xf32, #tpu.memory_space<vmem>>)
      %run_scoped3A_471 = arith.constant 1 : i32
      "tpu.region"() ({
        %run_scoped3A_863 = tpu.sem_alloc : memref<!tpu.dma_semaphore, #tpu.memory_space<semaphore_mem>>
        %dma_start3A_864 = arith.constant 0 : i32
        %dma_start3A_865 = arith.constant 0 : i32
        %dma_start3A_866 = tpu.memref_slice %arg8[%run_scoped3A_471, %dma_start3A_864, %dma_start3A_865] : memref<16x125x32xf32, #tpu.memory_space<vmem>> -> memref<1x125x32xf32, #tpu.memory_space<vmem>>
        %dma_start3A_867 = tpu.memref_squeeze %dma_start3A_866 : memref<1x125x32xf32, #tpu.memory_space<vmem>> -> memref<125x32xf32, #tpu.memory_space<vmem>>
        %dma_start3A_868 = arith.constant 0 : i32
        %dma_start3A_869 = tpu.memref_slice %arg7[%add3A_459, %dma_start3A_868] : memref<80x125xi32, #tpu.memory_space<vmem>> -> memref<1x125xi32, #tpu.memory_space<vmem>>
        %dma_start3A_870 = tpu.memref_squeeze %dma_start3A_869 : memref<1x125xi32, #tpu.memory_space<vmem>> -> memref<125xi32, #tpu.memory_space<vmem>>
        %dma_start3A_871 = arith.constant 0 : i32
        %dma_start3A_872 = arith.constant 0 : i32
        %dma_start3A_873 = tpu.memref_slice %arg9[%dma_start3A_871, %dma_start3A_872] : memref<10240x32xf32, #tpu.memory_space<vmem_shared>> -> memref<10240x32xf32, #tpu.memory_space<vmem_shared>>
        tpu.enqueue_indirect_dma source(%dma_start3A_867 : memref<125x32xf32, #tpu.memory_space<vmem>>) target(%dma_start3A_873 : memref<10240x32xf32, #tpu.memory_space<vmem_shared>>) offsets(%dma_start3A_870 : memref<125xi32, #tpu.memory_space<vmem>>) semaphore(%run_scoped3A_863 : memref<!tpu.dma_semaphore, #tpu.memory_space<semaphore_mem>>) {add = true}
        %dma_wait3A_874 = arith.constant 0 : i32
        %dma_wait3A_875 = arith.constant 0 : i32
        %dma_wait3A_876 = tpu.memref_slice %arg8[%run_scoped3A_471, %dma_wait3A_874, %dma_wait3A_875] : memref<16x125x32xf32, #tpu.memory_space<vmem>> -> memref<1x125x32xf32, #tpu.memory_space<vmem>>
        %dma_wait3A_877 = tpu.memref_squeeze %dma_wait3A_876 : memref<1x125x32xf32, #tpu.memory_space<vmem>> -> memref<125x32xf32, #tpu.memory_space<vmem>>
        %dma_wait3A_878 = arith.constant 0 : i32
        %dma_wait3A_879 = tpu.memref_slice %arg7[%add3A_459, %dma_wait3A_878] : memref<80x125xi32, #tpu.memory_space<vmem>> -> memref<1x125xi32, #tpu.memory_space<vmem>>
        %dma_wait3A_880 = tpu.memref_squeeze %dma_wait3A_879 : memref<1x125xi32, #tpu.memory_space<vmem>> -> memref<125xi32, #tpu.memory_space<vmem>>
        %dma_wait3A_881 = arith.constant 0 : i32
        %dma_wait3A_882 = arith.constant 0 : i32
        %dma_wait3A_883 = tpu.memref_slice %arg9[%dma_wait3A_881, %dma_wait3A_882] : memref<10240x32xf32, #tpu.memory_space<vmem_shared>> -> memref<10240x32xf32, #tpu.memory_space<vmem_shared>>
        tpu.wait_indirect_dma semaphore(%run_scoped3A_863 : memref<!tpu.dma_semaphore, #tpu.memory_space<semaphore_mem>>) src(%dma_wait3A_877 : memref<125x32xf32, #tpu.memory_space<vmem>>) dst(%dma_wait3A_883 : memref<10240x32xf32, #tpu.memory_space<vmem_shared>>)
        tpu.yield
      }) : () -> ()
      %add3A_472 = arith.constant 16 : i32
      %add3A_473 = arith.addi %add3A_459, %add3A_472 : i32
      %dma_start3A_474 = arith.constant 1 : i32
      %dma_start3A_475 = arith.constant 0 : i32
      %dma_start3A_476 = arith.constant 0 : i32
      %dma_start3A_477 = tpu.memref_slice %arg8[%dma_start3A_474, %dma_start3A_475, %dma_start3A_476] : memref<16x125x32xf32, #tpu.memory_space<vmem>> -> memref<1x125x32xf32, #tpu.memory_space<vmem>>
      %dma_start3A_478 = tpu.memref_squeeze %dma_start3A_477 : memref<1x125x32xf32, #tpu.memory_space<vmem>> -> memref<125x32xf32, #tpu.memory_space<vmem>>
      %dma_start3A_479 = arith.constant 0 : i32
      %dma_start3A_480 = tpu.memref_slice %arg6[%add3A_473, %dma_start3A_479] : memref<80x125xi32, #tpu.memory_space<vmem>> -> memref<1x125xi32, #tpu.memory_space<vmem>>
      %dma_start3A_481 = tpu.memref_squeeze %dma_start3A_480 : memref<1x125xi32, #tpu.memory_space<vmem>> -> memref<125xi32, #tpu.memory_space<vmem>>
      %dma_start3A_482 = arith.constant 0 : i32
      %dma_start3A_483 = arith.constant 0 : i32
      %dma_start3A_484 = tpu.memref_slice %arg2[%dma_start3A_482, %dma_start3A_483] : memref<10240x32xf32, #tpu.memory_space<hbm>> -> memref<10240x32xf32, #tpu.memory_space<hbm>>
      tpu.enqueue_indirect_dma source(%dma_start3A_484 : memref<10240x32xf32, #tpu.memory_space<hbm>>) target(%dma_start3A_478 : memref<125x32xf32, #tpu.memory_space<vmem>>) offsets(%dma_start3A_481 : memref<125xi32, #tpu.memory_space<vmem>>) semaphore(%arg11 : memref<!tpu.dma_semaphore, #tpu.memory_space<semaphore_mem>>)
      %add3A_485 = arith.constant 2 : i32
      %add3A_486 = arith.addi %mul3A_430, %add3A_485 : i32
      %dma_wait3A_487 = arith.constant 2 : i32
      %dma_wait3A_488 = arith.constant 0 : i32
      %dma_wait3A_489 = arith.constant 0 : i32
      %dma_wait3A_490 = tpu.memref_slice %arg8[%dma_wait3A_487, %dma_wait3A_488, %dma_wait3A_489] : memref<16x125x32xf32, #tpu.memory_space<vmem>> -> memref<1x125x32xf32, #tpu.memory_space<vmem>>
      %dma_wait3A_491 = tpu.memref_squeeze %dma_wait3A_490 : memref<1x125x32xf32, #tpu.memory_space<vmem>> -> memref<125x32xf32, #tpu.memory_space<vmem>>
      %dma_wait3A_492 = arith.constant 0 : i32
      %dma_wait3A_493 = tpu.memref_slice %arg6[%add3A_486, %dma_wait3A_492] : memref<80x125xi32, #tpu.memory_space<vmem>> -> memref<1x125xi32, #tpu.memory_space<vmem>>
      %dma_wait3A_494 = tpu.memref_squeeze %dma_wait3A_493 : memref<1x125xi32, #tpu.memory_space<vmem>> -> memref<125xi32, #tpu.memory_space<vmem>>
      %dma_wait3A_495 = arith.constant 0 : i32
      %dma_wait3A_496 = arith.constant 0 : i32
      %dma_wait3A_497 = tpu.memref_slice %arg2[%dma_wait3A_495, %dma_wait3A_496] : memref<10240x32xf32, #tpu.memory_space<hbm>> -> memref<10240x32xf32, #tpu.memory_space<hbm>>
      tpu.wait_indirect_dma semaphore(%arg12 : memref<!tpu.dma_semaphore, #tpu.memory_space<semaphore_mem>>) src(%dma_wait3A_497 : memref<10240x32xf32, #tpu.memory_space<hbm>>) dst(%dma_wait3A_491 : memref<125x32xf32, #tpu.memory_space<vmem>>)
      %run_scoped3A_498 = arith.constant 2 : i32
      "tpu.region"() ({
        %run_scoped3A_863 = tpu.sem_alloc : memref<!tpu.dma_semaphore, #tpu.memory_space<semaphore_mem>>
        %dma_start3A_864 = arith.constant 0 : i32
        %dma_start3A_865 = arith.constant 0 : i32
        %dma_start3A_866 = tpu.memref_slice %arg8[%run_scoped3A_498, %dma_start3A_864, %dma_start3A_865] : memref<16x125x32xf32, #tpu.memory_space<vmem>> -> memref<1x125x32xf32, #tpu.memory_space<vmem>>
        %dma_start3A_867 = tpu.memref_squeeze %dma_start3A_866 : memref<1x125x32xf32, #tpu.memory_space<vmem>> -> memref<125x32xf32, #tpu.memory_space<vmem>>
        %dma_start3A_868 = arith.constant 0 : i32
        %dma_start3A_869 = tpu.memref_slice %arg7[%add3A_486, %dma_start3A_868] : memref<80x125xi32, #tpu.memory_space<vmem>> -> memref<1x125xi32, #tpu.memory_space<vmem>>
        %dma_start3A_870 = tpu.memref_squeeze %dma_start3A_869 : memref<1x125xi32, #tpu.memory_space<vmem>> -> memref<125xi32, #tpu.memory_space<vmem>>
        %dma_start3A_871 = arith.constant 0 : i32
        %dma_start3A_872 = arith.constant 0 : i32
        %dma_start3A_873 = tpu.memref_slice %arg9[%dma_start3A_871, %dma_start3A_872] : memref<10240x32xf32, #tpu.memory_space<vmem_shared>> -> memref<10240x32xf32, #tpu.memory_space<vmem_shared>>
        tpu.enqueue_indirect_dma source(%dma_start3A_867 : memref<125x32xf32, #tpu.memory_space<vmem>>) target(%dma_start3A_873 : memref<10240x32xf32, #tpu.memory_space<vmem_shared>>) offsets(%dma_start3A_870 : memref<125xi32, #tpu.memory_space<vmem>>) semaphore(%run_scoped3A_863 : memref<!tpu.dma_semaphore, #tpu.memory_space<semaphore_mem>>) {add = true}
        %dma_wait3A_874 = arith.constant 0 : i32
        %dma_wait3A_875 = arith.constant 0 : i32
        %dma_wait3A_876 = tpu.memref_slice %arg8[%run_scoped3A_498, %dma_wait3A_874, %dma_wait3A_875] : memref<16x125x32xf32, #tpu.memory_space<vmem>> -> memref<1x125x32xf32, #tpu.memory_space<vmem>>
        %dma_wait3A_877 = tpu.memref_squeeze %dma_wait3A_876 : memref<1x125x32xf32, #tpu.memory_space<vmem>> -> memref<125x32xf32, #tpu.memory_space<vmem>>
        %dma_wait3A_878 = arith.constant 0 : i32
        %dma_wait3A_879 = tpu.memref_slice %arg7[%add3A_486, %dma_wait3A_878] : memref<80x125xi32, #tpu.memory_space<vmem>> -> memref<1x125xi32, #tpu.memory_space<vmem>>
        %dma_wait3A_880 = tpu.memref_squeeze %dma_wait3A_879 : memref<1x125xi32, #tpu.memory_space<vmem>> -> memref<125xi32, #tpu.memory_space<vmem>>
        %dma_wait3A_881 = arith.constant 0 : i32
        %dma_wait3A_882 = arith.constant 0 : i32
        %dma_wait3A_883 = tpu.memref_slice %arg9[%dma_wait3A_881, %dma_wait3A_882] : memref<10240x32xf32, #tpu.memory_space<vmem_shared>> -> memref<10240x32xf32, #tpu.memory_space<vmem_shared>>
        tpu.wait_indirect_dma semaphore(%run_scoped3A_863 : memref<!tpu.dma_semaphore, #tpu.memory_space<semaphore_mem>>) src(%dma_wait3A_877 : memref<125x32xf32, #tpu.memory_space<vmem>>) dst(%dma_wait3A_883 : memref<10240x32xf32, #tpu.memory_space<vmem_shared>>)
        tpu.yield
      }) : () -> ()
      %add3A_499 = arith.constant 16 : i32
      %add3A_500 = arith.addi %add3A_486, %add3A_499 : i32
      %dma_start3A_501 = arith.constant 2 : i32
      %dma_start3A_502 = arith.constant 0 : i32
      %dma_start3A_503 = arith.constant 0 : i32
      %dma_start3A_504 = tpu.memref_slice %arg8[%dma_start3A_501, %dma_start3A_502, %dma_start3A_503] : memref<16x125x32xf32, #tpu.memory_space<vmem>> -> memref<1x125x32xf32, #tpu.memory_space<vmem>>
      %dma_start3A_505 = tpu.memref_squeeze %dma_start3A_504 : memref<1x125x32xf32, #tpu.memory_space<vmem>> -> memref<125x32xf32, #tpu.memory_space<vmem>>
      %dma_start3A_506 = arith.constant 0 : i32
      %dma_start3A_507 = tpu.memref_slice %arg6[%add3A_500, %dma_start3A_506] : memref<80x125xi32, #tpu.memory_space<vmem>> -> memref<1x125xi32, #tpu.memory_space<vmem>>
      %dma_start3A_508 = tpu.memref_squeeze %dma_start3A_507 : memref<1x125xi32, #tpu.memory_space<vmem>> -> memref<125xi32, #tpu.memory_space<vmem>>
      %dma_start3A_509 = arith.constant 0 : i32
      %dma_start3A_510 = arith.constant 0 : i32
      %dma_start3A_511 = tpu.memref_slice %arg2[%dma_start3A_509, %dma_start3A_510] : memref<10240x32xf32, #tpu.memory_space<hbm>> -> memref<10240x32xf32, #tpu.memory_space<hbm>>
      tpu.enqueue_indirect_dma source(%dma_start3A_511 : memref<10240x32xf32, #tpu.memory_space<hbm>>) target(%dma_start3A_505 : memref<125x32xf32, #tpu.memory_space<vmem>>) offsets(%dma_start3A_508 : memref<125xi32, #tpu.memory_space<vmem>>) semaphore(%arg12 : memref<!tpu.dma_semaphore, #tpu.memory_space<semaphore_mem>>)
      %add3A_512 = arith.constant 3 : i32
      %add3A_513 = arith.addi %mul3A_430, %add3A_512 : i32
      %dma_wait3A_514 = arith.constant 3 : i32
      %dma_wait3A_515 = arith.constant 0 : i32
      %dma_wait3A_516 = arith.constant 0 : i32
      %dma_wait3A_517 = tpu.memref_slice %arg8[%dma_wait3A_514, %dma_wait3A_515, %dma_wait3A_516] : memref<16x125x32xf32, #tpu.memory_space<vmem>> -> memref<1x125x32xf32, #tpu.memory_space<vmem>>
      %dma_wait3A_518 = tpu.memref_squeeze %dma_wait3A_517 : memref<1x125x32xf32, #tpu.memory_space<vmem>> -> memref<125x32xf32, #tpu.memory_space<vmem>>
      %dma_wait3A_519 = arith.constant 0 : i32
      %dma_wait3A_520 = tpu.memref_slice %arg6[%add3A_513, %dma_wait3A_519] : memref<80x125xi32, #tpu.memory_space<vmem>> -> memref<1x125xi32, #tpu.memory_space<vmem>>
      %dma_wait3A_521 = tpu.memref_squeeze %dma_wait3A_520 : memref<1x125xi32, #tpu.memory_space<vmem>> -> memref<125xi32, #tpu.memory_space<vmem>>
      %dma_wait3A_522 = arith.constant 0 : i32
      %dma_wait3A_523 = arith.constant 0 : i32
      %dma_wait3A_524 = tpu.memref_slice %arg2[%dma_wait3A_522, %dma_wait3A_523] : memref<10240x32xf32, #tpu.memory_space<hbm>> -> memref<10240x32xf32, #tpu.memory_space<hbm>>
      tpu.wait_indirect_dma semaphore(%arg13 : memref<!tpu.dma_semaphore, #tpu.memory_space<semaphore_mem>>) src(%dma_wait3A_524 : memref<10240x32xf32, #tpu.memory_space<hbm>>) dst(%dma_wait3A_518 : memref<125x32xf32, #tpu.memory_space<vmem>>)
      %run_scoped3A_525 = arith.constant 3 : i32
      "tpu.region"() ({
        %run_scoped3A_863 = tpu.sem_alloc : memref<!tpu.dma_semaphore, #tpu.memory_space<semaphore_mem>>
        %dma_start3A_864 = arith.constant 0 : i32
        %dma_start3A_865 = arith.constant 0 : i32
        %dma_start3A_866 = tpu.memref_slice %arg8[%run_scoped3A_525, %dma_start3A_864, %dma_start3A_865] : memref<16x125x32xf32, #tpu.memory_space<vmem>> -> memref<1x125x32xf32, #tpu.memory_space<vmem>>
        %dma_start3A_867 = tpu.memref_squeeze %dma_start3A_866 : memref<1x125x32xf32, #tpu.memory_space<vmem>> -> memref<125x32xf32, #tpu.memory_space<vmem>>
        %dma_start3A_868 = arith.constant 0 : i32
        %dma_start3A_869 = tpu.memref_slice %arg7[%add3A_513, %dma_start3A_868] : memref<80x125xi32, #tpu.memory_space<vmem>> -> memref<1x125xi32, #tpu.memory_space<vmem>>
        %dma_start3A_870 = tpu.memref_squeeze %dma_start3A_869 : memref<1x125xi32, #tpu.memory_space<vmem>> -> memref<125xi32, #tpu.memory_space<vmem>>
        %dma_start3A_871 = arith.constant 0 : i32
        %dma_start3A_872 = arith.constant 0 : i32
        %dma_start3A_873 = tpu.memref_slice %arg9[%dma_start3A_871, %dma_start3A_872] : memref<10240x32xf32, #tpu.memory_space<vmem_shared>> -> memref<10240x32xf32, #tpu.memory_space<vmem_shared>>
        tpu.enqueue_indirect_dma source(%dma_start3A_867 : memref<125x32xf32, #tpu.memory_space<vmem>>) target(%dma_start3A_873 : memref<10240x32xf32, #tpu.memory_space<vmem_shared>>) offsets(%dma_start3A_870 : memref<125xi32, #tpu.memory_space<vmem>>) semaphore(%run_scoped3A_863 : memref<!tpu.dma_semaphore, #tpu.memory_space<semaphore_mem>>) {add = true}
        %dma_wait3A_874 = arith.constant 0 : i32
        %dma_wait3A_875 = arith.constant 0 : i32
        %dma_wait3A_876 = tpu.memref_slice %arg8[%run_scoped3A_525, %dma_wait3A_874, %dma_wait3A_875] : memref<16x125x32xf32, #tpu.memory_space<vmem>> -> memref<1x125x32xf32, #tpu.memory_space<vmem>>
        %dma_wait3A_877 = tpu.memref_squeeze %dma_wait3A_876 : memref<1x125x32xf32, #tpu.memory_space<vmem>> -> memref<125x32xf32, #tpu.memory_space<vmem>>
        %dma_wait3A_878 = arith.constant 0 : i32
        %dma_wait3A_879 = tpu.memref_slice %arg7[%add3A_513, %dma_wait3A_878] : memref<80x125xi32, #tpu.memory_space<vmem>> -> memref<1x125xi32, #tpu.memory_space<vmem>>
        %dma_wait3A_880 = tpu.memref_squeeze %dma_wait3A_879 : memref<1x125xi32, #tpu.memory_space<vmem>> -> memref<125xi32, #tpu.memory_space<vmem>>
        %dma_wait3A_881 = arith.constant 0 : i32
        %dma_wait3A_882 = arith.constant 0 : i32
        %dma_wait3A_883 = tpu.memref_slice %arg9[%dma_wait3A_881, %dma_wait3A_882] : memref<10240x32xf32, #tpu.memory_space<vmem_shared>> -> memref<10240x32xf32, #tpu.memory_space<vmem_shared>>
        tpu.wait_indirect_dma semaphore(%run_scoped3A_863 : memref<!tpu.dma_semaphore, #tpu.memory_space<semaphore_mem>>) src(%dma_wait3A_877 : memref<125x32xf32, #tpu.memory_space<vmem>>) dst(%dma_wait3A_883 : memref<10240x32xf32, #tpu.memory_space<vmem_shared>>)
        tpu.yield
      }) : () -> ()
      %add3A_526 = arith.constant 16 : i32
      %add3A_527 = arith.addi %add3A_513, %add3A_526 : i32
      %dma_start3A_528 = arith.constant 3 : i32
      %dma_start3A_529 = arith.constant 0 : i32
      %dma_start3A_530 = arith.constant 0 : i32
      %dma_start3A_531 = tpu.memref_slice %arg8[%dma_start3A_528, %dma_start3A_529, %dma_start3A_530] : memref<16x125x32xf32, #tpu.memory_space<vmem>> -> memref<1x125x32xf32, #tpu.memory_space<vmem>>
      %dma_start3A_532 = tpu.memref_squeeze %dma_start3A_531 : memref<1x125x32xf32, #tpu.memory_space<vmem>> -> memref<125x32xf32, #tpu.memory_space<vmem>>
      %dma_start3A_533 = arith.constant 0 : i32
      %dma_start3A_534 = tpu.memref_slice %arg6[%add3A_527, %dma_start3A_533] : memref<80x125xi32, #tpu.memory_space<vmem>> -> memref<1x125xi32, #tpu.memory_space<vmem>>
      %dma_start3A_535 = tpu.memref_squeeze %dma_start3A_534 : memref<1x125xi32, #tpu.memory_space<vmem>> -> memref<125xi32, #tpu.memory_space<vmem>>
      %dma_start3A_536 = arith.constant 0 : i32
      %dma_start3A_537 = arith.constant 0 : i32
      %dma_start3A_538 = tpu.memref_slice %arg2[%dma_start3A_536, %dma_start3A_537] : memref<10240x32xf32, #tpu.memory_space<hbm>> -> memref<10240x32xf32, #tpu.memory_space<hbm>>
      tpu.enqueue_indirect_dma source(%dma_start3A_538 : memref<10240x32xf32, #tpu.memory_space<hbm>>) target(%dma_start3A_532 : memref<125x32xf32, #tpu.memory_space<vmem>>) offsets(%dma_start3A_535 : memref<125xi32, #tpu.memory_space<vmem>>) semaphore(%arg13 : memref<!tpu.dma_semaphore, #tpu.memory_space<semaphore_mem>>)
      %add3A_539 = arith.constant 4 : i32
      %add3A_540 = arith.addi %mul3A_430, %add3A_539 : i32
      %dma_wait3A_541 = arith.constant 4 : i32
      %dma_wait3A_542 = arith.constant 0 : i32
      %dma_wait3A_543 = arith.constant 0 : i32
      %dma_wait3A_544 = tpu.memref_slice %arg8[%dma_wait3A_541, %dma_wait3A_542, %dma_wait3A_543] : memref<16x125x32xf32, #tpu.memory_space<vmem>> -> memref<1x125x32xf32, #tpu.memory_space<vmem>>
      %dma_wait3A_545 = tpu.memref_squeeze %dma_wait3A_544 : memref<1x125x32xf32, #tpu.memory_space<vmem>> -> memref<125x32xf32, #tpu.memory_space<vmem>>
      %dma_wait3A_546 = arith.constant 0 : i32
      %dma_wait3A_547 = tpu.memref_slice %arg6[%add3A_540, %dma_wait3A_546] : memref<80x125xi32, #tpu.memory_space<vmem>> -> memref<1x125xi32, #tpu.memory_space<vmem>>
      %dma_wait3A_548 = tpu.memref_squeeze %dma_wait3A_547 : memref<1x125xi32, #tpu.memory_space<vmem>> -> memref<125xi32, #tpu.memory_space<vmem>>
      %dma_wait3A_549 = arith.constant 0 : i32
      %dma_wait3A_550 = arith.constant 0 : i32
      %dma_wait3A_551 = tpu.memref_slice %arg2[%dma_wait3A_549, %dma_wait3A_550] : memref<10240x32xf32, #tpu.memory_space<hbm>> -> memref<10240x32xf32, #tpu.memory_space<hbm>>
      tpu.wait_indirect_dma semaphore(%arg14 : memref<!tpu.dma_semaphore, #tpu.memory_space<semaphore_mem>>) src(%dma_wait3A_551 : memref<10240x32xf32, #tpu.memory_space<hbm>>) dst(%dma_wait3A_545 : memref<125x32xf32, #tpu.memory_space<vmem>>)
      %run_scoped3A_552 = arith.constant 4 : i32
      "tpu.region"() ({
        %run_scoped3A_863 = tpu.sem_alloc : memref<!tpu.dma_semaphore, #tpu.memory_space<semaphore_mem>>
        %dma_start3A_864 = arith.constant 0 : i32
        %dma_start3A_865 = arith.constant 0 : i32
        %dma_start3A_866 = tpu.memref_slice %arg8[%run_scoped3A_552, %dma_start3A_864, %dma_start3A_865] : memref<16x125x32xf32, #tpu.memory_space<vmem>> -> memref<1x125x32xf32, #tpu.memory_space<vmem>>
        %dma_start3A_867 = tpu.memref_squeeze %dma_start3A_866 : memref<1x125x32xf32, #tpu.memory_space<vmem>> -> memref<125x32xf32, #tpu.memory_space<vmem>>
        %dma_start3A_868 = arith.constant 0 : i32
        %dma_start3A_869 = tpu.memref_slice %arg7[%add3A_540, %dma_start3A_868] : memref<80x125xi32, #tpu.memory_space<vmem>> -> memref<1x125xi32, #tpu.memory_space<vmem>>
        %dma_start3A_870 = tpu.memref_squeeze %dma_start3A_869 : memref<1x125xi32, #tpu.memory_space<vmem>> -> memref<125xi32, #tpu.memory_space<vmem>>
        %dma_start3A_871 = arith.constant 0 : i32
        %dma_start3A_872 = arith.constant 0 : i32
        %dma_start3A_873 = tpu.memref_slice %arg9[%dma_start3A_871, %dma_start3A_872] : memref<10240x32xf32, #tpu.memory_space<vmem_shared>> -> memref<10240x32xf32, #tpu.memory_space<vmem_shared>>
        tpu.enqueue_indirect_dma source(%dma_start3A_867 : memref<125x32xf32, #tpu.memory_space<vmem>>) target(%dma_start3A_873 : memref<10240x32xf32, #tpu.memory_space<vmem_shared>>) offsets(%dma_start3A_870 : memref<125xi32, #tpu.memory_space<vmem>>) semaphore(%run_scoped3A_863 : memref<!tpu.dma_semaphore, #tpu.memory_space<semaphore_mem>>) {add = true}
        %dma_wait3A_874 = arith.constant 0 : i32
        %dma_wait3A_875 = arith.constant 0 : i32
        %dma_wait3A_876 = tpu.memref_slice %arg8[%run_scoped3A_552, %dma_wait3A_874, %dma_wait3A_875] : memref<16x125x32xf32, #tpu.memory_space<vmem>> -> memref<1x125x32xf32, #tpu.memory_space<vmem>>
        %dma_wait3A_877 = tpu.memref_squeeze %dma_wait3A_876 : memref<1x125x32xf32, #tpu.memory_space<vmem>> -> memref<125x32xf32, #tpu.memory_space<vmem>>
        %dma_wait3A_878 = arith.constant 0 : i32
        %dma_wait3A_879 = tpu.memref_slice %arg7[%add3A_540, %dma_wait3A_878] : memref<80x125xi32, #tpu.memory_space<vmem>> -> memref<1x125xi32, #tpu.memory_space<vmem>>
        %dma_wait3A_880 = tpu.memref_squeeze %dma_wait3A_879 : memref<1x125xi32, #tpu.memory_space<vmem>> -> memref<125xi32, #tpu.memory_space<vmem>>
        %dma_wait3A_881 = arith.constant 0 : i32
        %dma_wait3A_882 = arith.constant 0 : i32
        %dma_wait3A_883 = tpu.memref_slice %arg9[%dma_wait3A_881, %dma_wait3A_882] : memref<10240x32xf32, #tpu.memory_space<vmem_shared>> -> memref<10240x32xf32, #tpu.memory_space<vmem_shared>>
        tpu.wait_indirect_dma semaphore(%run_scoped3A_863 : memref<!tpu.dma_semaphore, #tpu.memory_space<semaphore_mem>>) src(%dma_wait3A_877 : memref<125x32xf32, #tpu.memory_space<vmem>>) dst(%dma_wait3A_883 : memref<10240x32xf32, #tpu.memory_space<vmem_shared>>)
        tpu.yield
      }) : () -> ()
      %add3A_553 = arith.constant 16 : i32
      %add3A_554 = arith.addi %add3A_540, %add3A_553 : i32
      %dma_start3A_555 = arith.constant 4 : i32
      %dma_start3A_556 = arith.constant 0 : i32
      %dma_start3A_557 = arith.constant 0 : i32
      %dma_start3A_558 = tpu.memref_slice %arg8[%dma_start3A_555, %dma_start3A_556, %dma_start3A_557] : memref<16x125x32xf32, #tpu.memory_space<vmem>> -> memref<1x125x32xf32, #tpu.memory_space<vmem>>
      %dma_start3A_559 = tpu.memref_squeeze %dma_start3A_558 : memref<1x125x32xf32, #tpu.memory_space<vmem>> -> memref<125x32xf32, #tpu.memory_space<vmem>>
      %dma_start3A_560 = arith.constant 0 : i32
      %dma_start3A_561 = tpu.memref_slice %arg6[%add3A_554, %dma_start3A_560] : memref<80x125xi32, #tpu.memory_space<vmem>> -> memref<1x125xi32, #tpu.memory_space<vmem>>
      %dma_start3A_562 = tpu.memref_squeeze %dma_start3A_561 : memref<1x125xi32, #tpu.memory_space<vmem>> -> memref<125xi32, #tpu.memory_space<vmem>>
      %dma_start3A_563 = arith.constant 0 : i32
      %dma_start3A_564 = arith.constant 0 : i32
      %dma_start3A_565 = tpu.memref_slice %arg2[%dma_start3A_563, %dma_start3A_564] : memref<10240x32xf32, #tpu.memory_space<hbm>> -> memref<10240x32xf32, #tpu.memory_space<hbm>>
      tpu.enqueue_indirect_dma source(%dma_start3A_565 : memref<10240x32xf32, #tpu.memory_space<hbm>>) target(%dma_start3A_559 : memref<125x32xf32, #tpu.memory_space<vmem>>) offsets(%dma_start3A_562 : memref<125xi32, #tpu.memory_space<vmem>>) semaphore(%arg14 : memref<!tpu.dma_semaphore, #tpu.memory_space<semaphore_mem>>)
      %add3A_566 = arith.constant 5 : i32
      %add3A_567 = arith.addi %mul3A_430, %add3A_566 : i32
      %dma_wait3A_568 = arith.constant 5 : i32
      %dma_wait3A_569 = arith.constant 0 : i32
      %dma_wait3A_570 = arith.constant 0 : i32
      %dma_wait3A_571 = tpu.memref_slice %arg8[%dma_wait3A_568, %dma_wait3A_569, %dma_wait3A_570] : memref<16x125x32xf32, #tpu.memory_space<vmem>> -> memref<1x125x32xf32, #tpu.memory_space<vmem>>
      %dma_wait3A_572 = tpu.memref_squeeze %dma_wait3A_571 : memref<1x125x32xf32, #tpu.memory_space<vmem>> -> memref<125x32xf32, #tpu.memory_space<vmem>>
      %dma_wait3A_573 = arith.constant 0 : i32
      %dma_wait3A_574 = tpu.memref_slice %arg6[%add3A_567, %dma_wait3A_573] : memref<80x125xi32, #tpu.memory_space<vmem>> -> memref<1x125xi32, #tpu.memory_space<vmem>>
      %dma_wait3A_575 = tpu.memref_squeeze %dma_wait3A_574 : memref<1x125xi32, #tpu.memory_space<vmem>> -> memref<125xi32, #tpu.memory_space<vmem>>
      %dma_wait3A_576 = arith.constant 0 : i32
      %dma_wait3A_577 = arith.constant 0 : i32
      %dma_wait3A_578 = tpu.memref_slice %arg2[%dma_wait3A_576, %dma_wait3A_577] : memref<10240x32xf32, #tpu.memory_space<hbm>> -> memref<10240x32xf32, #tpu.memory_space<hbm>>
      tpu.wait_indirect_dma semaphore(%arg15 : memref<!tpu.dma_semaphore, #tpu.memory_space<semaphore_mem>>) src(%dma_wait3A_578 : memref<10240x32xf32, #tpu.memory_space<hbm>>) dst(%dma_wait3A_572 : memref<125x32xf32, #tpu.memory_space<vmem>>)
      %run_scoped3A_579 = arith.constant 5 : i32
      "tpu.region"() ({
        %run_scoped3A_863 = tpu.sem_alloc : memref<!tpu.dma_semaphore, #tpu.memory_space<semaphore_mem>>
        %dma_start3A_864 = arith.constant 0 : i32
        %dma_start3A_865 = arith.constant 0 : i32
        %dma_start3A_866 = tpu.memref_slice %arg8[%run_scoped3A_579, %dma_start3A_864, %dma_start3A_865] : memref<16x125x32xf32, #tpu.memory_space<vmem>> -> memref<1x125x32xf32, #tpu.memory_space<vmem>>
        %dma_start3A_867 = tpu.memref_squeeze %dma_start3A_866 : memref<1x125x32xf32, #tpu.memory_space<vmem>> -> memref<125x32xf32, #tpu.memory_space<vmem>>
        %dma_start3A_868 = arith.constant 0 : i32
        %dma_start3A_869 = tpu.memref_slice %arg7[%add3A_567, %dma_start3A_868] : memref<80x125xi32, #tpu.memory_space<vmem>> -> memref<1x125xi32, #tpu.memory_space<vmem>>
        %dma_start3A_870 = tpu.memref_squeeze %dma_start3A_869 : memref<1x125xi32, #tpu.memory_space<vmem>> -> memref<125xi32, #tpu.memory_space<vmem>>
        %dma_start3A_871 = arith.constant 0 : i32
        %dma_start3A_872 = arith.constant 0 : i32
        %dma_start3A_873 = tpu.memref_slice %arg9[%dma_start3A_871, %dma_start3A_872] : memref<10240x32xf32, #tpu.memory_space<vmem_shared>> -> memref<10240x32xf32, #tpu.memory_space<vmem_shared>>
        tpu.enqueue_indirect_dma source(%dma_start3A_867 : memref<125x32xf32, #tpu.memory_space<vmem>>) target(%dma_start3A_873 : memref<10240x32xf32, #tpu.memory_space<vmem_shared>>) offsets(%dma_start3A_870 : memref<125xi32, #tpu.memory_space<vmem>>) semaphore(%run_scoped3A_863 : memref<!tpu.dma_semaphore, #tpu.memory_space<semaphore_mem>>) {add = true}
        %dma_wait3A_874 = arith.constant 0 : i32
        %dma_wait3A_875 = arith.constant 0 : i32
        %dma_wait3A_876 = tpu.memref_slice %arg8[%run_scoped3A_579, %dma_wait3A_874, %dma_wait3A_875] : memref<16x125x32xf32, #tpu.memory_space<vmem>> -> memref<1x125x32xf32, #tpu.memory_space<vmem>>
        %dma_wait3A_877 = tpu.memref_squeeze %dma_wait3A_876 : memref<1x125x32xf32, #tpu.memory_space<vmem>> -> memref<125x32xf32, #tpu.memory_space<vmem>>
        %dma_wait3A_878 = arith.constant 0 : i32
        %dma_wait3A_879 = tpu.memref_slice %arg7[%add3A_567, %dma_wait3A_878] : memref<80x125xi32, #tpu.memory_space<vmem>> -> memref<1x125xi32, #tpu.memory_space<vmem>>
        %dma_wait3A_880 = tpu.memref_squeeze %dma_wait3A_879 : memref<1x125xi32, #tpu.memory_space<vmem>> -> memref<125xi32, #tpu.memory_space<vmem>>
        %dma_wait3A_881 = arith.constant 0 : i32
        %dma_wait3A_882 = arith.constant 0 : i32
        %dma_wait3A_883 = tpu.memref_slice %arg9[%dma_wait3A_881, %dma_wait3A_882] : memref<10240x32xf32, #tpu.memory_space<vmem_shared>> -> memref<10240x32xf32, #tpu.memory_space<vmem_shared>>
        tpu.wait_indirect_dma semaphore(%run_scoped3A_863 : memref<!tpu.dma_semaphore, #tpu.memory_space<semaphore_mem>>) src(%dma_wait3A_877 : memref<125x32xf32, #tpu.memory_space<vmem>>) dst(%dma_wait3A_883 : memref<10240x32xf32, #tpu.memory_space<vmem_shared>>)
        tpu.yield
      }) : () -> ()
      %add3A_580 = arith.constant 16 : i32
      %add3A_581 = arith.addi %add3A_567, %add3A_580 : i32
      %dma_start3A_582 = arith.constant 5 : i32
      %dma_start3A_583 = arith.constant 0 : i32
      %dma_start3A_584 = arith.constant 0 : i32
      %dma_start3A_585 = tpu.memref_slice %arg8[%dma_start3A_582, %dma_start3A_583, %dma_start3A_584] : memref<16x125x32xf32, #tpu.memory_space<vmem>> -> memref<1x125x32xf32, #tpu.memory_space<vmem>>
      %dma_start3A_586 = tpu.memref_squeeze %dma_start3A_585 : memref<1x125x32xf32, #tpu.memory_space<vmem>> -> memref<125x32xf32, #tpu.memory_space<vmem>>
      %dma_start3A_587 = arith.constant 0 : i32
      %dma_start3A_588 = tpu.memref_slice %arg6[%add3A_581, %dma_start3A_587] : memref<80x125xi32, #tpu.memory_space<vmem>> -> memref<1x125xi32, #tpu.memory_space<vmem>>
      %dma_start3A_589 = tpu.memref_squeeze %dma_start3A_588 : memref<1x125xi32, #tpu.memory_space<vmem>> -> memref<125xi32, #tpu.memory_space<vmem>>
      %dma_start3A_590 = arith.constant 0 : i32
      %dma_start3A_591 = arith.constant 0 : i32
      %dma_start3A_592 = tpu.memref_slice %arg2[%dma_start3A_590, %dma_start3A_591] : memref<10240x32xf32, #tpu.memory_space<hbm>> -> memref<10240x32xf32, #tpu.memory_space<hbm>>
      tpu.enqueue_indirect_dma source(%dma_start3A_592 : memref<10240x32xf32, #tpu.memory_space<hbm>>) target(%dma_start3A_586 : memref<125x32xf32, #tpu.memory_space<vmem>>) offsets(%dma_start3A_589 : memref<125xi32, #tpu.memory_space<vmem>>) semaphore(%arg15 : memref<!tpu.dma_semaphore, #tpu.memory_space<semaphore_mem>>)
      %add3A_593 = arith.constant 6 : i32
      %add3A_594 = arith.addi %mul3A_430, %add3A_593 : i32
      %dma_wait3A_595 = arith.constant 6 : i32
      %dma_wait3A_596 = arith.constant 0 : i32
      %dma_wait3A_597 = arith.constant 0 : i32
      %dma_wait3A_598 = tpu.memref_slice %arg8[%dma_wait3A_595, %dma_wait3A_596, %dma_wait3A_597] : memref<16x125x32xf32, #tpu.memory_space<vmem>> -> memref<1x125x32xf32, #tpu.memory_space<vmem>>
      %dma_wait3A_599 = tpu.memref_squeeze %dma_wait3A_598 : memref<1x125x32xf32, #tpu.memory_space<vmem>> -> memref<125x32xf32, #tpu.memory_space<vmem>>
      %dma_wait3A_600 = arith.constant 0 : i32
      %dma_wait3A_601 = tpu.memref_slice %arg6[%add3A_594, %dma_wait3A_600] : memref<80x125xi32, #tpu.memory_space<vmem>> -> memref<1x125xi32, #tpu.memory_space<vmem>>
      %dma_wait3A_602 = tpu.memref_squeeze %dma_wait3A_601 : memref<1x125xi32, #tpu.memory_space<vmem>> -> memref<125xi32, #tpu.memory_space<vmem>>
      %dma_wait3A_603 = arith.constant 0 : i32
      %dma_wait3A_604 = arith.constant 0 : i32
      %dma_wait3A_605 = tpu.memref_slice %arg2[%dma_wait3A_603, %dma_wait3A_604] : memref<10240x32xf32, #tpu.memory_space<hbm>> -> memref<10240x32xf32, #tpu.memory_space<hbm>>
      tpu.wait_indirect_dma semaphore(%arg16 : memref<!tpu.dma_semaphore, #tpu.memory_space<semaphore_mem>>) src(%dma_wait3A_605 : memref<10240x32xf32, #tpu.memory_space<hbm>>) dst(%dma_wait3A_599 : memref<125x32xf32, #tpu.memory_space<vmem>>)
      %run_scoped3A_606 = arith.constant 6 : i32
      "tpu.region"() ({
        %run_scoped3A_863 = tpu.sem_alloc : memref<!tpu.dma_semaphore, #tpu.memory_space<semaphore_mem>>
        %dma_start3A_864 = arith.constant 0 : i32
        %dma_start3A_865 = arith.constant 0 : i32
        %dma_start3A_866 = tpu.memref_slice %arg8[%run_scoped3A_606, %dma_start3A_864, %dma_start3A_865] : memref<16x125x32xf32, #tpu.memory_space<vmem>> -> memref<1x125x32xf32, #tpu.memory_space<vmem>>
        %dma_start3A_867 = tpu.memref_squeeze %dma_start3A_866 : memref<1x125x32xf32, #tpu.memory_space<vmem>> -> memref<125x32xf32, #tpu.memory_space<vmem>>
        %dma_start3A_868 = arith.constant 0 : i32
        %dma_start3A_869 = tpu.memref_slice %arg7[%add3A_594, %dma_start3A_868] : memref<80x125xi32, #tpu.memory_space<vmem>> -> memref<1x125xi32, #tpu.memory_space<vmem>>
        %dma_start3A_870 = tpu.memref_squeeze %dma_start3A_869 : memref<1x125xi32, #tpu.memory_space<vmem>> -> memref<125xi32, #tpu.memory_space<vmem>>
        %dma_start3A_871 = arith.constant 0 : i32
        %dma_start3A_872 = arith.constant 0 : i32
        %dma_start3A_873 = tpu.memref_slice %arg9[%dma_start3A_871, %dma_start3A_872] : memref<10240x32xf32, #tpu.memory_space<vmem_shared>> -> memref<10240x32xf32, #tpu.memory_space<vmem_shared>>
        tpu.enqueue_indirect_dma source(%dma_start3A_867 : memref<125x32xf32, #tpu.memory_space<vmem>>) target(%dma_start3A_873 : memref<10240x32xf32, #tpu.memory_space<vmem_shared>>) offsets(%dma_start3A_870 : memref<125xi32, #tpu.memory_space<vmem>>) semaphore(%run_scoped3A_863 : memref<!tpu.dma_semaphore, #tpu.memory_space<semaphore_mem>>) {add = true}
        %dma_wait3A_874 = arith.constant 0 : i32
        %dma_wait3A_875 = arith.constant 0 : i32
        %dma_wait3A_876 = tpu.memref_slice %arg8[%run_scoped3A_606, %dma_wait3A_874, %dma_wait3A_875] : memref<16x125x32xf32, #tpu.memory_space<vmem>> -> memref<1x125x32xf32, #tpu.memory_space<vmem>>
        %dma_wait3A_877 = tpu.memref_squeeze %dma_wait3A_876 : memref<1x125x32xf32, #tpu.memory_space<vmem>> -> memref<125x32xf32, #tpu.memory_space<vmem>>
        %dma_wait3A_878 = arith.constant 0 : i32
        %dma_wait3A_879 = tpu.memref_slice %arg7[%add3A_594, %dma_wait3A_878] : memref<80x125xi32, #tpu.memory_space<vmem>> -> memref<1x125xi32, #tpu.memory_space<vmem>>
        %dma_wait3A_880 = tpu.memref_squeeze %dma_wait3A_879 : memref<1x125xi32, #tpu.memory_space<vmem>> -> memref<125xi32, #tpu.memory_space<vmem>>
        %dma_wait3A_881 = arith.constant 0 : i32
        %dma_wait3A_882 = arith.constant 0 : i32
        %dma_wait3A_883 = tpu.memref_slice %arg9[%dma_wait3A_881, %dma_wait3A_882] : memref<10240x32xf32, #tpu.memory_space<vmem_shared>> -> memref<10240x32xf32, #tpu.memory_space<vmem_shared>>
        tpu.wait_indirect_dma semaphore(%run_scoped3A_863 : memref<!tpu.dma_semaphore, #tpu.memory_space<semaphore_mem>>) src(%dma_wait3A_877 : memref<125x32xf32, #tpu.memory_space<vmem>>) dst(%dma_wait3A_883 : memref<10240x32xf32, #tpu.memory_space<vmem_shared>>)
        tpu.yield
      }) : () -> ()
      %add3A_607 = arith.constant 16 : i32
      %add3A_608 = arith.addi %add3A_594, %add3A_607 : i32
      %dma_start3A_609 = arith.constant 6 : i32
      %dma_start3A_610 = arith.constant 0 : i32
      %dma_start3A_611 = arith.constant 0 : i32
      %dma_start3A_612 = tpu.memref_slice %arg8[%dma_start3A_609, %dma_start3A_610, %dma_start3A_611] : memref<16x125x32xf32, #tpu.memory_space<vmem>> -> memref<1x125x32xf32, #tpu.memory_space<vmem>>
      %dma_start3A_613 = tpu.memref_squeeze %dma_start3A_612 : memref<1x125x32xf32, #tpu.memory_space<vmem>> -> memref<125x32xf32, #tpu.memory_space<vmem>>
      %dma_start3A_614 = arith.constant 0 : i32
      %dma_start3A_615 = tpu.memref_slice %arg6[%add3A_608, %dma_start3A_614] : memref<80x125xi32, #tpu.memory_space<vmem>> -> memref<1x125xi32, #tpu.memory_space<vmem>>
      %dma_start3A_616 = tpu.memref_squeeze %dma_start3A_615 : memref<1x125xi32, #tpu.memory_space<vmem>> -> memref<125xi32, #tpu.memory_space<vmem>>
      %dma_start3A_617 = arith.constant 0 : i32
      %dma_start3A_618 = arith.constant 0 : i32
      %dma_start3A_619 = tpu.memref_slice %arg2[%dma_start3A_617, %dma_start3A_618] : memref<10240x32xf32, #tpu.memory_space<hbm>> -> memref<10240x32xf32, #tpu.memory_space<hbm>>
      tpu.enqueue_indirect_dma source(%dma_start3A_619 : memref<10240x32xf32, #tpu.memory_space<hbm>>) target(%dma_start3A_613 : memref<125x32xf32, #tpu.memory_space<vmem>>) offsets(%dma_start3A_616 : memref<125xi32, #tpu.memory_space<vmem>>) semaphore(%arg16 : memref<!tpu.dma_semaphore, #tpu.memory_space<semaphore_mem>>)
      %add3A_620 = arith.constant 7 : i32
      %add3A_621 = arith.addi %mul3A_430, %add3A_620 : i32
      %dma_wait3A_622 = arith.constant 7 : i32
      %dma_wait3A_623 = arith.constant 0 : i32
      %dma_wait3A_624 = arith.constant 0 : i32
      %dma_wait3A_625 = tpu.memref_slice %arg8[%dma_wait3A_622, %dma_wait3A_623, %dma_wait3A_624] : memref<16x125x32xf32, #tpu.memory_space<vmem>> -> memref<1x125x32xf32, #tpu.memory_space<vmem>>
      %dma_wait3A_626 = tpu.memref_squeeze %dma_wait3A_625 : memref<1x125x32xf32, #tpu.memory_space<vmem>> -> memref<125x32xf32, #tpu.memory_space<vmem>>
      %dma_wait3A_627 = arith.constant 0 : i32
      %dma_wait3A_628 = tpu.memref_slice %arg6[%add3A_621, %dma_wait3A_627] : memref<80x125xi32, #tpu.memory_space<vmem>> -> memref<1x125xi32, #tpu.memory_space<vmem>>
      %dma_wait3A_629 = tpu.memref_squeeze %dma_wait3A_628 : memref<1x125xi32, #tpu.memory_space<vmem>> -> memref<125xi32, #tpu.memory_space<vmem>>
      %dma_wait3A_630 = arith.constant 0 : i32
      %dma_wait3A_631 = arith.constant 0 : i32
      %dma_wait3A_632 = tpu.memref_slice %arg2[%dma_wait3A_630, %dma_wait3A_631] : memref<10240x32xf32, #tpu.memory_space<hbm>> -> memref<10240x32xf32, #tpu.memory_space<hbm>>
      tpu.wait_indirect_dma semaphore(%arg17 : memref<!tpu.dma_semaphore, #tpu.memory_space<semaphore_mem>>) src(%dma_wait3A_632 : memref<10240x32xf32, #tpu.memory_space<hbm>>) dst(%dma_wait3A_626 : memref<125x32xf32, #tpu.memory_space<vmem>>)
      %run_scoped3A_633 = arith.constant 7 : i32
      "tpu.region"() ({
        %run_scoped3A_863 = tpu.sem_alloc : memref<!tpu.dma_semaphore, #tpu.memory_space<semaphore_mem>>
        %dma_start3A_864 = arith.constant 0 : i32
        %dma_start3A_865 = arith.constant 0 : i32
        %dma_start3A_866 = tpu.memref_slice %arg8[%run_scoped3A_633, %dma_start3A_864, %dma_start3A_865] : memref<16x125x32xf32, #tpu.memory_space<vmem>> -> memref<1x125x32xf32, #tpu.memory_space<vmem>>
        %dma_start3A_867 = tpu.memref_squeeze %dma_start3A_866 : memref<1x125x32xf32, #tpu.memory_space<vmem>> -> memref<125x32xf32, #tpu.memory_space<vmem>>
        %dma_start3A_868 = arith.constant 0 : i32
        %dma_start3A_869 = tpu.memref_slice %arg7[%add3A_621, %dma_start3A_868] : memref<80x125xi32, #tpu.memory_space<vmem>> -> memref<1x125xi32, #tpu.memory_space<vmem>>
        %dma_start3A_870 = tpu.memref_squeeze %dma_start3A_869 : memref<1x125xi32, #tpu.memory_space<vmem>> -> memref<125xi32, #tpu.memory_space<vmem>>
        %dma_start3A_871 = arith.constant 0 : i32
        %dma_start3A_872 = arith.constant 0 : i32
        %dma_start3A_873 = tpu.memref_slice %arg9[%dma_start3A_871, %dma_start3A_872] : memref<10240x32xf32, #tpu.memory_space<vmem_shared>> -> memref<10240x32xf32, #tpu.memory_space<vmem_shared>>
        tpu.enqueue_indirect_dma source(%dma_start3A_867 : memref<125x32xf32, #tpu.memory_space<vmem>>) target(%dma_start3A_873 : memref<10240x32xf32, #tpu.memory_space<vmem_shared>>) offsets(%dma_start3A_870 : memref<125xi32, #tpu.memory_space<vmem>>) semaphore(%run_scoped3A_863 : memref<!tpu.dma_semaphore, #tpu.memory_space<semaphore_mem>>) {add = true}
        %dma_wait3A_874 = arith.constant 0 : i32
        %dma_wait3A_875 = arith.constant 0 : i32
        %dma_wait3A_876 = tpu.memref_slice %arg8[%run_scoped3A_633, %dma_wait3A_874, %dma_wait3A_875] : memref<16x125x32xf32, #tpu.memory_space<vmem>> -> memref<1x125x32xf32, #tpu.memory_space<vmem>>
        %dma_wait3A_877 = tpu.memref_squeeze %dma_wait3A_876 : memref<1x125x32xf32, #tpu.memory_space<vmem>> -> memref<125x32xf32, #tpu.memory_space<vmem>>
        %dma_wait3A_878 = arith.constant 0 : i32
        %dma_wait3A_879 = tpu.memref_slice %arg7[%add3A_621, %dma_wait3A_878] : memref<80x125xi32, #tpu.memory_space<vmem>> -> memref<1x125xi32, #tpu.memory_space<vmem>>
        %dma_wait3A_880 = tpu.memref_squeeze %dma_wait3A_879 : memref<1x125xi32, #tpu.memory_space<vmem>> -> memref<125xi32, #tpu.memory_space<vmem>>
        %dma_wait3A_881 = arith.constant 0 : i32
        %dma_wait3A_882 = arith.constant 0 : i32
        %dma_wait3A_883 = tpu.memref_slice %arg9[%dma_wait3A_881, %dma_wait3A_882] : memref<10240x32xf32, #tpu.memory_space<vmem_shared>> -> memref<10240x32xf32, #tpu.memory_space<vmem_shared>>
        tpu.wait_indirect_dma semaphore(%run_scoped3A_863 : memref<!tpu.dma_semaphore, #tpu.memory_space<semaphore_mem>>) src(%dma_wait3A_877 : memref<125x32xf32, #tpu.memory_space<vmem>>) dst(%dma_wait3A_883 : memref<10240x32xf32, #tpu.memory_space<vmem_shared>>)
        tpu.yield
      }) : () -> ()
      %add3A_634 = arith.constant 16 : i32
      %add3A_635 = arith.addi %add3A_621, %add3A_634 : i32
      %dma_start3A_636 = arith.constant 7 : i32
      %dma_start3A_637 = arith.constant 0 : i32
      %dma_start3A_638 = arith.constant 0 : i32
      %dma_start3A_639 = tpu.memref_slice %arg8[%dma_start3A_636, %dma_start3A_637, %dma_start3A_638] : memref<16x125x32xf32, #tpu.memory_space<vmem>> -> memref<1x125x32xf32, #tpu.memory_space<vmem>>
      %dma_start3A_640 = tpu.memref_squeeze %dma_start3A_639 : memref<1x125x32xf32, #tpu.memory_space<vmem>> -> memref<125x32xf32, #tpu.memory_space<vmem>>
      %dma_start3A_641 = arith.constant 0 : i32
      %dma_start3A_642 = tpu.memref_slice %arg6[%add3A_635, %dma_start3A_641] : memref<80x125xi32, #tpu.memory_space<vmem>> -> memref<1x125xi32, #tpu.memory_space<vmem>>
      %dma_start3A_643 = tpu.memref_squeeze %dma_start3A_642 : memref<1x125xi32, #tpu.memory_space<vmem>> -> memref<125xi32, #tpu.memory_space<vmem>>
      %dma_start3A_644 = arith.constant 0 : i32
      %dma_start3A_645 = arith.constant 0 : i32
      %dma_start3A_646 = tpu.memref_slice %arg2[%dma_start3A_644, %dma_start3A_645] : memref<10240x32xf32, #tpu.memory_space<hbm>> -> memref<10240x32xf32, #tpu.memory_space<hbm>>
      tpu.enqueue_indirect_dma source(%dma_start3A_646 : memref<10240x32xf32, #tpu.memory_space<hbm>>) target(%dma_start3A_640 : memref<125x32xf32, #tpu.memory_space<vmem>>) offsets(%dma_start3A_643 : memref<125xi32, #tpu.memory_space<vmem>>) semaphore(%arg17 : memref<!tpu.dma_semaphore, #tpu.memory_space<semaphore_mem>>)
      %add3A_647 = arith.constant 8 : i32
      %add3A_648 = arith.addi %mul3A_430, %add3A_647 : i32
      %dma_wait3A_649 = arith.constant 8 : i32
      %dma_wait3A_650 = arith.constant 0 : i32
      %dma_wait3A_651 = arith.constant 0 : i32
      %dma_wait3A_652 = tpu.memref_slice %arg8[%dma_wait3A_649, %dma_wait3A_650, %dma_wait3A_651] : memref<16x125x32xf32, #tpu.memory_space<vmem>> -> memref<1x125x32xf32, #tpu.memory_space<vmem>>
      %dma_wait3A_653 = tpu.memref_squeeze %dma_wait3A_652 : memref<1x125x32xf32, #tpu.memory_space<vmem>> -> memref<125x32xf32, #tpu.memory_space<vmem>>
      %dma_wait3A_654 = arith.constant 0 : i32
      %dma_wait3A_655 = tpu.memref_slice %arg6[%add3A_648, %dma_wait3A_654] : memref<80x125xi32, #tpu.memory_space<vmem>> -> memref<1x125xi32, #tpu.memory_space<vmem>>
      %dma_wait3A_656 = tpu.memref_squeeze %dma_wait3A_655 : memref<1x125xi32, #tpu.memory_space<vmem>> -> memref<125xi32, #tpu.memory_space<vmem>>
      %dma_wait3A_657 = arith.constant 0 : i32
      %dma_wait3A_658 = arith.constant 0 : i32
      %dma_wait3A_659 = tpu.memref_slice %arg2[%dma_wait3A_657, %dma_wait3A_658] : memref<10240x32xf32, #tpu.memory_space<hbm>> -> memref<10240x32xf32, #tpu.memory_space<hbm>>
      tpu.wait_indirect_dma semaphore(%arg18 : memref<!tpu.dma_semaphore, #tpu.memory_space<semaphore_mem>>) src(%dma_wait3A_659 : memref<10240x32xf32, #tpu.memory_space<hbm>>) dst(%dma_wait3A_653 : memref<125x32xf32, #tpu.memory_space<vmem>>)
      %run_scoped3A_660 = arith.constant 8 : i32
      "tpu.region"() ({
        %run_scoped3A_863 = tpu.sem_alloc : memref<!tpu.dma_semaphore, #tpu.memory_space<semaphore_mem>>
        %dma_start3A_864 = arith.constant 0 : i32
        %dma_start3A_865 = arith.constant 0 : i32
        %dma_start3A_866 = tpu.memref_slice %arg8[%run_scoped3A_660, %dma_start3A_864, %dma_start3A_865] : memref<16x125x32xf32, #tpu.memory_space<vmem>> -> memref<1x125x32xf32, #tpu.memory_space<vmem>>
        %dma_start3A_867 = tpu.memref_squeeze %dma_start3A_866 : memref<1x125x32xf32, #tpu.memory_space<vmem>> -> memref<125x32xf32, #tpu.memory_space<vmem>>
        %dma_start3A_868 = arith.constant 0 : i32
        %dma_start3A_869 = tpu.memref_slice %arg7[%add3A_648, %dma_start3A_868] : memref<80x125xi32, #tpu.memory_space<vmem>> -> memref<1x125xi32, #tpu.memory_space<vmem>>
        %dma_start3A_870 = tpu.memref_squeeze %dma_start3A_869 : memref<1x125xi32, #tpu.memory_space<vmem>> -> memref<125xi32, #tpu.memory_space<vmem>>
        %dma_start3A_871 = arith.constant 0 : i32
        %dma_start3A_872 = arith.constant 0 : i32
        %dma_start3A_873 = tpu.memref_slice %arg9[%dma_start3A_871, %dma_start3A_872] : memref<10240x32xf32, #tpu.memory_space<vmem_shared>> -> memref<10240x32xf32, #tpu.memory_space<vmem_shared>>
        tpu.enqueue_indirect_dma source(%dma_start3A_867 : memref<125x32xf32, #tpu.memory_space<vmem>>) target(%dma_start3A_873 : memref<10240x32xf32, #tpu.memory_space<vmem_shared>>) offsets(%dma_start3A_870 : memref<125xi32, #tpu.memory_space<vmem>>) semaphore(%run_scoped3A_863 : memref<!tpu.dma_semaphore, #tpu.memory_space<semaphore_mem>>) {add = true}
        %dma_wait3A_874 = arith.constant 0 : i32
        %dma_wait3A_875 = arith.constant 0 : i32
        %dma_wait3A_876 = tpu.memref_slice %arg8[%run_scoped3A_660, %dma_wait3A_874, %dma_wait3A_875] : memref<16x125x32xf32, #tpu.memory_space<vmem>> -> memref<1x125x32xf32, #tpu.memory_space<vmem>>
        %dma_wait3A_877 = tpu.memref_squeeze %dma_wait3A_876 : memref<1x125x32xf32, #tpu.memory_space<vmem>> -> memref<125x32xf32, #tpu.memory_space<vmem>>
        %dma_wait3A_878 = arith.constant 0 : i32
        %dma_wait3A_879 = tpu.memref_slice %arg7[%add3A_648, %dma_wait3A_878] : memref<80x125xi32, #tpu.memory_space<vmem>> -> memref<1x125xi32, #tpu.memory_space<vmem>>
        %dma_wait3A_880 = tpu.memref_squeeze %dma_wait3A_879 : memref<1x125xi32, #tpu.memory_space<vmem>> -> memref<125xi32, #tpu.memory_space<vmem>>
        %dma_wait3A_881 = arith.constant 0 : i32
        %dma_wait3A_882 = arith.constant 0 : i32
        %dma_wait3A_883 = tpu.memref_slice %arg9[%dma_wait3A_881, %dma_wait3A_882] : memref<10240x32xf32, #tpu.memory_space<vmem_shared>> -> memref<10240x32xf32, #tpu.memory_space<vmem_shared>>
        tpu.wait_indirect_dma semaphore(%run_scoped3A_863 : memref<!tpu.dma_semaphore, #tpu.memory_space<semaphore_mem>>) src(%dma_wait3A_877 : memref<125x32xf32, #tpu.memory_space<vmem>>) dst(%dma_wait3A_883 : memref<10240x32xf32, #tpu.memory_space<vmem_shared>>)
        tpu.yield
      }) : () -> ()
      %add3A_661 = arith.constant 16 : i32
      %add3A_662 = arith.addi %add3A_648, %add3A_661 : i32
      %dma_start3A_663 = arith.constant 8 : i32
      %dma_start3A_664 = arith.constant 0 : i32
      %dma_start3A_665 = arith.constant 0 : i32
      %dma_start3A_666 = tpu.memref_slice %arg8[%dma_start3A_663, %dma_start3A_664, %dma_start3A_665] : memref<16x125x32xf32, #tpu.memory_space<vmem>> -> memref<1x125x32xf32, #tpu.memory_space<vmem>>
      %dma_start3A_667 = tpu.memref_squeeze %dma_start3A_666 : memref<1x125x32xf32, #tpu.memory_space<vmem>> -> memref<125x32xf32, #tpu.memory_space<vmem>>
      %dma_start3A_668 = arith.constant 0 : i32
      %dma_start3A_669 = tpu.memref_slice %arg6[%add3A_662, %dma_start3A_668] : memref<80x125xi32, #tpu.memory_space<vmem>> -> memref<1x125xi32, #tpu.memory_space<vmem>>
      %dma_start3A_670 = tpu.memref_squeeze %dma_start3A_669 : memref<1x125xi32, #tpu.memory_space<vmem>> -> memref<125xi32, #tpu.memory_space<vmem>>
      %dma_start3A_671 = arith.constant 0 : i32
      %dma_start3A_672 = arith.constant 0 : i32
      %dma_start3A_673 = tpu.memref_slice %arg2[%dma_start3A_671, %dma_start3A_672] : memref<10240x32xf32, #tpu.memory_space<hbm>> -> memref<10240x32xf32, #tpu.memory_space<hbm>>
      tpu.enqueue_indirect_dma source(%dma_start3A_673 : memref<10240x32xf32, #tpu.memory_space<hbm>>) target(%dma_start3A_667 : memref<125x32xf32, #tpu.memory_space<vmem>>) offsets(%dma_start3A_670 : memref<125xi32, #tpu.memory_space<vmem>>) semaphore(%arg18 : memref<!tpu.dma_semaphore, #tpu.memory_space<semaphore_mem>>)
      %add3A_674 = arith.constant 9 : i32
      %add3A_675 = arith.addi %mul3A_430, %add3A_674 : i32
      %dma_wait3A_676 = arith.constant 9 : i32
      %dma_wait3A_677 = arith.constant 0 : i32
      %dma_wait3A_678 = arith.constant 0 : i32
      %dma_wait3A_679 = tpu.memref_slice %arg8[%dma_wait3A_676, %dma_wait3A_677, %dma_wait3A_678] : memref<16x125x32xf32, #tpu.memory_space<vmem>> -> memref<1x125x32xf32, #tpu.memory_space<vmem>>
      %dma_wait3A_680 = tpu.memref_squeeze %dma_wait3A_679 : memref<1x125x32xf32, #tpu.memory_space<vmem>> -> memref<125x32xf32, #tpu.memory_space<vmem>>
      %dma_wait3A_681 = arith.constant 0 : i32
      %dma_wait3A_682 = tpu.memref_slice %arg6[%add3A_675, %dma_wait3A_681] : memref<80x125xi32, #tpu.memory_space<vmem>> -> memref<1x125xi32, #tpu.memory_space<vmem>>
      %dma_wait3A_683 = tpu.memref_squeeze %dma_wait3A_682 : memref<1x125xi32, #tpu.memory_space<vmem>> -> memref<125xi32, #tpu.memory_space<vmem>>
      %dma_wait3A_684 = arith.constant 0 : i32
      %dma_wait3A_685 = arith.constant 0 : i32
      %dma_wait3A_686 = tpu.memref_slice %arg2[%dma_wait3A_684, %dma_wait3A_685] : memref<10240x32xf32, #tpu.memory_space<hbm>> -> memref<10240x32xf32, #tpu.memory_space<hbm>>
      tpu.wait_indirect_dma semaphore(%arg19 : memref<!tpu.dma_semaphore, #tpu.memory_space<semaphore_mem>>) src(%dma_wait3A_686 : memref<10240x32xf32, #tpu.memory_space<hbm>>) dst(%dma_wait3A_680 : memref<125x32xf32, #tpu.memory_space<vmem>>)
      %run_scoped3A_687 = arith.constant 9 : i32
      "tpu.region"() ({
        %run_scoped3A_863 = tpu.sem_alloc : memref<!tpu.dma_semaphore, #tpu.memory_space<semaphore_mem>>
        %dma_start3A_864 = arith.constant 0 : i32
        %dma_start3A_865 = arith.constant 0 : i32
        %dma_start3A_866 = tpu.memref_slice %arg8[%run_scoped3A_687, %dma_start3A_864, %dma_start3A_865] : memref<16x125x32xf32, #tpu.memory_space<vmem>> -> memref<1x125x32xf32, #tpu.memory_space<vmem>>
        %dma_start3A_867 = tpu.memref_squeeze %dma_start3A_866 : memref<1x125x32xf32, #tpu.memory_space<vmem>> -> memref<125x32xf32, #tpu.memory_space<vmem>>
        %dma_start3A_868 = arith.constant 0 : i32
        %dma_start3A_869 = tpu.memref_slice %arg7[%add3A_675, %dma_start3A_868] : memref<80x125xi32, #tpu.memory_space<vmem>> -> memref<1x125xi32, #tpu.memory_space<vmem>>
        %dma_start3A_870 = tpu.memref_squeeze %dma_start3A_869 : memref<1x125xi32, #tpu.memory_space<vmem>> -> memref<125xi32, #tpu.memory_space<vmem>>
        %dma_start3A_871 = arith.constant 0 : i32
        %dma_start3A_872 = arith.constant 0 : i32
        %dma_start3A_873 = tpu.memref_slice %arg9[%dma_start3A_871, %dma_start3A_872] : memref<10240x32xf32, #tpu.memory_space<vmem_shared>> -> memref<10240x32xf32, #tpu.memory_space<vmem_shared>>
        tpu.enqueue_indirect_dma source(%dma_start3A_867 : memref<125x32xf32, #tpu.memory_space<vmem>>) target(%dma_start3A_873 : memref<10240x32xf32, #tpu.memory_space<vmem_shared>>) offsets(%dma_start3A_870 : memref<125xi32, #tpu.memory_space<vmem>>) semaphore(%run_scoped3A_863 : memref<!tpu.dma_semaphore, #tpu.memory_space<semaphore_mem>>) {add = true}
        %dma_wait3A_874 = arith.constant 0 : i32
        %dma_wait3A_875 = arith.constant 0 : i32
        %dma_wait3A_876 = tpu.memref_slice %arg8[%run_scoped3A_687, %dma_wait3A_874, %dma_wait3A_875] : memref<16x125x32xf32, #tpu.memory_space<vmem>> -> memref<1x125x32xf32, #tpu.memory_space<vmem>>
        %dma_wait3A_877 = tpu.memref_squeeze %dma_wait3A_876 : memref<1x125x32xf32, #tpu.memory_space<vmem>> -> memref<125x32xf32, #tpu.memory_space<vmem>>
        %dma_wait3A_878 = arith.constant 0 : i32
        %dma_wait3A_879 = tpu.memref_slice %arg7[%add3A_675, %dma_wait3A_878] : memref<80x125xi32, #tpu.memory_space<vmem>> -> memref<1x125xi32, #tpu.memory_space<vmem>>
        %dma_wait3A_880 = tpu.memref_squeeze %dma_wait3A_879 : memref<1x125xi32, #tpu.memory_space<vmem>> -> memref<125xi32, #tpu.memory_space<vmem>>
        %dma_wait3A_881 = arith.constant 0 : i32
        %dma_wait3A_882 = arith.constant 0 : i32
        %dma_wait3A_883 = tpu.memref_slice %arg9[%dma_wait3A_881, %dma_wait3A_882] : memref<10240x32xf32, #tpu.memory_space<vmem_shared>> -> memref<10240x32xf32, #tpu.memory_space<vmem_shared>>
        tpu.wait_indirect_dma semaphore(%run_scoped3A_863 : memref<!tpu.dma_semaphore, #tpu.memory_space<semaphore_mem>>) src(%dma_wait3A_877 : memref<125x32xf32, #tpu.memory_space<vmem>>) dst(%dma_wait3A_883 : memref<10240x32xf32, #tpu.memory_space<vmem_shared>>)
        tpu.yield
      }) : () -> ()
      %add3A_688 = arith.constant 16 : i32
      %add3A_689 = arith.addi %add3A_675, %add3A_688 : i32
      %dma_start3A_690 = arith.constant 9 : i32
      %dma_start3A_691 = arith.constant 0 : i32
      %dma_start3A_692 = arith.constant 0 : i32
      %dma_start3A_693 = tpu.memref_slice %arg8[%dma_start3A_690, %dma_start3A_691, %dma_start3A_692] : memref<16x125x32xf32, #tpu.memory_space<vmem>> -> memref<1x125x32xf32, #tpu.memory_space<vmem>>
      %dma_start3A_694 = tpu.memref_squeeze %dma_start3A_693 : memref<1x125x32xf32, #tpu.memory_space<vmem>> -> memref<125x32xf32, #tpu.memory_space<vmem>>
      %dma_start3A_695 = arith.constant 0 : i32
      %dma_start3A_696 = tpu.memref_slice %arg6[%add3A_689, %dma_start3A_695] : memref<80x125xi32, #tpu.memory_space<vmem>> -> memref<1x125xi32, #tpu.memory_space<vmem>>
      %dma_start3A_697 = tpu.memref_squeeze %dma_start3A_696 : memref<1x125xi32, #tpu.memory_space<vmem>> -> memref<125xi32, #tpu.memory_space<vmem>>
      %dma_start3A_698 = arith.constant 0 : i32
      %dma_start3A_699 = arith.constant 0 : i32
      %dma_start3A_700 = tpu.memref_slice %arg2[%dma_start3A_698, %dma_start3A_699] : memref<10240x32xf32, #tpu.memory_space<hbm>> -> memref<10240x32xf32, #tpu.memory_space<hbm>>
      tpu.enqueue_indirect_dma source(%dma_start3A_700 : memref<10240x32xf32, #tpu.memory_space<hbm>>) target(%dma_start3A_694 : memref<125x32xf32, #tpu.memory_space<vmem>>) offsets(%dma_start3A_697 : memref<125xi32, #tpu.memory_space<vmem>>) semaphore(%arg19 : memref<!tpu.dma_semaphore, #tpu.memory_space<semaphore_mem>>)
      %add3A_701 = arith.constant 10 : i32
      %add3A_702 = arith.addi %mul3A_430, %add3A_701 : i32
      %dma_wait3A_703 = arith.constant 10 : i32
      %dma_wait3A_704 = arith.constant 0 : i32
      %dma_wait3A_705 = arith.constant 0 : i32
      %dma_wait3A_706 = tpu.memref_slice %arg8[%dma_wait3A_703, %dma_wait3A_704, %dma_wait3A_705] : memref<16x125x32xf32, #tpu.memory_space<vmem>> -> memref<1x125x32xf32, #tpu.memory_space<vmem>>
      %dma_wait3A_707 = tpu.memref_squeeze %dma_wait3A_706 : memref<1x125x32xf32, #tpu.memory_space<vmem>> -> memref<125x32xf32, #tpu.memory_space<vmem>>
      %dma_wait3A_708 = arith.constant 0 : i32
      %dma_wait3A_709 = tpu.memref_slice %arg6[%add3A_702, %dma_wait3A_708] : memref<80x125xi32, #tpu.memory_space<vmem>> -> memref<1x125xi32, #tpu.memory_space<vmem>>
      %dma_wait3A_710 = tpu.memref_squeeze %dma_wait3A_709 : memref<1x125xi32, #tpu.memory_space<vmem>> -> memref<125xi32, #tpu.memory_space<vmem>>
      %dma_wait3A_711 = arith.constant 0 : i32
      %dma_wait3A_712 = arith.constant 0 : i32
      %dma_wait3A_713 = tpu.memref_slice %arg2[%dma_wait3A_711, %dma_wait3A_712] : memref<10240x32xf32, #tpu.memory_space<hbm>> -> memref<10240x32xf32, #tpu.memory_space<hbm>>
      tpu.wait_indirect_dma semaphore(%arg20 : memref<!tpu.dma_semaphore, #tpu.memory_space<semaphore_mem>>) src(%dma_wait3A_713 : memref<10240x32xf32, #tpu.memory_space<hbm>>) dst(%dma_wait3A_707 : memref<125x32xf32, #tpu.memory_space<vmem>>)
      %run_scoped3A_714 = arith.constant 10 : i32
      "tpu.region"() ({
        %run_scoped3A_863 = tpu.sem_alloc : memref<!tpu.dma_semaphore, #tpu.memory_space<semaphore_mem>>
        %dma_start3A_864 = arith.constant 0 : i32
        %dma_start3A_865 = arith.constant 0 : i32
        %dma_start3A_866 = tpu.memref_slice %arg8[%run_scoped3A_714, %dma_start3A_864, %dma_start3A_865] : memref<16x125x32xf32, #tpu.memory_space<vmem>> -> memref<1x125x32xf32, #tpu.memory_space<vmem>>
        %dma_start3A_867 = tpu.memref_squeeze %dma_start3A_866 : memref<1x125x32xf32, #tpu.memory_space<vmem>> -> memref<125x32xf32, #tpu.memory_space<vmem>>
        %dma_start3A_868 = arith.constant 0 : i32
        %dma_start3A_869 = tpu.memref_slice %arg7[%add3A_702, %dma_start3A_868] : memref<80x125xi32, #tpu.memory_space<vmem>> -> memref<1x125xi32, #tpu.memory_space<vmem>>
        %dma_start3A_870 = tpu.memref_squeeze %dma_start3A_869 : memref<1x125xi32, #tpu.memory_space<vmem>> -> memref<125xi32, #tpu.memory_space<vmem>>
        %dma_start3A_871 = arith.constant 0 : i32
        %dma_start3A_872 = arith.constant 0 : i32
        %dma_start3A_873 = tpu.memref_slice %arg9[%dma_start3A_871, %dma_start3A_872] : memref<10240x32xf32, #tpu.memory_space<vmem_shared>> -> memref<10240x32xf32, #tpu.memory_space<vmem_shared>>
        tpu.enqueue_indirect_dma source(%dma_start3A_867 : memref<125x32xf32, #tpu.memory_space<vmem>>) target(%dma_start3A_873 : memref<10240x32xf32, #tpu.memory_space<vmem_shared>>) offsets(%dma_start3A_870 : memref<125xi32, #tpu.memory_space<vmem>>) semaphore(%run_scoped3A_863 : memref<!tpu.dma_semaphore, #tpu.memory_space<semaphore_mem>>) {add = true}
        %dma_wait3A_874 = arith.constant 0 : i32
        %dma_wait3A_875 = arith.constant 0 : i32
        %dma_wait3A_876 = tpu.memref_slice %arg8[%run_scoped3A_714, %dma_wait3A_874, %dma_wait3A_875] : memref<16x125x32xf32, #tpu.memory_space<vmem>> -> memref<1x125x32xf32, #tpu.memory_space<vmem>>
        %dma_wait3A_877 = tpu.memref_squeeze %dma_wait3A_876 : memref<1x125x32xf32, #tpu.memory_space<vmem>> -> memref<125x32xf32, #tpu.memory_space<vmem>>
        %dma_wait3A_878 = arith.constant 0 : i32
        %dma_wait3A_879 = tpu.memref_slice %arg7[%add3A_702, %dma_wait3A_878] : memref<80x125xi32, #tpu.memory_space<vmem>> -> memref<1x125xi32, #tpu.memory_space<vmem>>
        %dma_wait3A_880 = tpu.memref_squeeze %dma_wait3A_879 : memref<1x125xi32, #tpu.memory_space<vmem>> -> memref<125xi32, #tpu.memory_space<vmem>>
        %dma_wait3A_881 = arith.constant 0 : i32
        %dma_wait3A_882 = arith.constant 0 : i32
        %dma_wait3A_883 = tpu.memref_slice %arg9[%dma_wait3A_881, %dma_wait3A_882] : memref<10240x32xf32, #tpu.memory_space<vmem_shared>> -> memref<10240x32xf32, #tpu.memory_space<vmem_shared>>
        tpu.wait_indirect_dma semaphore(%run_scoped3A_863 : memref<!tpu.dma_semaphore, #tpu.memory_space<semaphore_mem>>) src(%dma_wait3A_877 : memref<125x32xf32, #tpu.memory_space<vmem>>) dst(%dma_wait3A_883 : memref<10240x32xf32, #tpu.memory_space<vmem_shared>>)
        tpu.yield
      }) : () -> ()
      %add3A_715 = arith.constant 16 : i32
      %add3A_716 = arith.addi %add3A_702, %add3A_715 : i32
      %dma_start3A_717 = arith.constant 10 : i32
      %dma_start3A_718 = arith.constant 0 : i32
      %dma_start3A_719 = arith.constant 0 : i32
      %dma_start3A_720 = tpu.memref_slice %arg8[%dma_start3A_717, %dma_start3A_718, %dma_start3A_719] : memref<16x125x32xf32, #tpu.memory_space<vmem>> -> memref<1x125x32xf32, #tpu.memory_space<vmem>>
      %dma_start3A_721 = tpu.memref_squeeze %dma_start3A_720 : memref<1x125x32xf32, #tpu.memory_space<vmem>> -> memref<125x32xf32, #tpu.memory_space<vmem>>
      %dma_start3A_722 = arith.constant 0 : i32
      %dma_start3A_723 = tpu.memref_slice %arg6[%add3A_716, %dma_start3A_722] : memref<80x125xi32, #tpu.memory_space<vmem>> -> memref<1x125xi32, #tpu.memory_space<vmem>>
      %dma_start3A_724 = tpu.memref_squeeze %dma_start3A_723 : memref<1x125xi32, #tpu.memory_space<vmem>> -> memref<125xi32, #tpu.memory_space<vmem>>
      %dma_start3A_725 = arith.constant 0 : i32
      %dma_start3A_726 = arith.constant 0 : i32
      %dma_start3A_727 = tpu.memref_slice %arg2[%dma_start3A_725, %dma_start3A_726] : memref<10240x32xf32, #tpu.memory_space<hbm>> -> memref<10240x32xf32, #tpu.memory_space<hbm>>
      tpu.enqueue_indirect_dma source(%dma_start3A_727 : memref<10240x32xf32, #tpu.memory_space<hbm>>) target(%dma_start3A_721 : memref<125x32xf32, #tpu.memory_space<vmem>>) offsets(%dma_start3A_724 : memref<125xi32, #tpu.memory_space<vmem>>) semaphore(%arg20 : memref<!tpu.dma_semaphore, #tpu.memory_space<semaphore_mem>>)
      %add3A_728 = arith.constant 11 : i32
      %add3A_729 = arith.addi %mul3A_430, %add3A_728 : i32
      %dma_wait3A_730 = arith.constant 11 : i32
      %dma_wait3A_731 = arith.constant 0 : i32
      %dma_wait3A_732 = arith.constant 0 : i32
      %dma_wait3A_733 = tpu.memref_slice %arg8[%dma_wait3A_730, %dma_wait3A_731, %dma_wait3A_732] : memref<16x125x32xf32, #tpu.memory_space<vmem>> -> memref<1x125x32xf32, #tpu.memory_space<vmem>>
      %dma_wait3A_734 = tpu.memref_squeeze %dma_wait3A_733 : memref<1x125x32xf32, #tpu.memory_space<vmem>> -> memref<125x32xf32, #tpu.memory_space<vmem>>
      %dma_wait3A_735 = arith.constant 0 : i32
      %dma_wait3A_736 = tpu.memref_slice %arg6[%add3A_729, %dma_wait3A_735] : memref<80x125xi32, #tpu.memory_space<vmem>> -> memref<1x125xi32, #tpu.memory_space<vmem>>
      %dma_wait3A_737 = tpu.memref_squeeze %dma_wait3A_736 : memref<1x125xi32, #tpu.memory_space<vmem>> -> memref<125xi32, #tpu.memory_space<vmem>>
      %dma_wait3A_738 = arith.constant 0 : i32
      %dma_wait3A_739 = arith.constant 0 : i32
      %dma_wait3A_740 = tpu.memref_slice %arg2[%dma_wait3A_738, %dma_wait3A_739] : memref<10240x32xf32, #tpu.memory_space<hbm>> -> memref<10240x32xf32, #tpu.memory_space<hbm>>
      tpu.wait_indirect_dma semaphore(%arg21 : memref<!tpu.dma_semaphore, #tpu.memory_space<semaphore_mem>>) src(%dma_wait3A_740 : memref<10240x32xf32, #tpu.memory_space<hbm>>) dst(%dma_wait3A_734 : memref<125x32xf32, #tpu.memory_space<vmem>>)
      %run_scoped3A_741 = arith.constant 11 : i32
      "tpu.region"() ({
        %run_scoped3A_863 = tpu.sem_alloc : memref<!tpu.dma_semaphore, #tpu.memory_space<semaphore_mem>>
        %dma_start3A_864 = arith.constant 0 : i32
        %dma_start3A_865 = arith.constant 0 : i32
        %dma_start3A_866 = tpu.memref_slice %arg8[%run_scoped3A_741, %dma_start3A_864, %dma_start3A_865] : memref<16x125x32xf32, #tpu.memory_space<vmem>> -> memref<1x125x32xf32, #tpu.memory_space<vmem>>
        %dma_start3A_867 = tpu.memref_squeeze %dma_start3A_866 : memref<1x125x32xf32, #tpu.memory_space<vmem>> -> memref<125x32xf32, #tpu.memory_space<vmem>>
        %dma_start3A_868 = arith.constant 0 : i32
        %dma_start3A_869 = tpu.memref_slice %arg7[%add3A_729, %dma_start3A_868] : memref<80x125xi32, #tpu.memory_space<vmem>> -> memref<1x125xi32, #tpu.memory_space<vmem>>
        %dma_start3A_870 = tpu.memref_squeeze %dma_start3A_869 : memref<1x125xi32, #tpu.memory_space<vmem>> -> memref<125xi32, #tpu.memory_space<vmem>>
        %dma_start3A_871 = arith.constant 0 : i32
        %dma_start3A_872 = arith.constant 0 : i32
        %dma_start3A_873 = tpu.memref_slice %arg9[%dma_start3A_871, %dma_start3A_872] : memref<10240x32xf32, #tpu.memory_space<vmem_shared>> -> memref<10240x32xf32, #tpu.memory_space<vmem_shared>>
        tpu.enqueue_indirect_dma source(%dma_start3A_867 : memref<125x32xf32, #tpu.memory_space<vmem>>) target(%dma_start3A_873 : memref<10240x32xf32, #tpu.memory_space<vmem_shared>>) offsets(%dma_start3A_870 : memref<125xi32, #tpu.memory_space<vmem>>) semaphore(%run_scoped3A_863 : memref<!tpu.dma_semaphore, #tpu.memory_space<semaphore_mem>>) {add = true}
        %dma_wait3A_874 = arith.constant 0 : i32
        %dma_wait3A_875 = arith.constant 0 : i32
        %dma_wait3A_876 = tpu.memref_slice %arg8[%run_scoped3A_741, %dma_wait3A_874, %dma_wait3A_875] : memref<16x125x32xf32, #tpu.memory_space<vmem>> -> memref<1x125x32xf32, #tpu.memory_space<vmem>>
        %dma_wait3A_877 = tpu.memref_squeeze %dma_wait3A_876 : memref<1x125x32xf32, #tpu.memory_space<vmem>> -> memref<125x32xf32, #tpu.memory_space<vmem>>
        %dma_wait3A_878 = arith.constant 0 : i32
        %dma_wait3A_879 = tpu.memref_slice %arg7[%add3A_729, %dma_wait3A_878] : memref<80x125xi32, #tpu.memory_space<vmem>> -> memref<1x125xi32, #tpu.memory_space<vmem>>
        %dma_wait3A_880 = tpu.memref_squeeze %dma_wait3A_879 : memref<1x125xi32, #tpu.memory_space<vmem>> -> memref<125xi32, #tpu.memory_space<vmem>>
        %dma_wait3A_881 = arith.constant 0 : i32
        %dma_wait3A_882 = arith.constant 0 : i32
        %dma_wait3A_883 = tpu.memref_slice %arg9[%dma_wait3A_881, %dma_wait3A_882] : memref<10240x32xf32, #tpu.memory_space<vmem_shared>> -> memref<10240x32xf32, #tpu.memory_space<vmem_shared>>
        tpu.wait_indirect_dma semaphore(%run_scoped3A_863 : memref<!tpu.dma_semaphore, #tpu.memory_space<semaphore_mem>>) src(%dma_wait3A_877 : memref<125x32xf32, #tpu.memory_space<vmem>>) dst(%dma_wait3A_883 : memref<10240x32xf32, #tpu.memory_space<vmem_shared>>)
        tpu.yield
      }) : () -> ()
      %add3A_742 = arith.constant 16 : i32
      %add3A_743 = arith.addi %add3A_729, %add3A_742 : i32
      %dma_start3A_744 = arith.constant 11 : i32
      %dma_start3A_745 = arith.constant 0 : i32
      %dma_start3A_746 = arith.constant 0 : i32
      %dma_start3A_747 = tpu.memref_slice %arg8[%dma_start3A_744, %dma_start3A_745, %dma_start3A_746] : memref<16x125x32xf32, #tpu.memory_space<vmem>> -> memref<1x125x32xf32, #tpu.memory_space<vmem>>
      %dma_start3A_748 = tpu.memref_squeeze %dma_start3A_747 : memref<1x125x32xf32, #tpu.memory_space<vmem>> -> memref<125x32xf32, #tpu.memory_space<vmem>>
      %dma_start3A_749 = arith.constant 0 : i32
      %dma_start3A_750 = tpu.memref_slice %arg6[%add3A_743, %dma_start3A_749] : memref<80x125xi32, #tpu.memory_space<vmem>> -> memref<1x125xi32, #tpu.memory_space<vmem>>
      %dma_start3A_751 = tpu.memref_squeeze %dma_start3A_750 : memref<1x125xi32, #tpu.memory_space<vmem>> -> memref<125xi32, #tpu.memory_space<vmem>>
      %dma_start3A_752 = arith.constant 0 : i32
      %dma_start3A_753 = arith.constant 0 : i32
      %dma_start3A_754 = tpu.memref_slice %arg2[%dma_start3A_752, %dma_start3A_753] : memref<10240x32xf32, #tpu.memory_space<hbm>> -> memref<10240x32xf32, #tpu.memory_space<hbm>>
      tpu.enqueue_indirect_dma source(%dma_start3A_754 : memref<10240x32xf32, #tpu.memory_space<hbm>>) target(%dma_start3A_748 : memref<125x32xf32, #tpu.memory_space<vmem>>) offsets(%dma_start3A_751 : memref<125xi32, #tpu.memory_space<vmem>>) semaphore(%arg21 : memref<!tpu.dma_semaphore, #tpu.memory_space<semaphore_mem>>)
      %add3A_755 = arith.constant 12 : i32
      %add3A_756 = arith.addi %mul3A_430, %add3A_755 : i32
      %dma_wait3A_757 = arith.constant 12 : i32
      %dma_wait3A_758 = arith.constant 0 : i32
      %dma_wait3A_759 = arith.constant 0 : i32
      %dma_wait3A_760 = tpu.memref_slice %arg8[%dma_wait3A_757, %dma_wait3A_758, %dma_wait3A_759] : memref<16x125x32xf32, #tpu.memory_space<vmem>> -> memref<1x125x32xf32, #tpu.memory_space<vmem>>
      %dma_wait3A_761 = tpu.memref_squeeze %dma_wait3A_760 : memref<1x125x32xf32, #tpu.memory_space<vmem>> -> memref<125x32xf32, #tpu.memory_space<vmem>>
      %dma_wait3A_762 = arith.constant 0 : i32
      %dma_wait3A_763 = tpu.memref_slice %arg6[%add3A_756, %dma_wait3A_762] : memref<80x125xi32, #tpu.memory_space<vmem>> -> memref<1x125xi32, #tpu.memory_space<vmem>>
      %dma_wait3A_764 = tpu.memref_squeeze %dma_wait3A_763 : memref<1x125xi32, #tpu.memory_space<vmem>> -> memref<125xi32, #tpu.memory_space<vmem>>
      %dma_wait3A_765 = arith.constant 0 : i32
      %dma_wait3A_766 = arith.constant 0 : i32
      %dma_wait3A_767 = tpu.memref_slice %arg2[%dma_wait3A_765, %dma_wait3A_766] : memref<10240x32xf32, #tpu.memory_space<hbm>> -> memref<10240x32xf32, #tpu.memory_space<hbm>>
      tpu.wait_indirect_dma semaphore(%arg22 : memref<!tpu.dma_semaphore, #tpu.memory_space<semaphore_mem>>) src(%dma_wait3A_767 : memref<10240x32xf32, #tpu.memory_space<hbm>>) dst(%dma_wait3A_761 : memref<125x32xf32, #tpu.memory_space<vmem>>)
      %run_scoped3A_768 = arith.constant 12 : i32
      "tpu.region"() ({
        %run_scoped3A_863 = tpu.sem_alloc : memref<!tpu.dma_semaphore, #tpu.memory_space<semaphore_mem>>
        %dma_start3A_864 = arith.constant 0 : i32
        %dma_start3A_865 = arith.constant 0 : i32
        %dma_start3A_866 = tpu.memref_slice %arg8[%run_scoped3A_768, %dma_start3A_864, %dma_start3A_865] : memref<16x125x32xf32, #tpu.memory_space<vmem>> -> memref<1x125x32xf32, #tpu.memory_space<vmem>>
        %dma_start3A_867 = tpu.memref_squeeze %dma_start3A_866 : memref<1x125x32xf32, #tpu.memory_space<vmem>> -> memref<125x32xf32, #tpu.memory_space<vmem>>
        %dma_start3A_868 = arith.constant 0 : i32
        %dma_start3A_869 = tpu.memref_slice %arg7[%add3A_756, %dma_start3A_868] : memref<80x125xi32, #tpu.memory_space<vmem>> -> memref<1x125xi32, #tpu.memory_space<vmem>>
        %dma_start3A_870 = tpu.memref_squeeze %dma_start3A_869 : memref<1x125xi32, #tpu.memory_space<vmem>> -> memref<125xi32, #tpu.memory_space<vmem>>
        %dma_start3A_871 = arith.constant 0 : i32
        %dma_start3A_872 = arith.constant 0 : i32
        %dma_start3A_873 = tpu.memref_slice %arg9[%dma_start3A_871, %dma_start3A_872] : memref<10240x32xf32, #tpu.memory_space<vmem_shared>> -> memref<10240x32xf32, #tpu.memory_space<vmem_shared>>
        tpu.enqueue_indirect_dma source(%dma_start3A_867 : memref<125x32xf32, #tpu.memory_space<vmem>>) target(%dma_start3A_873 : memref<10240x32xf32, #tpu.memory_space<vmem_shared>>) offsets(%dma_start3A_870 : memref<125xi32, #tpu.memory_space<vmem>>) semaphore(%run_scoped3A_863 : memref<!tpu.dma_semaphore, #tpu.memory_space<semaphore_mem>>) {add = true}
        %dma_wait3A_874 = arith.constant 0 : i32
        %dma_wait3A_875 = arith.constant 0 : i32
        %dma_wait3A_876 = tpu.memref_slice %arg8[%run_scoped3A_768, %dma_wait3A_874, %dma_wait3A_875] : memref<16x125x32xf32, #tpu.memory_space<vmem>> -> memref<1x125x32xf32, #tpu.memory_space<vmem>>
        %dma_wait3A_877 = tpu.memref_squeeze %dma_wait3A_876 : memref<1x125x32xf32, #tpu.memory_space<vmem>> -> memref<125x32xf32, #tpu.memory_space<vmem>>
        %dma_wait3A_878 = arith.constant 0 : i32
        %dma_wait3A_879 = tpu.memref_slice %arg7[%add3A_756, %dma_wait3A_878] : memref<80x125xi32, #tpu.memory_space<vmem>> -> memref<1x125xi32, #tpu.memory_space<vmem>>
        %dma_wait3A_880 = tpu.memref_squeeze %dma_wait3A_879 : memref<1x125xi32, #tpu.memory_space<vmem>> -> memref<125xi32, #tpu.memory_space<vmem>>
        %dma_wait3A_881 = arith.constant 0 : i32
        %dma_wait3A_882 = arith.constant 0 : i32
        %dma_wait3A_883 = tpu.memref_slice %arg9[%dma_wait3A_881, %dma_wait3A_882] : memref<10240x32xf32, #tpu.memory_space<vmem_shared>> -> memref<10240x32xf32, #tpu.memory_space<vmem_shared>>
        tpu.wait_indirect_dma semaphore(%run_scoped3A_863 : memref<!tpu.dma_semaphore, #tpu.memory_space<semaphore_mem>>) src(%dma_wait3A_877 : memref<125x32xf32, #tpu.memory_space<vmem>>) dst(%dma_wait3A_883 : memref<10240x32xf32, #tpu.memory_space<vmem_shared>>)
        tpu.yield
      }) : () -> ()
      %add3A_769 = arith.constant 16 : i32
      %add3A_770 = arith.addi %add3A_756, %add3A_769 : i32
      %dma_start3A_771 = arith.constant 12 : i32
      %dma_start3A_772 = arith.constant 0 : i32
      %dma_start3A_773 = arith.constant 0 : i32
      %dma_start3A_774 = tpu.memref_slice %arg8[%dma_start3A_771, %dma_start3A_772, %dma_start3A_773] : memref<16x125x32xf32, #tpu.memory_space<vmem>> -> memref<1x125x32xf32, #tpu.memory_space<vmem>>
      %dma_start3A_775 = tpu.memref_squeeze %dma_start3A_774 : memref<1x125x32xf32, #tpu.memory_space<vmem>> -> memref<125x32xf32, #tpu.memory_space<vmem>>
      %dma_start3A_776 = arith.constant 0 : i32
      %dma_start3A_777 = tpu.memref_slice %arg6[%add3A_770, %dma_start3A_776] : memref<80x125xi32, #tpu.memory_space<vmem>> -> memref<1x125xi32, #tpu.memory_space<vmem>>
      %dma_start3A_778 = tpu.memref_squeeze %dma_start3A_777 : memref<1x125xi32, #tpu.memory_space<vmem>> -> memref<125xi32, #tpu.memory_space<vmem>>
      %dma_start3A_779 = arith.constant 0 : i32
      %dma_start3A_780 = arith.constant 0 : i32
      %dma_start3A_781 = tpu.memref_slice %arg2[%dma_start3A_779, %dma_start3A_780] : memref<10240x32xf32, #tpu.memory_space<hbm>> -> memref<10240x32xf32, #tpu.memory_space<hbm>>
      tpu.enqueue_indirect_dma source(%dma_start3A_781 : memref<10240x32xf32, #tpu.memory_space<hbm>>) target(%dma_start3A_775 : memref<125x32xf32, #tpu.memory_space<vmem>>) offsets(%dma_start3A_778 : memref<125xi32, #tpu.memory_space<vmem>>) semaphore(%arg22 : memref<!tpu.dma_semaphore, #tpu.memory_space<semaphore_mem>>)
      %add3A_782 = arith.constant 13 : i32
      %add3A_783 = arith.addi %mul3A_430, %add3A_782 : i32
      %dma_wait3A_784 = arith.constant 13 : i32
      %dma_wait3A_785 = arith.constant 0 : i32
      %dma_wait3A_786 = arith.constant 0 : i32
      %dma_wait3A_787 = tpu.memref_slice %arg8[%dma_wait3A_784, %dma_wait3A_785, %dma_wait3A_786] : memref<16x125x32xf32, #tpu.memory_space<vmem>> -> memref<1x125x32xf32, #tpu.memory_space<vmem>>
      %dma_wait3A_788 = tpu.memref_squeeze %dma_wait3A_787 : memref<1x125x32xf32, #tpu.memory_space<vmem>> -> memref<125x32xf32, #tpu.memory_space<vmem>>
      %dma_wait3A_789 = arith.constant 0 : i32
      %dma_wait3A_790 = tpu.memref_slice %arg6[%add3A_783, %dma_wait3A_789] : memref<80x125xi32, #tpu.memory_space<vmem>> -> memref<1x125xi32, #tpu.memory_space<vmem>>
      %dma_wait3A_791 = tpu.memref_squeeze %dma_wait3A_790 : memref<1x125xi32, #tpu.memory_space<vmem>> -> memref<125xi32, #tpu.memory_space<vmem>>
      %dma_wait3A_792 = arith.constant 0 : i32
      %dma_wait3A_793 = arith.constant 0 : i32
      %dma_wait3A_794 = tpu.memref_slice %arg2[%dma_wait3A_792, %dma_wait3A_793] : memref<10240x32xf32, #tpu.memory_space<hbm>> -> memref<10240x32xf32, #tpu.memory_space<hbm>>
      tpu.wait_indirect_dma semaphore(%arg23 : memref<!tpu.dma_semaphore, #tpu.memory_space<semaphore_mem>>) src(%dma_wait3A_794 : memref<10240x32xf32, #tpu.memory_space<hbm>>) dst(%dma_wait3A_788 : memref<125x32xf32, #tpu.memory_space<vmem>>)
      %run_scoped3A_795 = arith.constant 13 : i32
      "tpu.region"() ({
        %run_scoped3A_863 = tpu.sem_alloc : memref<!tpu.dma_semaphore, #tpu.memory_space<semaphore_mem>>
        %dma_start3A_864 = arith.constant 0 : i32
        %dma_start3A_865 = arith.constant 0 : i32
        %dma_start3A_866 = tpu.memref_slice %arg8[%run_scoped3A_795, %dma_start3A_864, %dma_start3A_865] : memref<16x125x32xf32, #tpu.memory_space<vmem>> -> memref<1x125x32xf32, #tpu.memory_space<vmem>>
        %dma_start3A_867 = tpu.memref_squeeze %dma_start3A_866 : memref<1x125x32xf32, #tpu.memory_space<vmem>> -> memref<125x32xf32, #tpu.memory_space<vmem>>
        %dma_start3A_868 = arith.constant 0 : i32
        %dma_start3A_869 = tpu.memref_slice %arg7[%add3A_783, %dma_start3A_868] : memref<80x125xi32, #tpu.memory_space<vmem>> -> memref<1x125xi32, #tpu.memory_space<vmem>>
        %dma_start3A_870 = tpu.memref_squeeze %dma_start3A_869 : memref<1x125xi32, #tpu.memory_space<vmem>> -> memref<125xi32, #tpu.memory_space<vmem>>
        %dma_start3A_871 = arith.constant 0 : i32
        %dma_start3A_872 = arith.constant 0 : i32
        %dma_start3A_873 = tpu.memref_slice %arg9[%dma_start3A_871, %dma_start3A_872] : memref<10240x32xf32, #tpu.memory_space<vmem_shared>> -> memref<10240x32xf32, #tpu.memory_space<vmem_shared>>
        tpu.enqueue_indirect_dma source(%dma_start3A_867 : memref<125x32xf32, #tpu.memory_space<vmem>>) target(%dma_start3A_873 : memref<10240x32xf32, #tpu.memory_space<vmem_shared>>) offsets(%dma_start3A_870 : memref<125xi32, #tpu.memory_space<vmem>>) semaphore(%run_scoped3A_863 : memref<!tpu.dma_semaphore, #tpu.memory_space<semaphore_mem>>) {add = true}
        %dma_wait3A_874 = arith.constant 0 : i32
        %dma_wait3A_875 = arith.constant 0 : i32
        %dma_wait3A_876 = tpu.memref_slice %arg8[%run_scoped3A_795, %dma_wait3A_874, %dma_wait3A_875] : memref<16x125x32xf32, #tpu.memory_space<vmem>> -> memref<1x125x32xf32, #tpu.memory_space<vmem>>
        %dma_wait3A_877 = tpu.memref_squeeze %dma_wait3A_876 : memref<1x125x32xf32, #tpu.memory_space<vmem>> -> memref<125x32xf32, #tpu.memory_space<vmem>>
        %dma_wait3A_878 = arith.constant 0 : i32
        %dma_wait3A_879 = tpu.memref_slice %arg7[%add3A_783, %dma_wait3A_878] : memref<80x125xi32, #tpu.memory_space<vmem>> -> memref<1x125xi32, #tpu.memory_space<vmem>>
        %dma_wait3A_880 = tpu.memref_squeeze %dma_wait3A_879 : memref<1x125xi32, #tpu.memory_space<vmem>> -> memref<125xi32, #tpu.memory_space<vmem>>
        %dma_wait3A_881 = arith.constant 0 : i32
        %dma_wait3A_882 = arith.constant 0 : i32
        %dma_wait3A_883 = tpu.memref_slice %arg9[%dma_wait3A_881, %dma_wait3A_882] : memref<10240x32xf32, #tpu.memory_space<vmem_shared>> -> memref<10240x32xf32, #tpu.memory_space<vmem_shared>>
        tpu.wait_indirect_dma semaphore(%run_scoped3A_863 : memref<!tpu.dma_semaphore, #tpu.memory_space<semaphore_mem>>) src(%dma_wait3A_877 : memref<125x32xf32, #tpu.memory_space<vmem>>) dst(%dma_wait3A_883 : memref<10240x32xf32, #tpu.memory_space<vmem_shared>>)
        tpu.yield
      }) : () -> ()
      %add3A_796 = arith.constant 16 : i32
      %add3A_797 = arith.addi %add3A_783, %add3A_796 : i32
      %dma_start3A_798 = arith.constant 13 : i32
      %dma_start3A_799 = arith.constant 0 : i32
      %dma_start3A_800 = arith.constant 0 : i32
      %dma_start3A_801 = tpu.memref_slice %arg8[%dma_start3A_798, %dma_start3A_799, %dma_start3A_800] : memref<16x125x32xf32, #tpu.memory_space<vmem>> -> memref<1x125x32xf32, #tpu.memory_space<vmem>>
      %dma_start3A_802 = tpu.memref_squeeze %dma_start3A_801 : memref<1x125x32xf32, #tpu.memory_space<vmem>> -> memref<125x32xf32, #tpu.memory_space<vmem>>
      %dma_start3A_803 = arith.constant 0 : i32
      %dma_start3A_804 = tpu.memref_slice %arg6[%add3A_797, %dma_start3A_803] : memref<80x125xi32, #tpu.memory_space<vmem>> -> memref<1x125xi32, #tpu.memory_space<vmem>>
      %dma_start3A_805 = tpu.memref_squeeze %dma_start3A_804 : memref<1x125xi32, #tpu.memory_space<vmem>> -> memref<125xi32, #tpu.memory_space<vmem>>
      %dma_start3A_806 = arith.constant 0 : i32
      %dma_start3A_807 = arith.constant 0 : i32
      %dma_start3A_808 = tpu.memref_slice %arg2[%dma_start3A_806, %dma_start3A_807] : memref<10240x32xf32, #tpu.memory_space<hbm>> -> memref<10240x32xf32, #tpu.memory_space<hbm>>
      tpu.enqueue_indirect_dma source(%dma_start3A_808 : memref<10240x32xf32, #tpu.memory_space<hbm>>) target(%dma_start3A_802 : memref<125x32xf32, #tpu.memory_space<vmem>>) offsets(%dma_start3A_805 : memref<125xi32, #tpu.memory_space<vmem>>) semaphore(%arg23 : memref<!tpu.dma_semaphore, #tpu.memory_space<semaphore_mem>>)
      %add3A_809 = arith.constant 14 : i32
      %add3A_810 = arith.addi %mul3A_430, %add3A_809 : i32
      %dma_wait3A_811 = arith.constant 14 : i32
      %dma_wait3A_812 = arith.constant 0 : i32
      %dma_wait3A_813 = arith.constant 0 : i32
      %dma_wait3A_814 = tpu.memref_slice %arg8[%dma_wait3A_811, %dma_wait3A_812, %dma_wait3A_813] : memref<16x125x32xf32, #tpu.memory_space<vmem>> -> memref<1x125x32xf32, #tpu.memory_space<vmem>>
      %dma_wait3A_815 = tpu.memref_squeeze %dma_wait3A_814 : memref<1x125x32xf32, #tpu.memory_space<vmem>> -> memref<125x32xf32, #tpu.memory_space<vmem>>
      %dma_wait3A_816 = arith.constant 0 : i32
      %dma_wait3A_817 = tpu.memref_slice %arg6[%add3A_810, %dma_wait3A_816] : memref<80x125xi32, #tpu.memory_space<vmem>> -> memref<1x125xi32, #tpu.memory_space<vmem>>
      %dma_wait3A_818 = tpu.memref_squeeze %dma_wait3A_817 : memref<1x125xi32, #tpu.memory_space<vmem>> -> memref<125xi32, #tpu.memory_space<vmem>>
      %dma_wait3A_819 = arith.constant 0 : i32
      %dma_wait3A_820 = arith.constant 0 : i32
      %dma_wait3A_821 = tpu.memref_slice %arg2[%dma_wait3A_819, %dma_wait3A_820] : memref<10240x32xf32, #tpu.memory_space<hbm>> -> memref<10240x32xf32, #tpu.memory_space<hbm>>
      tpu.wait_indirect_dma semaphore(%arg24 : memref<!tpu.dma_semaphore, #tpu.memory_space<semaphore_mem>>) src(%dma_wait3A_821 : memref<10240x32xf32, #tpu.memory_space<hbm>>) dst(%dma_wait3A_815 : memref<125x32xf32, #tpu.memory_space<vmem>>)
      %run_scoped3A_822 = arith.constant 14 : i32
      "tpu.region"() ({
        %run_scoped3A_863 = tpu.sem_alloc : memref<!tpu.dma_semaphore, #tpu.memory_space<semaphore_mem>>
        %dma_start3A_864 = arith.constant 0 : i32
        %dma_start3A_865 = arith.constant 0 : i32
        %dma_start3A_866 = tpu.memref_slice %arg8[%run_scoped3A_822, %dma_start3A_864, %dma_start3A_865] : memref<16x125x32xf32, #tpu.memory_space<vmem>> -> memref<1x125x32xf32, #tpu.memory_space<vmem>>
        %dma_start3A_867 = tpu.memref_squeeze %dma_start3A_866 : memref<1x125x32xf32, #tpu.memory_space<vmem>> -> memref<125x32xf32, #tpu.memory_space<vmem>>
        %dma_start3A_868 = arith.constant 0 : i32
        %dma_start3A_869 = tpu.memref_slice %arg7[%add3A_810, %dma_start3A_868] : memref<80x125xi32, #tpu.memory_space<vmem>> -> memref<1x125xi32, #tpu.memory_space<vmem>>
        %dma_start3A_870 = tpu.memref_squeeze %dma_start3A_869 : memref<1x125xi32, #tpu.memory_space<vmem>> -> memref<125xi32, #tpu.memory_space<vmem>>
        %dma_start3A_871 = arith.constant 0 : i32
        %dma_start3A_872 = arith.constant 0 : i32
        %dma_start3A_873 = tpu.memref_slice %arg9[%dma_start3A_871, %dma_start3A_872] : memref<10240x32xf32, #tpu.memory_space<vmem_shared>> -> memref<10240x32xf32, #tpu.memory_space<vmem_shared>>
        tpu.enqueue_indirect_dma source(%dma_start3A_867 : memref<125x32xf32, #tpu.memory_space<vmem>>) target(%dma_start3A_873 : memref<10240x32xf32, #tpu.memory_space<vmem_shared>>) offsets(%dma_start3A_870 : memref<125xi32, #tpu.memory_space<vmem>>) semaphore(%run_scoped3A_863 : memref<!tpu.dma_semaphore, #tpu.memory_space<semaphore_mem>>) {add = true}
        %dma_wait3A_874 = arith.constant 0 : i32
        %dma_wait3A_875 = arith.constant 0 : i32
        %dma_wait3A_876 = tpu.memref_slice %arg8[%run_scoped3A_822, %dma_wait3A_874, %dma_wait3A_875] : memref<16x125x32xf32, #tpu.memory_space<vmem>> -> memref<1x125x32xf32, #tpu.memory_space<vmem>>
        %dma_wait3A_877 = tpu.memref_squeeze %dma_wait3A_876 : memref<1x125x32xf32, #tpu.memory_space<vmem>> -> memref<125x32xf32, #tpu.memory_space<vmem>>
        %dma_wait3A_878 = arith.constant 0 : i32
        %dma_wait3A_879 = tpu.memref_slice %arg7[%add3A_810, %dma_wait3A_878] : memref<80x125xi32, #tpu.memory_space<vmem>> -> memref<1x125xi32, #tpu.memory_space<vmem>>
        %dma_wait3A_880 = tpu.memref_squeeze %dma_wait3A_879 : memref<1x125xi32, #tpu.memory_space<vmem>> -> memref<125xi32, #tpu.memory_space<vmem>>
        %dma_wait3A_881 = arith.constant 0 : i32
        %dma_wait3A_882 = arith.constant 0 : i32
        %dma_wait3A_883 = tpu.memref_slice %arg9[%dma_wait3A_881, %dma_wait3A_882] : memref<10240x32xf32, #tpu.memory_space<vmem_shared>> -> memref<10240x32xf32, #tpu.memory_space<vmem_shared>>
        tpu.wait_indirect_dma semaphore(%run_scoped3A_863 : memref<!tpu.dma_semaphore, #tpu.memory_space<semaphore_mem>>) src(%dma_wait3A_877 : memref<125x32xf32, #tpu.memory_space<vmem>>) dst(%dma_wait3A_883 : memref<10240x32xf32, #tpu.memory_space<vmem_shared>>)
        tpu.yield
      }) : () -> ()
      %add3A_823 = arith.constant 16 : i32
      %add3A_824 = arith.addi %add3A_810, %add3A_823 : i32
      %dma_start3A_825 = arith.constant 14 : i32
      %dma_start3A_826 = arith.constant 0 : i32
      %dma_start3A_827 = arith.constant 0 : i32
      %dma_start3A_828 = tpu.memref_slice %arg8[%dma_start3A_825, %dma_start3A_826, %dma_start3A_827] : memref<16x125x32xf32, #tpu.memory_space<vmem>> -> memref<1x125x32xf32, #tpu.memory_space<vmem>>
      %dma_start3A_829 = tpu.memref_squeeze %dma_start3A_828 : memref<1x125x32xf32, #tpu.memory_space<vmem>> -> memref<125x32xf32, #tpu.memory_space<vmem>>
      %dma_start3A_830 = arith.constant 0 : i32
      %dma_start3A_831 = tpu.memref_slice %arg6[%add3A_824, %dma_start3A_830] : memref<80x125xi32, #tpu.memory_space<vmem>> -> memref<1x125xi32, #tpu.memory_space<vmem>>
      %dma_start3A_832 = tpu.memref_squeeze %dma_start3A_831 : memref<1x125xi32, #tpu.memory_space<vmem>> -> memref<125xi32, #tpu.memory_space<vmem>>
      %dma_start3A_833 = arith.constant 0 : i32
      %dma_start3A_834 = arith.constant 0 : i32
      %dma_start3A_835 = tpu.memref_slice %arg2[%dma_start3A_833, %dma_start3A_834] : memref<10240x32xf32, #tpu.memory_space<hbm>> -> memref<10240x32xf32, #tpu.memory_space<hbm>>
      tpu.enqueue_indirect_dma source(%dma_start3A_835 : memref<10240x32xf32, #tpu.memory_space<hbm>>) target(%dma_start3A_829 : memref<125x32xf32, #tpu.memory_space<vmem>>) offsets(%dma_start3A_832 : memref<125xi32, #tpu.memory_space<vmem>>) semaphore(%arg24 : memref<!tpu.dma_semaphore, #tpu.memory_space<semaphore_mem>>)
      %add3A_836 = arith.constant 15 : i32
      %add3A_837 = arith.addi %mul3A_430, %add3A_836 : i32
      %dma_wait3A_838 = arith.constant 15 : i32
      %dma_wait3A_839 = arith.constant 0 : i32
      %dma_wait3A_840 = arith.constant 0 : i32
      %dma_wait3A_841 = tpu.memref_slice %arg8[%dma_wait3A_838, %dma_wait3A_839, %dma_wait3A_840] : memref<16x125x32xf32, #tpu.memory_space<vmem>> -> memref<1x125x32xf32, #tpu.memory_space<vmem>>
      %dma_wait3A_842 = tpu.memref_squeeze %dma_wait3A_841 : memref<1x125x32xf32, #tpu.memory_space<vmem>> -> memref<125x32xf32, #tpu.memory_space<vmem>>
      %dma_wait3A_843 = arith.constant 0 : i32
      %dma_wait3A_844 = tpu.memref_slice %arg6[%add3A_837, %dma_wait3A_843] : memref<80x125xi32, #tpu.memory_space<vmem>> -> memref<1x125xi32, #tpu.memory_space<vmem>>
      %dma_wait3A_845 = tpu.memref_squeeze %dma_wait3A_844 : memref<1x125xi32, #tpu.memory_space<vmem>> -> memref<125xi32, #tpu.memory_space<vmem>>
      %dma_wait3A_846 = arith.constant 0 : i32
      %dma_wait3A_847 = arith.constant 0 : i32
      %dma_wait3A_848 = tpu.memref_slice %arg2[%dma_wait3A_846, %dma_wait3A_847] : memref<10240x32xf32, #tpu.memory_space<hbm>> -> memref<10240x32xf32, #tpu.memory_space<hbm>>
      tpu.wait_indirect_dma semaphore(%arg25 : memref<!tpu.dma_semaphore, #tpu.memory_space<semaphore_mem>>) src(%dma_wait3A_848 : memref<10240x32xf32, #tpu.memory_space<hbm>>) dst(%dma_wait3A_842 : memref<125x32xf32, #tpu.memory_space<vmem>>)
      %run_scoped3A_849 = arith.constant 15 : i32
      "tpu.region"() ({
        %run_scoped3A_863 = tpu.sem_alloc : memref<!tpu.dma_semaphore, #tpu.memory_space<semaphore_mem>>
        %dma_start3A_864 = arith.constant 0 : i32
        %dma_start3A_865 = arith.constant 0 : i32
        %dma_start3A_866 = tpu.memref_slice %arg8[%run_scoped3A_849, %dma_start3A_864, %dma_start3A_865] : memref<16x125x32xf32, #tpu.memory_space<vmem>> -> memref<1x125x32xf32, #tpu.memory_space<vmem>>
        %dma_start3A_867 = tpu.memref_squeeze %dma_start3A_866 : memref<1x125x32xf32, #tpu.memory_space<vmem>> -> memref<125x32xf32, #tpu.memory_space<vmem>>
        %dma_start3A_868 = arith.constant 0 : i32
        %dma_start3A_869 = tpu.memref_slice %arg7[%add3A_837, %dma_start3A_868] : memref<80x125xi32, #tpu.memory_space<vmem>> -> memref<1x125xi32, #tpu.memory_space<vmem>>
        %dma_start3A_870 = tpu.memref_squeeze %dma_start3A_869 : memref<1x125xi32, #tpu.memory_space<vmem>> -> memref<125xi32, #tpu.memory_space<vmem>>
        %dma_start3A_871 = arith.constant 0 : i32
        %dma_start3A_872 = arith.constant 0 : i32
        %dma_start3A_873 = tpu.memref_slice %arg9[%dma_start3A_871, %dma_start3A_872] : memref<10240x32xf32, #tpu.memory_space<vmem_shared>> -> memref<10240x32xf32, #tpu.memory_space<vmem_shared>>
        tpu.enqueue_indirect_dma source(%dma_start3A_867 : memref<125x32xf32, #tpu.memory_space<vmem>>) target(%dma_start3A_873 : memref<10240x32xf32, #tpu.memory_space<vmem_shared>>) offsets(%dma_start3A_870 : memref<125xi32, #tpu.memory_space<vmem>>) semaphore(%run_scoped3A_863 : memref<!tpu.dma_semaphore, #tpu.memory_space<semaphore_mem>>) {add = true}
        %dma_wait3A_874 = arith.constant 0 : i32
        %dma_wait3A_875 = arith.constant 0 : i32
        %dma_wait3A_876 = tpu.memref_slice %arg8[%run_scoped3A_849, %dma_wait3A_874, %dma_wait3A_875] : memref<16x125x32xf32, #tpu.memory_space<vmem>> -> memref<1x125x32xf32, #tpu.memory_space<vmem>>
        %dma_wait3A_877 = tpu.memref_squeeze %dma_wait3A_876 : memref<1x125x32xf32, #tpu.memory_space<vmem>> -> memref<125x32xf32, #tpu.memory_space<vmem>>
        %dma_wait3A_878 = arith.constant 0 : i32
        %dma_wait3A_879 = tpu.memref_slice %arg7[%add3A_837, %dma_wait3A_878] : memref<80x125xi32, #tpu.memory_space<vmem>> -> memref<1x125xi32, #tpu.memory_space<vmem>>
        %dma_wait3A_880 = tpu.memref_squeeze %dma_wait3A_879 : memref<1x125xi32, #tpu.memory_space<vmem>> -> memref<125xi32, #tpu.memory_space<vmem>>
        %dma_wait3A_881 = arith.constant 0 : i32
        %dma_wait3A_882 = arith.constant 0 : i32
        %dma_wait3A_883 = tpu.memref_slice %arg9[%dma_wait3A_881, %dma_wait3A_882] : memref<10240x32xf32, #tpu.memory_space<vmem_shared>> -> memref<10240x32xf32, #tpu.memory_space<vmem_shared>>
        tpu.wait_indirect_dma semaphore(%run_scoped3A_863 : memref<!tpu.dma_semaphore, #tpu.memory_space<semaphore_mem>>) src(%dma_wait3A_877 : memref<125x32xf32, #tpu.memory_space<vmem>>) dst(%dma_wait3A_883 : memref<10240x32xf32, #tpu.memory_space<vmem_shared>>)
        tpu.yield
      }) : () -> ()
      %add3A_850 = arith.constant 16 : i32
      %add3A_851 = arith.addi %add3A_837, %add3A_850 : i32
      %dma_start3A_852 = arith.constant 15 : i32
      %dma_start3A_853 = arith.constant 0 : i32
      %dma_start3A_854 = arith.constant 0 : i32
      %dma_start3A_855 = tpu.memref_slice %arg8[%dma_start3A_852, %dma_start3A_853, %dma_start3A_854] : memref<16x125x32xf32, #tpu.memory_space<vmem>> -> memref<1x125x32xf32, #tpu.memory_space<vmem>>
      %dma_start3A_856 = tpu.memref_squeeze %dma_start3A_855 : memref<1x125x32xf32, #tpu.memory_space<vmem>> -> memref<125x32xf32, #tpu.memory_space<vmem>>
      %dma_start3A_857 = arith.constant 0 : i32
      %dma_start3A_858 = tpu.memref_slice %arg6[%add3A_851, %dma_start3A_857] : memref<80x125xi32, #tpu.memory_space<vmem>> -> memref<1x125xi32, #tpu.memory_space<vmem>>
      %dma_start3A_859 = tpu.memref_squeeze %dma_start3A_858 : memref<1x125xi32, #tpu.memory_space<vmem>> -> memref<125xi32, #tpu.memory_space<vmem>>
      %dma_start3A_860 = arith.constant 0 : i32
      %dma_start3A_861 = arith.constant 0 : i32
      %dma_start3A_862 = tpu.memref_slice %arg2[%dma_start3A_860, %dma_start3A_861] : memref<10240x32xf32, #tpu.memory_space<hbm>> -> memref<10240x32xf32, #tpu.memory_space<hbm>>
      tpu.enqueue_indirect_dma source(%dma_start3A_862 : memref<10240x32xf32, #tpu.memory_space<hbm>>) target(%dma_start3A_856 : memref<125x32xf32, #tpu.memory_space<vmem>>) offsets(%dma_start3A_859 : memref<125xi32, #tpu.memory_space<vmem>>) semaphore(%arg25 : memref<!tpu.dma_semaphore, #tpu.memory_space<semaphore_mem>>)
    }
    %scan3A_199 = arith.constant 4 : i32
    %dma_wait3A = arith.constant 64 : i32
    %dma_wait3A_200 = arith.constant 0 : i32
    %dma_wait3A_201 = arith.constant 0 : i32
    %dma_wait3A_202 = arith.constant 0 : i32
    %dma_wait3A_203 = tpu.memref_slice %arg8[%dma_wait3A_200, %dma_wait3A_201, %dma_wait3A_202] : memref<16x125x32xf32, #tpu.memory_space<vmem>> -> memref<1x125x32xf32, #tpu.memory_space<vmem>>
    %dma_wait3A_204 = tpu.memref_squeeze %dma_wait3A_203 : memref<1x125x32xf32, #tpu.memory_space<vmem>> -> memref<125x32xf32, #tpu.memory_space<vmem>>
    %dma_wait3A_205 = arith.constant 0 : i32
    %dma_wait3A_206 = tpu.memref_slice %arg6[%dma_wait3A, %dma_wait3A_205] : memref<80x125xi32, #tpu.memory_space<vmem>> -> memref<1x125xi32, #tpu.memory_space<vmem>>
    %dma_wait3A_207 = tpu.memref_squeeze %dma_wait3A_206 : memref<1x125xi32, #tpu.memory_space<vmem>> -> memref<125xi32, #tpu.memory_space<vmem>>
    %dma_wait3A_208 = arith.constant 0 : i32
    %dma_wait3A_209 = arith.constant 0 : i32
    %dma_wait3A_210 = tpu.memref_slice %arg2[%dma_wait3A_208, %dma_wait3A_209] : memref<10240x32xf32, #tpu.memory_space<hbm>> -> memref<10240x32xf32, #tpu.memory_space<hbm>>
    tpu.wait_indirect_dma semaphore(%arg10 : memref<!tpu.dma_semaphore, #tpu.memory_space<semaphore_mem>>) src(%dma_wait3A_210 : memref<10240x32xf32, #tpu.memory_space<hbm>>) dst(%dma_wait3A_204 : memref<125x32xf32, #tpu.memory_space<vmem>>)
    %run_scoped3A_211 = arith.constant 0 : i32
    %run_scoped3A_212 = arith.constant 64 : i32
    "tpu.region"() ({
      %run_scoped3A_428 = tpu.sem_alloc : memref<!tpu.dma_semaphore, #tpu.memory_space<semaphore_mem>>
      %dma_start3A_429 = arith.constant 0 : i32
      %dma_start3A_430 = arith.constant 0 : i32
      %dma_start3A_431 = tpu.memref_slice %arg8[%run_scoped3A_211, %dma_start3A_429, %dma_start3A_430] : memref<16x125x32xf32, #tpu.memory_space<vmem>> -> memref<1x125x32xf32, #tpu.memory_space<vmem>>
      %dma_start3A_432 = tpu.memref_squeeze %dma_start3A_431 : memref<1x125x32xf32, #tpu.memory_space<vmem>> -> memref<125x32xf32, #tpu.memory_space<vmem>>
      %dma_start3A_433 = arith.constant 0 : i32
      %dma_start3A_434 = tpu.memref_slice %arg7[%run_scoped3A_212, %dma_start3A_433] : memref<80x125xi32, #tpu.memory_space<vmem>> -> memref<1x125xi32, #tpu.memory_space<vmem>>
      %dma_start3A_435 = tpu.memref_squeeze %dma_start3A_434 : memref<1x125xi32, #tpu.memory_space<vmem>> -> memref<125xi32, #tpu.memory_space<vmem>>
      %dma_start3A_436 = arith.constant 0 : i32
      %dma_start3A_437 = arith.constant 0 : i32
      %dma_start3A_438 = tpu.memref_slice %arg9[%dma_start3A_436, %dma_start3A_437] : memref<10240x32xf32, #tpu.memory_space<vmem_shared>> -> memref<10240x32xf32, #tpu.memory_space<vmem_shared>>
      tpu.enqueue_indirect_dma source(%dma_start3A_432 : memref<125x32xf32, #tpu.memory_space<vmem>>) target(%dma_start3A_438 : memref<10240x32xf32, #tpu.memory_space<vmem_shared>>) offsets(%dma_start3A_435 : memref<125xi32, #tpu.memory_space<vmem>>) semaphore(%run_scoped3A_428 : memref<!tpu.dma_semaphore, #tpu.memory_space<semaphore_mem>>) {add = true}
      %dma_wait3A_439 = arith.constant 0 : i32
      %dma_wait3A_440 = arith.constant 0 : i32
      %dma_wait3A_441 = tpu.memref_slice %arg8[%run_scoped3A_211, %dma_wait3A_439, %dma_wait3A_440] : memref<16x125x32xf32, #tpu.memory_space<vmem>> -> memref<1x125x32xf32, #tpu.memory_space<vmem>>
      %dma_wait3A_442 = tpu.memref_squeeze %dma_wait3A_441 : memref<1x125x32xf32, #tpu.memory_space<vmem>> -> memref<125x32xf32, #tpu.memory_space<vmem>>
      %dma_wait3A_443 = arith.constant 0 : i32
      %dma_wait3A_444 = tpu.memref_slice %arg7[%run_scoped3A_212, %dma_wait3A_443] : memref<80x125xi32, #tpu.memory_space<vmem>> -> memref<1x125xi32, #tpu.memory_space<vmem>>
      %dma_wait3A_445 = tpu.memref_squeeze %dma_wait3A_444 : memref<1x125xi32, #tpu.memory_space<vmem>> -> memref<125xi32, #tpu.memory_space<vmem>>
      %dma_wait3A_446 = arith.constant 0 : i32
      %dma_wait3A_447 = arith.constant 0 : i32
      %dma_wait3A_448 = tpu.memref_slice %arg9[%dma_wait3A_446, %dma_wait3A_447] : memref<10240x32xf32, #tpu.memory_space<vmem_shared>> -> memref<10240x32xf32, #tpu.memory_space<vmem_shared>>
      tpu.wait_indirect_dma semaphore(%run_scoped3A_428 : memref<!tpu.dma_semaphore, #tpu.memory_space<semaphore_mem>>) src(%dma_wait3A_442 : memref<125x32xf32, #tpu.memory_space<vmem>>) dst(%dma_wait3A_448 : memref<10240x32xf32, #tpu.memory_space<vmem_shared>>)
      tpu.yield
    }) : () -> ()
    %dma_wait3A_213 = arith.constant 65 : i32
    %dma_wait3A_214 = arith.constant 1 : i32
    %dma_wait3A_215 = arith.constant 0 : i32
    %dma_wait3A_216 = arith.constant 0 : i32
    %dma_wait3A_217 = tpu.memref_slice %arg8[%dma_wait3A_214, %dma_wait3A_215, %dma_wait3A_216] : memref<16x125x32xf32, #tpu.memory_space<vmem>> -> memref<1x125x32xf32, #tpu.memory_space<vmem>>
    %dma_wait3A_218 = tpu.memref_squeeze %dma_wait3A_217 : memref<1x125x32xf32, #tpu.memory_space<vmem>> -> memref<125x32xf32, #tpu.memory_space<vmem>>
    %dma_wait3A_219 = arith.constant 0 : i32
    %dma_wait3A_220 = tpu.memref_slice %arg6[%dma_wait3A_213, %dma_wait3A_219] : memref<80x125xi32, #tpu.memory_space<vmem>> -> memref<1x125xi32, #tpu.memory_space<vmem>>
    %dma_wait3A_221 = tpu.memref_squeeze %dma_wait3A_220 : memref<1x125xi32, #tpu.memory_space<vmem>> -> memref<125xi32, #tpu.memory_space<vmem>>
    %dma_wait3A_222 = arith.constant 0 : i32
    %dma_wait3A_223 = arith.constant 0 : i32
    %dma_wait3A_224 = tpu.memref_slice %arg2[%dma_wait3A_222, %dma_wait3A_223] : memref<10240x32xf32, #tpu.memory_space<hbm>> -> memref<10240x32xf32, #tpu.memory_space<hbm>>
    tpu.wait_indirect_dma semaphore(%arg11 : memref<!tpu.dma_semaphore, #tpu.memory_space<semaphore_mem>>) src(%dma_wait3A_224 : memref<10240x32xf32, #tpu.memory_space<hbm>>) dst(%dma_wait3A_218 : memref<125x32xf32, #tpu.memory_space<vmem>>)
    %run_scoped3A_225 = arith.constant 1 : i32
    %run_scoped3A_226 = arith.constant 65 : i32
    "tpu.region"() ({
      %run_scoped3A_428 = tpu.sem_alloc : memref<!tpu.dma_semaphore, #tpu.memory_space<semaphore_mem>>
      %dma_start3A_429 = arith.constant 0 : i32
      %dma_start3A_430 = arith.constant 0 : i32
      %dma_start3A_431 = tpu.memref_slice %arg8[%run_scoped3A_225, %dma_start3A_429, %dma_start3A_430] : memref<16x125x32xf32, #tpu.memory_space<vmem>> -> memref<1x125x32xf32, #tpu.memory_space<vmem>>
      %dma_start3A_432 = tpu.memref_squeeze %dma_start3A_431 : memref<1x125x32xf32, #tpu.memory_space<vmem>> -> memref<125x32xf32, #tpu.memory_space<vmem>>
      %dma_start3A_433 = arith.constant 0 : i32
      %dma_start3A_434 = tpu.memref_slice %arg7[%run_scoped3A_226, %dma_start3A_433] : memref<80x125xi32, #tpu.memory_space<vmem>> -> memref<1x125xi32, #tpu.memory_space<vmem>>
      %dma_start3A_435 = tpu.memref_squeeze %dma_start3A_434 : memref<1x125xi32, #tpu.memory_space<vmem>> -> memref<125xi32, #tpu.memory_space<vmem>>
      %dma_start3A_436 = arith.constant 0 : i32
      %dma_start3A_437 = arith.constant 0 : i32
      %dma_start3A_438 = tpu.memref_slice %arg9[%dma_start3A_436, %dma_start3A_437] : memref<10240x32xf32, #tpu.memory_space<vmem_shared>> -> memref<10240x32xf32, #tpu.memory_space<vmem_shared>>
      tpu.enqueue_indirect_dma source(%dma_start3A_432 : memref<125x32xf32, #tpu.memory_space<vmem>>) target(%dma_start3A_438 : memref<10240x32xf32, #tpu.memory_space<vmem_shared>>) offsets(%dma_start3A_435 : memref<125xi32, #tpu.memory_space<vmem>>) semaphore(%run_scoped3A_428 : memref<!tpu.dma_semaphore, #tpu.memory_space<semaphore_mem>>) {add = true}
      %dma_wait3A_439 = arith.constant 0 : i32
      %dma_wait3A_440 = arith.constant 0 : i32
      %dma_wait3A_441 = tpu.memref_slice %arg8[%run_scoped3A_225, %dma_wait3A_439, %dma_wait3A_440] : memref<16x125x32xf32, #tpu.memory_space<vmem>> -> memref<1x125x32xf32, #tpu.memory_space<vmem>>
      %dma_wait3A_442 = tpu.memref_squeeze %dma_wait3A_441 : memref<1x125x32xf32, #tpu.memory_space<vmem>> -> memref<125x32xf32, #tpu.memory_space<vmem>>
      %dma_wait3A_443 = arith.constant 0 : i32
      %dma_wait3A_444 = tpu.memref_slice %arg7[%run_scoped3A_226, %dma_wait3A_443] : memref<80x125xi32, #tpu.memory_space<vmem>> -> memref<1x125xi32, #tpu.memory_space<vmem>>
      %dma_wait3A_445 = tpu.memref_squeeze %dma_wait3A_444 : memref<1x125xi32, #tpu.memory_space<vmem>> -> memref<125xi32, #tpu.memory_space<vmem>>
      %dma_wait3A_446 = arith.constant 0 : i32
      %dma_wait3A_447 = arith.constant 0 : i32
      %dma_wait3A_448 = tpu.memref_slice %arg9[%dma_wait3A_446, %dma_wait3A_447] : memref<10240x32xf32, #tpu.memory_space<vmem_shared>> -> memref<10240x32xf32, #tpu.memory_space<vmem_shared>>
      tpu.wait_indirect_dma semaphore(%run_scoped3A_428 : memref<!tpu.dma_semaphore, #tpu.memory_space<semaphore_mem>>) src(%dma_wait3A_442 : memref<125x32xf32, #tpu.memory_space<vmem>>) dst(%dma_wait3A_448 : memref<10240x32xf32, #tpu.memory_space<vmem_shared>>)
      tpu.yield
    }) : () -> ()
    %dma_wait3A_227 = arith.constant 66 : i32
    %dma_wait3A_228 = arith.constant 2 : i32
    %dma_wait3A_229 = arith.constant 0 : i32
    %dma_wait3A_230 = arith.constant 0 : i32
    %dma_wait3A_231 = tpu.memref_slice %arg8[%dma_wait3A_228, %dma_wait3A_229, %dma_wait3A_230] : memref<16x125x32xf32, #tpu.memory_space<vmem>> -> memref<1x125x32xf32, #tpu.memory_space<vmem>>
    %dma_wait3A_232 = tpu.memref_squeeze %dma_wait3A_231 : memref<1x125x32xf32, #tpu.memory_space<vmem>> -> memref<125x32xf32, #tpu.memory_space<vmem>>
    %dma_wait3A_233 = arith.constant 0 : i32
    %dma_wait3A_234 = tpu.memref_slice %arg6[%dma_wait3A_227, %dma_wait3A_233] : memref<80x125xi32, #tpu.memory_space<vmem>> -> memref<1x125xi32, #tpu.memory_space<vmem>>
    %dma_wait3A_235 = tpu.memref_squeeze %dma_wait3A_234 : memref<1x125xi32, #tpu.memory_space<vmem>> -> memref<125xi32, #tpu.memory_space<vmem>>
    %dma_wait3A_236 = arith.constant 0 : i32
    %dma_wait3A_237 = arith.constant 0 : i32
    %dma_wait3A_238 = tpu.memref_slice %arg2[%dma_wait3A_236, %dma_wait3A_237] : memref<10240x32xf32, #tpu.memory_space<hbm>> -> memref<10240x32xf32, #tpu.memory_space<hbm>>
    tpu.wait_indirect_dma semaphore(%arg12 : memref<!tpu.dma_semaphore, #tpu.memory_space<semaphore_mem>>) src(%dma_wait3A_238 : memref<10240x32xf32, #tpu.memory_space<hbm>>) dst(%dma_wait3A_232 : memref<125x32xf32, #tpu.memory_space<vmem>>)
    %run_scoped3A_239 = arith.constant 2 : i32
    %run_scoped3A_240 = arith.constant 66 : i32
    "tpu.region"() ({
      %run_scoped3A_428 = tpu.sem_alloc : memref<!tpu.dma_semaphore, #tpu.memory_space<semaphore_mem>>
      %dma_start3A_429 = arith.constant 0 : i32
      %dma_start3A_430 = arith.constant 0 : i32
      %dma_start3A_431 = tpu.memref_slice %arg8[%run_scoped3A_239, %dma_start3A_429, %dma_start3A_430] : memref<16x125x32xf32, #tpu.memory_space<vmem>> -> memref<1x125x32xf32, #tpu.memory_space<vmem>>
      %dma_start3A_432 = tpu.memref_squeeze %dma_start3A_431 : memref<1x125x32xf32, #tpu.memory_space<vmem>> -> memref<125x32xf32, #tpu.memory_space<vmem>>
      %dma_start3A_433 = arith.constant 0 : i32
      %dma_start3A_434 = tpu.memref_slice %arg7[%run_scoped3A_240, %dma_start3A_433] : memref<80x125xi32, #tpu.memory_space<vmem>> -> memref<1x125xi32, #tpu.memory_space<vmem>>
      %dma_start3A_435 = tpu.memref_squeeze %dma_start3A_434 : memref<1x125xi32, #tpu.memory_space<vmem>> -> memref<125xi32, #tpu.memory_space<vmem>>
      %dma_start3A_436 = arith.constant 0 : i32
      %dma_start3A_437 = arith.constant 0 : i32
      %dma_start3A_438 = tpu.memref_slice %arg9[%dma_start3A_436, %dma_start3A_437] : memref<10240x32xf32, #tpu.memory_space<vmem_shared>> -> memref<10240x32xf32, #tpu.memory_space<vmem_shared>>
      tpu.enqueue_indirect_dma source(%dma_start3A_432 : memref<125x32xf32, #tpu.memory_space<vmem>>) target(%dma_start3A_438 : memref<10240x32xf32, #tpu.memory_space<vmem_shared>>) offsets(%dma_start3A_435 : memref<125xi32, #tpu.memory_space<vmem>>) semaphore(%run_scoped3A_428 : memref<!tpu.dma_semaphore, #tpu.memory_space<semaphore_mem>>) {add = true}
      %dma_wait3A_439 = arith.constant 0 : i32
      %dma_wait3A_440 = arith.constant 0 : i32
      %dma_wait3A_441 = tpu.memref_slice %arg8[%run_scoped3A_239, %dma_wait3A_439, %dma_wait3A_440] : memref<16x125x32xf32, #tpu.memory_space<vmem>> -> memref<1x125x32xf32, #tpu.memory_space<vmem>>
      %dma_wait3A_442 = tpu.memref_squeeze %dma_wait3A_441 : memref<1x125x32xf32, #tpu.memory_space<vmem>> -> memref<125x32xf32, #tpu.memory_space<vmem>>
      %dma_wait3A_443 = arith.constant 0 : i32
      %dma_wait3A_444 = tpu.memref_slice %arg7[%run_scoped3A_240, %dma_wait3A_443] : memref<80x125xi32, #tpu.memory_space<vmem>> -> memref<1x125xi32, #tpu.memory_space<vmem>>
      %dma_wait3A_445 = tpu.memref_squeeze %dma_wait3A_444 : memref<1x125xi32, #tpu.memory_space<vmem>> -> memref<125xi32, #tpu.memory_space<vmem>>
      %dma_wait3A_446 = arith.constant 0 : i32
      %dma_wait3A_447 = arith.constant 0 : i32
      %dma_wait3A_448 = tpu.memref_slice %arg9[%dma_wait3A_446, %dma_wait3A_447] : memref<10240x32xf32, #tpu.memory_space<vmem_shared>> -> memref<10240x32xf32, #tpu.memory_space<vmem_shared>>
      tpu.wait_indirect_dma semaphore(%run_scoped3A_428 : memref<!tpu.dma_semaphore, #tpu.memory_space<semaphore_mem>>) src(%dma_wait3A_442 : memref<125x32xf32, #tpu.memory_space<vmem>>) dst(%dma_wait3A_448 : memref<10240x32xf32, #tpu.memory_space<vmem_shared>>)
      tpu.yield
    }) : () -> ()
    %dma_wait3A_241 = arith.constant 67 : i32
    %dma_wait3A_242 = arith.constant 3 : i32
    %dma_wait3A_243 = arith.constant 0 : i32
    %dma_wait3A_244 = arith.constant 0 : i32
    %dma_wait3A_245 = tpu.memref_slice %arg8[%dma_wait3A_242, %dma_wait3A_243, %dma_wait3A_244] : memref<16x125x32xf32, #tpu.memory_space<vmem>> -> memref<1x125x32xf32, #tpu.memory_space<vmem>>
    %dma_wait3A_246 = tpu.memref_squeeze %dma_wait3A_245 : memref<1x125x32xf32, #tpu.memory_space<vmem>> -> memref<125x32xf32, #tpu.memory_space<vmem>>
    %dma_wait3A_247 = arith.constant 0 : i32
    %dma_wait3A_248 = tpu.memref_slice %arg6[%dma_wait3A_241, %dma_wait3A_247] : memref<80x125xi32, #tpu.memory_space<vmem>> -> memref<1x125xi32, #tpu.memory_space<vmem>>
    %dma_wait3A_249 = tpu.memref_squeeze %dma_wait3A_248 : memref<1x125xi32, #tpu.memory_space<vmem>> -> memref<125xi32, #tpu.memory_space<vmem>>
    %dma_wait3A_250 = arith.constant 0 : i32
    %dma_wait3A_251 = arith.constant 0 : i32
    %dma_wait3A_252 = tpu.memref_slice %arg2[%dma_wait3A_250, %dma_wait3A_251] : memref<10240x32xf32, #tpu.memory_space<hbm>> -> memref<10240x32xf32, #tpu.memory_space<hbm>>
    tpu.wait_indirect_dma semaphore(%arg13 : memref<!tpu.dma_semaphore, #tpu.memory_space<semaphore_mem>>) src(%dma_wait3A_252 : memref<10240x32xf32, #tpu.memory_space<hbm>>) dst(%dma_wait3A_246 : memref<125x32xf32, #tpu.memory_space<vmem>>)
    %run_scoped3A_253 = arith.constant 3 : i32
    %run_scoped3A_254 = arith.constant 67 : i32
    "tpu.region"() ({
      %run_scoped3A_428 = tpu.sem_alloc : memref<!tpu.dma_semaphore, #tpu.memory_space<semaphore_mem>>
      %dma_start3A_429 = arith.constant 0 : i32
      %dma_start3A_430 = arith.constant 0 : i32
      %dma_start3A_431 = tpu.memref_slice %arg8[%run_scoped3A_253, %dma_start3A_429, %dma_start3A_430] : memref<16x125x32xf32, #tpu.memory_space<vmem>> -> memref<1x125x32xf32, #tpu.memory_space<vmem>>
      %dma_start3A_432 = tpu.memref_squeeze %dma_start3A_431 : memref<1x125x32xf32, #tpu.memory_space<vmem>> -> memref<125x32xf32, #tpu.memory_space<vmem>>
      %dma_start3A_433 = arith.constant 0 : i32
      %dma_start3A_434 = tpu.memref_slice %arg7[%run_scoped3A_254, %dma_start3A_433] : memref<80x125xi32, #tpu.memory_space<vmem>> -> memref<1x125xi32, #tpu.memory_space<vmem>>
      %dma_start3A_435 = tpu.memref_squeeze %dma_start3A_434 : memref<1x125xi32, #tpu.memory_space<vmem>> -> memref<125xi32, #tpu.memory_space<vmem>>
      %dma_start3A_436 = arith.constant 0 : i32
      %dma_start3A_437 = arith.constant 0 : i32
      %dma_start3A_438 = tpu.memref_slice %arg9[%dma_start3A_436, %dma_start3A_437] : memref<10240x32xf32, #tpu.memory_space<vmem_shared>> -> memref<10240x32xf32, #tpu.memory_space<vmem_shared>>
      tpu.enqueue_indirect_dma source(%dma_start3A_432 : memref<125x32xf32, #tpu.memory_space<vmem>>) target(%dma_start3A_438 : memref<10240x32xf32, #tpu.memory_space<vmem_shared>>) offsets(%dma_start3A_435 : memref<125xi32, #tpu.memory_space<vmem>>) semaphore(%run_scoped3A_428 : memref<!tpu.dma_semaphore, #tpu.memory_space<semaphore_mem>>) {add = true}
      %dma_wait3A_439 = arith.constant 0 : i32
      %dma_wait3A_440 = arith.constant 0 : i32
      %dma_wait3A_441 = tpu.memref_slice %arg8[%run_scoped3A_253, %dma_wait3A_439, %dma_wait3A_440] : memref<16x125x32xf32, #tpu.memory_space<vmem>> -> memref<1x125x32xf32, #tpu.memory_space<vmem>>
      %dma_wait3A_442 = tpu.memref_squeeze %dma_wait3A_441 : memref<1x125x32xf32, #tpu.memory_space<vmem>> -> memref<125x32xf32, #tpu.memory_space<vmem>>
      %dma_wait3A_443 = arith.constant 0 : i32
      %dma_wait3A_444 = tpu.memref_slice %arg7[%run_scoped3A_254, %dma_wait3A_443] : memref<80x125xi32, #tpu.memory_space<vmem>> -> memref<1x125xi32, #tpu.memory_space<vmem>>
      %dma_wait3A_445 = tpu.memref_squeeze %dma_wait3A_444 : memref<1x125xi32, #tpu.memory_space<vmem>> -> memref<125xi32, #tpu.memory_space<vmem>>
      %dma_wait3A_446 = arith.constant 0 : i32
      %dma_wait3A_447 = arith.constant 0 : i32
      %dma_wait3A_448 = tpu.memref_slice %arg9[%dma_wait3A_446, %dma_wait3A_447] : memref<10240x32xf32, #tpu.memory_space<vmem_shared>> -> memref<10240x32xf32, #tpu.memory_space<vmem_shared>>
      tpu.wait_indirect_dma semaphore(%run_scoped3A_428 : memref<!tpu.dma_semaphore, #tpu.memory_space<semaphore_mem>>) src(%dma_wait3A_442 : memref<125x32xf32, #tpu.memory_space<vmem>>) dst(%dma_wait3A_448 : memref<10240x32xf32, #tpu.memory_space<vmem_shared>>)
      tpu.yield
    }) : () -> ()
    %dma_wait3A_255 = arith.constant 68 : i32
    %dma_wait3A_256 = arith.constant 4 : i32
    %dma_wait3A_257 = arith.constant 0 : i32
    %dma_wait3A_258 = arith.constant 0 : i32
    %dma_wait3A_259 = tpu.memref_slice %arg8[%dma_wait3A_256, %dma_wait3A_257, %dma_wait3A_258] : memref<16x125x32xf32, #tpu.memory_space<vmem>> -> memref<1x125x32xf32, #tpu.memory_space<vmem>>
    %dma_wait3A_260 = tpu.memref_squeeze %dma_wait3A_259 : memref<1x125x32xf32, #tpu.memory_space<vmem>> -> memref<125x32xf32, #tpu.memory_space<vmem>>
    %dma_wait3A_261 = arith.constant 0 : i32
    %dma_wait3A_262 = tpu.memref_slice %arg6[%dma_wait3A_255, %dma_wait3A_261] : memref<80x125xi32, #tpu.memory_space<vmem>> -> memref<1x125xi32, #tpu.memory_space<vmem>>
    %dma_wait3A_263 = tpu.memref_squeeze %dma_wait3A_262 : memref<1x125xi32, #tpu.memory_space<vmem>> -> memref<125xi32, #tpu.memory_space<vmem>>
    %dma_wait3A_264 = arith.constant 0 : i32
    %dma_wait3A_265 = arith.constant 0 : i32
    %dma_wait3A_266 = tpu.memref_slice %arg2[%dma_wait3A_264, %dma_wait3A_265] : memref<10240x32xf32, #tpu.memory_space<hbm>> -> memref<10240x32xf32, #tpu.memory_space<hbm>>
    tpu.wait_indirect_dma semaphore(%arg14 : memref<!tpu.dma_semaphore, #tpu.memory_space<semaphore_mem>>) src(%dma_wait3A_266 : memref<10240x32xf32, #tpu.memory_space<hbm>>) dst(%dma_wait3A_260 : memref<125x32xf32, #tpu.memory_space<vmem>>)
    %run_scoped3A_267 = arith.constant 4 : i32
    %run_scoped3A_268 = arith.constant 68 : i32
    "tpu.region"() ({
      %run_scoped3A_428 = tpu.sem_alloc : memref<!tpu.dma_semaphore, #tpu.memory_space<semaphore_mem>>
      %dma_start3A_429 = arith.constant 0 : i32
      %dma_start3A_430 = arith.constant 0 : i32
      %dma_start3A_431 = tpu.memref_slice %arg8[%run_scoped3A_267, %dma_start3A_429, %dma_start3A_430] : memref<16x125x32xf32, #tpu.memory_space<vmem>> -> memref<1x125x32xf32, #tpu.memory_space<vmem>>
      %dma_start3A_432 = tpu.memref_squeeze %dma_start3A_431 : memref<1x125x32xf32, #tpu.memory_space<vmem>> -> memref<125x32xf32, #tpu.memory_space<vmem>>
      %dma_start3A_433 = arith.constant 0 : i32
      %dma_start3A_434 = tpu.memref_slice %arg7[%run_scoped3A_268, %dma_start3A_433] : memref<80x125xi32, #tpu.memory_space<vmem>> -> memref<1x125xi32, #tpu.memory_space<vmem>>
      %dma_start3A_435 = tpu.memref_squeeze %dma_start3A_434 : memref<1x125xi32, #tpu.memory_space<vmem>> -> memref<125xi32, #tpu.memory_space<vmem>>
      %dma_start3A_436 = arith.constant 0 : i32
      %dma_start3A_437 = arith.constant 0 : i32
      %dma_start3A_438 = tpu.memref_slice %arg9[%dma_start3A_436, %dma_start3A_437] : memref<10240x32xf32, #tpu.memory_space<vmem_shared>> -> memref<10240x32xf32, #tpu.memory_space<vmem_shared>>
      tpu.enqueue_indirect_dma source(%dma_start3A_432 : memref<125x32xf32, #tpu.memory_space<vmem>>) target(%dma_start3A_438 : memref<10240x32xf32, #tpu.memory_space<vmem_shared>>) offsets(%dma_start3A_435 : memref<125xi32, #tpu.memory_space<vmem>>) semaphore(%run_scoped3A_428 : memref<!tpu.dma_semaphore, #tpu.memory_space<semaphore_mem>>) {add = true}
      %dma_wait3A_439 = arith.constant 0 : i32
      %dma_wait3A_440 = arith.constant 0 : i32
      %dma_wait3A_441 = tpu.memref_slice %arg8[%run_scoped3A_267, %dma_wait3A_439, %dma_wait3A_440] : memref<16x125x32xf32, #tpu.memory_space<vmem>> -> memref<1x125x32xf32, #tpu.memory_space<vmem>>
      %dma_wait3A_442 = tpu.memref_squeeze %dma_wait3A_441 : memref<1x125x32xf32, #tpu.memory_space<vmem>> -> memref<125x32xf32, #tpu.memory_space<vmem>>
      %dma_wait3A_443 = arith.constant 0 : i32
      %dma_wait3A_444 = tpu.memref_slice %arg7[%run_scoped3A_268, %dma_wait3A_443] : memref<80x125xi32, #tpu.memory_space<vmem>> -> memref<1x125xi32, #tpu.memory_space<vmem>>
      %dma_wait3A_445 = tpu.memref_squeeze %dma_wait3A_444 : memref<1x125xi32, #tpu.memory_space<vmem>> -> memref<125xi32, #tpu.memory_space<vmem>>
      %dma_wait3A_446 = arith.constant 0 : i32
      %dma_wait3A_447 = arith.constant 0 : i32
      %dma_wait3A_448 = tpu.memref_slice %arg9[%dma_wait3A_446, %dma_wait3A_447] : memref<10240x32xf32, #tpu.memory_space<vmem_shared>> -> memref<10240x32xf32, #tpu.memory_space<vmem_shared>>
      tpu.wait_indirect_dma semaphore(%run_scoped3A_428 : memref<!tpu.dma_semaphore, #tpu.memory_space<semaphore_mem>>) src(%dma_wait3A_442 : memref<125x32xf32, #tpu.memory_space<vmem>>) dst(%dma_wait3A_448 : memref<10240x32xf32, #tpu.memory_space<vmem_shared>>)
      tpu.yield
    }) : () -> ()
    %dma_wait3A_269 = arith.constant 69 : i32
    %dma_wait3A_270 = arith.constant 5 : i32
    %dma_wait3A_271 = arith.constant 0 : i32
    %dma_wait3A_272 = arith.constant 0 : i32
    %dma_wait3A_273 = tpu.memref_slice %arg8[%dma_wait3A_270, %dma_wait3A_271, %dma_wait3A_272] : memref<16x125x32xf32, #tpu.memory_space<vmem>> -> memref<1x125x32xf32, #tpu.memory_space<vmem>>
    %dma_wait3A_274 = tpu.memref_squeeze %dma_wait3A_273 : memref<1x125x32xf32, #tpu.memory_space<vmem>> -> memref<125x32xf32, #tpu.memory_space<vmem>>
    %dma_wait3A_275 = arith.constant 0 : i32
    %dma_wait3A_276 = tpu.memref_slice %arg6[%dma_wait3A_269, %dma_wait3A_275] : memref<80x125xi32, #tpu.memory_space<vmem>> -> memref<1x125xi32, #tpu.memory_space<vmem>>
    %dma_wait3A_277 = tpu.memref_squeeze %dma_wait3A_276 : memref<1x125xi32, #tpu.memory_space<vmem>> -> memref<125xi32, #tpu.memory_space<vmem>>
    %dma_wait3A_278 = arith.constant 0 : i32
    %dma_wait3A_279 = arith.constant 0 : i32
    %dma_wait3A_280 = tpu.memref_slice %arg2[%dma_wait3A_278, %dma_wait3A_279] : memref<10240x32xf32, #tpu.memory_space<hbm>> -> memref<10240x32xf32, #tpu.memory_space<hbm>>
    tpu.wait_indirect_dma semaphore(%arg15 : memref<!tpu.dma_semaphore, #tpu.memory_space<semaphore_mem>>) src(%dma_wait3A_280 : memref<10240x32xf32, #tpu.memory_space<hbm>>) dst(%dma_wait3A_274 : memref<125x32xf32, #tpu.memory_space<vmem>>)
    %run_scoped3A_281 = arith.constant 5 : i32
    %run_scoped3A_282 = arith.constant 69 : i32
    "tpu.region"() ({
      %run_scoped3A_428 = tpu.sem_alloc : memref<!tpu.dma_semaphore, #tpu.memory_space<semaphore_mem>>
      %dma_start3A_429 = arith.constant 0 : i32
      %dma_start3A_430 = arith.constant 0 : i32
      %dma_start3A_431 = tpu.memref_slice %arg8[%run_scoped3A_281, %dma_start3A_429, %dma_start3A_430] : memref<16x125x32xf32, #tpu.memory_space<vmem>> -> memref<1x125x32xf32, #tpu.memory_space<vmem>>
      %dma_start3A_432 = tpu.memref_squeeze %dma_start3A_431 : memref<1x125x32xf32, #tpu.memory_space<vmem>> -> memref<125x32xf32, #tpu.memory_space<vmem>>
      %dma_start3A_433 = arith.constant 0 : i32
      %dma_start3A_434 = tpu.memref_slice %arg7[%run_scoped3A_282, %dma_start3A_433] : memref<80x125xi32, #tpu.memory_space<vmem>> -> memref<1x125xi32, #tpu.memory_space<vmem>>
      %dma_start3A_435 = tpu.memref_squeeze %dma_start3A_434 : memref<1x125xi32, #tpu.memory_space<vmem>> -> memref<125xi32, #tpu.memory_space<vmem>>
      %dma_start3A_436 = arith.constant 0 : i32
      %dma_start3A_437 = arith.constant 0 : i32
      %dma_start3A_438 = tpu.memref_slice %arg9[%dma_start3A_436, %dma_start3A_437] : memref<10240x32xf32, #tpu.memory_space<vmem_shared>> -> memref<10240x32xf32, #tpu.memory_space<vmem_shared>>
      tpu.enqueue_indirect_dma source(%dma_start3A_432 : memref<125x32xf32, #tpu.memory_space<vmem>>) target(%dma_start3A_438 : memref<10240x32xf32, #tpu.memory_space<vmem_shared>>) offsets(%dma_start3A_435 : memref<125xi32, #tpu.memory_space<vmem>>) semaphore(%run_scoped3A_428 : memref<!tpu.dma_semaphore, #tpu.memory_space<semaphore_mem>>) {add = true}
      %dma_wait3A_439 = arith.constant 0 : i32
      %dma_wait3A_440 = arith.constant 0 : i32
      %dma_wait3A_441 = tpu.memref_slice %arg8[%run_scoped3A_281, %dma_wait3A_439, %dma_wait3A_440] : memref<16x125x32xf32, #tpu.memory_space<vmem>> -> memref<1x125x32xf32, #tpu.memory_space<vmem>>
      %dma_wait3A_442 = tpu.memref_squeeze %dma_wait3A_441 : memref<1x125x32xf32, #tpu.memory_space<vmem>> -> memref<125x32xf32, #tpu.memory_space<vmem>>
      %dma_wait3A_443 = arith.constant 0 : i32
      %dma_wait3A_444 = tpu.memref_slice %arg7[%run_scoped3A_282, %dma_wait3A_443] : memref<80x125xi32, #tpu.memory_space<vmem>> -> memref<1x125xi32, #tpu.memory_space<vmem>>
      %dma_wait3A_445 = tpu.memref_squeeze %dma_wait3A_444 : memref<1x125xi32, #tpu.memory_space<vmem>> -> memref<125xi32, #tpu.memory_space<vmem>>
      %dma_wait3A_446 = arith.constant 0 : i32
      %dma_wait3A_447 = arith.constant 0 : i32
      %dma_wait3A_448 = tpu.memref_slice %arg9[%dma_wait3A_446, %dma_wait3A_447] : memref<10240x32xf32, #tpu.memory_space<vmem_shared>> -> memref<10240x32xf32, #tpu.memory_space<vmem_shared>>
      tpu.wait_indirect_dma semaphore(%run_scoped3A_428 : memref<!tpu.dma_semaphore, #tpu.memory_space<semaphore_mem>>) src(%dma_wait3A_442 : memref<125x32xf32, #tpu.memory_space<vmem>>) dst(%dma_wait3A_448 : memref<10240x32xf32, #tpu.memory_space<vmem_shared>>)
      tpu.yield
    }) : () -> ()
    %dma_wait3A_283 = arith.constant 70 : i32
    %dma_wait3A_284 = arith.constant 6 : i32
    %dma_wait3A_285 = arith.constant 0 : i32
    %dma_wait3A_286 = arith.constant 0 : i32
    %dma_wait3A_287 = tpu.memref_slice %arg8[%dma_wait3A_284, %dma_wait3A_285, %dma_wait3A_286] : memref<16x125x32xf32, #tpu.memory_space<vmem>> -> memref<1x125x32xf32, #tpu.memory_space<vmem>>
    %dma_wait3A_288 = tpu.memref_squeeze %dma_wait3A_287 : memref<1x125x32xf32, #tpu.memory_space<vmem>> -> memref<125x32xf32, #tpu.memory_space<vmem>>
    %dma_wait3A_289 = arith.constant 0 : i32
    %dma_wait3A_290 = tpu.memref_slice %arg6[%dma_wait3A_283, %dma_wait3A_289] : memref<80x125xi32, #tpu.memory_space<vmem>> -> memref<1x125xi32, #tpu.memory_space<vmem>>
    %dma_wait3A_291 = tpu.memref_squeeze %dma_wait3A_290 : memref<1x125xi32, #tpu.memory_space<vmem>> -> memref<125xi32, #tpu.memory_space<vmem>>
    %dma_wait3A_292 = arith.constant 0 : i32
    %dma_wait3A_293 = arith.constant 0 : i32
    %dma_wait3A_294 = tpu.memref_slice %arg2[%dma_wait3A_292, %dma_wait3A_293] : memref<10240x32xf32, #tpu.memory_space<hbm>> -> memref<10240x32xf32, #tpu.memory_space<hbm>>
    tpu.wait_indirect_dma semaphore(%arg16 : memref<!tpu.dma_semaphore, #tpu.memory_space<semaphore_mem>>) src(%dma_wait3A_294 : memref<10240x32xf32, #tpu.memory_space<hbm>>) dst(%dma_wait3A_288 : memref<125x32xf32, #tpu.memory_space<vmem>>)
    %run_scoped3A_295 = arith.constant 6 : i32
    %run_scoped3A_296 = arith.constant 70 : i32
    "tpu.region"() ({
      %run_scoped3A_428 = tpu.sem_alloc : memref<!tpu.dma_semaphore, #tpu.memory_space<semaphore_mem>>
      %dma_start3A_429 = arith.constant 0 : i32
      %dma_start3A_430 = arith.constant 0 : i32
      %dma_start3A_431 = tpu.memref_slice %arg8[%run_scoped3A_295, %dma_start3A_429, %dma_start3A_430] : memref<16x125x32xf32, #tpu.memory_space<vmem>> -> memref<1x125x32xf32, #tpu.memory_space<vmem>>
      %dma_start3A_432 = tpu.memref_squeeze %dma_start3A_431 : memref<1x125x32xf32, #tpu.memory_space<vmem>> -> memref<125x32xf32, #tpu.memory_space<vmem>>
      %dma_start3A_433 = arith.constant 0 : i32
      %dma_start3A_434 = tpu.memref_slice %arg7[%run_scoped3A_296, %dma_start3A_433] : memref<80x125xi32, #tpu.memory_space<vmem>> -> memref<1x125xi32, #tpu.memory_space<vmem>>
      %dma_start3A_435 = tpu.memref_squeeze %dma_start3A_434 : memref<1x125xi32, #tpu.memory_space<vmem>> -> memref<125xi32, #tpu.memory_space<vmem>>
      %dma_start3A_436 = arith.constant 0 : i32
      %dma_start3A_437 = arith.constant 0 : i32
      %dma_start3A_438 = tpu.memref_slice %arg9[%dma_start3A_436, %dma_start3A_437] : memref<10240x32xf32, #tpu.memory_space<vmem_shared>> -> memref<10240x32xf32, #tpu.memory_space<vmem_shared>>
      tpu.enqueue_indirect_dma source(%dma_start3A_432 : memref<125x32xf32, #tpu.memory_space<vmem>>) target(%dma_start3A_438 : memref<10240x32xf32, #tpu.memory_space<vmem_shared>>) offsets(%dma_start3A_435 : memref<125xi32, #tpu.memory_space<vmem>>) semaphore(%run_scoped3A_428 : memref<!tpu.dma_semaphore, #tpu.memory_space<semaphore_mem>>) {add = true}
      %dma_wait3A_439 = arith.constant 0 : i32
      %dma_wait3A_440 = arith.constant 0 : i32
      %dma_wait3A_441 = tpu.memref_slice %arg8[%run_scoped3A_295, %dma_wait3A_439, %dma_wait3A_440] : memref<16x125x32xf32, #tpu.memory_space<vmem>> -> memref<1x125x32xf32, #tpu.memory_space<vmem>>
      %dma_wait3A_442 = tpu.memref_squeeze %dma_wait3A_441 : memref<1x125x32xf32, #tpu.memory_space<vmem>> -> memref<125x32xf32, #tpu.memory_space<vmem>>
      %dma_wait3A_443 = arith.constant 0 : i32
      %dma_wait3A_444 = tpu.memref_slice %arg7[%run_scoped3A_296, %dma_wait3A_443] : memref<80x125xi32, #tpu.memory_space<vmem>> -> memref<1x125xi32, #tpu.memory_space<vmem>>
      %dma_wait3A_445 = tpu.memref_squeeze %dma_wait3A_444 : memref<1x125xi32, #tpu.memory_space<vmem>> -> memref<125xi32, #tpu.memory_space<vmem>>
      %dma_wait3A_446 = arith.constant 0 : i32
      %dma_wait3A_447 = arith.constant 0 : i32
      %dma_wait3A_448 = tpu.memref_slice %arg9[%dma_wait3A_446, %dma_wait3A_447] : memref<10240x32xf32, #tpu.memory_space<vmem_shared>> -> memref<10240x32xf32, #tpu.memory_space<vmem_shared>>
      tpu.wait_indirect_dma semaphore(%run_scoped3A_428 : memref<!tpu.dma_semaphore, #tpu.memory_space<semaphore_mem>>) src(%dma_wait3A_442 : memref<125x32xf32, #tpu.memory_space<vmem>>) dst(%dma_wait3A_448 : memref<10240x32xf32, #tpu.memory_space<vmem_shared>>)
      tpu.yield
    }) : () -> ()
    %dma_wait3A_297 = arith.constant 71 : i32
    %dma_wait3A_298 = arith.constant 7 : i32
    %dma_wait3A_299 = arith.constant 0 : i32
    %dma_wait3A_300 = arith.constant 0 : i32
    %dma_wait3A_301 = tpu.memref_slice %arg8[%dma_wait3A_298, %dma_wait3A_299, %dma_wait3A_300] : memref<16x125x32xf32, #tpu.memory_space<vmem>> -> memref<1x125x32xf32, #tpu.memory_space<vmem>>
    %dma_wait3A_302 = tpu.memref_squeeze %dma_wait3A_301 : memref<1x125x32xf32, #tpu.memory_space<vmem>> -> memref<125x32xf32, #tpu.memory_space<vmem>>
    %dma_wait3A_303 = arith.constant 0 : i32
    %dma_wait3A_304 = tpu.memref_slice %arg6[%dma_wait3A_297, %dma_wait3A_303] : memref<80x125xi32, #tpu.memory_space<vmem>> -> memref<1x125xi32, #tpu.memory_space<vmem>>
    %dma_wait3A_305 = tpu.memref_squeeze %dma_wait3A_304 : memref<1x125xi32, #tpu.memory_space<vmem>> -> memref<125xi32, #tpu.memory_space<vmem>>
    %dma_wait3A_306 = arith.constant 0 : i32
    %dma_wait3A_307 = arith.constant 0 : i32
    %dma_wait3A_308 = tpu.memref_slice %arg2[%dma_wait3A_306, %dma_wait3A_307] : memref<10240x32xf32, #tpu.memory_space<hbm>> -> memref<10240x32xf32, #tpu.memory_space<hbm>>
    tpu.wait_indirect_dma semaphore(%arg17 : memref<!tpu.dma_semaphore, #tpu.memory_space<semaphore_mem>>) src(%dma_wait3A_308 : memref<10240x32xf32, #tpu.memory_space<hbm>>) dst(%dma_wait3A_302 : memref<125x32xf32, #tpu.memory_space<vmem>>)
    %run_scoped3A_309 = arith.constant 7 : i32
    %run_scoped3A_310 = arith.constant 71 : i32
    "tpu.region"() ({
      %run_scoped3A_428 = tpu.sem_alloc : memref<!tpu.dma_semaphore, #tpu.memory_space<semaphore_mem>>
      %dma_start3A_429 = arith.constant 0 : i32
      %dma_start3A_430 = arith.constant 0 : i32
      %dma_start3A_431 = tpu.memref_slice %arg8[%run_scoped3A_309, %dma_start3A_429, %dma_start3A_430] : memref<16x125x32xf32, #tpu.memory_space<vmem>> -> memref<1x125x32xf32, #tpu.memory_space<vmem>>
      %dma_start3A_432 = tpu.memref_squeeze %dma_start3A_431 : memref<1x125x32xf32, #tpu.memory_space<vmem>> -> memref<125x32xf32, #tpu.memory_space<vmem>>
      %dma_start3A_433 = arith.constant 0 : i32
      %dma_start3A_434 = tpu.memref_slice %arg7[%run_scoped3A_310, %dma_start3A_433] : memref<80x125xi32, #tpu.memory_space<vmem>> -> memref<1x125xi32, #tpu.memory_space<vmem>>
      %dma_start3A_435 = tpu.memref_squeeze %dma_start3A_434 : memref<1x125xi32, #tpu.memory_space<vmem>> -> memref<125xi32, #tpu.memory_space<vmem>>
      %dma_start3A_436 = arith.constant 0 : i32
      %dma_start3A_437 = arith.constant 0 : i32
      %dma_start3A_438 = tpu.memref_slice %arg9[%dma_start3A_436, %dma_start3A_437] : memref<10240x32xf32, #tpu.memory_space<vmem_shared>> -> memref<10240x32xf32, #tpu.memory_space<vmem_shared>>
      tpu.enqueue_indirect_dma source(%dma_start3A_432 : memref<125x32xf32, #tpu.memory_space<vmem>>) target(%dma_start3A_438 : memref<10240x32xf32, #tpu.memory_space<vmem_shared>>) offsets(%dma_start3A_435 : memref<125xi32, #tpu.memory_space<vmem>>) semaphore(%run_scoped3A_428 : memref<!tpu.dma_semaphore, #tpu.memory_space<semaphore_mem>>) {add = true}
      %dma_wait3A_439 = arith.constant 0 : i32
      %dma_wait3A_440 = arith.constant 0 : i32
      %dma_wait3A_441 = tpu.memref_slice %arg8[%run_scoped3A_309, %dma_wait3A_439, %dma_wait3A_440] : memref<16x125x32xf32, #tpu.memory_space<vmem>> -> memref<1x125x32xf32, #tpu.memory_space<vmem>>
      %dma_wait3A_442 = tpu.memref_squeeze %dma_wait3A_441 : memref<1x125x32xf32, #tpu.memory_space<vmem>> -> memref<125x32xf32, #tpu.memory_space<vmem>>
      %dma_wait3A_443 = arith.constant 0 : i32
      %dma_wait3A_444 = tpu.memref_slice %arg7[%run_scoped3A_310, %dma_wait3A_443] : memref<80x125xi32, #tpu.memory_space<vmem>> -> memref<1x125xi32, #tpu.memory_space<vmem>>
      %dma_wait3A_445 = tpu.memref_squeeze %dma_wait3A_444 : memref<1x125xi32, #tpu.memory_space<vmem>> -> memref<125xi32, #tpu.memory_space<vmem>>
      %dma_wait3A_446 = arith.constant 0 : i32
      %dma_wait3A_447 = arith.constant 0 : i32
      %dma_wait3A_448 = tpu.memref_slice %arg9[%dma_wait3A_446, %dma_wait3A_447] : memref<10240x32xf32, #tpu.memory_space<vmem_shared>> -> memref<10240x32xf32, #tpu.memory_space<vmem_shared>>
      tpu.wait_indirect_dma semaphore(%run_scoped3A_428 : memref<!tpu.dma_semaphore, #tpu.memory_space<semaphore_mem>>) src(%dma_wait3A_442 : memref<125x32xf32, #tpu.memory_space<vmem>>) dst(%dma_wait3A_448 : memref<10240x32xf32, #tpu.memory_space<vmem_shared>>)
      tpu.yield
    }) : () -> ()
    %dma_wait3A_311 = arith.constant 72 : i32
    %dma_wait3A_312 = arith.constant 8 : i32
    %dma_wait3A_313 = arith.constant 0 : i32
    %dma_wait3A_314 = arith.constant 0 : i32
    %dma_wait3A_315 = tpu.memref_slice %arg8[%dma_wait3A_312, %dma_wait3A_313, %dma_wait3A_314] : memref<16x125x32xf32, #tpu.memory_space<vmem>> -> memref<1x125x32xf32, #tpu.memory_space<vmem>>
    %dma_wait3A_316 = tpu.memref_squeeze %dma_wait3A_315 : memref<1x125x32xf32, #tpu.memory_space<vmem>> -> memref<125x32xf32, #tpu.memory_space<vmem>>
    %dma_wait3A_317 = arith.constant 0 : i32
    %dma_wait3A_318 = tpu.memref_slice %arg6[%dma_wait3A_311, %dma_wait3A_317] : memref<80x125xi32, #tpu.memory_space<vmem>> -> memref<1x125xi32, #tpu.memory_space<vmem>>
    %dma_wait3A_319 = tpu.memref_squeeze %dma_wait3A_318 : memref<1x125xi32, #tpu.memory_space<vmem>> -> memref<125xi32, #tpu.memory_space<vmem>>
    %dma_wait3A_320 = arith.constant 0 : i32
    %dma_wait3A_321 = arith.constant 0 : i32
    %dma_wait3A_322 = tpu.memref_slice %arg2[%dma_wait3A_320, %dma_wait3A_321] : memref<10240x32xf32, #tpu.memory_space<hbm>> -> memref<10240x32xf32, #tpu.memory_space<hbm>>
    tpu.wait_indirect_dma semaphore(%arg18 : memref<!tpu.dma_semaphore, #tpu.memory_space<semaphore_mem>>) src(%dma_wait3A_322 : memref<10240x32xf32, #tpu.memory_space<hbm>>) dst(%dma_wait3A_316 : memref<125x32xf32, #tpu.memory_space<vmem>>)
    %run_scoped3A_323 = arith.constant 8 : i32
    %run_scoped3A_324 = arith.constant 72 : i32
    "tpu.region"() ({
      %run_scoped3A_428 = tpu.sem_alloc : memref<!tpu.dma_semaphore, #tpu.memory_space<semaphore_mem>>
      %dma_start3A_429 = arith.constant 0 : i32
      %dma_start3A_430 = arith.constant 0 : i32
      %dma_start3A_431 = tpu.memref_slice %arg8[%run_scoped3A_323, %dma_start3A_429, %dma_start3A_430] : memref<16x125x32xf32, #tpu.memory_space<vmem>> -> memref<1x125x32xf32, #tpu.memory_space<vmem>>
      %dma_start3A_432 = tpu.memref_squeeze %dma_start3A_431 : memref<1x125x32xf32, #tpu.memory_space<vmem>> -> memref<125x32xf32, #tpu.memory_space<vmem>>
      %dma_start3A_433 = arith.constant 0 : i32
      %dma_start3A_434 = tpu.memref_slice %arg7[%run_scoped3A_324, %dma_start3A_433] : memref<80x125xi32, #tpu.memory_space<vmem>> -> memref<1x125xi32, #tpu.memory_space<vmem>>
      %dma_start3A_435 = tpu.memref_squeeze %dma_start3A_434 : memref<1x125xi32, #tpu.memory_space<vmem>> -> memref<125xi32, #tpu.memory_space<vmem>>
      %dma_start3A_436 = arith.constant 0 : i32
      %dma_start3A_437 = arith.constant 0 : i32
      %dma_start3A_438 = tpu.memref_slice %arg9[%dma_start3A_436, %dma_start3A_437] : memref<10240x32xf32, #tpu.memory_space<vmem_shared>> -> memref<10240x32xf32, #tpu.memory_space<vmem_shared>>
      tpu.enqueue_indirect_dma source(%dma_start3A_432 : memref<125x32xf32, #tpu.memory_space<vmem>>) target(%dma_start3A_438 : memref<10240x32xf32, #tpu.memory_space<vmem_shared>>) offsets(%dma_start3A_435 : memref<125xi32, #tpu.memory_space<vmem>>) semaphore(%run_scoped3A_428 : memref<!tpu.dma_semaphore, #tpu.memory_space<semaphore_mem>>) {add = true}
      %dma_wait3A_439 = arith.constant 0 : i32
      %dma_wait3A_440 = arith.constant 0 : i32
      %dma_wait3A_441 = tpu.memref_slice %arg8[%run_scoped3A_323, %dma_wait3A_439, %dma_wait3A_440] : memref<16x125x32xf32, #tpu.memory_space<vmem>> -> memref<1x125x32xf32, #tpu.memory_space<vmem>>
      %dma_wait3A_442 = tpu.memref_squeeze %dma_wait3A_441 : memref<1x125x32xf32, #tpu.memory_space<vmem>> -> memref<125x32xf32, #tpu.memory_space<vmem>>
      %dma_wait3A_443 = arith.constant 0 : i32
      %dma_wait3A_444 = tpu.memref_slice %arg7[%run_scoped3A_324, %dma_wait3A_443] : memref<80x125xi32, #tpu.memory_space<vmem>> -> memref<1x125xi32, #tpu.memory_space<vmem>>
      %dma_wait3A_445 = tpu.memref_squeeze %dma_wait3A_444 : memref<1x125xi32, #tpu.memory_space<vmem>> -> memref<125xi32, #tpu.memory_space<vmem>>
      %dma_wait3A_446 = arith.constant 0 : i32
      %dma_wait3A_447 = arith.constant 0 : i32
      %dma_wait3A_448 = tpu.memref_slice %arg9[%dma_wait3A_446, %dma_wait3A_447] : memref<10240x32xf32, #tpu.memory_space<vmem_shared>> -> memref<10240x32xf32, #tpu.memory_space<vmem_shared>>
      tpu.wait_indirect_dma semaphore(%run_scoped3A_428 : memref<!tpu.dma_semaphore, #tpu.memory_space<semaphore_mem>>) src(%dma_wait3A_442 : memref<125x32xf32, #tpu.memory_space<vmem>>) dst(%dma_wait3A_448 : memref<10240x32xf32, #tpu.memory_space<vmem_shared>>)
      tpu.yield
    }) : () -> ()
    %dma_wait3A_325 = arith.constant 73 : i32
    %dma_wait3A_326 = arith.constant 9 : i32
    %dma_wait3A_327 = arith.constant 0 : i32
    %dma_wait3A_328 = arith.constant 0 : i32
    %dma_wait3A_329 = tpu.memref_slice %arg8[%dma_wait3A_326, %dma_wait3A_327, %dma_wait3A_328] : memref<16x125x32xf32, #tpu.memory_space<vmem>> -> memref<1x125x32xf32, #tpu.memory_space<vmem>>
    %dma_wait3A_330 = tpu.memref_squeeze %dma_wait3A_329 : memref<1x125x32xf32, #tpu.memory_space<vmem>> -> memref<125x32xf32, #tpu.memory_space<vmem>>
    %dma_wait3A_331 = arith.constant 0 : i32
    %dma_wait3A_332 = tpu.memref_slice %arg6[%dma_wait3A_325, %dma_wait3A_331] : memref<80x125xi32, #tpu.memory_space<vmem>> -> memref<1x125xi32, #tpu.memory_space<vmem>>
    %dma_wait3A_333 = tpu.memref_squeeze %dma_wait3A_332 : memref<1x125xi32, #tpu.memory_space<vmem>> -> memref<125xi32, #tpu.memory_space<vmem>>
    %dma_wait3A_334 = arith.constant 0 : i32
    %dma_wait3A_335 = arith.constant 0 : i32
    %dma_wait3A_336 = tpu.memref_slice %arg2[%dma_wait3A_334, %dma_wait3A_335] : memref<10240x32xf32, #tpu.memory_space<hbm>> -> memref<10240x32xf32, #tpu.memory_space<hbm>>
    tpu.wait_indirect_dma semaphore(%arg19 : memref<!tpu.dma_semaphore, #tpu.memory_space<semaphore_mem>>) src(%dma_wait3A_336 : memref<10240x32xf32, #tpu.memory_space<hbm>>) dst(%dma_wait3A_330 : memref<125x32xf32, #tpu.memory_space<vmem>>)
    %run_scoped3A_337 = arith.constant 9 : i32
    %run_scoped3A_338 = arith.constant 73 : i32
    "tpu.region"() ({
      %run_scoped3A_428 = tpu.sem_alloc : memref<!tpu.dma_semaphore, #tpu.memory_space<semaphore_mem>>
      %dma_start3A_429 = arith.constant 0 : i32
      %dma_start3A_430 = arith.constant 0 : i32
      %dma_start3A_431 = tpu.memref_slice %arg8[%run_scoped3A_337, %dma_start3A_429, %dma_start3A_430] : memref<16x125x32xf32, #tpu.memory_space<vmem>> -> memref<1x125x32xf32, #tpu.memory_space<vmem>>
      %dma_start3A_432 = tpu.memref_squeeze %dma_start3A_431 : memref<1x125x32xf32, #tpu.memory_space<vmem>> -> memref<125x32xf32, #tpu.memory_space<vmem>>
      %dma_start3A_433 = arith.constant 0 : i32
      %dma_start3A_434 = tpu.memref_slice %arg7[%run_scoped3A_338, %dma_start3A_433] : memref<80x125xi32, #tpu.memory_space<vmem>> -> memref<1x125xi32, #tpu.memory_space<vmem>>
      %dma_start3A_435 = tpu.memref_squeeze %dma_start3A_434 : memref<1x125xi32, #tpu.memory_space<vmem>> -> memref<125xi32, #tpu.memory_space<vmem>>
      %dma_start3A_436 = arith.constant 0 : i32
      %dma_start3A_437 = arith.constant 0 : i32
      %dma_start3A_438 = tpu.memref_slice %arg9[%dma_start3A_436, %dma_start3A_437] : memref<10240x32xf32, #tpu.memory_space<vmem_shared>> -> memref<10240x32xf32, #tpu.memory_space<vmem_shared>>
      tpu.enqueue_indirect_dma source(%dma_start3A_432 : memref<125x32xf32, #tpu.memory_space<vmem>>) target(%dma_start3A_438 : memref<10240x32xf32, #tpu.memory_space<vmem_shared>>) offsets(%dma_start3A_435 : memref<125xi32, #tpu.memory_space<vmem>>) semaphore(%run_scoped3A_428 : memref<!tpu.dma_semaphore, #tpu.memory_space<semaphore_mem>>) {add = true}
      %dma_wait3A_439 = arith.constant 0 : i32
      %dma_wait3A_440 = arith.constant 0 : i32
      %dma_wait3A_441 = tpu.memref_slice %arg8[%run_scoped3A_337, %dma_wait3A_439, %dma_wait3A_440] : memref<16x125x32xf32, #tpu.memory_space<vmem>> -> memref<1x125x32xf32, #tpu.memory_space<vmem>>
      %dma_wait3A_442 = tpu.memref_squeeze %dma_wait3A_441 : memref<1x125x32xf32, #tpu.memory_space<vmem>> -> memref<125x32xf32, #tpu.memory_space<vmem>>
      %dma_wait3A_443 = arith.constant 0 : i32
      %dma_wait3A_444 = tpu.memref_slice %arg7[%run_scoped3A_338, %dma_wait3A_443] : memref<80x125xi32, #tpu.memory_space<vmem>> -> memref<1x125xi32, #tpu.memory_space<vmem>>
      %dma_wait3A_445 = tpu.memref_squeeze %dma_wait3A_444 : memref<1x125xi32, #tpu.memory_space<vmem>> -> memref<125xi32, #tpu.memory_space<vmem>>
      %dma_wait3A_446 = arith.constant 0 : i32
      %dma_wait3A_447 = arith.constant 0 : i32
      %dma_wait3A_448 = tpu.memref_slice %arg9[%dma_wait3A_446, %dma_wait3A_447] : memref<10240x32xf32, #tpu.memory_space<vmem_shared>> -> memref<10240x32xf32, #tpu.memory_space<vmem_shared>>
      tpu.wait_indirect_dma semaphore(%run_scoped3A_428 : memref<!tpu.dma_semaphore, #tpu.memory_space<semaphore_mem>>) src(%dma_wait3A_442 : memref<125x32xf32, #tpu.memory_space<vmem>>) dst(%dma_wait3A_448 : memref<10240x32xf32, #tpu.memory_space<vmem_shared>>)
      tpu.yield
    }) : () -> ()
    %dma_wait3A_339 = arith.constant 74 : i32
    %dma_wait3A_340 = arith.constant 10 : i32
    %dma_wait3A_341 = arith.constant 0 : i32
    %dma_wait3A_342 = arith.constant 0 : i32
    %dma_wait3A_343 = tpu.memref_slice %arg8[%dma_wait3A_340, %dma_wait3A_341, %dma_wait3A_342] : memref<16x125x32xf32, #tpu.memory_space<vmem>> -> memref<1x125x32xf32, #tpu.memory_space<vmem>>
    %dma_wait3A_344 = tpu.memref_squeeze %dma_wait3A_343 : memref<1x125x32xf32, #tpu.memory_space<vmem>> -> memref<125x32xf32, #tpu.memory_space<vmem>>
    %dma_wait3A_345 = arith.constant 0 : i32
    %dma_wait3A_346 = tpu.memref_slice %arg6[%dma_wait3A_339, %dma_wait3A_345] : memref<80x125xi32, #tpu.memory_space<vmem>> -> memref<1x125xi32, #tpu.memory_space<vmem>>
    %dma_wait3A_347 = tpu.memref_squeeze %dma_wait3A_346 : memref<1x125xi32, #tpu.memory_space<vmem>> -> memref<125xi32, #tpu.memory_space<vmem>>
    %dma_wait3A_348 = arith.constant 0 : i32
    %dma_wait3A_349 = arith.constant 0 : i32
    %dma_wait3A_350 = tpu.memref_slice %arg2[%dma_wait3A_348, %dma_wait3A_349] : memref<10240x32xf32, #tpu.memory_space<hbm>> -> memref<10240x32xf32, #tpu.memory_space<hbm>>
    tpu.wait_indirect_dma semaphore(%arg20 : memref<!tpu.dma_semaphore, #tpu.memory_space<semaphore_mem>>) src(%dma_wait3A_350 : memref<10240x32xf32, #tpu.memory_space<hbm>>) dst(%dma_wait3A_344 : memref<125x32xf32, #tpu.memory_space<vmem>>)
    %run_scoped3A_351 = arith.constant 10 : i32
    %run_scoped3A_352 = arith.constant 74 : i32
    "tpu.region"() ({
      %run_scoped3A_428 = tpu.sem_alloc : memref<!tpu.dma_semaphore, #tpu.memory_space<semaphore_mem>>
      %dma_start3A_429 = arith.constant 0 : i32
      %dma_start3A_430 = arith.constant 0 : i32
      %dma_start3A_431 = tpu.memref_slice %arg8[%run_scoped3A_351, %dma_start3A_429, %dma_start3A_430] : memref<16x125x32xf32, #tpu.memory_space<vmem>> -> memref<1x125x32xf32, #tpu.memory_space<vmem>>
      %dma_start3A_432 = tpu.memref_squeeze %dma_start3A_431 : memref<1x125x32xf32, #tpu.memory_space<vmem>> -> memref<125x32xf32, #tpu.memory_space<vmem>>
      %dma_start3A_433 = arith.constant 0 : i32
      %dma_start3A_434 = tpu.memref_slice %arg7[%run_scoped3A_352, %dma_start3A_433] : memref<80x125xi32, #tpu.memory_space<vmem>> -> memref<1x125xi32, #tpu.memory_space<vmem>>
      %dma_start3A_435 = tpu.memref_squeeze %dma_start3A_434 : memref<1x125xi32, #tpu.memory_space<vmem>> -> memref<125xi32, #tpu.memory_space<vmem>>
      %dma_start3A_436 = arith.constant 0 : i32
      %dma_start3A_437 = arith.constant 0 : i32
      %dma_start3A_438 = tpu.memref_slice %arg9[%dma_start3A_436, %dma_start3A_437] : memref<10240x32xf32, #tpu.memory_space<vmem_shared>> -> memref<10240x32xf32, #tpu.memory_space<vmem_shared>>
      tpu.enqueue_indirect_dma source(%dma_start3A_432 : memref<125x32xf32, #tpu.memory_space<vmem>>) target(%dma_start3A_438 : memref<10240x32xf32, #tpu.memory_space<vmem_shared>>) offsets(%dma_start3A_435 : memref<125xi32, #tpu.memory_space<vmem>>) semaphore(%run_scoped3A_428 : memref<!tpu.dma_semaphore, #tpu.memory_space<semaphore_mem>>) {add = true}
      %dma_wait3A_439 = arith.constant 0 : i32
      %dma_wait3A_440 = arith.constant 0 : i32
      %dma_wait3A_441 = tpu.memref_slice %arg8[%run_scoped3A_351, %dma_wait3A_439, %dma_wait3A_440] : memref<16x125x32xf32, #tpu.memory_space<vmem>> -> memref<1x125x32xf32, #tpu.memory_space<vmem>>
      %dma_wait3A_442 = tpu.memref_squeeze %dma_wait3A_441 : memref<1x125x32xf32, #tpu.memory_space<vmem>> -> memref<125x32xf32, #tpu.memory_space<vmem>>
      %dma_wait3A_443 = arith.constant 0 : i32
      %dma_wait3A_444 = tpu.memref_slice %arg7[%run_scoped3A_352, %dma_wait3A_443] : memref<80x125xi32, #tpu.memory_space<vmem>> -> memref<1x125xi32, #tpu.memory_space<vmem>>
      %dma_wait3A_445 = tpu.memref_squeeze %dma_wait3A_444 : memref<1x125xi32, #tpu.memory_space<vmem>> -> memref<125xi32, #tpu.memory_space<vmem>>
      %dma_wait3A_446 = arith.constant 0 : i32
      %dma_wait3A_447 = arith.constant 0 : i32
      %dma_wait3A_448 = tpu.memref_slice %arg9[%dma_wait3A_446, %dma_wait3A_447] : memref<10240x32xf32, #tpu.memory_space<vmem_shared>> -> memref<10240x32xf32, #tpu.memory_space<vmem_shared>>
      tpu.wait_indirect_dma semaphore(%run_scoped3A_428 : memref<!tpu.dma_semaphore, #tpu.memory_space<semaphore_mem>>) src(%dma_wait3A_442 : memref<125x32xf32, #tpu.memory_space<vmem>>) dst(%dma_wait3A_448 : memref<10240x32xf32, #tpu.memory_space<vmem_shared>>)
      tpu.yield
    }) : () -> ()
    %dma_wait3A_353 = arith.constant 75 : i32
    %dma_wait3A_354 = arith.constant 11 : i32
    %dma_wait3A_355 = arith.constant 0 : i32
    %dma_wait3A_356 = arith.constant 0 : i32
    %dma_wait3A_357 = tpu.memref_slice %arg8[%dma_wait3A_354, %dma_wait3A_355, %dma_wait3A_356] : memref<16x125x32xf32, #tpu.memory_space<vmem>> -> memref<1x125x32xf32, #tpu.memory_space<vmem>>
    %dma_wait3A_358 = tpu.memref_squeeze %dma_wait3A_357 : memref<1x125x32xf32, #tpu.memory_space<vmem>> -> memref<125x32xf32, #tpu.memory_space<vmem>>
    %dma_wait3A_359 = arith.constant 0 : i32
    %dma_wait3A_360 = tpu.memref_slice %arg6[%dma_wait3A_353, %dma_wait3A_359] : memref<80x125xi32, #tpu.memory_space<vmem>> -> memref<1x125xi32, #tpu.memory_space<vmem>>
    %dma_wait3A_361 = tpu.memref_squeeze %dma_wait3A_360 : memref<1x125xi32, #tpu.memory_space<vmem>> -> memref<125xi32, #tpu.memory_space<vmem>>
    %dma_wait3A_362 = arith.constant 0 : i32
    %dma_wait3A_363 = arith.constant 0 : i32
    %dma_wait3A_364 = tpu.memref_slice %arg2[%dma_wait3A_362, %dma_wait3A_363] : memref<10240x32xf32, #tpu.memory_space<hbm>> -> memref<10240x32xf32, #tpu.memory_space<hbm>>
    tpu.wait_indirect_dma semaphore(%arg21 : memref<!tpu.dma_semaphore, #tpu.memory_space<semaphore_mem>>) src(%dma_wait3A_364 : memref<10240x32xf32, #tpu.memory_space<hbm>>) dst(%dma_wait3A_358 : memref<125x32xf32, #tpu.memory_space<vmem>>)
    %run_scoped3A_365 = arith.constant 11 : i32
    %run_scoped3A_366 = arith.constant 75 : i32
    "tpu.region"() ({
      %run_scoped3A_428 = tpu.sem_alloc : memref<!tpu.dma_semaphore, #tpu.memory_space<semaphore_mem>>
      %dma_start3A_429 = arith.constant 0 : i32
      %dma_start3A_430 = arith.constant 0 : i32
      %dma_start3A_431 = tpu.memref_slice %arg8[%run_scoped3A_365, %dma_start3A_429, %dma_start3A_430] : memref<16x125x32xf32, #tpu.memory_space<vmem>> -> memref<1x125x32xf32, #tpu.memory_space<vmem>>
      %dma_start3A_432 = tpu.memref_squeeze %dma_start3A_431 : memref<1x125x32xf32, #tpu.memory_space<vmem>> -> memref<125x32xf32, #tpu.memory_space<vmem>>
      %dma_start3A_433 = arith.constant 0 : i32
      %dma_start3A_434 = tpu.memref_slice %arg7[%run_scoped3A_366, %dma_start3A_433] : memref<80x125xi32, #tpu.memory_space<vmem>> -> memref<1x125xi32, #tpu.memory_space<vmem>>
      %dma_start3A_435 = tpu.memref_squeeze %dma_start3A_434 : memref<1x125xi32, #tpu.memory_space<vmem>> -> memref<125xi32, #tpu.memory_space<vmem>>
      %dma_start3A_436 = arith.constant 0 : i32
      %dma_start3A_437 = arith.constant 0 : i32
      %dma_start3A_438 = tpu.memref_slice %arg9[%dma_start3A_436, %dma_start3A_437] : memref<10240x32xf32, #tpu.memory_space<vmem_shared>> -> memref<10240x32xf32, #tpu.memory_space<vmem_shared>>
      tpu.enqueue_indirect_dma source(%dma_start3A_432 : memref<125x32xf32, #tpu.memory_space<vmem>>) target(%dma_start3A_438 : memref<10240x32xf32, #tpu.memory_space<vmem_shared>>) offsets(%dma_start3A_435 : memref<125xi32, #tpu.memory_space<vmem>>) semaphore(%run_scoped3A_428 : memref<!tpu.dma_semaphore, #tpu.memory_space<semaphore_mem>>) {add = true}
      %dma_wait3A_439 = arith.constant 0 : i32
      %dma_wait3A_440 = arith.constant 0 : i32
      %dma_wait3A_441 = tpu.memref_slice %arg8[%run_scoped3A_365, %dma_wait3A_439, %dma_wait3A_440] : memref<16x125x32xf32, #tpu.memory_space<vmem>> -> memref<1x125x32xf32, #tpu.memory_space<vmem>>
      %dma_wait3A_442 = tpu.memref_squeeze %dma_wait3A_441 : memref<1x125x32xf32, #tpu.memory_space<vmem>> -> memref<125x32xf32, #tpu.memory_space<vmem>>
      %dma_wait3A_443 = arith.constant 0 : i32
      %dma_wait3A_444 = tpu.memref_slice %arg7[%run_scoped3A_366, %dma_wait3A_443] : memref<80x125xi32, #tpu.memory_space<vmem>> -> memref<1x125xi32, #tpu.memory_space<vmem>>
      %dma_wait3A_445 = tpu.memref_squeeze %dma_wait3A_444 : memref<1x125xi32, #tpu.memory_space<vmem>> -> memref<125xi32, #tpu.memory_space<vmem>>
      %dma_wait3A_446 = arith.constant 0 : i32
      %dma_wait3A_447 = arith.constant 0 : i32
      %dma_wait3A_448 = tpu.memref_slice %arg9[%dma_wait3A_446, %dma_wait3A_447] : memref<10240x32xf32, #tpu.memory_space<vmem_shared>> -> memref<10240x32xf32, #tpu.memory_space<vmem_shared>>
      tpu.wait_indirect_dma semaphore(%run_scoped3A_428 : memref<!tpu.dma_semaphore, #tpu.memory_space<semaphore_mem>>) src(%dma_wait3A_442 : memref<125x32xf32, #tpu.memory_space<vmem>>) dst(%dma_wait3A_448 : memref<10240x32xf32, #tpu.memory_space<vmem_shared>>)
      tpu.yield
    }) : () -> ()
    %dma_wait3A_367 = arith.constant 76 : i32
    %dma_wait3A_368 = arith.constant 12 : i32
    %dma_wait3A_369 = arith.constant 0 : i32
    %dma_wait3A_370 = arith.constant 0 : i32
    %dma_wait3A_371 = tpu.memref_slice %arg8[%dma_wait3A_368, %dma_wait3A_369, %dma_wait3A_370] : memref<16x125x32xf32, #tpu.memory_space<vmem>> -> memref<1x125x32xf32, #tpu.memory_space<vmem>>
    %dma_wait3A_372 = tpu.memref_squeeze %dma_wait3A_371 : memref<1x125x32xf32, #tpu.memory_space<vmem>> -> memref<125x32xf32, #tpu.memory_space<vmem>>
    %dma_wait3A_373 = arith.constant 0 : i32
    %dma_wait3A_374 = tpu.memref_slice %arg6[%dma_wait3A_367, %dma_wait3A_373] : memref<80x125xi32, #tpu.memory_space<vmem>> -> memref<1x125xi32, #tpu.memory_space<vmem>>
    %dma_wait3A_375 = tpu.memref_squeeze %dma_wait3A_374 : memref<1x125xi32, #tpu.memory_space<vmem>> -> memref<125xi32, #tpu.memory_space<vmem>>
    %dma_wait3A_376 = arith.constant 0 : i32
    %dma_wait3A_377 = arith.constant 0 : i32
    %dma_wait3A_378 = tpu.memref_slice %arg2[%dma_wait3A_376, %dma_wait3A_377] : memref<10240x32xf32, #tpu.memory_space<hbm>> -> memref<10240x32xf32, #tpu.memory_space<hbm>>
    tpu.wait_indirect_dma semaphore(%arg22 : memref<!tpu.dma_semaphore, #tpu.memory_space<semaphore_mem>>) src(%dma_wait3A_378 : memref<10240x32xf32, #tpu.memory_space<hbm>>) dst(%dma_wait3A_372 : memref<125x32xf32, #tpu.memory_space<vmem>>)
    %run_scoped3A_379 = arith.constant 12 : i32
    %run_scoped3A_380 = arith.constant 76 : i32
    "tpu.region"() ({
      %run_scoped3A_428 = tpu.sem_alloc : memref<!tpu.dma_semaphore, #tpu.memory_space<semaphore_mem>>
      %dma_start3A_429 = arith.constant 0 : i32
      %dma_start3A_430 = arith.constant 0 : i32
      %dma_start3A_431 = tpu.memref_slice %arg8[%run_scoped3A_379, %dma_start3A_429, %dma_start3A_430] : memref<16x125x32xf32, #tpu.memory_space<vmem>> -> memref<1x125x32xf32, #tpu.memory_space<vmem>>
      %dma_start3A_432 = tpu.memref_squeeze %dma_start3A_431 : memref<1x125x32xf32, #tpu.memory_space<vmem>> -> memref<125x32xf32, #tpu.memory_space<vmem>>
      %dma_start3A_433 = arith.constant 0 : i32
      %dma_start3A_434 = tpu.memref_slice %arg7[%run_scoped3A_380, %dma_start3A_433] : memref<80x125xi32, #tpu.memory_space<vmem>> -> memref<1x125xi32, #tpu.memory_space<vmem>>
      %dma_start3A_435 = tpu.memref_squeeze %dma_start3A_434 : memref<1x125xi32, #tpu.memory_space<vmem>> -> memref<125xi32, #tpu.memory_space<vmem>>
      %dma_start3A_436 = arith.constant 0 : i32
      %dma_start3A_437 = arith.constant 0 : i32
      %dma_start3A_438 = tpu.memref_slice %arg9[%dma_start3A_436, %dma_start3A_437] : memref<10240x32xf32, #tpu.memory_space<vmem_shared>> -> memref<10240x32xf32, #tpu.memory_space<vmem_shared>>
      tpu.enqueue_indirect_dma source(%dma_start3A_432 : memref<125x32xf32, #tpu.memory_space<vmem>>) target(%dma_start3A_438 : memref<10240x32xf32, #tpu.memory_space<vmem_shared>>) offsets(%dma_start3A_435 : memref<125xi32, #tpu.memory_space<vmem>>) semaphore(%run_scoped3A_428 : memref<!tpu.dma_semaphore, #tpu.memory_space<semaphore_mem>>) {add = true}
      %dma_wait3A_439 = arith.constant 0 : i32
      %dma_wait3A_440 = arith.constant 0 : i32
      %dma_wait3A_441 = tpu.memref_slice %arg8[%run_scoped3A_379, %dma_wait3A_439, %dma_wait3A_440] : memref<16x125x32xf32, #tpu.memory_space<vmem>> -> memref<1x125x32xf32, #tpu.memory_space<vmem>>
      %dma_wait3A_442 = tpu.memref_squeeze %dma_wait3A_441 : memref<1x125x32xf32, #tpu.memory_space<vmem>> -> memref<125x32xf32, #tpu.memory_space<vmem>>
      %dma_wait3A_443 = arith.constant 0 : i32
      %dma_wait3A_444 = tpu.memref_slice %arg7[%run_scoped3A_380, %dma_wait3A_443] : memref<80x125xi32, #tpu.memory_space<vmem>> -> memref<1x125xi32, #tpu.memory_space<vmem>>
      %dma_wait3A_445 = tpu.memref_squeeze %dma_wait3A_444 : memref<1x125xi32, #tpu.memory_space<vmem>> -> memref<125xi32, #tpu.memory_space<vmem>>
      %dma_wait3A_446 = arith.constant 0 : i32
      %dma_wait3A_447 = arith.constant 0 : i32
      %dma_wait3A_448 = tpu.memref_slice %arg9[%dma_wait3A_446, %dma_wait3A_447] : memref<10240x32xf32, #tpu.memory_space<vmem_shared>> -> memref<10240x32xf32, #tpu.memory_space<vmem_shared>>
      tpu.wait_indirect_dma semaphore(%run_scoped3A_428 : memref<!tpu.dma_semaphore, #tpu.memory_space<semaphore_mem>>) src(%dma_wait3A_442 : memref<125x32xf32, #tpu.memory_space<vmem>>) dst(%dma_wait3A_448 : memref<10240x32xf32, #tpu.memory_space<vmem_shared>>)
      tpu.yield
    }) : () -> ()
    %dma_wait3A_381 = arith.constant 77 : i32
    %dma_wait3A_382 = arith.constant 13 : i32
    %dma_wait3A_383 = arith.constant 0 : i32
    %dma_wait3A_384 = arith.constant 0 : i32
    %dma_wait3A_385 = tpu.memref_slice %arg8[%dma_wait3A_382, %dma_wait3A_383, %dma_wait3A_384] : memref<16x125x32xf32, #tpu.memory_space<vmem>> -> memref<1x125x32xf32, #tpu.memory_space<vmem>>
    %dma_wait3A_386 = tpu.memref_squeeze %dma_wait3A_385 : memref<1x125x32xf32, #tpu.memory_space<vmem>> -> memref<125x32xf32, #tpu.memory_space<vmem>>
    %dma_wait3A_387 = arith.constant 0 : i32
    %dma_wait3A_388 = tpu.memref_slice %arg6[%dma_wait3A_381, %dma_wait3A_387] : memref<80x125xi32, #tpu.memory_space<vmem>> -> memref<1x125xi32, #tpu.memory_space<vmem>>
    %dma_wait3A_389 = tpu.memref_squeeze %dma_wait3A_388 : memref<1x125xi32, #tpu.memory_space<vmem>> -> memref<125xi32, #tpu.memory_space<vmem>>
    %dma_wait3A_390 = arith.constant 0 : i32
    %dma_wait3A_391 = arith.constant 0 : i32
    %dma_wait3A_392 = tpu.memref_slice %arg2[%dma_wait3A_390, %dma_wait3A_391] : memref<10240x32xf32, #tpu.memory_space<hbm>> -> memref<10240x32xf32, #tpu.memory_space<hbm>>
    tpu.wait_indirect_dma semaphore(%arg23 : memref<!tpu.dma_semaphore, #tpu.memory_space<semaphore_mem>>) src(%dma_wait3A_392 : memref<10240x32xf32, #tpu.memory_space<hbm>>) dst(%dma_wait3A_386 : memref<125x32xf32, #tpu.memory_space<vmem>>)
    %run_scoped3A_393 = arith.constant 13 : i32
    %run_scoped3A_394 = arith.constant 77 : i32
    "tpu.region"() ({
      %run_scoped3A_428 = tpu.sem_alloc : memref<!tpu.dma_semaphore, #tpu.memory_space<semaphore_mem>>
      %dma_start3A_429 = arith.constant 0 : i32
      %dma_start3A_430 = arith.constant 0 : i32
      %dma_start3A_431 = tpu.memref_slice %arg8[%run_scoped3A_393, %dma_start3A_429, %dma_start3A_430] : memref<16x125x32xf32, #tpu.memory_space<vmem>> -> memref<1x125x32xf32, #tpu.memory_space<vmem>>
      %dma_start3A_432 = tpu.memref_squeeze %dma_start3A_431 : memref<1x125x32xf32, #tpu.memory_space<vmem>> -> memref<125x32xf32, #tpu.memory_space<vmem>>
      %dma_start3A_433 = arith.constant 0 : i32
      %dma_start3A_434 = tpu.memref_slice %arg7[%run_scoped3A_394, %dma_start3A_433] : memref<80x125xi32, #tpu.memory_space<vmem>> -> memref<1x125xi32, #tpu.memory_space<vmem>>
      %dma_start3A_435 = tpu.memref_squeeze %dma_start3A_434 : memref<1x125xi32, #tpu.memory_space<vmem>> -> memref<125xi32, #tpu.memory_space<vmem>>
      %dma_start3A_436 = arith.constant 0 : i32
      %dma_start3A_437 = arith.constant 0 : i32
      %dma_start3A_438 = tpu.memref_slice %arg9[%dma_start3A_436, %dma_start3A_437] : memref<10240x32xf32, #tpu.memory_space<vmem_shared>> -> memref<10240x32xf32, #tpu.memory_space<vmem_shared>>
      tpu.enqueue_indirect_dma source(%dma_start3A_432 : memref<125x32xf32, #tpu.memory_space<vmem>>) target(%dma_start3A_438 : memref<10240x32xf32, #tpu.memory_space<vmem_shared>>) offsets(%dma_start3A_435 : memref<125xi32, #tpu.memory_space<vmem>>) semaphore(%run_scoped3A_428 : memref<!tpu.dma_semaphore, #tpu.memory_space<semaphore_mem>>) {add = true}
      %dma_wait3A_439 = arith.constant 0 : i32
      %dma_wait3A_440 = arith.constant 0 : i32
      %dma_wait3A_441 = tpu.memref_slice %arg8[%run_scoped3A_393, %dma_wait3A_439, %dma_wait3A_440] : memref<16x125x32xf32, #tpu.memory_space<vmem>> -> memref<1x125x32xf32, #tpu.memory_space<vmem>>
      %dma_wait3A_442 = tpu.memref_squeeze %dma_wait3A_441 : memref<1x125x32xf32, #tpu.memory_space<vmem>> -> memref<125x32xf32, #tpu.memory_space<vmem>>
      %dma_wait3A_443 = arith.constant 0 : i32
      %dma_wait3A_444 = tpu.memref_slice %arg7[%run_scoped3A_394, %dma_wait3A_443] : memref<80x125xi32, #tpu.memory_space<vmem>> -> memref<1x125xi32, #tpu.memory_space<vmem>>
      %dma_wait3A_445 = tpu.memref_squeeze %dma_wait3A_444 : memref<1x125xi32, #tpu.memory_space<vmem>> -> memref<125xi32, #tpu.memory_space<vmem>>
      %dma_wait3A_446 = arith.constant 0 : i32
      %dma_wait3A_447 = arith.constant 0 : i32
      %dma_wait3A_448 = tpu.memref_slice %arg9[%dma_wait3A_446, %dma_wait3A_447] : memref<10240x32xf32, #tpu.memory_space<vmem_shared>> -> memref<10240x32xf32, #tpu.memory_space<vmem_shared>>
      tpu.wait_indirect_dma semaphore(%run_scoped3A_428 : memref<!tpu.dma_semaphore, #tpu.memory_space<semaphore_mem>>) src(%dma_wait3A_442 : memref<125x32xf32, #tpu.memory_space<vmem>>) dst(%dma_wait3A_448 : memref<10240x32xf32, #tpu.memory_space<vmem_shared>>)
      tpu.yield
    }) : () -> ()
    %dma_wait3A_395 = arith.constant 78 : i32
    %dma_wait3A_396 = arith.constant 14 : i32
    %dma_wait3A_397 = arith.constant 0 : i32
    %dma_wait3A_398 = arith.constant 0 : i32
    %dma_wait3A_399 = tpu.memref_slice %arg8[%dma_wait3A_396, %dma_wait3A_397, %dma_wait3A_398] : memref<16x125x32xf32, #tpu.memory_space<vmem>> -> memref<1x125x32xf32, #tpu.memory_space<vmem>>
    %dma_wait3A_400 = tpu.memref_squeeze %dma_wait3A_399 : memref<1x125x32xf32, #tpu.memory_space<vmem>> -> memref<125x32xf32, #tpu.memory_space<vmem>>
    %dma_wait3A_401 = arith.constant 0 : i32
    %dma_wait3A_402 = tpu.memref_slice %arg6[%dma_wait3A_395, %dma_wait3A_401] : memref<80x125xi32, #tpu.memory_space<vmem>> -> memref<1x125xi32, #tpu.memory_space<vmem>>
    %dma_wait3A_403 = tpu.memref_squeeze %dma_wait3A_402 : memref<1x125xi32, #tpu.memory_space<vmem>> -> memref<125xi32, #tpu.memory_space<vmem>>
    %dma_wait3A_404 = arith.constant 0 : i32
    %dma_wait3A_405 = arith.constant 0 : i32
    %dma_wait3A_406 = tpu.memref_slice %arg2[%dma_wait3A_404, %dma_wait3A_405] : memref<10240x32xf32, #tpu.memory_space<hbm>> -> memref<10240x32xf32, #tpu.memory_space<hbm>>
    tpu.wait_indirect_dma semaphore(%arg24 : memref<!tpu.dma_semaphore, #tpu.memory_space<semaphore_mem>>) src(%dma_wait3A_406 : memref<10240x32xf32, #tpu.memory_space<hbm>>) dst(%dma_wait3A_400 : memref<125x32xf32, #tpu.memory_space<vmem>>)
    %run_scoped3A_407 = arith.constant 14 : i32
    %run_scoped3A_408 = arith.constant 78 : i32
    "tpu.region"() ({
      %run_scoped3A_428 = tpu.sem_alloc : memref<!tpu.dma_semaphore, #tpu.memory_space<semaphore_mem>>
      %dma_start3A_429 = arith.constant 0 : i32
      %dma_start3A_430 = arith.constant 0 : i32
      %dma_start3A_431 = tpu.memref_slice %arg8[%run_scoped3A_407, %dma_start3A_429, %dma_start3A_430] : memref<16x125x32xf32, #tpu.memory_space<vmem>> -> memref<1x125x32xf32, #tpu.memory_space<vmem>>
      %dma_start3A_432 = tpu.memref_squeeze %dma_start3A_431 : memref<1x125x32xf32, #tpu.memory_space<vmem>> -> memref<125x32xf32, #tpu.memory_space<vmem>>
      %dma_start3A_433 = arith.constant 0 : i32
      %dma_start3A_434 = tpu.memref_slice %arg7[%run_scoped3A_408, %dma_start3A_433] : memref<80x125xi32, #tpu.memory_space<vmem>> -> memref<1x125xi32, #tpu.memory_space<vmem>>
      %dma_start3A_435 = tpu.memref_squeeze %dma_start3A_434 : memref<1x125xi32, #tpu.memory_space<vmem>> -> memref<125xi32, #tpu.memory_space<vmem>>
      %dma_start3A_436 = arith.constant 0 : i32
      %dma_start3A_437 = arith.constant 0 : i32
      %dma_start3A_438 = tpu.memref_slice %arg9[%dma_start3A_436, %dma_start3A_437] : memref<10240x32xf32, #tpu.memory_space<vmem_shared>> -> memref<10240x32xf32, #tpu.memory_space<vmem_shared>>
      tpu.enqueue_indirect_dma source(%dma_start3A_432 : memref<125x32xf32, #tpu.memory_space<vmem>>) target(%dma_start3A_438 : memref<10240x32xf32, #tpu.memory_space<vmem_shared>>) offsets(%dma_start3A_435 : memref<125xi32, #tpu.memory_space<vmem>>) semaphore(%run_scoped3A_428 : memref<!tpu.dma_semaphore, #tpu.memory_space<semaphore_mem>>) {add = true}
      %dma_wait3A_439 = arith.constant 0 : i32
      %dma_wait3A_440 = arith.constant 0 : i32
      %dma_wait3A_441 = tpu.memref_slice %arg8[%run_scoped3A_407, %dma_wait3A_439, %dma_wait3A_440] : memref<16x125x32xf32, #tpu.memory_space<vmem>> -> memref<1x125x32xf32, #tpu.memory_space<vmem>>
      %dma_wait3A_442 = tpu.memref_squeeze %dma_wait3A_441 : memref<1x125x32xf32, #tpu.memory_space<vmem>> -> memref<125x32xf32, #tpu.memory_space<vmem>>
      %dma_wait3A_443 = arith.constant 0 : i32
      %dma_wait3A_444 = tpu.memref_slice %arg7[%run_scoped3A_408, %dma_wait3A_443] : memref<80x125xi32, #tpu.memory_space<vmem>> -> memref<1x125xi32, #tpu.memory_space<vmem>>
      %dma_wait3A_445 = tpu.memref_squeeze %dma_wait3A_444 : memref<1x125xi32, #tpu.memory_space<vmem>> -> memref<125xi32, #tpu.memory_space<vmem>>
      %dma_wait3A_446 = arith.constant 0 : i32
      %dma_wait3A_447 = arith.constant 0 : i32
      %dma_wait3A_448 = tpu.memref_slice %arg9[%dma_wait3A_446, %dma_wait3A_447] : memref<10240x32xf32, #tpu.memory_space<vmem_shared>> -> memref<10240x32xf32, #tpu.memory_space<vmem_shared>>
      tpu.wait_indirect_dma semaphore(%run_scoped3A_428 : memref<!tpu.dma_semaphore, #tpu.memory_space<semaphore_mem>>) src(%dma_wait3A_442 : memref<125x32xf32, #tpu.memory_space<vmem>>) dst(%dma_wait3A_448 : memref<10240x32xf32, #tpu.memory_space<vmem_shared>>)
      tpu.yield
    }) : () -> ()
    %dma_wait3A_409 = arith.constant 79 : i32
    %dma_wait3A_410 = arith.constant 15 : i32
    %dma_wait3A_411 = arith.constant 0 : i32
    %dma_wait3A_412 = arith.constant 0 : i32
    %dma_wait3A_413 = tpu.memref_slice %arg8[%dma_wait3A_410, %dma_wait3A_411, %dma_wait3A_412] : memref<16x125x32xf32, #tpu.memory_space<vmem>> -> memref<1x125x32xf32, #tpu.memory_space<vmem>>
    %dma_wait3A_414 = tpu.memref_squeeze %dma_wait3A_413 : memref<1x125x32xf32, #tpu.memory_space<vmem>> -> memref<125x32xf32, #tpu.memory_space<vmem>>
    %dma_wait3A_415 = arith.constant 0 : i32
    %dma_wait3A_416 = tpu.memref_slice %arg6[%dma_wait3A_409, %dma_wait3A_415] : memref<80x125xi32, #tpu.memory_space<vmem>> -> memref<1x125xi32, #tpu.memory_space<vmem>>
    %dma_wait3A_417 = tpu.memref_squeeze %dma_wait3A_416 : memref<1x125xi32, #tpu.memory_space<vmem>> -> memref<125xi32, #tpu.memory_space<vmem>>
    %dma_wait3A_418 = arith.constant 0 : i32
    %dma_wait3A_419 = arith.constant 0 : i32
    %dma_wait3A_420 = tpu.memref_slice %arg2[%dma_wait3A_418, %dma_wait3A_419] : memref<10240x32xf32, #tpu.memory_space<hbm>> -> memref<10240x32xf32, #tpu.memory_space<hbm>>
    tpu.wait_indirect_dma semaphore(%arg25 : memref<!tpu.dma_semaphore, #tpu.memory_space<semaphore_mem>>) src(%dma_wait3A_420 : memref<10240x32xf32, #tpu.memory_space<hbm>>) dst(%dma_wait3A_414 : memref<125x32xf32, #tpu.memory_space<vmem>>)
    %run_scoped3A_421 = arith.constant 15 : i32
    %run_scoped3A_422 = arith.constant 79 : i32
    "tpu.region"() ({
      %run_scoped3A_428 = tpu.sem_alloc : memref<!tpu.dma_semaphore, #tpu.memory_space<semaphore_mem>>
      %dma_start3A_429 = arith.constant 0 : i32
      %dma_start3A_430 = arith.constant 0 : i32
      %dma_start3A_431 = tpu.memref_slice %arg8[%run_scoped3A_421, %dma_start3A_429, %dma_start3A_430] : memref<16x125x32xf32, #tpu.memory_space<vmem>> -> memref<1x125x32xf32, #tpu.memory_space<vmem>>
      %dma_start3A_432 = tpu.memref_squeeze %dma_start3A_431 : memref<1x125x32xf32, #tpu.memory_space<vmem>> -> memref<125x32xf32, #tpu.memory_space<vmem>>
      %dma_start3A_433 = arith.constant 0 : i32
      %dma_start3A_434 = tpu.memref_slice %arg7[%run_scoped3A_422, %dma_start3A_433] : memref<80x125xi32, #tpu.memory_space<vmem>> -> memref<1x125xi32, #tpu.memory_space<vmem>>
      %dma_start3A_435 = tpu.memref_squeeze %dma_start3A_434 : memref<1x125xi32, #tpu.memory_space<vmem>> -> memref<125xi32, #tpu.memory_space<vmem>>
      %dma_start3A_436 = arith.constant 0 : i32
      %dma_start3A_437 = arith.constant 0 : i32
      %dma_start3A_438 = tpu.memref_slice %arg9[%dma_start3A_436, %dma_start3A_437] : memref<10240x32xf32, #tpu.memory_space<vmem_shared>> -> memref<10240x32xf32, #tpu.memory_space<vmem_shared>>
      tpu.enqueue_indirect_dma source(%dma_start3A_432 : memref<125x32xf32, #tpu.memory_space<vmem>>) target(%dma_start3A_438 : memref<10240x32xf32, #tpu.memory_space<vmem_shared>>) offsets(%dma_start3A_435 : memref<125xi32, #tpu.memory_space<vmem>>) semaphore(%run_scoped3A_428 : memref<!tpu.dma_semaphore, #tpu.memory_space<semaphore_mem>>) {add = true}
      %dma_wait3A_439 = arith.constant 0 : i32
      %dma_wait3A_440 = arith.constant 0 : i32
      %dma_wait3A_441 = tpu.memref_slice %arg8[%run_scoped3A_421, %dma_wait3A_439, %dma_wait3A_440] : memref<16x125x32xf32, #tpu.memory_space<vmem>> -> memref<1x125x32xf32, #tpu.memory_space<vmem>>
      %dma_wait3A_442 = tpu.memref_squeeze %dma_wait3A_441 : memref<1x125x32xf32, #tpu.memory_space<vmem>> -> memref<125x32xf32, #tpu.memory_space<vmem>>
      %dma_wait3A_443 = arith.constant 0 : i32
      %dma_wait3A_444 = tpu.memref_slice %arg7[%run_scoped3A_422, %dma_wait3A_443] : memref<80x125xi32, #tpu.memory_space<vmem>> -> memref<1x125xi32, #tpu.memory_space<vmem>>
      %dma_wait3A_445 = tpu.memref_squeeze %dma_wait3A_444 : memref<1x125xi32, #tpu.memory_space<vmem>> -> memref<125xi32, #tpu.memory_space<vmem>>
      %dma_wait3A_446 = arith.constant 0 : i32
      %dma_wait3A_447 = arith.constant 0 : i32
      %dma_wait3A_448 = tpu.memref_slice %arg9[%dma_wait3A_446, %dma_wait3A_447] : memref<10240x32xf32, #tpu.memory_space<vmem_shared>> -> memref<10240x32xf32, #tpu.memory_space<vmem_shared>>
      tpu.wait_indirect_dma semaphore(%run_scoped3A_428 : memref<!tpu.dma_semaphore, #tpu.memory_space<semaphore_mem>>) src(%dma_wait3A_442 : memref<125x32xf32, #tpu.memory_space<vmem>>) dst(%dma_wait3A_448 : memref<10240x32xf32, #tpu.memory_space<vmem_shared>>)
      tpu.yield
    }) : () -> ()
    %barrier3A_423 = arith.constant 0 : index
    tpu.barrier barrier_id(%barrier3A_423)
    %mul3A_424 = arith.constant 640 : i32
    %mul3A_425 = arith.muli %arg1, %mul3A_424 : i32
    %mul3A_426 = arith.constant 640 : i32
    %mul3A_427 = arith.muli %arg1, %mul3A_426 : i32
    "tpu.region"() ({
      %run_scoped3A_428 = tpu.sem_alloc : memref<!tpu.dma_semaphore, #tpu.memory_space<semaphore_mem>>
      %dma_start3A_429 = arith.constant 0 : i32
      %dma_start3A_430 = tpu.memref_slice %arg5[%arg0, %mul3A_427, %dma_start3A_429] : memref<2x10240x32xf32, #tpu.memory_space<hbm>> -> memref<1x640x32xf32, #tpu.memory_space<hbm>>
      %dma_start3A_431 = tpu.memref_squeeze %dma_start3A_430 : memref<1x640x32xf32, #tpu.memory_space<hbm>> -> memref<640x32xf32, #tpu.memory_space<hbm>>
      %dma_start3A_432 = arith.constant 0 : i32
      %dma_start3A_433 = tpu.memref_slice %arg9[%mul3A_425, %dma_start3A_432] : memref<10240x32xf32, #tpu.memory_space<vmem_shared>> -> memref<640x32xf32, #tpu.memory_space<vmem_shared>>
      tpu.enqueue_dma source(%dma_start3A_433 : memref<640x32xf32, #tpu.memory_space<vmem_shared>>) target(%dma_start3A_431 : memref<640x32xf32, #tpu.memory_space<hbm>>) target_semaphore(%run_scoped3A_428 : memref<!tpu.dma_semaphore, #tpu.memory_space<semaphore_mem>>)
      %dma_wait3A_434 = arith.constant 0 : i32
      %dma_wait3A_435 = tpu.memref_slice %arg5[%arg0, %mul3A_427, %dma_wait3A_434] : memref<2x10240x32xf32, #tpu.memory_space<hbm>> -> memref<1x640x32xf32, #tpu.memory_space<hbm>>
      %dma_wait3A_436 = tpu.memref_squeeze %dma_wait3A_435 : memref<1x640x32xf32, #tpu.memory_space<hbm>> -> memref<640x32xf32, #tpu.memory_space<hbm>>
      %dma_wait3A_437 = arith.constant 0 : i32
      %dma_wait3A_438 = tpu.memref_slice %arg9[%mul3A_425, %dma_wait3A_437] : memref<10240x32xf32, #tpu.memory_space<vmem_shared>> -> memref<640x32xf32, #tpu.memory_space<vmem_shared>>
      tpu.wait_dma2 semaphore(%run_scoped3A_428 : memref<!tpu.dma_semaphore, #tpu.memory_space<semaphore_mem>>) src(%dma_wait3A_438 : memref<640x32xf32, #tpu.memory_space<vmem_shared>>) dst(%dma_wait3A_436 : memref<640x32xf32, #tpu.memory_space<hbm>>)
      tpu.yield
    }) : () -> ()
    return
  }
}

#map = affine_map<(d0, d1) -> (0, 0, 0, 0)>
#map1 = affine_map<(d0, d1) -> (0, 0)>
#map2 = affine_map<(d0, d1) -> (0, 0, 0)>
module attributes {stable_mosaic.version = 14 : i64} {
  func.func @deg_kernel(%arg0: i32, %arg1: i32, %arg2: memref<2x32x80x125xi32, #tpu.memory_space<hbm>>, %arg3: memref<125x8xf32, #tpu.memory_space<hbm>>, %arg4: memref<640x8xf32, #tpu.memory_space<hbm>>, %arg5: memref<2x10240x8xf32, #tpu.memory_space<hbm>>, %arg6: memref<80x125xi32, #tpu.memory_space<vmem>>, %arg7: memref<125x8xf32, #tpu.memory_space<vmem>>, %arg8: memref<10240x8xf32, #tpu.memory_space<vmem_shared>>, %arg9: memref<!tpu.dma_semaphore, #tpu.memory_space<semaphore_mem>>) attributes {dimension_semantics = [#tpu.dimension_semantics<core_parallel>, #tpu.dimension_semantics<subcore_parallel>], iteration_bounds = array<i64: 2, 16>, scalar_prefetch = 0 : i64, scratch_operands = 4 : i64, tpu.core_type = #tpu.core_type<sc_vector_subcore>, window_params = [{transform_indices = #map}, {transform_indices = #map1}, {transform_indices = #map1}, {transform_indices = #map2}]} {
    %mul3A = arith.constant 16 : i32
    %mul3A_0 = arith.muli %arg0, %mul3A : i32
    %add3A = arith.addi %mul3A_0, %arg1 : i32
    %run_scoped3A = arith.constant 1 : i32
    "tpu.region"() ({
      %run_scoped3A_19 = tpu.sem_alloc : memref<!tpu.dma_semaphore, #tpu.memory_space<semaphore_mem>>
      %dma_start3A = arith.constant 0 : i32
      %dma_start3A_20 = arith.constant 0 : i32
      %dma_start3A_21 = tpu.memref_slice %arg2[%run_scoped3A, %add3A, %dma_start3A, %dma_start3A_20] : memref<2x32x80x125xi32, #tpu.memory_space<hbm>> -> memref<1x1x80x125xi32, #tpu.memory_space<hbm>>
      %dma_start3A_22 = tpu.memref_squeeze %dma_start3A_21 : memref<1x1x80x125xi32, #tpu.memory_space<hbm>> -> memref<80x125xi32, #tpu.memory_space<hbm>>
      %dma_start3A_23 = arith.constant 0 : i32
      %dma_start3A_24 = arith.constant 0 : i32
      %dma_start3A_25 = tpu.memref_slice %arg2[%run_scoped3A, %add3A, %dma_start3A_23, %dma_start3A_24] : memref<2x32x80x125xi32, #tpu.memory_space<hbm>> -> memref<1x1x80x125xi32, #tpu.memory_space<hbm>>
      %dma_start3A_26 = tpu.memref_squeeze %dma_start3A_25 : memref<1x1x80x125xi32, #tpu.memory_space<hbm>> -> memref<80x125xi32, #tpu.memory_space<hbm>>
      tpu.enqueue_dma source(%dma_start3A_26 : memref<80x125xi32, #tpu.memory_space<hbm>>) target(%arg6 : memref<80x125xi32, #tpu.memory_space<vmem>>) target_semaphore(%run_scoped3A_19 : memref<!tpu.dma_semaphore, #tpu.memory_space<semaphore_mem>>)
      %dma_wait3A = arith.constant 0 : i32
      %dma_wait3A_27 = arith.constant 0 : i32
      %dma_wait3A_28 = tpu.memref_slice %arg2[%run_scoped3A, %add3A, %dma_wait3A, %dma_wait3A_27] : memref<2x32x80x125xi32, #tpu.memory_space<hbm>> -> memref<1x1x80x125xi32, #tpu.memory_space<hbm>>
      %dma_wait3A_29 = tpu.memref_squeeze %dma_wait3A_28 : memref<1x1x80x125xi32, #tpu.memory_space<hbm>> -> memref<80x125xi32, #tpu.memory_space<hbm>>
      %dma_wait3A_30 = arith.constant 0 : i32
      %dma_wait3A_31 = arith.constant 0 : i32
      %dma_wait3A_32 = tpu.memref_slice %arg2[%run_scoped3A, %add3A, %dma_wait3A_30, %dma_wait3A_31] : memref<2x32x80x125xi32, #tpu.memory_space<hbm>> -> memref<1x1x80x125xi32, #tpu.memory_space<hbm>>
      %dma_wait3A_33 = tpu.memref_squeeze %dma_wait3A_32 : memref<1x1x80x125xi32, #tpu.memory_space<hbm>> -> memref<80x125xi32, #tpu.memory_space<hbm>>
      tpu.wait_dma2 semaphore(%run_scoped3A_19 : memref<!tpu.dma_semaphore, #tpu.memory_space<semaphore_mem>>) src(%dma_wait3A_33 : memref<80x125xi32, #tpu.memory_space<hbm>>) dst(%arg6 : memref<80x125xi32, #tpu.memory_space<vmem>>)
      tpu.yield
    }) : () -> ()
    "tpu.region"() ({
      %run_scoped3A_19 = tpu.sem_alloc : memref<!tpu.dma_semaphore, #tpu.memory_space<semaphore_mem>>
      tpu.enqueue_dma source(%arg3 : memref<125x8xf32, #tpu.memory_space<hbm>>) target(%arg7 : memref<125x8xf32, #tpu.memory_space<vmem>>) target_semaphore(%run_scoped3A_19 : memref<!tpu.dma_semaphore, #tpu.memory_space<semaphore_mem>>)
      tpu.wait_dma2 semaphore(%run_scoped3A_19 : memref<!tpu.dma_semaphore, #tpu.memory_space<semaphore_mem>>) src(%arg3 : memref<125x8xf32, #tpu.memory_space<hbm>>) dst(%arg7 : memref<125x8xf32, #tpu.memory_space<vmem>>)
      tpu.yield
    }) : () -> ()
    %mul3A_1 = arith.constant 640 : i32
    %mul3A_2 = arith.muli %arg1, %mul3A_1 : i32
    "tpu.region"() ({
      %run_scoped3A_19 = tpu.sem_alloc : memref<!tpu.dma_semaphore, #tpu.memory_space<semaphore_mem>>
      %dma_start3A = arith.constant 0 : i32
      %dma_start3A_20 = tpu.memref_slice %arg8[%mul3A_2, %dma_start3A] : memref<10240x8xf32, #tpu.memory_space<vmem_shared>> -> memref<640x8xf32, #tpu.memory_space<vmem_shared>>
      tpu.enqueue_dma source(%arg4 : memref<640x8xf32, #tpu.memory_space<hbm>>) target(%dma_start3A_20 : memref<640x8xf32, #tpu.memory_space<vmem_shared>>) target_semaphore(%run_scoped3A_19 : memref<!tpu.dma_semaphore, #tpu.memory_space<semaphore_mem>>)
      %dma_wait3A = arith.constant 0 : i32
      %dma_wait3A_21 = tpu.memref_slice %arg8[%mul3A_2, %dma_wait3A] : memref<10240x8xf32, #tpu.memory_space<vmem_shared>> -> memref<640x8xf32, #tpu.memory_space<vmem_shared>>
      tpu.wait_dma2 semaphore(%run_scoped3A_19 : memref<!tpu.dma_semaphore, #tpu.memory_space<semaphore_mem>>) src(%arg4 : memref<640x8xf32, #tpu.memory_space<hbm>>) dst(%dma_wait3A_21 : memref<640x8xf32, #tpu.memory_space<vmem_shared>>)
      tpu.yield
    }) : () -> ()
    %barrier3A = arith.constant 0 : index
    tpu.barrier barrier_id(%barrier3A)
    %scan3A = arith.constant 0 : i32
    %scan3A_3 = arith.constant 0 : i32
    %scan3A_4 = arith.constant 80 : i32
    %scan3A_5 = arith.addi %scan3A_3, %scan3A_4 : i32
    %scan3A_6 = arith.constant 1 : i32
    scf.for %scan3A_19 = %scan3A_3 to %scan3A_5 step %scan3A_6  : i32 {
      %dma_start3A = arith.constant 0 : i32
      %dma_start3A_20 = tpu.memref_slice %arg6[%scan3A_19, %dma_start3A] : memref<80x125xi32, #tpu.memory_space<vmem>> -> memref<1x125xi32, #tpu.memory_space<vmem>>
      %dma_start3A_21 = tpu.memref_squeeze %dma_start3A_20 : memref<1x125xi32, #tpu.memory_space<vmem>> -> memref<125xi32, #tpu.memory_space<vmem>>
      %dma_start3A_22 = arith.constant 0 : i32
      %dma_start3A_23 = arith.constant 0 : i32
      %dma_start3A_24 = tpu.memref_slice %arg8[%dma_start3A_22, %dma_start3A_23] : memref<10240x8xf32, #tpu.memory_space<vmem_shared>> -> memref<10240x8xf32, #tpu.memory_space<vmem_shared>>
      tpu.enqueue_indirect_dma source(%arg7 : memref<125x8xf32, #tpu.memory_space<vmem>>) target(%dma_start3A_24 : memref<10240x8xf32, #tpu.memory_space<vmem_shared>>) offsets(%dma_start3A_21 : memref<125xi32, #tpu.memory_space<vmem>>) semaphore(%arg9 : memref<!tpu.dma_semaphore, #tpu.memory_space<semaphore_mem>>) {add = true}
    }
    %scan3A_7 = arith.constant 80 : i32
    %scan3A_8 = arith.constant 0 : i32
    %scan3A_9 = arith.constant 0 : i32
    %scan3A_10 = arith.constant 80 : i32
    %scan3A_11 = arith.addi %scan3A_9, %scan3A_10 : i32
    %scan3A_12 = arith.constant 1 : i32
    scf.for %scan3A_19 = %scan3A_9 to %scan3A_11 step %scan3A_12  : i32 {
      %dma_wait3A = arith.constant 0 : i32
      %dma_wait3A_20 = arith.constant 0 : i32
      %dma_wait3A_21 = tpu.memref_slice %arg6[%dma_wait3A, %dma_wait3A_20] : memref<80x125xi32, #tpu.memory_space<vmem>> -> memref<1x125xi32, #tpu.memory_space<vmem>>
      %dma_wait3A_22 = tpu.memref_squeeze %dma_wait3A_21 : memref<1x125xi32, #tpu.memory_space<vmem>> -> memref<125xi32, #tpu.memory_space<vmem>>
      %dma_wait3A_23 = arith.constant 0 : i32
      %dma_wait3A_24 = arith.constant 0 : i32
      %dma_wait3A_25 = tpu.memref_slice %arg8[%dma_wait3A_23, %dma_wait3A_24] : memref<10240x8xf32, #tpu.memory_space<vmem_shared>> -> memref<10240x8xf32, #tpu.memory_space<vmem_shared>>
      tpu.wait_indirect_dma semaphore(%arg9 : memref<!tpu.dma_semaphore, #tpu.memory_space<semaphore_mem>>) src(%arg7 : memref<125x8xf32, #tpu.memory_space<vmem>>) dst(%dma_wait3A_25 : memref<10240x8xf32, #tpu.memory_space<vmem_shared>>)
    }
    %scan3A_13 = arith.constant 80 : i32
    %barrier3A_14 = arith.constant 0 : index
    tpu.barrier barrier_id(%barrier3A_14)
    %mul3A_15 = arith.constant 640 : i32
    %mul3A_16 = arith.muli %arg1, %mul3A_15 : i32
    %mul3A_17 = arith.constant 640 : i32
    %mul3A_18 = arith.muli %arg1, %mul3A_17 : i32
    "tpu.region"() ({
      %run_scoped3A_19 = tpu.sem_alloc : memref<!tpu.dma_semaphore, #tpu.memory_space<semaphore_mem>>
      %dma_start3A = arith.constant 0 : i32
      %dma_start3A_20 = tpu.memref_slice %arg5[%arg0, %mul3A_18, %dma_start3A] : memref<2x10240x8xf32, #tpu.memory_space<hbm>> -> memref<1x640x8xf32, #tpu.memory_space<hbm>>
      %dma_start3A_21 = tpu.memref_squeeze %dma_start3A_20 : memref<1x640x8xf32, #tpu.memory_space<hbm>> -> memref<640x8xf32, #tpu.memory_space<hbm>>
      %dma_start3A_22 = arith.constant 0 : i32
      %dma_start3A_23 = tpu.memref_slice %arg8[%mul3A_16, %dma_start3A_22] : memref<10240x8xf32, #tpu.memory_space<vmem_shared>> -> memref<640x8xf32, #tpu.memory_space<vmem_shared>>
      tpu.enqueue_dma source(%dma_start3A_23 : memref<640x8xf32, #tpu.memory_space<vmem_shared>>) target(%dma_start3A_21 : memref<640x8xf32, #tpu.memory_space<hbm>>) target_semaphore(%run_scoped3A_19 : memref<!tpu.dma_semaphore, #tpu.memory_space<semaphore_mem>>)
      %dma_wait3A = arith.constant 0 : i32
      %dma_wait3A_24 = tpu.memref_slice %arg5[%arg0, %mul3A_18, %dma_wait3A] : memref<2x10240x8xf32, #tpu.memory_space<hbm>> -> memref<1x640x8xf32, #tpu.memory_space<hbm>>
      %dma_wait3A_25 = tpu.memref_squeeze %dma_wait3A_24 : memref<1x640x8xf32, #tpu.memory_space<hbm>> -> memref<640x8xf32, #tpu.memory_space<hbm>>
      %dma_wait3A_26 = arith.constant 0 : i32
      %dma_wait3A_27 = tpu.memref_slice %arg8[%mul3A_16, %dma_wait3A_26] : memref<10240x8xf32, #tpu.memory_space<vmem_shared>> -> memref<640x8xf32, #tpu.memory_space<vmem_shared>>
      tpu.wait_dma2 semaphore(%run_scoped3A_19 : memref<!tpu.dma_semaphore, #tpu.memory_space<semaphore_mem>>) src(%dma_wait3A_27 : memref<640x8xf32, #tpu.memory_space<vmem_shared>>) dst(%dma_wait3A_25 : memref<640x8xf32, #tpu.memory_space<hbm>>)
      tpu.yield
    }) : () -> ()
    return
  }
}

#map = affine_map<(d0, d1) -> (0, 0)>
#map1 = affine_map<(d0, d1) -> (0, 0, 0, 0)>
#map2 = affine_map<(d0, d1) -> (0, 0, 0)>
module attributes {stable_mosaic.version = 14 : i64} {
  func.func @agg_kernel(%arg0: i32, %arg1: i32, %arg2: memref<10240x64xf32, #tpu.memory_space<hbm>>, %arg3: memref<2x32x80x125xi32, #tpu.memory_space<hbm>>, %arg4: memref<640x64xf32, #tpu.memory_space<hbm>>, %arg5: memref<2x10240x64xf32, #tpu.memory_space<hbm>>, %arg6: memref<80x125xi32, #tpu.memory_space<vmem>>, %arg7: memref<80x125xi32, #tpu.memory_space<vmem>>, %arg8: memref<8x125x64xf32, #tpu.memory_space<vmem>>, %arg9: memref<10240x64xf32, #tpu.memory_space<vmem_shared>>, %arg10: memref<!tpu.dma_semaphore, #tpu.memory_space<semaphore_mem>>, %arg11: memref<!tpu.dma_semaphore, #tpu.memory_space<semaphore_mem>>, %arg12: memref<!tpu.dma_semaphore, #tpu.memory_space<semaphore_mem>>, %arg13: memref<!tpu.dma_semaphore, #tpu.memory_space<semaphore_mem>>, %arg14: memref<!tpu.dma_semaphore, #tpu.memory_space<semaphore_mem>>, %arg15: memref<!tpu.dma_semaphore, #tpu.memory_space<semaphore_mem>>, %arg16: memref<!tpu.dma_semaphore, #tpu.memory_space<semaphore_mem>>, %arg17: memref<!tpu.dma_semaphore, #tpu.memory_space<semaphore_mem>>) attributes {dimension_semantics = [#tpu.dimension_semantics<core_parallel>, #tpu.dimension_semantics<subcore_parallel>], iteration_bounds = array<i64: 2, 16>, scalar_prefetch = 0 : i64, scratch_operands = 12 : i64, tpu.core_type = #tpu.core_type<sc_vector_subcore>, window_params = [{transform_indices = #map}, {transform_indices = #map1}, {transform_indices = #map}, {transform_indices = #map2}]} {
    %mul3A = arith.constant 16 : i32
    %mul3A_0 = arith.muli %arg0, %mul3A : i32
    %add3A = arith.addi %mul3A_0, %arg1 : i32
    %run_scoped3A = arith.constant 0 : i32
    "tpu.region"() ({
      %run_scoped3A_220 = tpu.sem_alloc : memref<!tpu.dma_semaphore, #tpu.memory_space<semaphore_mem>>
      %dma_start3A_221 = arith.constant 0 : i32
      %dma_start3A_222 = arith.constant 0 : i32
      %dma_start3A_223 = tpu.memref_slice %arg3[%run_scoped3A, %add3A, %dma_start3A_221, %dma_start3A_222] : memref<2x32x80x125xi32, #tpu.memory_space<hbm>> -> memref<1x1x80x125xi32, #tpu.memory_space<hbm>>
      %dma_start3A_224 = tpu.memref_squeeze %dma_start3A_223 : memref<1x1x80x125xi32, #tpu.memory_space<hbm>> -> memref<80x125xi32, #tpu.memory_space<hbm>>
      %dma_start3A_225 = arith.constant 0 : i32
      %dma_start3A_226 = arith.constant 0 : i32
      %dma_start3A_227 = tpu.memref_slice %arg3[%run_scoped3A, %add3A, %dma_start3A_225, %dma_start3A_226] : memref<2x32x80x125xi32, #tpu.memory_space<hbm>> -> memref<1x1x80x125xi32, #tpu.memory_space<hbm>>
      %dma_start3A_228 = tpu.memref_squeeze %dma_start3A_227 : memref<1x1x80x125xi32, #tpu.memory_space<hbm>> -> memref<80x125xi32, #tpu.memory_space<hbm>>
      tpu.enqueue_dma source(%dma_start3A_228 : memref<80x125xi32, #tpu.memory_space<hbm>>) target(%arg6 : memref<80x125xi32, #tpu.memory_space<vmem>>) target_semaphore(%run_scoped3A_220 : memref<!tpu.dma_semaphore, #tpu.memory_space<semaphore_mem>>)
      %dma_wait3A_229 = arith.constant 0 : i32
      %dma_wait3A_230 = arith.constant 0 : i32
      %dma_wait3A_231 = tpu.memref_slice %arg3[%run_scoped3A, %add3A, %dma_wait3A_229, %dma_wait3A_230] : memref<2x32x80x125xi32, #tpu.memory_space<hbm>> -> memref<1x1x80x125xi32, #tpu.memory_space<hbm>>
      %dma_wait3A_232 = tpu.memref_squeeze %dma_wait3A_231 : memref<1x1x80x125xi32, #tpu.memory_space<hbm>> -> memref<80x125xi32, #tpu.memory_space<hbm>>
      %dma_wait3A_233 = arith.constant 0 : i32
      %dma_wait3A_234 = arith.constant 0 : i32
      %dma_wait3A_235 = tpu.memref_slice %arg3[%run_scoped3A, %add3A, %dma_wait3A_233, %dma_wait3A_234] : memref<2x32x80x125xi32, #tpu.memory_space<hbm>> -> memref<1x1x80x125xi32, #tpu.memory_space<hbm>>
      %dma_wait3A_236 = tpu.memref_squeeze %dma_wait3A_235 : memref<1x1x80x125xi32, #tpu.memory_space<hbm>> -> memref<80x125xi32, #tpu.memory_space<hbm>>
      tpu.wait_dma2 semaphore(%run_scoped3A_220 : memref<!tpu.dma_semaphore, #tpu.memory_space<semaphore_mem>>) src(%dma_wait3A_236 : memref<80x125xi32, #tpu.memory_space<hbm>>) dst(%arg6 : memref<80x125xi32, #tpu.memory_space<vmem>>)
      tpu.yield
    }) : () -> ()
    %run_scoped3A_1 = arith.constant 1 : i32
    "tpu.region"() ({
      %run_scoped3A_220 = tpu.sem_alloc : memref<!tpu.dma_semaphore, #tpu.memory_space<semaphore_mem>>
      %dma_start3A_221 = arith.constant 0 : i32
      %dma_start3A_222 = arith.constant 0 : i32
      %dma_start3A_223 = tpu.memref_slice %arg3[%run_scoped3A_1, %add3A, %dma_start3A_221, %dma_start3A_222] : memref<2x32x80x125xi32, #tpu.memory_space<hbm>> -> memref<1x1x80x125xi32, #tpu.memory_space<hbm>>
      %dma_start3A_224 = tpu.memref_squeeze %dma_start3A_223 : memref<1x1x80x125xi32, #tpu.memory_space<hbm>> -> memref<80x125xi32, #tpu.memory_space<hbm>>
      %dma_start3A_225 = arith.constant 0 : i32
      %dma_start3A_226 = arith.constant 0 : i32
      %dma_start3A_227 = tpu.memref_slice %arg3[%run_scoped3A_1, %add3A, %dma_start3A_225, %dma_start3A_226] : memref<2x32x80x125xi32, #tpu.memory_space<hbm>> -> memref<1x1x80x125xi32, #tpu.memory_space<hbm>>
      %dma_start3A_228 = tpu.memref_squeeze %dma_start3A_227 : memref<1x1x80x125xi32, #tpu.memory_space<hbm>> -> memref<80x125xi32, #tpu.memory_space<hbm>>
      tpu.enqueue_dma source(%dma_start3A_228 : memref<80x125xi32, #tpu.memory_space<hbm>>) target(%arg7 : memref<80x125xi32, #tpu.memory_space<vmem>>) target_semaphore(%run_scoped3A_220 : memref<!tpu.dma_semaphore, #tpu.memory_space<semaphore_mem>>)
      %dma_wait3A_229 = arith.constant 0 : i32
      %dma_wait3A_230 = arith.constant 0 : i32
      %dma_wait3A_231 = tpu.memref_slice %arg3[%run_scoped3A_1, %add3A, %dma_wait3A_229, %dma_wait3A_230] : memref<2x32x80x125xi32, #tpu.memory_space<hbm>> -> memref<1x1x80x125xi32, #tpu.memory_space<hbm>>
      %dma_wait3A_232 = tpu.memref_squeeze %dma_wait3A_231 : memref<1x1x80x125xi32, #tpu.memory_space<hbm>> -> memref<80x125xi32, #tpu.memory_space<hbm>>
      %dma_wait3A_233 = arith.constant 0 : i32
      %dma_wait3A_234 = arith.constant 0 : i32
      %dma_wait3A_235 = tpu.memref_slice %arg3[%run_scoped3A_1, %add3A, %dma_wait3A_233, %dma_wait3A_234] : memref<2x32x80x125xi32, #tpu.memory_space<hbm>> -> memref<1x1x80x125xi32, #tpu.memory_space<hbm>>
      %dma_wait3A_236 = tpu.memref_squeeze %dma_wait3A_235 : memref<1x1x80x125xi32, #tpu.memory_space<hbm>> -> memref<80x125xi32, #tpu.memory_space<hbm>>
      tpu.wait_dma2 semaphore(%run_scoped3A_220 : memref<!tpu.dma_semaphore, #tpu.memory_space<semaphore_mem>>) src(%dma_wait3A_236 : memref<80x125xi32, #tpu.memory_space<hbm>>) dst(%arg7 : memref<80x125xi32, #tpu.memory_space<vmem>>)
      tpu.yield
    }) : () -> ()
    %dma_start3A = arith.constant 0 : i32
    %dma_start3A_2 = arith.constant 0 : i32
    %dma_start3A_3 = arith.constant 0 : i32
    %dma_start3A_4 = arith.constant 0 : i32
    %dma_start3A_5 = tpu.memref_slice %arg8[%dma_start3A_2, %dma_start3A_3, %dma_start3A_4] : memref<8x125x64xf32, #tpu.memory_space<vmem>> -> memref<1x125x64xf32, #tpu.memory_space<vmem>>
    %dma_start3A_6 = tpu.memref_squeeze %dma_start3A_5 : memref<1x125x64xf32, #tpu.memory_space<vmem>> -> memref<125x64xf32, #tpu.memory_space<vmem>>
    %dma_start3A_7 = arith.constant 0 : i32
    %dma_start3A_8 = tpu.memref_slice %arg6[%dma_start3A, %dma_start3A_7] : memref<80x125xi32, #tpu.memory_space<vmem>> -> memref<1x125xi32, #tpu.memory_space<vmem>>
    %dma_start3A_9 = tpu.memref_squeeze %dma_start3A_8 : memref<1x125xi32, #tpu.memory_space<vmem>> -> memref<125xi32, #tpu.memory_space<vmem>>
    %dma_start3A_10 = arith.constant 0 : i32
    %dma_start3A_11 = arith.constant 0 : i32
    %dma_start3A_12 = tpu.memref_slice %arg2[%dma_start3A_10, %dma_start3A_11] : memref<10240x64xf32, #tpu.memory_space<hbm>> -> memref<10240x64xf32, #tpu.memory_space<hbm>>
    tpu.enqueue_indirect_dma source(%dma_start3A_12 : memref<10240x64xf32, #tpu.memory_space<hbm>>) target(%dma_start3A_6 : memref<125x64xf32, #tpu.memory_space<vmem>>) offsets(%dma_start3A_9 : memref<125xi32, #tpu.memory_space<vmem>>) semaphore(%arg10 : memref<!tpu.dma_semaphore, #tpu.memory_space<semaphore_mem>>)
    %dma_start3A_13 = arith.constant 1 : i32
    %dma_start3A_14 = arith.constant 1 : i32
    %dma_start3A_15 = arith.constant 0 : i32
    %dma_start3A_16 = arith.constant 0 : i32
    %dma_start3A_17 = tpu.memref_slice %arg8[%dma_start3A_14, %dma_start3A_15, %dma_start3A_16] : memref<8x125x64xf32, #tpu.memory_space<vmem>> -> memref<1x125x64xf32, #tpu.memory_space<vmem>>
    %dma_start3A_18 = tpu.memref_squeeze %dma_start3A_17 : memref<1x125x64xf32, #tpu.memory_space<vmem>> -> memref<125x64xf32, #tpu.memory_space<vmem>>
    %dma_start3A_19 = arith.constant 0 : i32
    %dma_start3A_20 = tpu.memref_slice %arg6[%dma_start3A_13, %dma_start3A_19] : memref<80x125xi32, #tpu.memory_space<vmem>> -> memref<1x125xi32, #tpu.memory_space<vmem>>
    %dma_start3A_21 = tpu.memref_squeeze %dma_start3A_20 : memref<1x125xi32, #tpu.memory_space<vmem>> -> memref<125xi32, #tpu.memory_space<vmem>>
    %dma_start3A_22 = arith.constant 0 : i32
    %dma_start3A_23 = arith.constant 0 : i32
    %dma_start3A_24 = tpu.memref_slice %arg2[%dma_start3A_22, %dma_start3A_23] : memref<10240x64xf32, #tpu.memory_space<hbm>> -> memref<10240x64xf32, #tpu.memory_space<hbm>>
    tpu.enqueue_indirect_dma source(%dma_start3A_24 : memref<10240x64xf32, #tpu.memory_space<hbm>>) target(%dma_start3A_18 : memref<125x64xf32, #tpu.memory_space<vmem>>) offsets(%dma_start3A_21 : memref<125xi32, #tpu.memory_space<vmem>>) semaphore(%arg11 : memref<!tpu.dma_semaphore, #tpu.memory_space<semaphore_mem>>)
    %dma_start3A_25 = arith.constant 2 : i32
    %dma_start3A_26 = arith.constant 2 : i32
    %dma_start3A_27 = arith.constant 0 : i32
    %dma_start3A_28 = arith.constant 0 : i32
    %dma_start3A_29 = tpu.memref_slice %arg8[%dma_start3A_26, %dma_start3A_27, %dma_start3A_28] : memref<8x125x64xf32, #tpu.memory_space<vmem>> -> memref<1x125x64xf32, #tpu.memory_space<vmem>>
    %dma_start3A_30 = tpu.memref_squeeze %dma_start3A_29 : memref<1x125x64xf32, #tpu.memory_space<vmem>> -> memref<125x64xf32, #tpu.memory_space<vmem>>
    %dma_start3A_31 = arith.constant 0 : i32
    %dma_start3A_32 = tpu.memref_slice %arg6[%dma_start3A_25, %dma_start3A_31] : memref<80x125xi32, #tpu.memory_space<vmem>> -> memref<1x125xi32, #tpu.memory_space<vmem>>
    %dma_start3A_33 = tpu.memref_squeeze %dma_start3A_32 : memref<1x125xi32, #tpu.memory_space<vmem>> -> memref<125xi32, #tpu.memory_space<vmem>>
    %dma_start3A_34 = arith.constant 0 : i32
    %dma_start3A_35 = arith.constant 0 : i32
    %dma_start3A_36 = tpu.memref_slice %arg2[%dma_start3A_34, %dma_start3A_35] : memref<10240x64xf32, #tpu.memory_space<hbm>> -> memref<10240x64xf32, #tpu.memory_space<hbm>>
    tpu.enqueue_indirect_dma source(%dma_start3A_36 : memref<10240x64xf32, #tpu.memory_space<hbm>>) target(%dma_start3A_30 : memref<125x64xf32, #tpu.memory_space<vmem>>) offsets(%dma_start3A_33 : memref<125xi32, #tpu.memory_space<vmem>>) semaphore(%arg12 : memref<!tpu.dma_semaphore, #tpu.memory_space<semaphore_mem>>)
    %dma_start3A_37 = arith.constant 3 : i32
    %dma_start3A_38 = arith.constant 3 : i32
    %dma_start3A_39 = arith.constant 0 : i32
    %dma_start3A_40 = arith.constant 0 : i32
    %dma_start3A_41 = tpu.memref_slice %arg8[%dma_start3A_38, %dma_start3A_39, %dma_start3A_40] : memref<8x125x64xf32, #tpu.memory_space<vmem>> -> memref<1x125x64xf32, #tpu.memory_space<vmem>>
    %dma_start3A_42 = tpu.memref_squeeze %dma_start3A_41 : memref<1x125x64xf32, #tpu.memory_space<vmem>> -> memref<125x64xf32, #tpu.memory_space<vmem>>
    %dma_start3A_43 = arith.constant 0 : i32
    %dma_start3A_44 = tpu.memref_slice %arg6[%dma_start3A_37, %dma_start3A_43] : memref<80x125xi32, #tpu.memory_space<vmem>> -> memref<1x125xi32, #tpu.memory_space<vmem>>
    %dma_start3A_45 = tpu.memref_squeeze %dma_start3A_44 : memref<1x125xi32, #tpu.memory_space<vmem>> -> memref<125xi32, #tpu.memory_space<vmem>>
    %dma_start3A_46 = arith.constant 0 : i32
    %dma_start3A_47 = arith.constant 0 : i32
    %dma_start3A_48 = tpu.memref_slice %arg2[%dma_start3A_46, %dma_start3A_47] : memref<10240x64xf32, #tpu.memory_space<hbm>> -> memref<10240x64xf32, #tpu.memory_space<hbm>>
    tpu.enqueue_indirect_dma source(%dma_start3A_48 : memref<10240x64xf32, #tpu.memory_space<hbm>>) target(%dma_start3A_42 : memref<125x64xf32, #tpu.memory_space<vmem>>) offsets(%dma_start3A_45 : memref<125xi32, #tpu.memory_space<vmem>>) semaphore(%arg13 : memref<!tpu.dma_semaphore, #tpu.memory_space<semaphore_mem>>)
    %dma_start3A_49 = arith.constant 4 : i32
    %dma_start3A_50 = arith.constant 4 : i32
    %dma_start3A_51 = arith.constant 0 : i32
    %dma_start3A_52 = arith.constant 0 : i32
    %dma_start3A_53 = tpu.memref_slice %arg8[%dma_start3A_50, %dma_start3A_51, %dma_start3A_52] : memref<8x125x64xf32, #tpu.memory_space<vmem>> -> memref<1x125x64xf32, #tpu.memory_space<vmem>>
    %dma_start3A_54 = tpu.memref_squeeze %dma_start3A_53 : memref<1x125x64xf32, #tpu.memory_space<vmem>> -> memref<125x64xf32, #tpu.memory_space<vmem>>
    %dma_start3A_55 = arith.constant 0 : i32
    %dma_start3A_56 = tpu.memref_slice %arg6[%dma_start3A_49, %dma_start3A_55] : memref<80x125xi32, #tpu.memory_space<vmem>> -> memref<1x125xi32, #tpu.memory_space<vmem>>
    %dma_start3A_57 = tpu.memref_squeeze %dma_start3A_56 : memref<1x125xi32, #tpu.memory_space<vmem>> -> memref<125xi32, #tpu.memory_space<vmem>>
    %dma_start3A_58 = arith.constant 0 : i32
    %dma_start3A_59 = arith.constant 0 : i32
    %dma_start3A_60 = tpu.memref_slice %arg2[%dma_start3A_58, %dma_start3A_59] : memref<10240x64xf32, #tpu.memory_space<hbm>> -> memref<10240x64xf32, #tpu.memory_space<hbm>>
    tpu.enqueue_indirect_dma source(%dma_start3A_60 : memref<10240x64xf32, #tpu.memory_space<hbm>>) target(%dma_start3A_54 : memref<125x64xf32, #tpu.memory_space<vmem>>) offsets(%dma_start3A_57 : memref<125xi32, #tpu.memory_space<vmem>>) semaphore(%arg14 : memref<!tpu.dma_semaphore, #tpu.memory_space<semaphore_mem>>)
    %dma_start3A_61 = arith.constant 5 : i32
    %dma_start3A_62 = arith.constant 5 : i32
    %dma_start3A_63 = arith.constant 0 : i32
    %dma_start3A_64 = arith.constant 0 : i32
    %dma_start3A_65 = tpu.memref_slice %arg8[%dma_start3A_62, %dma_start3A_63, %dma_start3A_64] : memref<8x125x64xf32, #tpu.memory_space<vmem>> -> memref<1x125x64xf32, #tpu.memory_space<vmem>>
    %dma_start3A_66 = tpu.memref_squeeze %dma_start3A_65 : memref<1x125x64xf32, #tpu.memory_space<vmem>> -> memref<125x64xf32, #tpu.memory_space<vmem>>
    %dma_start3A_67 = arith.constant 0 : i32
    %dma_start3A_68 = tpu.memref_slice %arg6[%dma_start3A_61, %dma_start3A_67] : memref<80x125xi32, #tpu.memory_space<vmem>> -> memref<1x125xi32, #tpu.memory_space<vmem>>
    %dma_start3A_69 = tpu.memref_squeeze %dma_start3A_68 : memref<1x125xi32, #tpu.memory_space<vmem>> -> memref<125xi32, #tpu.memory_space<vmem>>
    %dma_start3A_70 = arith.constant 0 : i32
    %dma_start3A_71 = arith.constant 0 : i32
    %dma_start3A_72 = tpu.memref_slice %arg2[%dma_start3A_70, %dma_start3A_71] : memref<10240x64xf32, #tpu.memory_space<hbm>> -> memref<10240x64xf32, #tpu.memory_space<hbm>>
    tpu.enqueue_indirect_dma source(%dma_start3A_72 : memref<10240x64xf32, #tpu.memory_space<hbm>>) target(%dma_start3A_66 : memref<125x64xf32, #tpu.memory_space<vmem>>) offsets(%dma_start3A_69 : memref<125xi32, #tpu.memory_space<vmem>>) semaphore(%arg15 : memref<!tpu.dma_semaphore, #tpu.memory_space<semaphore_mem>>)
    %dma_start3A_73 = arith.constant 6 : i32
    %dma_start3A_74 = arith.constant 6 : i32
    %dma_start3A_75 = arith.constant 0 : i32
    %dma_start3A_76 = arith.constant 0 : i32
    %dma_start3A_77 = tpu.memref_slice %arg8[%dma_start3A_74, %dma_start3A_75, %dma_start3A_76] : memref<8x125x64xf32, #tpu.memory_space<vmem>> -> memref<1x125x64xf32, #tpu.memory_space<vmem>>
    %dma_start3A_78 = tpu.memref_squeeze %dma_start3A_77 : memref<1x125x64xf32, #tpu.memory_space<vmem>> -> memref<125x64xf32, #tpu.memory_space<vmem>>
    %dma_start3A_79 = arith.constant 0 : i32
    %dma_start3A_80 = tpu.memref_slice %arg6[%dma_start3A_73, %dma_start3A_79] : memref<80x125xi32, #tpu.memory_space<vmem>> -> memref<1x125xi32, #tpu.memory_space<vmem>>
    %dma_start3A_81 = tpu.memref_squeeze %dma_start3A_80 : memref<1x125xi32, #tpu.memory_space<vmem>> -> memref<125xi32, #tpu.memory_space<vmem>>
    %dma_start3A_82 = arith.constant 0 : i32
    %dma_start3A_83 = arith.constant 0 : i32
    %dma_start3A_84 = tpu.memref_slice %arg2[%dma_start3A_82, %dma_start3A_83] : memref<10240x64xf32, #tpu.memory_space<hbm>> -> memref<10240x64xf32, #tpu.memory_space<hbm>>
    tpu.enqueue_indirect_dma source(%dma_start3A_84 : memref<10240x64xf32, #tpu.memory_space<hbm>>) target(%dma_start3A_78 : memref<125x64xf32, #tpu.memory_space<vmem>>) offsets(%dma_start3A_81 : memref<125xi32, #tpu.memory_space<vmem>>) semaphore(%arg16 : memref<!tpu.dma_semaphore, #tpu.memory_space<semaphore_mem>>)
    %dma_start3A_85 = arith.constant 7 : i32
    %dma_start3A_86 = arith.constant 7 : i32
    %dma_start3A_87 = arith.constant 0 : i32
    %dma_start3A_88 = arith.constant 0 : i32
    %dma_start3A_89 = tpu.memref_slice %arg8[%dma_start3A_86, %dma_start3A_87, %dma_start3A_88] : memref<8x125x64xf32, #tpu.memory_space<vmem>> -> memref<1x125x64xf32, #tpu.memory_space<vmem>>
    %dma_start3A_90 = tpu.memref_squeeze %dma_start3A_89 : memref<1x125x64xf32, #tpu.memory_space<vmem>> -> memref<125x64xf32, #tpu.memory_space<vmem>>
    %dma_start3A_91 = arith.constant 0 : i32
    %dma_start3A_92 = tpu.memref_slice %arg6[%dma_start3A_85, %dma_start3A_91] : memref<80x125xi32, #tpu.memory_space<vmem>> -> memref<1x125xi32, #tpu.memory_space<vmem>>
    %dma_start3A_93 = tpu.memref_squeeze %dma_start3A_92 : memref<1x125xi32, #tpu.memory_space<vmem>> -> memref<125xi32, #tpu.memory_space<vmem>>
    %dma_start3A_94 = arith.constant 0 : i32
    %dma_start3A_95 = arith.constant 0 : i32
    %dma_start3A_96 = tpu.memref_slice %arg2[%dma_start3A_94, %dma_start3A_95] : memref<10240x64xf32, #tpu.memory_space<hbm>> -> memref<10240x64xf32, #tpu.memory_space<hbm>>
    tpu.enqueue_indirect_dma source(%dma_start3A_96 : memref<10240x64xf32, #tpu.memory_space<hbm>>) target(%dma_start3A_90 : memref<125x64xf32, #tpu.memory_space<vmem>>) offsets(%dma_start3A_93 : memref<125xi32, #tpu.memory_space<vmem>>) semaphore(%arg17 : memref<!tpu.dma_semaphore, #tpu.memory_space<semaphore_mem>>)
    %mul3A_97 = arith.constant 640 : i32
    %mul3A_98 = arith.muli %arg1, %mul3A_97 : i32
    "tpu.region"() ({
      %run_scoped3A_220 = tpu.sem_alloc : memref<!tpu.dma_semaphore, #tpu.memory_space<semaphore_mem>>
      %dma_start3A_221 = arith.constant 0 : i32
      %dma_start3A_222 = tpu.memref_slice %arg9[%mul3A_98, %dma_start3A_221] : memref<10240x64xf32, #tpu.memory_space<vmem_shared>> -> memref<640x64xf32, #tpu.memory_space<vmem_shared>>
      tpu.enqueue_dma source(%arg4 : memref<640x64xf32, #tpu.memory_space<hbm>>) target(%dma_start3A_222 : memref<640x64xf32, #tpu.memory_space<vmem_shared>>) target_semaphore(%run_scoped3A_220 : memref<!tpu.dma_semaphore, #tpu.memory_space<semaphore_mem>>)
      %dma_wait3A_223 = arith.constant 0 : i32
      %dma_wait3A_224 = tpu.memref_slice %arg9[%mul3A_98, %dma_wait3A_223] : memref<10240x64xf32, #tpu.memory_space<vmem_shared>> -> memref<640x64xf32, #tpu.memory_space<vmem_shared>>
      tpu.wait_dma2 semaphore(%run_scoped3A_220 : memref<!tpu.dma_semaphore, #tpu.memory_space<semaphore_mem>>) src(%arg4 : memref<640x64xf32, #tpu.memory_space<hbm>>) dst(%dma_wait3A_224 : memref<640x64xf32, #tpu.memory_space<vmem_shared>>)
      tpu.yield
    }) : () -> ()
    %barrier3A = arith.constant 0 : index
    tpu.barrier barrier_id(%barrier3A)
    %scan3A = arith.constant 0 : i32
    %scan3A_99 = arith.constant 0 : i32
    %scan3A_100 = arith.constant 9 : i32
    %scan3A_101 = arith.addi %scan3A_99, %scan3A_100 : i32
    %scan3A_102 = arith.constant 1 : i32
    scf.for %scan3A_220 = %scan3A_99 to %scan3A_101 step %scan3A_102  : i32 {
      %mul3A_221 = arith.constant 8 : i32
      %mul3A_222 = arith.muli %scan3A_220, %mul3A_221 : i32
      %add3A_223 = arith.constant 0 : i32
      %add3A_224 = arith.addi %mul3A_222, %add3A_223 : i32
      %dma_wait3A_225 = arith.constant 0 : i32
      %dma_wait3A_226 = arith.constant 0 : i32
      %dma_wait3A_227 = arith.constant 0 : i32
      %dma_wait3A_228 = tpu.memref_slice %arg8[%dma_wait3A_225, %dma_wait3A_226, %dma_wait3A_227] : memref<8x125x64xf32, #tpu.memory_space<vmem>> -> memref<1x125x64xf32, #tpu.memory_space<vmem>>
      %dma_wait3A_229 = tpu.memref_squeeze %dma_wait3A_228 : memref<1x125x64xf32, #tpu.memory_space<vmem>> -> memref<125x64xf32, #tpu.memory_space<vmem>>
      %dma_wait3A_230 = arith.constant 0 : i32
      %dma_wait3A_231 = tpu.memref_slice %arg6[%add3A_224, %dma_wait3A_230] : memref<80x125xi32, #tpu.memory_space<vmem>> -> memref<1x125xi32, #tpu.memory_space<vmem>>
      %dma_wait3A_232 = tpu.memref_squeeze %dma_wait3A_231 : memref<1x125xi32, #tpu.memory_space<vmem>> -> memref<125xi32, #tpu.memory_space<vmem>>
      %dma_wait3A_233 = arith.constant 0 : i32
      %dma_wait3A_234 = arith.constant 0 : i32
      %dma_wait3A_235 = tpu.memref_slice %arg2[%dma_wait3A_233, %dma_wait3A_234] : memref<10240x64xf32, #tpu.memory_space<hbm>> -> memref<10240x64xf32, #tpu.memory_space<hbm>>
      tpu.wait_indirect_dma semaphore(%arg10 : memref<!tpu.dma_semaphore, #tpu.memory_space<semaphore_mem>>) src(%dma_wait3A_235 : memref<10240x64xf32, #tpu.memory_space<hbm>>) dst(%dma_wait3A_229 : memref<125x64xf32, #tpu.memory_space<vmem>>)
      %run_scoped3A_236 = arith.constant 0 : i32
      "tpu.region"() ({
        %run_scoped3A_439 = tpu.sem_alloc : memref<!tpu.dma_semaphore, #tpu.memory_space<semaphore_mem>>
        %dma_start3A_440 = arith.constant 0 : i32
        %dma_start3A_441 = arith.constant 0 : i32
        %dma_start3A_442 = tpu.memref_slice %arg8[%run_scoped3A_236, %dma_start3A_440, %dma_start3A_441] : memref<8x125x64xf32, #tpu.memory_space<vmem>> -> memref<1x125x64xf32, #tpu.memory_space<vmem>>
        %dma_start3A_443 = tpu.memref_squeeze %dma_start3A_442 : memref<1x125x64xf32, #tpu.memory_space<vmem>> -> memref<125x64xf32, #tpu.memory_space<vmem>>
        %dma_start3A_444 = arith.constant 0 : i32
        %dma_start3A_445 = tpu.memref_slice %arg7[%add3A_224, %dma_start3A_444] : memref<80x125xi32, #tpu.memory_space<vmem>> -> memref<1x125xi32, #tpu.memory_space<vmem>>
        %dma_start3A_446 = tpu.memref_squeeze %dma_start3A_445 : memref<1x125xi32, #tpu.memory_space<vmem>> -> memref<125xi32, #tpu.memory_space<vmem>>
        %dma_start3A_447 = arith.constant 0 : i32
        %dma_start3A_448 = arith.constant 0 : i32
        %dma_start3A_449 = tpu.memref_slice %arg9[%dma_start3A_447, %dma_start3A_448] : memref<10240x64xf32, #tpu.memory_space<vmem_shared>> -> memref<10240x64xf32, #tpu.memory_space<vmem_shared>>
        tpu.enqueue_indirect_dma source(%dma_start3A_443 : memref<125x64xf32, #tpu.memory_space<vmem>>) target(%dma_start3A_449 : memref<10240x64xf32, #tpu.memory_space<vmem_shared>>) offsets(%dma_start3A_446 : memref<125xi32, #tpu.memory_space<vmem>>) semaphore(%run_scoped3A_439 : memref<!tpu.dma_semaphore, #tpu.memory_space<semaphore_mem>>) {add = true}
        %dma_wait3A_450 = arith.constant 0 : i32
        %dma_wait3A_451 = arith.constant 0 : i32
        %dma_wait3A_452 = tpu.memref_slice %arg8[%run_scoped3A_236, %dma_wait3A_450, %dma_wait3A_451] : memref<8x125x64xf32, #tpu.memory_space<vmem>> -> memref<1x125x64xf32, #tpu.memory_space<vmem>>
        %dma_wait3A_453 = tpu.memref_squeeze %dma_wait3A_452 : memref<1x125x64xf32, #tpu.memory_space<vmem>> -> memref<125x64xf32, #tpu.memory_space<vmem>>
        %dma_wait3A_454 = arith.constant 0 : i32
        %dma_wait3A_455 = tpu.memref_slice %arg7[%add3A_224, %dma_wait3A_454] : memref<80x125xi32, #tpu.memory_space<vmem>> -> memref<1x125xi32, #tpu.memory_space<vmem>>
        %dma_wait3A_456 = tpu.memref_squeeze %dma_wait3A_455 : memref<1x125xi32, #tpu.memory_space<vmem>> -> memref<125xi32, #tpu.memory_space<vmem>>
        %dma_wait3A_457 = arith.constant 0 : i32
        %dma_wait3A_458 = arith.constant 0 : i32
        %dma_wait3A_459 = tpu.memref_slice %arg9[%dma_wait3A_457, %dma_wait3A_458] : memref<10240x64xf32, #tpu.memory_space<vmem_shared>> -> memref<10240x64xf32, #tpu.memory_space<vmem_shared>>
        tpu.wait_indirect_dma semaphore(%run_scoped3A_439 : memref<!tpu.dma_semaphore, #tpu.memory_space<semaphore_mem>>) src(%dma_wait3A_453 : memref<125x64xf32, #tpu.memory_space<vmem>>) dst(%dma_wait3A_459 : memref<10240x64xf32, #tpu.memory_space<vmem_shared>>)
        tpu.yield
      }) : () -> ()
      %add3A_237 = arith.constant 8 : i32
      %add3A_238 = arith.addi %add3A_224, %add3A_237 : i32
      %dma_start3A_239 = arith.constant 0 : i32
      %dma_start3A_240 = arith.constant 0 : i32
      %dma_start3A_241 = arith.constant 0 : i32
      %dma_start3A_242 = tpu.memref_slice %arg8[%dma_start3A_239, %dma_start3A_240, %dma_start3A_241] : memref<8x125x64xf32, #tpu.memory_space<vmem>> -> memref<1x125x64xf32, #tpu.memory_space<vmem>>
      %dma_start3A_243 = tpu.memref_squeeze %dma_start3A_242 : memref<1x125x64xf32, #tpu.memory_space<vmem>> -> memref<125x64xf32, #tpu.memory_space<vmem>>
      %dma_start3A_244 = arith.constant 0 : i32
      %dma_start3A_245 = tpu.memref_slice %arg6[%add3A_238, %dma_start3A_244] : memref<80x125xi32, #tpu.memory_space<vmem>> -> memref<1x125xi32, #tpu.memory_space<vmem>>
      %dma_start3A_246 = tpu.memref_squeeze %dma_start3A_245 : memref<1x125xi32, #tpu.memory_space<vmem>> -> memref<125xi32, #tpu.memory_space<vmem>>
      %dma_start3A_247 = arith.constant 0 : i32
      %dma_start3A_248 = arith.constant 0 : i32
      %dma_start3A_249 = tpu.memref_slice %arg2[%dma_start3A_247, %dma_start3A_248] : memref<10240x64xf32, #tpu.memory_space<hbm>> -> memref<10240x64xf32, #tpu.memory_space<hbm>>
      tpu.enqueue_indirect_dma source(%dma_start3A_249 : memref<10240x64xf32, #tpu.memory_space<hbm>>) target(%dma_start3A_243 : memref<125x64xf32, #tpu.memory_space<vmem>>) offsets(%dma_start3A_246 : memref<125xi32, #tpu.memory_space<vmem>>) semaphore(%arg10 : memref<!tpu.dma_semaphore, #tpu.memory_space<semaphore_mem>>)
      %add3A_250 = arith.constant 1 : i32
      %add3A_251 = arith.addi %mul3A_222, %add3A_250 : i32
      %dma_wait3A_252 = arith.constant 1 : i32
      %dma_wait3A_253 = arith.constant 0 : i32
      %dma_wait3A_254 = arith.constant 0 : i32
      %dma_wait3A_255 = tpu.memref_slice %arg8[%dma_wait3A_252, %dma_wait3A_253, %dma_wait3A_254] : memref<8x125x64xf32, #tpu.memory_space<vmem>> -> memref<1x125x64xf32, #tpu.memory_space<vmem>>
      %dma_wait3A_256 = tpu.memref_squeeze %dma_wait3A_255 : memref<1x125x64xf32, #tpu.memory_space<vmem>> -> memref<125x64xf32, #tpu.memory_space<vmem>>
      %dma_wait3A_257 = arith.constant 0 : i32
      %dma_wait3A_258 = tpu.memref_slice %arg6[%add3A_251, %dma_wait3A_257] : memref<80x125xi32, #tpu.memory_space<vmem>> -> memref<1x125xi32, #tpu.memory_space<vmem>>
      %dma_wait3A_259 = tpu.memref_squeeze %dma_wait3A_258 : memref<1x125xi32, #tpu.memory_space<vmem>> -> memref<125xi32, #tpu.memory_space<vmem>>
      %dma_wait3A_260 = arith.constant 0 : i32
      %dma_wait3A_261 = arith.constant 0 : i32
      %dma_wait3A_262 = tpu.memref_slice %arg2[%dma_wait3A_260, %dma_wait3A_261] : memref<10240x64xf32, #tpu.memory_space<hbm>> -> memref<10240x64xf32, #tpu.memory_space<hbm>>
      tpu.wait_indirect_dma semaphore(%arg11 : memref<!tpu.dma_semaphore, #tpu.memory_space<semaphore_mem>>) src(%dma_wait3A_262 : memref<10240x64xf32, #tpu.memory_space<hbm>>) dst(%dma_wait3A_256 : memref<125x64xf32, #tpu.memory_space<vmem>>)
      %run_scoped3A_263 = arith.constant 1 : i32
      "tpu.region"() ({
        %run_scoped3A_439 = tpu.sem_alloc : memref<!tpu.dma_semaphore, #tpu.memory_space<semaphore_mem>>
        %dma_start3A_440 = arith.constant 0 : i32
        %dma_start3A_441 = arith.constant 0 : i32
        %dma_start3A_442 = tpu.memref_slice %arg8[%run_scoped3A_263, %dma_start3A_440, %dma_start3A_441] : memref<8x125x64xf32, #tpu.memory_space<vmem>> -> memref<1x125x64xf32, #tpu.memory_space<vmem>>
        %dma_start3A_443 = tpu.memref_squeeze %dma_start3A_442 : memref<1x125x64xf32, #tpu.memory_space<vmem>> -> memref<125x64xf32, #tpu.memory_space<vmem>>
        %dma_start3A_444 = arith.constant 0 : i32
        %dma_start3A_445 = tpu.memref_slice %arg7[%add3A_251, %dma_start3A_444] : memref<80x125xi32, #tpu.memory_space<vmem>> -> memref<1x125xi32, #tpu.memory_space<vmem>>
        %dma_start3A_446 = tpu.memref_squeeze %dma_start3A_445 : memref<1x125xi32, #tpu.memory_space<vmem>> -> memref<125xi32, #tpu.memory_space<vmem>>
        %dma_start3A_447 = arith.constant 0 : i32
        %dma_start3A_448 = arith.constant 0 : i32
        %dma_start3A_449 = tpu.memref_slice %arg9[%dma_start3A_447, %dma_start3A_448] : memref<10240x64xf32, #tpu.memory_space<vmem_shared>> -> memref<10240x64xf32, #tpu.memory_space<vmem_shared>>
        tpu.enqueue_indirect_dma source(%dma_start3A_443 : memref<125x64xf32, #tpu.memory_space<vmem>>) target(%dma_start3A_449 : memref<10240x64xf32, #tpu.memory_space<vmem_shared>>) offsets(%dma_start3A_446 : memref<125xi32, #tpu.memory_space<vmem>>) semaphore(%run_scoped3A_439 : memref<!tpu.dma_semaphore, #tpu.memory_space<semaphore_mem>>) {add = true}
        %dma_wait3A_450 = arith.constant 0 : i32
        %dma_wait3A_451 = arith.constant 0 : i32
        %dma_wait3A_452 = tpu.memref_slice %arg8[%run_scoped3A_263, %dma_wait3A_450, %dma_wait3A_451] : memref<8x125x64xf32, #tpu.memory_space<vmem>> -> memref<1x125x64xf32, #tpu.memory_space<vmem>>
        %dma_wait3A_453 = tpu.memref_squeeze %dma_wait3A_452 : memref<1x125x64xf32, #tpu.memory_space<vmem>> -> memref<125x64xf32, #tpu.memory_space<vmem>>
        %dma_wait3A_454 = arith.constant 0 : i32
        %dma_wait3A_455 = tpu.memref_slice %arg7[%add3A_251, %dma_wait3A_454] : memref<80x125xi32, #tpu.memory_space<vmem>> -> memref<1x125xi32, #tpu.memory_space<vmem>>
        %dma_wait3A_456 = tpu.memref_squeeze %dma_wait3A_455 : memref<1x125xi32, #tpu.memory_space<vmem>> -> memref<125xi32, #tpu.memory_space<vmem>>
        %dma_wait3A_457 = arith.constant 0 : i32
        %dma_wait3A_458 = arith.constant 0 : i32
        %dma_wait3A_459 = tpu.memref_slice %arg9[%dma_wait3A_457, %dma_wait3A_458] : memref<10240x64xf32, #tpu.memory_space<vmem_shared>> -> memref<10240x64xf32, #tpu.memory_space<vmem_shared>>
        tpu.wait_indirect_dma semaphore(%run_scoped3A_439 : memref<!tpu.dma_semaphore, #tpu.memory_space<semaphore_mem>>) src(%dma_wait3A_453 : memref<125x64xf32, #tpu.memory_space<vmem>>) dst(%dma_wait3A_459 : memref<10240x64xf32, #tpu.memory_space<vmem_shared>>)
        tpu.yield
      }) : () -> ()
      %add3A_264 = arith.constant 8 : i32
      %add3A_265 = arith.addi %add3A_251, %add3A_264 : i32
      %dma_start3A_266 = arith.constant 1 : i32
      %dma_start3A_267 = arith.constant 0 : i32
      %dma_start3A_268 = arith.constant 0 : i32
      %dma_start3A_269 = tpu.memref_slice %arg8[%dma_start3A_266, %dma_start3A_267, %dma_start3A_268] : memref<8x125x64xf32, #tpu.memory_space<vmem>> -> memref<1x125x64xf32, #tpu.memory_space<vmem>>
      %dma_start3A_270 = tpu.memref_squeeze %dma_start3A_269 : memref<1x125x64xf32, #tpu.memory_space<vmem>> -> memref<125x64xf32, #tpu.memory_space<vmem>>
      %dma_start3A_271 = arith.constant 0 : i32
      %dma_start3A_272 = tpu.memref_slice %arg6[%add3A_265, %dma_start3A_271] : memref<80x125xi32, #tpu.memory_space<vmem>> -> memref<1x125xi32, #tpu.memory_space<vmem>>
      %dma_start3A_273 = tpu.memref_squeeze %dma_start3A_272 : memref<1x125xi32, #tpu.memory_space<vmem>> -> memref<125xi32, #tpu.memory_space<vmem>>
      %dma_start3A_274 = arith.constant 0 : i32
      %dma_start3A_275 = arith.constant 0 : i32
      %dma_start3A_276 = tpu.memref_slice %arg2[%dma_start3A_274, %dma_start3A_275] : memref<10240x64xf32, #tpu.memory_space<hbm>> -> memref<10240x64xf32, #tpu.memory_space<hbm>>
      tpu.enqueue_indirect_dma source(%dma_start3A_276 : memref<10240x64xf32, #tpu.memory_space<hbm>>) target(%dma_start3A_270 : memref<125x64xf32, #tpu.memory_space<vmem>>) offsets(%dma_start3A_273 : memref<125xi32, #tpu.memory_space<vmem>>) semaphore(%arg11 : memref<!tpu.dma_semaphore, #tpu.memory_space<semaphore_mem>>)
      %add3A_277 = arith.constant 2 : i32
      %add3A_278 = arith.addi %mul3A_222, %add3A_277 : i32
      %dma_wait3A_279 = arith.constant 2 : i32
      %dma_wait3A_280 = arith.constant 0 : i32
      %dma_wait3A_281 = arith.constant 0 : i32
      %dma_wait3A_282 = tpu.memref_slice %arg8[%dma_wait3A_279, %dma_wait3A_280, %dma_wait3A_281] : memref<8x125x64xf32, #tpu.memory_space<vmem>> -> memref<1x125x64xf32, #tpu.memory_space<vmem>>
      %dma_wait3A_283 = tpu.memref_squeeze %dma_wait3A_282 : memref<1x125x64xf32, #tpu.memory_space<vmem>> -> memref<125x64xf32, #tpu.memory_space<vmem>>
      %dma_wait3A_284 = arith.constant 0 : i32
      %dma_wait3A_285 = tpu.memref_slice %arg6[%add3A_278, %dma_wait3A_284] : memref<80x125xi32, #tpu.memory_space<vmem>> -> memref<1x125xi32, #tpu.memory_space<vmem>>
      %dma_wait3A_286 = tpu.memref_squeeze %dma_wait3A_285 : memref<1x125xi32, #tpu.memory_space<vmem>> -> memref<125xi32, #tpu.memory_space<vmem>>
      %dma_wait3A_287 = arith.constant 0 : i32
      %dma_wait3A_288 = arith.constant 0 : i32
      %dma_wait3A_289 = tpu.memref_slice %arg2[%dma_wait3A_287, %dma_wait3A_288] : memref<10240x64xf32, #tpu.memory_space<hbm>> -> memref<10240x64xf32, #tpu.memory_space<hbm>>
      tpu.wait_indirect_dma semaphore(%arg12 : memref<!tpu.dma_semaphore, #tpu.memory_space<semaphore_mem>>) src(%dma_wait3A_289 : memref<10240x64xf32, #tpu.memory_space<hbm>>) dst(%dma_wait3A_283 : memref<125x64xf32, #tpu.memory_space<vmem>>)
      %run_scoped3A_290 = arith.constant 2 : i32
      "tpu.region"() ({
        %run_scoped3A_439 = tpu.sem_alloc : memref<!tpu.dma_semaphore, #tpu.memory_space<semaphore_mem>>
        %dma_start3A_440 = arith.constant 0 : i32
        %dma_start3A_441 = arith.constant 0 : i32
        %dma_start3A_442 = tpu.memref_slice %arg8[%run_scoped3A_290, %dma_start3A_440, %dma_start3A_441] : memref<8x125x64xf32, #tpu.memory_space<vmem>> -> memref<1x125x64xf32, #tpu.memory_space<vmem>>
        %dma_start3A_443 = tpu.memref_squeeze %dma_start3A_442 : memref<1x125x64xf32, #tpu.memory_space<vmem>> -> memref<125x64xf32, #tpu.memory_space<vmem>>
        %dma_start3A_444 = arith.constant 0 : i32
        %dma_start3A_445 = tpu.memref_slice %arg7[%add3A_278, %dma_start3A_444] : memref<80x125xi32, #tpu.memory_space<vmem>> -> memref<1x125xi32, #tpu.memory_space<vmem>>
        %dma_start3A_446 = tpu.memref_squeeze %dma_start3A_445 : memref<1x125xi32, #tpu.memory_space<vmem>> -> memref<125xi32, #tpu.memory_space<vmem>>
        %dma_start3A_447 = arith.constant 0 : i32
        %dma_start3A_448 = arith.constant 0 : i32
        %dma_start3A_449 = tpu.memref_slice %arg9[%dma_start3A_447, %dma_start3A_448] : memref<10240x64xf32, #tpu.memory_space<vmem_shared>> -> memref<10240x64xf32, #tpu.memory_space<vmem_shared>>
        tpu.enqueue_indirect_dma source(%dma_start3A_443 : memref<125x64xf32, #tpu.memory_space<vmem>>) target(%dma_start3A_449 : memref<10240x64xf32, #tpu.memory_space<vmem_shared>>) offsets(%dma_start3A_446 : memref<125xi32, #tpu.memory_space<vmem>>) semaphore(%run_scoped3A_439 : memref<!tpu.dma_semaphore, #tpu.memory_space<semaphore_mem>>) {add = true}
        %dma_wait3A_450 = arith.constant 0 : i32
        %dma_wait3A_451 = arith.constant 0 : i32
        %dma_wait3A_452 = tpu.memref_slice %arg8[%run_scoped3A_290, %dma_wait3A_450, %dma_wait3A_451] : memref<8x125x64xf32, #tpu.memory_space<vmem>> -> memref<1x125x64xf32, #tpu.memory_space<vmem>>
        %dma_wait3A_453 = tpu.memref_squeeze %dma_wait3A_452 : memref<1x125x64xf32, #tpu.memory_space<vmem>> -> memref<125x64xf32, #tpu.memory_space<vmem>>
        %dma_wait3A_454 = arith.constant 0 : i32
        %dma_wait3A_455 = tpu.memref_slice %arg7[%add3A_278, %dma_wait3A_454] : memref<80x125xi32, #tpu.memory_space<vmem>> -> memref<1x125xi32, #tpu.memory_space<vmem>>
        %dma_wait3A_456 = tpu.memref_squeeze %dma_wait3A_455 : memref<1x125xi32, #tpu.memory_space<vmem>> -> memref<125xi32, #tpu.memory_space<vmem>>
        %dma_wait3A_457 = arith.constant 0 : i32
        %dma_wait3A_458 = arith.constant 0 : i32
        %dma_wait3A_459 = tpu.memref_slice %arg9[%dma_wait3A_457, %dma_wait3A_458] : memref<10240x64xf32, #tpu.memory_space<vmem_shared>> -> memref<10240x64xf32, #tpu.memory_space<vmem_shared>>
        tpu.wait_indirect_dma semaphore(%run_scoped3A_439 : memref<!tpu.dma_semaphore, #tpu.memory_space<semaphore_mem>>) src(%dma_wait3A_453 : memref<125x64xf32, #tpu.memory_space<vmem>>) dst(%dma_wait3A_459 : memref<10240x64xf32, #tpu.memory_space<vmem_shared>>)
        tpu.yield
      }) : () -> ()
      %add3A_291 = arith.constant 8 : i32
      %add3A_292 = arith.addi %add3A_278, %add3A_291 : i32
      %dma_start3A_293 = arith.constant 2 : i32
      %dma_start3A_294 = arith.constant 0 : i32
      %dma_start3A_295 = arith.constant 0 : i32
      %dma_start3A_296 = tpu.memref_slice %arg8[%dma_start3A_293, %dma_start3A_294, %dma_start3A_295] : memref<8x125x64xf32, #tpu.memory_space<vmem>> -> memref<1x125x64xf32, #tpu.memory_space<vmem>>
      %dma_start3A_297 = tpu.memref_squeeze %dma_start3A_296 : memref<1x125x64xf32, #tpu.memory_space<vmem>> -> memref<125x64xf32, #tpu.memory_space<vmem>>
      %dma_start3A_298 = arith.constant 0 : i32
      %dma_start3A_299 = tpu.memref_slice %arg6[%add3A_292, %dma_start3A_298] : memref<80x125xi32, #tpu.memory_space<vmem>> -> memref<1x125xi32, #tpu.memory_space<vmem>>
      %dma_start3A_300 = tpu.memref_squeeze %dma_start3A_299 : memref<1x125xi32, #tpu.memory_space<vmem>> -> memref<125xi32, #tpu.memory_space<vmem>>
      %dma_start3A_301 = arith.constant 0 : i32
      %dma_start3A_302 = arith.constant 0 : i32
      %dma_start3A_303 = tpu.memref_slice %arg2[%dma_start3A_301, %dma_start3A_302] : memref<10240x64xf32, #tpu.memory_space<hbm>> -> memref<10240x64xf32, #tpu.memory_space<hbm>>
      tpu.enqueue_indirect_dma source(%dma_start3A_303 : memref<10240x64xf32, #tpu.memory_space<hbm>>) target(%dma_start3A_297 : memref<125x64xf32, #tpu.memory_space<vmem>>) offsets(%dma_start3A_300 : memref<125xi32, #tpu.memory_space<vmem>>) semaphore(%arg12 : memref<!tpu.dma_semaphore, #tpu.memory_space<semaphore_mem>>)
      %add3A_304 = arith.constant 3 : i32
      %add3A_305 = arith.addi %mul3A_222, %add3A_304 : i32
      %dma_wait3A_306 = arith.constant 3 : i32
      %dma_wait3A_307 = arith.constant 0 : i32
      %dma_wait3A_308 = arith.constant 0 : i32
      %dma_wait3A_309 = tpu.memref_slice %arg8[%dma_wait3A_306, %dma_wait3A_307, %dma_wait3A_308] : memref<8x125x64xf32, #tpu.memory_space<vmem>> -> memref<1x125x64xf32, #tpu.memory_space<vmem>>
      %dma_wait3A_310 = tpu.memref_squeeze %dma_wait3A_309 : memref<1x125x64xf32, #tpu.memory_space<vmem>> -> memref<125x64xf32, #tpu.memory_space<vmem>>
      %dma_wait3A_311 = arith.constant 0 : i32
      %dma_wait3A_312 = tpu.memref_slice %arg6[%add3A_305, %dma_wait3A_311] : memref<80x125xi32, #tpu.memory_space<vmem>> -> memref<1x125xi32, #tpu.memory_space<vmem>>
      %dma_wait3A_313 = tpu.memref_squeeze %dma_wait3A_312 : memref<1x125xi32, #tpu.memory_space<vmem>> -> memref<125xi32, #tpu.memory_space<vmem>>
      %dma_wait3A_314 = arith.constant 0 : i32
      %dma_wait3A_315 = arith.constant 0 : i32
      %dma_wait3A_316 = tpu.memref_slice %arg2[%dma_wait3A_314, %dma_wait3A_315] : memref<10240x64xf32, #tpu.memory_space<hbm>> -> memref<10240x64xf32, #tpu.memory_space<hbm>>
      tpu.wait_indirect_dma semaphore(%arg13 : memref<!tpu.dma_semaphore, #tpu.memory_space<semaphore_mem>>) src(%dma_wait3A_316 : memref<10240x64xf32, #tpu.memory_space<hbm>>) dst(%dma_wait3A_310 : memref<125x64xf32, #tpu.memory_space<vmem>>)
      %run_scoped3A_317 = arith.constant 3 : i32
      "tpu.region"() ({
        %run_scoped3A_439 = tpu.sem_alloc : memref<!tpu.dma_semaphore, #tpu.memory_space<semaphore_mem>>
        %dma_start3A_440 = arith.constant 0 : i32
        %dma_start3A_441 = arith.constant 0 : i32
        %dma_start3A_442 = tpu.memref_slice %arg8[%run_scoped3A_317, %dma_start3A_440, %dma_start3A_441] : memref<8x125x64xf32, #tpu.memory_space<vmem>> -> memref<1x125x64xf32, #tpu.memory_space<vmem>>
        %dma_start3A_443 = tpu.memref_squeeze %dma_start3A_442 : memref<1x125x64xf32, #tpu.memory_space<vmem>> -> memref<125x64xf32, #tpu.memory_space<vmem>>
        %dma_start3A_444 = arith.constant 0 : i32
        %dma_start3A_445 = tpu.memref_slice %arg7[%add3A_305, %dma_start3A_444] : memref<80x125xi32, #tpu.memory_space<vmem>> -> memref<1x125xi32, #tpu.memory_space<vmem>>
        %dma_start3A_446 = tpu.memref_squeeze %dma_start3A_445 : memref<1x125xi32, #tpu.memory_space<vmem>> -> memref<125xi32, #tpu.memory_space<vmem>>
        %dma_start3A_447 = arith.constant 0 : i32
        %dma_start3A_448 = arith.constant 0 : i32
        %dma_start3A_449 = tpu.memref_slice %arg9[%dma_start3A_447, %dma_start3A_448] : memref<10240x64xf32, #tpu.memory_space<vmem_shared>> -> memref<10240x64xf32, #tpu.memory_space<vmem_shared>>
        tpu.enqueue_indirect_dma source(%dma_start3A_443 : memref<125x64xf32, #tpu.memory_space<vmem>>) target(%dma_start3A_449 : memref<10240x64xf32, #tpu.memory_space<vmem_shared>>) offsets(%dma_start3A_446 : memref<125xi32, #tpu.memory_space<vmem>>) semaphore(%run_scoped3A_439 : memref<!tpu.dma_semaphore, #tpu.memory_space<semaphore_mem>>) {add = true}
        %dma_wait3A_450 = arith.constant 0 : i32
        %dma_wait3A_451 = arith.constant 0 : i32
        %dma_wait3A_452 = tpu.memref_slice %arg8[%run_scoped3A_317, %dma_wait3A_450, %dma_wait3A_451] : memref<8x125x64xf32, #tpu.memory_space<vmem>> -> memref<1x125x64xf32, #tpu.memory_space<vmem>>
        %dma_wait3A_453 = tpu.memref_squeeze %dma_wait3A_452 : memref<1x125x64xf32, #tpu.memory_space<vmem>> -> memref<125x64xf32, #tpu.memory_space<vmem>>
        %dma_wait3A_454 = arith.constant 0 : i32
        %dma_wait3A_455 = tpu.memref_slice %arg7[%add3A_305, %dma_wait3A_454] : memref<80x125xi32, #tpu.memory_space<vmem>> -> memref<1x125xi32, #tpu.memory_space<vmem>>
        %dma_wait3A_456 = tpu.memref_squeeze %dma_wait3A_455 : memref<1x125xi32, #tpu.memory_space<vmem>> -> memref<125xi32, #tpu.memory_space<vmem>>
        %dma_wait3A_457 = arith.constant 0 : i32
        %dma_wait3A_458 = arith.constant 0 : i32
        %dma_wait3A_459 = tpu.memref_slice %arg9[%dma_wait3A_457, %dma_wait3A_458] : memref<10240x64xf32, #tpu.memory_space<vmem_shared>> -> memref<10240x64xf32, #tpu.memory_space<vmem_shared>>
        tpu.wait_indirect_dma semaphore(%run_scoped3A_439 : memref<!tpu.dma_semaphore, #tpu.memory_space<semaphore_mem>>) src(%dma_wait3A_453 : memref<125x64xf32, #tpu.memory_space<vmem>>) dst(%dma_wait3A_459 : memref<10240x64xf32, #tpu.memory_space<vmem_shared>>)
        tpu.yield
      }) : () -> ()
      %add3A_318 = arith.constant 8 : i32
      %add3A_319 = arith.addi %add3A_305, %add3A_318 : i32
      %dma_start3A_320 = arith.constant 3 : i32
      %dma_start3A_321 = arith.constant 0 : i32
      %dma_start3A_322 = arith.constant 0 : i32
      %dma_start3A_323 = tpu.memref_slice %arg8[%dma_start3A_320, %dma_start3A_321, %dma_start3A_322] : memref<8x125x64xf32, #tpu.memory_space<vmem>> -> memref<1x125x64xf32, #tpu.memory_space<vmem>>
      %dma_start3A_324 = tpu.memref_squeeze %dma_start3A_323 : memref<1x125x64xf32, #tpu.memory_space<vmem>> -> memref<125x64xf32, #tpu.memory_space<vmem>>
      %dma_start3A_325 = arith.constant 0 : i32
      %dma_start3A_326 = tpu.memref_slice %arg6[%add3A_319, %dma_start3A_325] : memref<80x125xi32, #tpu.memory_space<vmem>> -> memref<1x125xi32, #tpu.memory_space<vmem>>
      %dma_start3A_327 = tpu.memref_squeeze %dma_start3A_326 : memref<1x125xi32, #tpu.memory_space<vmem>> -> memref<125xi32, #tpu.memory_space<vmem>>
      %dma_start3A_328 = arith.constant 0 : i32
      %dma_start3A_329 = arith.constant 0 : i32
      %dma_start3A_330 = tpu.memref_slice %arg2[%dma_start3A_328, %dma_start3A_329] : memref<10240x64xf32, #tpu.memory_space<hbm>> -> memref<10240x64xf32, #tpu.memory_space<hbm>>
      tpu.enqueue_indirect_dma source(%dma_start3A_330 : memref<10240x64xf32, #tpu.memory_space<hbm>>) target(%dma_start3A_324 : memref<125x64xf32, #tpu.memory_space<vmem>>) offsets(%dma_start3A_327 : memref<125xi32, #tpu.memory_space<vmem>>) semaphore(%arg13 : memref<!tpu.dma_semaphore, #tpu.memory_space<semaphore_mem>>)
      %add3A_331 = arith.constant 4 : i32
      %add3A_332 = arith.addi %mul3A_222, %add3A_331 : i32
      %dma_wait3A_333 = arith.constant 4 : i32
      %dma_wait3A_334 = arith.constant 0 : i32
      %dma_wait3A_335 = arith.constant 0 : i32
      %dma_wait3A_336 = tpu.memref_slice %arg8[%dma_wait3A_333, %dma_wait3A_334, %dma_wait3A_335] : memref<8x125x64xf32, #tpu.memory_space<vmem>> -> memref<1x125x64xf32, #tpu.memory_space<vmem>>
      %dma_wait3A_337 = tpu.memref_squeeze %dma_wait3A_336 : memref<1x125x64xf32, #tpu.memory_space<vmem>> -> memref<125x64xf32, #tpu.memory_space<vmem>>
      %dma_wait3A_338 = arith.constant 0 : i32
      %dma_wait3A_339 = tpu.memref_slice %arg6[%add3A_332, %dma_wait3A_338] : memref<80x125xi32, #tpu.memory_space<vmem>> -> memref<1x125xi32, #tpu.memory_space<vmem>>
      %dma_wait3A_340 = tpu.memref_squeeze %dma_wait3A_339 : memref<1x125xi32, #tpu.memory_space<vmem>> -> memref<125xi32, #tpu.memory_space<vmem>>
      %dma_wait3A_341 = arith.constant 0 : i32
      %dma_wait3A_342 = arith.constant 0 : i32
      %dma_wait3A_343 = tpu.memref_slice %arg2[%dma_wait3A_341, %dma_wait3A_342] : memref<10240x64xf32, #tpu.memory_space<hbm>> -> memref<10240x64xf32, #tpu.memory_space<hbm>>
      tpu.wait_indirect_dma semaphore(%arg14 : memref<!tpu.dma_semaphore, #tpu.memory_space<semaphore_mem>>) src(%dma_wait3A_343 : memref<10240x64xf32, #tpu.memory_space<hbm>>) dst(%dma_wait3A_337 : memref<125x64xf32, #tpu.memory_space<vmem>>)
      %run_scoped3A_344 = arith.constant 4 : i32
      "tpu.region"() ({
        %run_scoped3A_439 = tpu.sem_alloc : memref<!tpu.dma_semaphore, #tpu.memory_space<semaphore_mem>>
        %dma_start3A_440 = arith.constant 0 : i32
        %dma_start3A_441 = arith.constant 0 : i32
        %dma_start3A_442 = tpu.memref_slice %arg8[%run_scoped3A_344, %dma_start3A_440, %dma_start3A_441] : memref<8x125x64xf32, #tpu.memory_space<vmem>> -> memref<1x125x64xf32, #tpu.memory_space<vmem>>
        %dma_start3A_443 = tpu.memref_squeeze %dma_start3A_442 : memref<1x125x64xf32, #tpu.memory_space<vmem>> -> memref<125x64xf32, #tpu.memory_space<vmem>>
        %dma_start3A_444 = arith.constant 0 : i32
        %dma_start3A_445 = tpu.memref_slice %arg7[%add3A_332, %dma_start3A_444] : memref<80x125xi32, #tpu.memory_space<vmem>> -> memref<1x125xi32, #tpu.memory_space<vmem>>
        %dma_start3A_446 = tpu.memref_squeeze %dma_start3A_445 : memref<1x125xi32, #tpu.memory_space<vmem>> -> memref<125xi32, #tpu.memory_space<vmem>>
        %dma_start3A_447 = arith.constant 0 : i32
        %dma_start3A_448 = arith.constant 0 : i32
        %dma_start3A_449 = tpu.memref_slice %arg9[%dma_start3A_447, %dma_start3A_448] : memref<10240x64xf32, #tpu.memory_space<vmem_shared>> -> memref<10240x64xf32, #tpu.memory_space<vmem_shared>>
        tpu.enqueue_indirect_dma source(%dma_start3A_443 : memref<125x64xf32, #tpu.memory_space<vmem>>) target(%dma_start3A_449 : memref<10240x64xf32, #tpu.memory_space<vmem_shared>>) offsets(%dma_start3A_446 : memref<125xi32, #tpu.memory_space<vmem>>) semaphore(%run_scoped3A_439 : memref<!tpu.dma_semaphore, #tpu.memory_space<semaphore_mem>>) {add = true}
        %dma_wait3A_450 = arith.constant 0 : i32
        %dma_wait3A_451 = arith.constant 0 : i32
        %dma_wait3A_452 = tpu.memref_slice %arg8[%run_scoped3A_344, %dma_wait3A_450, %dma_wait3A_451] : memref<8x125x64xf32, #tpu.memory_space<vmem>> -> memref<1x125x64xf32, #tpu.memory_space<vmem>>
        %dma_wait3A_453 = tpu.memref_squeeze %dma_wait3A_452 : memref<1x125x64xf32, #tpu.memory_space<vmem>> -> memref<125x64xf32, #tpu.memory_space<vmem>>
        %dma_wait3A_454 = arith.constant 0 : i32
        %dma_wait3A_455 = tpu.memref_slice %arg7[%add3A_332, %dma_wait3A_454] : memref<80x125xi32, #tpu.memory_space<vmem>> -> memref<1x125xi32, #tpu.memory_space<vmem>>
        %dma_wait3A_456 = tpu.memref_squeeze %dma_wait3A_455 : memref<1x125xi32, #tpu.memory_space<vmem>> -> memref<125xi32, #tpu.memory_space<vmem>>
        %dma_wait3A_457 = arith.constant 0 : i32
        %dma_wait3A_458 = arith.constant 0 : i32
        %dma_wait3A_459 = tpu.memref_slice %arg9[%dma_wait3A_457, %dma_wait3A_458] : memref<10240x64xf32, #tpu.memory_space<vmem_shared>> -> memref<10240x64xf32, #tpu.memory_space<vmem_shared>>
        tpu.wait_indirect_dma semaphore(%run_scoped3A_439 : memref<!tpu.dma_semaphore, #tpu.memory_space<semaphore_mem>>) src(%dma_wait3A_453 : memref<125x64xf32, #tpu.memory_space<vmem>>) dst(%dma_wait3A_459 : memref<10240x64xf32, #tpu.memory_space<vmem_shared>>)
        tpu.yield
      }) : () -> ()
      %add3A_345 = arith.constant 8 : i32
      %add3A_346 = arith.addi %add3A_332, %add3A_345 : i32
      %dma_start3A_347 = arith.constant 4 : i32
      %dma_start3A_348 = arith.constant 0 : i32
      %dma_start3A_349 = arith.constant 0 : i32
      %dma_start3A_350 = tpu.memref_slice %arg8[%dma_start3A_347, %dma_start3A_348, %dma_start3A_349] : memref<8x125x64xf32, #tpu.memory_space<vmem>> -> memref<1x125x64xf32, #tpu.memory_space<vmem>>
      %dma_start3A_351 = tpu.memref_squeeze %dma_start3A_350 : memref<1x125x64xf32, #tpu.memory_space<vmem>> -> memref<125x64xf32, #tpu.memory_space<vmem>>
      %dma_start3A_352 = arith.constant 0 : i32
      %dma_start3A_353 = tpu.memref_slice %arg6[%add3A_346, %dma_start3A_352] : memref<80x125xi32, #tpu.memory_space<vmem>> -> memref<1x125xi32, #tpu.memory_space<vmem>>
      %dma_start3A_354 = tpu.memref_squeeze %dma_start3A_353 : memref<1x125xi32, #tpu.memory_space<vmem>> -> memref<125xi32, #tpu.memory_space<vmem>>
      %dma_start3A_355 = arith.constant 0 : i32
      %dma_start3A_356 = arith.constant 0 : i32
      %dma_start3A_357 = tpu.memref_slice %arg2[%dma_start3A_355, %dma_start3A_356] : memref<10240x64xf32, #tpu.memory_space<hbm>> -> memref<10240x64xf32, #tpu.memory_space<hbm>>
      tpu.enqueue_indirect_dma source(%dma_start3A_357 : memref<10240x64xf32, #tpu.memory_space<hbm>>) target(%dma_start3A_351 : memref<125x64xf32, #tpu.memory_space<vmem>>) offsets(%dma_start3A_354 : memref<125xi32, #tpu.memory_space<vmem>>) semaphore(%arg14 : memref<!tpu.dma_semaphore, #tpu.memory_space<semaphore_mem>>)
      %add3A_358 = arith.constant 5 : i32
      %add3A_359 = arith.addi %mul3A_222, %add3A_358 : i32
      %dma_wait3A_360 = arith.constant 5 : i32
      %dma_wait3A_361 = arith.constant 0 : i32
      %dma_wait3A_362 = arith.constant 0 : i32
      %dma_wait3A_363 = tpu.memref_slice %arg8[%dma_wait3A_360, %dma_wait3A_361, %dma_wait3A_362] : memref<8x125x64xf32, #tpu.memory_space<vmem>> -> memref<1x125x64xf32, #tpu.memory_space<vmem>>
      %dma_wait3A_364 = tpu.memref_squeeze %dma_wait3A_363 : memref<1x125x64xf32, #tpu.memory_space<vmem>> -> memref<125x64xf32, #tpu.memory_space<vmem>>
      %dma_wait3A_365 = arith.constant 0 : i32
      %dma_wait3A_366 = tpu.memref_slice %arg6[%add3A_359, %dma_wait3A_365] : memref<80x125xi32, #tpu.memory_space<vmem>> -> memref<1x125xi32, #tpu.memory_space<vmem>>
      %dma_wait3A_367 = tpu.memref_squeeze %dma_wait3A_366 : memref<1x125xi32, #tpu.memory_space<vmem>> -> memref<125xi32, #tpu.memory_space<vmem>>
      %dma_wait3A_368 = arith.constant 0 : i32
      %dma_wait3A_369 = arith.constant 0 : i32
      %dma_wait3A_370 = tpu.memref_slice %arg2[%dma_wait3A_368, %dma_wait3A_369] : memref<10240x64xf32, #tpu.memory_space<hbm>> -> memref<10240x64xf32, #tpu.memory_space<hbm>>
      tpu.wait_indirect_dma semaphore(%arg15 : memref<!tpu.dma_semaphore, #tpu.memory_space<semaphore_mem>>) src(%dma_wait3A_370 : memref<10240x64xf32, #tpu.memory_space<hbm>>) dst(%dma_wait3A_364 : memref<125x64xf32, #tpu.memory_space<vmem>>)
      %run_scoped3A_371 = arith.constant 5 : i32
      "tpu.region"() ({
        %run_scoped3A_439 = tpu.sem_alloc : memref<!tpu.dma_semaphore, #tpu.memory_space<semaphore_mem>>
        %dma_start3A_440 = arith.constant 0 : i32
        %dma_start3A_441 = arith.constant 0 : i32
        %dma_start3A_442 = tpu.memref_slice %arg8[%run_scoped3A_371, %dma_start3A_440, %dma_start3A_441] : memref<8x125x64xf32, #tpu.memory_space<vmem>> -> memref<1x125x64xf32, #tpu.memory_space<vmem>>
        %dma_start3A_443 = tpu.memref_squeeze %dma_start3A_442 : memref<1x125x64xf32, #tpu.memory_space<vmem>> -> memref<125x64xf32, #tpu.memory_space<vmem>>
        %dma_start3A_444 = arith.constant 0 : i32
        %dma_start3A_445 = tpu.memref_slice %arg7[%add3A_359, %dma_start3A_444] : memref<80x125xi32, #tpu.memory_space<vmem>> -> memref<1x125xi32, #tpu.memory_space<vmem>>
        %dma_start3A_446 = tpu.memref_squeeze %dma_start3A_445 : memref<1x125xi32, #tpu.memory_space<vmem>> -> memref<125xi32, #tpu.memory_space<vmem>>
        %dma_start3A_447 = arith.constant 0 : i32
        %dma_start3A_448 = arith.constant 0 : i32
        %dma_start3A_449 = tpu.memref_slice %arg9[%dma_start3A_447, %dma_start3A_448] : memref<10240x64xf32, #tpu.memory_space<vmem_shared>> -> memref<10240x64xf32, #tpu.memory_space<vmem_shared>>
        tpu.enqueue_indirect_dma source(%dma_start3A_443 : memref<125x64xf32, #tpu.memory_space<vmem>>) target(%dma_start3A_449 : memref<10240x64xf32, #tpu.memory_space<vmem_shared>>) offsets(%dma_start3A_446 : memref<125xi32, #tpu.memory_space<vmem>>) semaphore(%run_scoped3A_439 : memref<!tpu.dma_semaphore, #tpu.memory_space<semaphore_mem>>) {add = true}
        %dma_wait3A_450 = arith.constant 0 : i32
        %dma_wait3A_451 = arith.constant 0 : i32
        %dma_wait3A_452 = tpu.memref_slice %arg8[%run_scoped3A_371, %dma_wait3A_450, %dma_wait3A_451] : memref<8x125x64xf32, #tpu.memory_space<vmem>> -> memref<1x125x64xf32, #tpu.memory_space<vmem>>
        %dma_wait3A_453 = tpu.memref_squeeze %dma_wait3A_452 : memref<1x125x64xf32, #tpu.memory_space<vmem>> -> memref<125x64xf32, #tpu.memory_space<vmem>>
        %dma_wait3A_454 = arith.constant 0 : i32
        %dma_wait3A_455 = tpu.memref_slice %arg7[%add3A_359, %dma_wait3A_454] : memref<80x125xi32, #tpu.memory_space<vmem>> -> memref<1x125xi32, #tpu.memory_space<vmem>>
        %dma_wait3A_456 = tpu.memref_squeeze %dma_wait3A_455 : memref<1x125xi32, #tpu.memory_space<vmem>> -> memref<125xi32, #tpu.memory_space<vmem>>
        %dma_wait3A_457 = arith.constant 0 : i32
        %dma_wait3A_458 = arith.constant 0 : i32
        %dma_wait3A_459 = tpu.memref_slice %arg9[%dma_wait3A_457, %dma_wait3A_458] : memref<10240x64xf32, #tpu.memory_space<vmem_shared>> -> memref<10240x64xf32, #tpu.memory_space<vmem_shared>>
        tpu.wait_indirect_dma semaphore(%run_scoped3A_439 : memref<!tpu.dma_semaphore, #tpu.memory_space<semaphore_mem>>) src(%dma_wait3A_453 : memref<125x64xf32, #tpu.memory_space<vmem>>) dst(%dma_wait3A_459 : memref<10240x64xf32, #tpu.memory_space<vmem_shared>>)
        tpu.yield
      }) : () -> ()
      %add3A_372 = arith.constant 8 : i32
      %add3A_373 = arith.addi %add3A_359, %add3A_372 : i32
      %dma_start3A_374 = arith.constant 5 : i32
      %dma_start3A_375 = arith.constant 0 : i32
      %dma_start3A_376 = arith.constant 0 : i32
      %dma_start3A_377 = tpu.memref_slice %arg8[%dma_start3A_374, %dma_start3A_375, %dma_start3A_376] : memref<8x125x64xf32, #tpu.memory_space<vmem>> -> memref<1x125x64xf32, #tpu.memory_space<vmem>>
      %dma_start3A_378 = tpu.memref_squeeze %dma_start3A_377 : memref<1x125x64xf32, #tpu.memory_space<vmem>> -> memref<125x64xf32, #tpu.memory_space<vmem>>
      %dma_start3A_379 = arith.constant 0 : i32
      %dma_start3A_380 = tpu.memref_slice %arg6[%add3A_373, %dma_start3A_379] : memref<80x125xi32, #tpu.memory_space<vmem>> -> memref<1x125xi32, #tpu.memory_space<vmem>>
      %dma_start3A_381 = tpu.memref_squeeze %dma_start3A_380 : memref<1x125xi32, #tpu.memory_space<vmem>> -> memref<125xi32, #tpu.memory_space<vmem>>
      %dma_start3A_382 = arith.constant 0 : i32
      %dma_start3A_383 = arith.constant 0 : i32
      %dma_start3A_384 = tpu.memref_slice %arg2[%dma_start3A_382, %dma_start3A_383] : memref<10240x64xf32, #tpu.memory_space<hbm>> -> memref<10240x64xf32, #tpu.memory_space<hbm>>
      tpu.enqueue_indirect_dma source(%dma_start3A_384 : memref<10240x64xf32, #tpu.memory_space<hbm>>) target(%dma_start3A_378 : memref<125x64xf32, #tpu.memory_space<vmem>>) offsets(%dma_start3A_381 : memref<125xi32, #tpu.memory_space<vmem>>) semaphore(%arg15 : memref<!tpu.dma_semaphore, #tpu.memory_space<semaphore_mem>>)
      %add3A_385 = arith.constant 6 : i32
      %add3A_386 = arith.addi %mul3A_222, %add3A_385 : i32
      %dma_wait3A_387 = arith.constant 6 : i32
      %dma_wait3A_388 = arith.constant 0 : i32
      %dma_wait3A_389 = arith.constant 0 : i32
      %dma_wait3A_390 = tpu.memref_slice %arg8[%dma_wait3A_387, %dma_wait3A_388, %dma_wait3A_389] : memref<8x125x64xf32, #tpu.memory_space<vmem>> -> memref<1x125x64xf32, #tpu.memory_space<vmem>>
      %dma_wait3A_391 = tpu.memref_squeeze %dma_wait3A_390 : memref<1x125x64xf32, #tpu.memory_space<vmem>> -> memref<125x64xf32, #tpu.memory_space<vmem>>
      %dma_wait3A_392 = arith.constant 0 : i32
      %dma_wait3A_393 = tpu.memref_slice %arg6[%add3A_386, %dma_wait3A_392] : memref<80x125xi32, #tpu.memory_space<vmem>> -> memref<1x125xi32, #tpu.memory_space<vmem>>
      %dma_wait3A_394 = tpu.memref_squeeze %dma_wait3A_393 : memref<1x125xi32, #tpu.memory_space<vmem>> -> memref<125xi32, #tpu.memory_space<vmem>>
      %dma_wait3A_395 = arith.constant 0 : i32
      %dma_wait3A_396 = arith.constant 0 : i32
      %dma_wait3A_397 = tpu.memref_slice %arg2[%dma_wait3A_395, %dma_wait3A_396] : memref<10240x64xf32, #tpu.memory_space<hbm>> -> memref<10240x64xf32, #tpu.memory_space<hbm>>
      tpu.wait_indirect_dma semaphore(%arg16 : memref<!tpu.dma_semaphore, #tpu.memory_space<semaphore_mem>>) src(%dma_wait3A_397 : memref<10240x64xf32, #tpu.memory_space<hbm>>) dst(%dma_wait3A_391 : memref<125x64xf32, #tpu.memory_space<vmem>>)
      %run_scoped3A_398 = arith.constant 6 : i32
      "tpu.region"() ({
        %run_scoped3A_439 = tpu.sem_alloc : memref<!tpu.dma_semaphore, #tpu.memory_space<semaphore_mem>>
        %dma_start3A_440 = arith.constant 0 : i32
        %dma_start3A_441 = arith.constant 0 : i32
        %dma_start3A_442 = tpu.memref_slice %arg8[%run_scoped3A_398, %dma_start3A_440, %dma_start3A_441] : memref<8x125x64xf32, #tpu.memory_space<vmem>> -> memref<1x125x64xf32, #tpu.memory_space<vmem>>
        %dma_start3A_443 = tpu.memref_squeeze %dma_start3A_442 : memref<1x125x64xf32, #tpu.memory_space<vmem>> -> memref<125x64xf32, #tpu.memory_space<vmem>>
        %dma_start3A_444 = arith.constant 0 : i32
        %dma_start3A_445 = tpu.memref_slice %arg7[%add3A_386, %dma_start3A_444] : memref<80x125xi32, #tpu.memory_space<vmem>> -> memref<1x125xi32, #tpu.memory_space<vmem>>
        %dma_start3A_446 = tpu.memref_squeeze %dma_start3A_445 : memref<1x125xi32, #tpu.memory_space<vmem>> -> memref<125xi32, #tpu.memory_space<vmem>>
        %dma_start3A_447 = arith.constant 0 : i32
        %dma_start3A_448 = arith.constant 0 : i32
        %dma_start3A_449 = tpu.memref_slice %arg9[%dma_start3A_447, %dma_start3A_448] : memref<10240x64xf32, #tpu.memory_space<vmem_shared>> -> memref<10240x64xf32, #tpu.memory_space<vmem_shared>>
        tpu.enqueue_indirect_dma source(%dma_start3A_443 : memref<125x64xf32, #tpu.memory_space<vmem>>) target(%dma_start3A_449 : memref<10240x64xf32, #tpu.memory_space<vmem_shared>>) offsets(%dma_start3A_446 : memref<125xi32, #tpu.memory_space<vmem>>) semaphore(%run_scoped3A_439 : memref<!tpu.dma_semaphore, #tpu.memory_space<semaphore_mem>>) {add = true}
        %dma_wait3A_450 = arith.constant 0 : i32
        %dma_wait3A_451 = arith.constant 0 : i32
        %dma_wait3A_452 = tpu.memref_slice %arg8[%run_scoped3A_398, %dma_wait3A_450, %dma_wait3A_451] : memref<8x125x64xf32, #tpu.memory_space<vmem>> -> memref<1x125x64xf32, #tpu.memory_space<vmem>>
        %dma_wait3A_453 = tpu.memref_squeeze %dma_wait3A_452 : memref<1x125x64xf32, #tpu.memory_space<vmem>> -> memref<125x64xf32, #tpu.memory_space<vmem>>
        %dma_wait3A_454 = arith.constant 0 : i32
        %dma_wait3A_455 = tpu.memref_slice %arg7[%add3A_386, %dma_wait3A_454] : memref<80x125xi32, #tpu.memory_space<vmem>> -> memref<1x125xi32, #tpu.memory_space<vmem>>
        %dma_wait3A_456 = tpu.memref_squeeze %dma_wait3A_455 : memref<1x125xi32, #tpu.memory_space<vmem>> -> memref<125xi32, #tpu.memory_space<vmem>>
        %dma_wait3A_457 = arith.constant 0 : i32
        %dma_wait3A_458 = arith.constant 0 : i32
        %dma_wait3A_459 = tpu.memref_slice %arg9[%dma_wait3A_457, %dma_wait3A_458] : memref<10240x64xf32, #tpu.memory_space<vmem_shared>> -> memref<10240x64xf32, #tpu.memory_space<vmem_shared>>
        tpu.wait_indirect_dma semaphore(%run_scoped3A_439 : memref<!tpu.dma_semaphore, #tpu.memory_space<semaphore_mem>>) src(%dma_wait3A_453 : memref<125x64xf32, #tpu.memory_space<vmem>>) dst(%dma_wait3A_459 : memref<10240x64xf32, #tpu.memory_space<vmem_shared>>)
        tpu.yield
      }) : () -> ()
      %add3A_399 = arith.constant 8 : i32
      %add3A_400 = arith.addi %add3A_386, %add3A_399 : i32
      %dma_start3A_401 = arith.constant 6 : i32
      %dma_start3A_402 = arith.constant 0 : i32
      %dma_start3A_403 = arith.constant 0 : i32
      %dma_start3A_404 = tpu.memref_slice %arg8[%dma_start3A_401, %dma_start3A_402, %dma_start3A_403] : memref<8x125x64xf32, #tpu.memory_space<vmem>> -> memref<1x125x64xf32, #tpu.memory_space<vmem>>
      %dma_start3A_405 = tpu.memref_squeeze %dma_start3A_404 : memref<1x125x64xf32, #tpu.memory_space<vmem>> -> memref<125x64xf32, #tpu.memory_space<vmem>>
      %dma_start3A_406 = arith.constant 0 : i32
      %dma_start3A_407 = tpu.memref_slice %arg6[%add3A_400, %dma_start3A_406] : memref<80x125xi32, #tpu.memory_space<vmem>> -> memref<1x125xi32, #tpu.memory_space<vmem>>
      %dma_start3A_408 = tpu.memref_squeeze %dma_start3A_407 : memref<1x125xi32, #tpu.memory_space<vmem>> -> memref<125xi32, #tpu.memory_space<vmem>>
      %dma_start3A_409 = arith.constant 0 : i32
      %dma_start3A_410 = arith.constant 0 : i32
      %dma_start3A_411 = tpu.memref_slice %arg2[%dma_start3A_409, %dma_start3A_410] : memref<10240x64xf32, #tpu.memory_space<hbm>> -> memref<10240x64xf32, #tpu.memory_space<hbm>>
      tpu.enqueue_indirect_dma source(%dma_start3A_411 : memref<10240x64xf32, #tpu.memory_space<hbm>>) target(%dma_start3A_405 : memref<125x64xf32, #tpu.memory_space<vmem>>) offsets(%dma_start3A_408 : memref<125xi32, #tpu.memory_space<vmem>>) semaphore(%arg16 : memref<!tpu.dma_semaphore, #tpu.memory_space<semaphore_mem>>)
      %add3A_412 = arith.constant 7 : i32
      %add3A_413 = arith.addi %mul3A_222, %add3A_412 : i32
      %dma_wait3A_414 = arith.constant 7 : i32
      %dma_wait3A_415 = arith.constant 0 : i32
      %dma_wait3A_416 = arith.constant 0 : i32
      %dma_wait3A_417 = tpu.memref_slice %arg8[%dma_wait3A_414, %dma_wait3A_415, %dma_wait3A_416] : memref<8x125x64xf32, #tpu.memory_space<vmem>> -> memref<1x125x64xf32, #tpu.memory_space<vmem>>
      %dma_wait3A_418 = tpu.memref_squeeze %dma_wait3A_417 : memref<1x125x64xf32, #tpu.memory_space<vmem>> -> memref<125x64xf32, #tpu.memory_space<vmem>>
      %dma_wait3A_419 = arith.constant 0 : i32
      %dma_wait3A_420 = tpu.memref_slice %arg6[%add3A_413, %dma_wait3A_419] : memref<80x125xi32, #tpu.memory_space<vmem>> -> memref<1x125xi32, #tpu.memory_space<vmem>>
      %dma_wait3A_421 = tpu.memref_squeeze %dma_wait3A_420 : memref<1x125xi32, #tpu.memory_space<vmem>> -> memref<125xi32, #tpu.memory_space<vmem>>
      %dma_wait3A_422 = arith.constant 0 : i32
      %dma_wait3A_423 = arith.constant 0 : i32
      %dma_wait3A_424 = tpu.memref_slice %arg2[%dma_wait3A_422, %dma_wait3A_423] : memref<10240x64xf32, #tpu.memory_space<hbm>> -> memref<10240x64xf32, #tpu.memory_space<hbm>>
      tpu.wait_indirect_dma semaphore(%arg17 : memref<!tpu.dma_semaphore, #tpu.memory_space<semaphore_mem>>) src(%dma_wait3A_424 : memref<10240x64xf32, #tpu.memory_space<hbm>>) dst(%dma_wait3A_418 : memref<125x64xf32, #tpu.memory_space<vmem>>)
      %run_scoped3A_425 = arith.constant 7 : i32
      "tpu.region"() ({
        %run_scoped3A_439 = tpu.sem_alloc : memref<!tpu.dma_semaphore, #tpu.memory_space<semaphore_mem>>
        %dma_start3A_440 = arith.constant 0 : i32
        %dma_start3A_441 = arith.constant 0 : i32
        %dma_start3A_442 = tpu.memref_slice %arg8[%run_scoped3A_425, %dma_start3A_440, %dma_start3A_441] : memref<8x125x64xf32, #tpu.memory_space<vmem>> -> memref<1x125x64xf32, #tpu.memory_space<vmem>>
        %dma_start3A_443 = tpu.memref_squeeze %dma_start3A_442 : memref<1x125x64xf32, #tpu.memory_space<vmem>> -> memref<125x64xf32, #tpu.memory_space<vmem>>
        %dma_start3A_444 = arith.constant 0 : i32
        %dma_start3A_445 = tpu.memref_slice %arg7[%add3A_413, %dma_start3A_444] : memref<80x125xi32, #tpu.memory_space<vmem>> -> memref<1x125xi32, #tpu.memory_space<vmem>>
        %dma_start3A_446 = tpu.memref_squeeze %dma_start3A_445 : memref<1x125xi32, #tpu.memory_space<vmem>> -> memref<125xi32, #tpu.memory_space<vmem>>
        %dma_start3A_447 = arith.constant 0 : i32
        %dma_start3A_448 = arith.constant 0 : i32
        %dma_start3A_449 = tpu.memref_slice %arg9[%dma_start3A_447, %dma_start3A_448] : memref<10240x64xf32, #tpu.memory_space<vmem_shared>> -> memref<10240x64xf32, #tpu.memory_space<vmem_shared>>
        tpu.enqueue_indirect_dma source(%dma_start3A_443 : memref<125x64xf32, #tpu.memory_space<vmem>>) target(%dma_start3A_449 : memref<10240x64xf32, #tpu.memory_space<vmem_shared>>) offsets(%dma_start3A_446 : memref<125xi32, #tpu.memory_space<vmem>>) semaphore(%run_scoped3A_439 : memref<!tpu.dma_semaphore, #tpu.memory_space<semaphore_mem>>) {add = true}
        %dma_wait3A_450 = arith.constant 0 : i32
        %dma_wait3A_451 = arith.constant 0 : i32
        %dma_wait3A_452 = tpu.memref_slice %arg8[%run_scoped3A_425, %dma_wait3A_450, %dma_wait3A_451] : memref<8x125x64xf32, #tpu.memory_space<vmem>> -> memref<1x125x64xf32, #tpu.memory_space<vmem>>
        %dma_wait3A_453 = tpu.memref_squeeze %dma_wait3A_452 : memref<1x125x64xf32, #tpu.memory_space<vmem>> -> memref<125x64xf32, #tpu.memory_space<vmem>>
        %dma_wait3A_454 = arith.constant 0 : i32
        %dma_wait3A_455 = tpu.memref_slice %arg7[%add3A_413, %dma_wait3A_454] : memref<80x125xi32, #tpu.memory_space<vmem>> -> memref<1x125xi32, #tpu.memory_space<vmem>>
        %dma_wait3A_456 = tpu.memref_squeeze %dma_wait3A_455 : memref<1x125xi32, #tpu.memory_space<vmem>> -> memref<125xi32, #tpu.memory_space<vmem>>
        %dma_wait3A_457 = arith.constant 0 : i32
        %dma_wait3A_458 = arith.constant 0 : i32
        %dma_wait3A_459 = tpu.memref_slice %arg9[%dma_wait3A_457, %dma_wait3A_458] : memref<10240x64xf32, #tpu.memory_space<vmem_shared>> -> memref<10240x64xf32, #tpu.memory_space<vmem_shared>>
        tpu.wait_indirect_dma semaphore(%run_scoped3A_439 : memref<!tpu.dma_semaphore, #tpu.memory_space<semaphore_mem>>) src(%dma_wait3A_453 : memref<125x64xf32, #tpu.memory_space<vmem>>) dst(%dma_wait3A_459 : memref<10240x64xf32, #tpu.memory_space<vmem_shared>>)
        tpu.yield
      }) : () -> ()
      %add3A_426 = arith.constant 8 : i32
      %add3A_427 = arith.addi %add3A_413, %add3A_426 : i32
      %dma_start3A_428 = arith.constant 7 : i32
      %dma_start3A_429 = arith.constant 0 : i32
      %dma_start3A_430 = arith.constant 0 : i32
      %dma_start3A_431 = tpu.memref_slice %arg8[%dma_start3A_428, %dma_start3A_429, %dma_start3A_430] : memref<8x125x64xf32, #tpu.memory_space<vmem>> -> memref<1x125x64xf32, #tpu.memory_space<vmem>>
      %dma_start3A_432 = tpu.memref_squeeze %dma_start3A_431 : memref<1x125x64xf32, #tpu.memory_space<vmem>> -> memref<125x64xf32, #tpu.memory_space<vmem>>
      %dma_start3A_433 = arith.constant 0 : i32
      %dma_start3A_434 = tpu.memref_slice %arg6[%add3A_427, %dma_start3A_433] : memref<80x125xi32, #tpu.memory_space<vmem>> -> memref<1x125xi32, #tpu.memory_space<vmem>>
      %dma_start3A_435 = tpu.memref_squeeze %dma_start3A_434 : memref<1x125xi32, #tpu.memory_space<vmem>> -> memref<125xi32, #tpu.memory_space<vmem>>
      %dma_start3A_436 = arith.constant 0 : i32
      %dma_start3A_437 = arith.constant 0 : i32
      %dma_start3A_438 = tpu.memref_slice %arg2[%dma_start3A_436, %dma_start3A_437] : memref<10240x64xf32, #tpu.memory_space<hbm>> -> memref<10240x64xf32, #tpu.memory_space<hbm>>
      tpu.enqueue_indirect_dma source(%dma_start3A_438 : memref<10240x64xf32, #tpu.memory_space<hbm>>) target(%dma_start3A_432 : memref<125x64xf32, #tpu.memory_space<vmem>>) offsets(%dma_start3A_435 : memref<125xi32, #tpu.memory_space<vmem>>) semaphore(%arg17 : memref<!tpu.dma_semaphore, #tpu.memory_space<semaphore_mem>>)
    }
    %scan3A_103 = arith.constant 9 : i32
    %dma_wait3A = arith.constant 72 : i32
    %dma_wait3A_104 = arith.constant 0 : i32
    %dma_wait3A_105 = arith.constant 0 : i32
    %dma_wait3A_106 = arith.constant 0 : i32
    %dma_wait3A_107 = tpu.memref_slice %arg8[%dma_wait3A_104, %dma_wait3A_105, %dma_wait3A_106] : memref<8x125x64xf32, #tpu.memory_space<vmem>> -> memref<1x125x64xf32, #tpu.memory_space<vmem>>
    %dma_wait3A_108 = tpu.memref_squeeze %dma_wait3A_107 : memref<1x125x64xf32, #tpu.memory_space<vmem>> -> memref<125x64xf32, #tpu.memory_space<vmem>>
    %dma_wait3A_109 = arith.constant 0 : i32
    %dma_wait3A_110 = tpu.memref_slice %arg6[%dma_wait3A, %dma_wait3A_109] : memref<80x125xi32, #tpu.memory_space<vmem>> -> memref<1x125xi32, #tpu.memory_space<vmem>>
    %dma_wait3A_111 = tpu.memref_squeeze %dma_wait3A_110 : memref<1x125xi32, #tpu.memory_space<vmem>> -> memref<125xi32, #tpu.memory_space<vmem>>
    %dma_wait3A_112 = arith.constant 0 : i32
    %dma_wait3A_113 = arith.constant 0 : i32
    %dma_wait3A_114 = tpu.memref_slice %arg2[%dma_wait3A_112, %dma_wait3A_113] : memref<10240x64xf32, #tpu.memory_space<hbm>> -> memref<10240x64xf32, #tpu.memory_space<hbm>>
    tpu.wait_indirect_dma semaphore(%arg10 : memref<!tpu.dma_semaphore, #tpu.memory_space<semaphore_mem>>) src(%dma_wait3A_114 : memref<10240x64xf32, #tpu.memory_space<hbm>>) dst(%dma_wait3A_108 : memref<125x64xf32, #tpu.memory_space<vmem>>)
    %run_scoped3A_115 = arith.constant 0 : i32
    %run_scoped3A_116 = arith.constant 72 : i32
    "tpu.region"() ({
      %run_scoped3A_220 = tpu.sem_alloc : memref<!tpu.dma_semaphore, #tpu.memory_space<semaphore_mem>>
      %dma_start3A_221 = arith.constant 0 : i32
      %dma_start3A_222 = arith.constant 0 : i32
      %dma_start3A_223 = tpu.memref_slice %arg8[%run_scoped3A_115, %dma_start3A_221, %dma_start3A_222] : memref<8x125x64xf32, #tpu.memory_space<vmem>> -> memref<1x125x64xf32, #tpu.memory_space<vmem>>
      %dma_start3A_224 = tpu.memref_squeeze %dma_start3A_223 : memref<1x125x64xf32, #tpu.memory_space<vmem>> -> memref<125x64xf32, #tpu.memory_space<vmem>>
      %dma_start3A_225 = arith.constant 0 : i32
      %dma_start3A_226 = tpu.memref_slice %arg7[%run_scoped3A_116, %dma_start3A_225] : memref<80x125xi32, #tpu.memory_space<vmem>> -> memref<1x125xi32, #tpu.memory_space<vmem>>
      %dma_start3A_227 = tpu.memref_squeeze %dma_start3A_226 : memref<1x125xi32, #tpu.memory_space<vmem>> -> memref<125xi32, #tpu.memory_space<vmem>>
      %dma_start3A_228 = arith.constant 0 : i32
      %dma_start3A_229 = arith.constant 0 : i32
      %dma_start3A_230 = tpu.memref_slice %arg9[%dma_start3A_228, %dma_start3A_229] : memref<10240x64xf32, #tpu.memory_space<vmem_shared>> -> memref<10240x64xf32, #tpu.memory_space<vmem_shared>>
      tpu.enqueue_indirect_dma source(%dma_start3A_224 : memref<125x64xf32, #tpu.memory_space<vmem>>) target(%dma_start3A_230 : memref<10240x64xf32, #tpu.memory_space<vmem_shared>>) offsets(%dma_start3A_227 : memref<125xi32, #tpu.memory_space<vmem>>) semaphore(%run_scoped3A_220 : memref<!tpu.dma_semaphore, #tpu.memory_space<semaphore_mem>>) {add = true}
      %dma_wait3A_231 = arith.constant 0 : i32
      %dma_wait3A_232 = arith.constant 0 : i32
      %dma_wait3A_233 = tpu.memref_slice %arg8[%run_scoped3A_115, %dma_wait3A_231, %dma_wait3A_232] : memref<8x125x64xf32, #tpu.memory_space<vmem>> -> memref<1x125x64xf32, #tpu.memory_space<vmem>>
      %dma_wait3A_234 = tpu.memref_squeeze %dma_wait3A_233 : memref<1x125x64xf32, #tpu.memory_space<vmem>> -> memref<125x64xf32, #tpu.memory_space<vmem>>
      %dma_wait3A_235 = arith.constant 0 : i32
      %dma_wait3A_236 = tpu.memref_slice %arg7[%run_scoped3A_116, %dma_wait3A_235] : memref<80x125xi32, #tpu.memory_space<vmem>> -> memref<1x125xi32, #tpu.memory_space<vmem>>
      %dma_wait3A_237 = tpu.memref_squeeze %dma_wait3A_236 : memref<1x125xi32, #tpu.memory_space<vmem>> -> memref<125xi32, #tpu.memory_space<vmem>>
      %dma_wait3A_238 = arith.constant 0 : i32
      %dma_wait3A_239 = arith.constant 0 : i32
      %dma_wait3A_240 = tpu.memref_slice %arg9[%dma_wait3A_238, %dma_wait3A_239] : memref<10240x64xf32, #tpu.memory_space<vmem_shared>> -> memref<10240x64xf32, #tpu.memory_space<vmem_shared>>
      tpu.wait_indirect_dma semaphore(%run_scoped3A_220 : memref<!tpu.dma_semaphore, #tpu.memory_space<semaphore_mem>>) src(%dma_wait3A_234 : memref<125x64xf32, #tpu.memory_space<vmem>>) dst(%dma_wait3A_240 : memref<10240x64xf32, #tpu.memory_space<vmem_shared>>)
      tpu.yield
    }) : () -> ()
    %dma_wait3A_117 = arith.constant 73 : i32
    %dma_wait3A_118 = arith.constant 1 : i32
    %dma_wait3A_119 = arith.constant 0 : i32
    %dma_wait3A_120 = arith.constant 0 : i32
    %dma_wait3A_121 = tpu.memref_slice %arg8[%dma_wait3A_118, %dma_wait3A_119, %dma_wait3A_120] : memref<8x125x64xf32, #tpu.memory_space<vmem>> -> memref<1x125x64xf32, #tpu.memory_space<vmem>>
    %dma_wait3A_122 = tpu.memref_squeeze %dma_wait3A_121 : memref<1x125x64xf32, #tpu.memory_space<vmem>> -> memref<125x64xf32, #tpu.memory_space<vmem>>
    %dma_wait3A_123 = arith.constant 0 : i32
    %dma_wait3A_124 = tpu.memref_slice %arg6[%dma_wait3A_117, %dma_wait3A_123] : memref<80x125xi32, #tpu.memory_space<vmem>> -> memref<1x125xi32, #tpu.memory_space<vmem>>
    %dma_wait3A_125 = tpu.memref_squeeze %dma_wait3A_124 : memref<1x125xi32, #tpu.memory_space<vmem>> -> memref<125xi32, #tpu.memory_space<vmem>>
    %dma_wait3A_126 = arith.constant 0 : i32
    %dma_wait3A_127 = arith.constant 0 : i32
    %dma_wait3A_128 = tpu.memref_slice %arg2[%dma_wait3A_126, %dma_wait3A_127] : memref<10240x64xf32, #tpu.memory_space<hbm>> -> memref<10240x64xf32, #tpu.memory_space<hbm>>
    tpu.wait_indirect_dma semaphore(%arg11 : memref<!tpu.dma_semaphore, #tpu.memory_space<semaphore_mem>>) src(%dma_wait3A_128 : memref<10240x64xf32, #tpu.memory_space<hbm>>) dst(%dma_wait3A_122 : memref<125x64xf32, #tpu.memory_space<vmem>>)
    %run_scoped3A_129 = arith.constant 1 : i32
    %run_scoped3A_130 = arith.constant 73 : i32
    "tpu.region"() ({
      %run_scoped3A_220 = tpu.sem_alloc : memref<!tpu.dma_semaphore, #tpu.memory_space<semaphore_mem>>
      %dma_start3A_221 = arith.constant 0 : i32
      %dma_start3A_222 = arith.constant 0 : i32
      %dma_start3A_223 = tpu.memref_slice %arg8[%run_scoped3A_129, %dma_start3A_221, %dma_start3A_222] : memref<8x125x64xf32, #tpu.memory_space<vmem>> -> memref<1x125x64xf32, #tpu.memory_space<vmem>>
      %dma_start3A_224 = tpu.memref_squeeze %dma_start3A_223 : memref<1x125x64xf32, #tpu.memory_space<vmem>> -> memref<125x64xf32, #tpu.memory_space<vmem>>
      %dma_start3A_225 = arith.constant 0 : i32
      %dma_start3A_226 = tpu.memref_slice %arg7[%run_scoped3A_130, %dma_start3A_225] : memref<80x125xi32, #tpu.memory_space<vmem>> -> memref<1x125xi32, #tpu.memory_space<vmem>>
      %dma_start3A_227 = tpu.memref_squeeze %dma_start3A_226 : memref<1x125xi32, #tpu.memory_space<vmem>> -> memref<125xi32, #tpu.memory_space<vmem>>
      %dma_start3A_228 = arith.constant 0 : i32
      %dma_start3A_229 = arith.constant 0 : i32
      %dma_start3A_230 = tpu.memref_slice %arg9[%dma_start3A_228, %dma_start3A_229] : memref<10240x64xf32, #tpu.memory_space<vmem_shared>> -> memref<10240x64xf32, #tpu.memory_space<vmem_shared>>
      tpu.enqueue_indirect_dma source(%dma_start3A_224 : memref<125x64xf32, #tpu.memory_space<vmem>>) target(%dma_start3A_230 : memref<10240x64xf32, #tpu.memory_space<vmem_shared>>) offsets(%dma_start3A_227 : memref<125xi32, #tpu.memory_space<vmem>>) semaphore(%run_scoped3A_220 : memref<!tpu.dma_semaphore, #tpu.memory_space<semaphore_mem>>) {add = true}
      %dma_wait3A_231 = arith.constant 0 : i32
      %dma_wait3A_232 = arith.constant 0 : i32
      %dma_wait3A_233 = tpu.memref_slice %arg8[%run_scoped3A_129, %dma_wait3A_231, %dma_wait3A_232] : memref<8x125x64xf32, #tpu.memory_space<vmem>> -> memref<1x125x64xf32, #tpu.memory_space<vmem>>
      %dma_wait3A_234 = tpu.memref_squeeze %dma_wait3A_233 : memref<1x125x64xf32, #tpu.memory_space<vmem>> -> memref<125x64xf32, #tpu.memory_space<vmem>>
      %dma_wait3A_235 = arith.constant 0 : i32
      %dma_wait3A_236 = tpu.memref_slice %arg7[%run_scoped3A_130, %dma_wait3A_235] : memref<80x125xi32, #tpu.memory_space<vmem>> -> memref<1x125xi32, #tpu.memory_space<vmem>>
      %dma_wait3A_237 = tpu.memref_squeeze %dma_wait3A_236 : memref<1x125xi32, #tpu.memory_space<vmem>> -> memref<125xi32, #tpu.memory_space<vmem>>
      %dma_wait3A_238 = arith.constant 0 : i32
      %dma_wait3A_239 = arith.constant 0 : i32
      %dma_wait3A_240 = tpu.memref_slice %arg9[%dma_wait3A_238, %dma_wait3A_239] : memref<10240x64xf32, #tpu.memory_space<vmem_shared>> -> memref<10240x64xf32, #tpu.memory_space<vmem_shared>>
      tpu.wait_indirect_dma semaphore(%run_scoped3A_220 : memref<!tpu.dma_semaphore, #tpu.memory_space<semaphore_mem>>) src(%dma_wait3A_234 : memref<125x64xf32, #tpu.memory_space<vmem>>) dst(%dma_wait3A_240 : memref<10240x64xf32, #tpu.memory_space<vmem_shared>>)
      tpu.yield
    }) : () -> ()
    %dma_wait3A_131 = arith.constant 74 : i32
    %dma_wait3A_132 = arith.constant 2 : i32
    %dma_wait3A_133 = arith.constant 0 : i32
    %dma_wait3A_134 = arith.constant 0 : i32
    %dma_wait3A_135 = tpu.memref_slice %arg8[%dma_wait3A_132, %dma_wait3A_133, %dma_wait3A_134] : memref<8x125x64xf32, #tpu.memory_space<vmem>> -> memref<1x125x64xf32, #tpu.memory_space<vmem>>
    %dma_wait3A_136 = tpu.memref_squeeze %dma_wait3A_135 : memref<1x125x64xf32, #tpu.memory_space<vmem>> -> memref<125x64xf32, #tpu.memory_space<vmem>>
    %dma_wait3A_137 = arith.constant 0 : i32
    %dma_wait3A_138 = tpu.memref_slice %arg6[%dma_wait3A_131, %dma_wait3A_137] : memref<80x125xi32, #tpu.memory_space<vmem>> -> memref<1x125xi32, #tpu.memory_space<vmem>>
    %dma_wait3A_139 = tpu.memref_squeeze %dma_wait3A_138 : memref<1x125xi32, #tpu.memory_space<vmem>> -> memref<125xi32, #tpu.memory_space<vmem>>
    %dma_wait3A_140 = arith.constant 0 : i32
    %dma_wait3A_141 = arith.constant 0 : i32
    %dma_wait3A_142 = tpu.memref_slice %arg2[%dma_wait3A_140, %dma_wait3A_141] : memref<10240x64xf32, #tpu.memory_space<hbm>> -> memref<10240x64xf32, #tpu.memory_space<hbm>>
    tpu.wait_indirect_dma semaphore(%arg12 : memref<!tpu.dma_semaphore, #tpu.memory_space<semaphore_mem>>) src(%dma_wait3A_142 : memref<10240x64xf32, #tpu.memory_space<hbm>>) dst(%dma_wait3A_136 : memref<125x64xf32, #tpu.memory_space<vmem>>)
    %run_scoped3A_143 = arith.constant 2 : i32
    %run_scoped3A_144 = arith.constant 74 : i32
    "tpu.region"() ({
      %run_scoped3A_220 = tpu.sem_alloc : memref<!tpu.dma_semaphore, #tpu.memory_space<semaphore_mem>>
      %dma_start3A_221 = arith.constant 0 : i32
      %dma_start3A_222 = arith.constant 0 : i32
      %dma_start3A_223 = tpu.memref_slice %arg8[%run_scoped3A_143, %dma_start3A_221, %dma_start3A_222] : memref<8x125x64xf32, #tpu.memory_space<vmem>> -> memref<1x125x64xf32, #tpu.memory_space<vmem>>
      %dma_start3A_224 = tpu.memref_squeeze %dma_start3A_223 : memref<1x125x64xf32, #tpu.memory_space<vmem>> -> memref<125x64xf32, #tpu.memory_space<vmem>>
      %dma_start3A_225 = arith.constant 0 : i32
      %dma_start3A_226 = tpu.memref_slice %arg7[%run_scoped3A_144, %dma_start3A_225] : memref<80x125xi32, #tpu.memory_space<vmem>> -> memref<1x125xi32, #tpu.memory_space<vmem>>
      %dma_start3A_227 = tpu.memref_squeeze %dma_start3A_226 : memref<1x125xi32, #tpu.memory_space<vmem>> -> memref<125xi32, #tpu.memory_space<vmem>>
      %dma_start3A_228 = arith.constant 0 : i32
      %dma_start3A_229 = arith.constant 0 : i32
      %dma_start3A_230 = tpu.memref_slice %arg9[%dma_start3A_228, %dma_start3A_229] : memref<10240x64xf32, #tpu.memory_space<vmem_shared>> -> memref<10240x64xf32, #tpu.memory_space<vmem_shared>>
      tpu.enqueue_indirect_dma source(%dma_start3A_224 : memref<125x64xf32, #tpu.memory_space<vmem>>) target(%dma_start3A_230 : memref<10240x64xf32, #tpu.memory_space<vmem_shared>>) offsets(%dma_start3A_227 : memref<125xi32, #tpu.memory_space<vmem>>) semaphore(%run_scoped3A_220 : memref<!tpu.dma_semaphore, #tpu.memory_space<semaphore_mem>>) {add = true}
      %dma_wait3A_231 = arith.constant 0 : i32
      %dma_wait3A_232 = arith.constant 0 : i32
      %dma_wait3A_233 = tpu.memref_slice %arg8[%run_scoped3A_143, %dma_wait3A_231, %dma_wait3A_232] : memref<8x125x64xf32, #tpu.memory_space<vmem>> -> memref<1x125x64xf32, #tpu.memory_space<vmem>>
      %dma_wait3A_234 = tpu.memref_squeeze %dma_wait3A_233 : memref<1x125x64xf32, #tpu.memory_space<vmem>> -> memref<125x64xf32, #tpu.memory_space<vmem>>
      %dma_wait3A_235 = arith.constant 0 : i32
      %dma_wait3A_236 = tpu.memref_slice %arg7[%run_scoped3A_144, %dma_wait3A_235] : memref<80x125xi32, #tpu.memory_space<vmem>> -> memref<1x125xi32, #tpu.memory_space<vmem>>
      %dma_wait3A_237 = tpu.memref_squeeze %dma_wait3A_236 : memref<1x125xi32, #tpu.memory_space<vmem>> -> memref<125xi32, #tpu.memory_space<vmem>>
      %dma_wait3A_238 = arith.constant 0 : i32
      %dma_wait3A_239 = arith.constant 0 : i32
      %dma_wait3A_240 = tpu.memref_slice %arg9[%dma_wait3A_238, %dma_wait3A_239] : memref<10240x64xf32, #tpu.memory_space<vmem_shared>> -> memref<10240x64xf32, #tpu.memory_space<vmem_shared>>
      tpu.wait_indirect_dma semaphore(%run_scoped3A_220 : memref<!tpu.dma_semaphore, #tpu.memory_space<semaphore_mem>>) src(%dma_wait3A_234 : memref<125x64xf32, #tpu.memory_space<vmem>>) dst(%dma_wait3A_240 : memref<10240x64xf32, #tpu.memory_space<vmem_shared>>)
      tpu.yield
    }) : () -> ()
    %dma_wait3A_145 = arith.constant 75 : i32
    %dma_wait3A_146 = arith.constant 3 : i32
    %dma_wait3A_147 = arith.constant 0 : i32
    %dma_wait3A_148 = arith.constant 0 : i32
    %dma_wait3A_149 = tpu.memref_slice %arg8[%dma_wait3A_146, %dma_wait3A_147, %dma_wait3A_148] : memref<8x125x64xf32, #tpu.memory_space<vmem>> -> memref<1x125x64xf32, #tpu.memory_space<vmem>>
    %dma_wait3A_150 = tpu.memref_squeeze %dma_wait3A_149 : memref<1x125x64xf32, #tpu.memory_space<vmem>> -> memref<125x64xf32, #tpu.memory_space<vmem>>
    %dma_wait3A_151 = arith.constant 0 : i32
    %dma_wait3A_152 = tpu.memref_slice %arg6[%dma_wait3A_145, %dma_wait3A_151] : memref<80x125xi32, #tpu.memory_space<vmem>> -> memref<1x125xi32, #tpu.memory_space<vmem>>
    %dma_wait3A_153 = tpu.memref_squeeze %dma_wait3A_152 : memref<1x125xi32, #tpu.memory_space<vmem>> -> memref<125xi32, #tpu.memory_space<vmem>>
    %dma_wait3A_154 = arith.constant 0 : i32
    %dma_wait3A_155 = arith.constant 0 : i32
    %dma_wait3A_156 = tpu.memref_slice %arg2[%dma_wait3A_154, %dma_wait3A_155] : memref<10240x64xf32, #tpu.memory_space<hbm>> -> memref<10240x64xf32, #tpu.memory_space<hbm>>
    tpu.wait_indirect_dma semaphore(%arg13 : memref<!tpu.dma_semaphore, #tpu.memory_space<semaphore_mem>>) src(%dma_wait3A_156 : memref<10240x64xf32, #tpu.memory_space<hbm>>) dst(%dma_wait3A_150 : memref<125x64xf32, #tpu.memory_space<vmem>>)
    %run_scoped3A_157 = arith.constant 3 : i32
    %run_scoped3A_158 = arith.constant 75 : i32
    "tpu.region"() ({
      %run_scoped3A_220 = tpu.sem_alloc : memref<!tpu.dma_semaphore, #tpu.memory_space<semaphore_mem>>
      %dma_start3A_221 = arith.constant 0 : i32
      %dma_start3A_222 = arith.constant 0 : i32
      %dma_start3A_223 = tpu.memref_slice %arg8[%run_scoped3A_157, %dma_start3A_221, %dma_start3A_222] : memref<8x125x64xf32, #tpu.memory_space<vmem>> -> memref<1x125x64xf32, #tpu.memory_space<vmem>>
      %dma_start3A_224 = tpu.memref_squeeze %dma_start3A_223 : memref<1x125x64xf32, #tpu.memory_space<vmem>> -> memref<125x64xf32, #tpu.memory_space<vmem>>
      %dma_start3A_225 = arith.constant 0 : i32
      %dma_start3A_226 = tpu.memref_slice %arg7[%run_scoped3A_158, %dma_start3A_225] : memref<80x125xi32, #tpu.memory_space<vmem>> -> memref<1x125xi32, #tpu.memory_space<vmem>>
      %dma_start3A_227 = tpu.memref_squeeze %dma_start3A_226 : memref<1x125xi32, #tpu.memory_space<vmem>> -> memref<125xi32, #tpu.memory_space<vmem>>
      %dma_start3A_228 = arith.constant 0 : i32
      %dma_start3A_229 = arith.constant 0 : i32
      %dma_start3A_230 = tpu.memref_slice %arg9[%dma_start3A_228, %dma_start3A_229] : memref<10240x64xf32, #tpu.memory_space<vmem_shared>> -> memref<10240x64xf32, #tpu.memory_space<vmem_shared>>
      tpu.enqueue_indirect_dma source(%dma_start3A_224 : memref<125x64xf32, #tpu.memory_space<vmem>>) target(%dma_start3A_230 : memref<10240x64xf32, #tpu.memory_space<vmem_shared>>) offsets(%dma_start3A_227 : memref<125xi32, #tpu.memory_space<vmem>>) semaphore(%run_scoped3A_220 : memref<!tpu.dma_semaphore, #tpu.memory_space<semaphore_mem>>) {add = true}
      %dma_wait3A_231 = arith.constant 0 : i32
      %dma_wait3A_232 = arith.constant 0 : i32
      %dma_wait3A_233 = tpu.memref_slice %arg8[%run_scoped3A_157, %dma_wait3A_231, %dma_wait3A_232] : memref<8x125x64xf32, #tpu.memory_space<vmem>> -> memref<1x125x64xf32, #tpu.memory_space<vmem>>
      %dma_wait3A_234 = tpu.memref_squeeze %dma_wait3A_233 : memref<1x125x64xf32, #tpu.memory_space<vmem>> -> memref<125x64xf32, #tpu.memory_space<vmem>>
      %dma_wait3A_235 = arith.constant 0 : i32
      %dma_wait3A_236 = tpu.memref_slice %arg7[%run_scoped3A_158, %dma_wait3A_235] : memref<80x125xi32, #tpu.memory_space<vmem>> -> memref<1x125xi32, #tpu.memory_space<vmem>>
      %dma_wait3A_237 = tpu.memref_squeeze %dma_wait3A_236 : memref<1x125xi32, #tpu.memory_space<vmem>> -> memref<125xi32, #tpu.memory_space<vmem>>
      %dma_wait3A_238 = arith.constant 0 : i32
      %dma_wait3A_239 = arith.constant 0 : i32
      %dma_wait3A_240 = tpu.memref_slice %arg9[%dma_wait3A_238, %dma_wait3A_239] : memref<10240x64xf32, #tpu.memory_space<vmem_shared>> -> memref<10240x64xf32, #tpu.memory_space<vmem_shared>>
      tpu.wait_indirect_dma semaphore(%run_scoped3A_220 : memref<!tpu.dma_semaphore, #tpu.memory_space<semaphore_mem>>) src(%dma_wait3A_234 : memref<125x64xf32, #tpu.memory_space<vmem>>) dst(%dma_wait3A_240 : memref<10240x64xf32, #tpu.memory_space<vmem_shared>>)
      tpu.yield
    }) : () -> ()
    %dma_wait3A_159 = arith.constant 76 : i32
    %dma_wait3A_160 = arith.constant 4 : i32
    %dma_wait3A_161 = arith.constant 0 : i32
    %dma_wait3A_162 = arith.constant 0 : i32
    %dma_wait3A_163 = tpu.memref_slice %arg8[%dma_wait3A_160, %dma_wait3A_161, %dma_wait3A_162] : memref<8x125x64xf32, #tpu.memory_space<vmem>> -> memref<1x125x64xf32, #tpu.memory_space<vmem>>
    %dma_wait3A_164 = tpu.memref_squeeze %dma_wait3A_163 : memref<1x125x64xf32, #tpu.memory_space<vmem>> -> memref<125x64xf32, #tpu.memory_space<vmem>>
    %dma_wait3A_165 = arith.constant 0 : i32
    %dma_wait3A_166 = tpu.memref_slice %arg6[%dma_wait3A_159, %dma_wait3A_165] : memref<80x125xi32, #tpu.memory_space<vmem>> -> memref<1x125xi32, #tpu.memory_space<vmem>>
    %dma_wait3A_167 = tpu.memref_squeeze %dma_wait3A_166 : memref<1x125xi32, #tpu.memory_space<vmem>> -> memref<125xi32, #tpu.memory_space<vmem>>
    %dma_wait3A_168 = arith.constant 0 : i32
    %dma_wait3A_169 = arith.constant 0 : i32
    %dma_wait3A_170 = tpu.memref_slice %arg2[%dma_wait3A_168, %dma_wait3A_169] : memref<10240x64xf32, #tpu.memory_space<hbm>> -> memref<10240x64xf32, #tpu.memory_space<hbm>>
    tpu.wait_indirect_dma semaphore(%arg14 : memref<!tpu.dma_semaphore, #tpu.memory_space<semaphore_mem>>) src(%dma_wait3A_170 : memref<10240x64xf32, #tpu.memory_space<hbm>>) dst(%dma_wait3A_164 : memref<125x64xf32, #tpu.memory_space<vmem>>)
    %run_scoped3A_171 = arith.constant 4 : i32
    %run_scoped3A_172 = arith.constant 76 : i32
    "tpu.region"() ({
      %run_scoped3A_220 = tpu.sem_alloc : memref<!tpu.dma_semaphore, #tpu.memory_space<semaphore_mem>>
      %dma_start3A_221 = arith.constant 0 : i32
      %dma_start3A_222 = arith.constant 0 : i32
      %dma_start3A_223 = tpu.memref_slice %arg8[%run_scoped3A_171, %dma_start3A_221, %dma_start3A_222] : memref<8x125x64xf32, #tpu.memory_space<vmem>> -> memref<1x125x64xf32, #tpu.memory_space<vmem>>
      %dma_start3A_224 = tpu.memref_squeeze %dma_start3A_223 : memref<1x125x64xf32, #tpu.memory_space<vmem>> -> memref<125x64xf32, #tpu.memory_space<vmem>>
      %dma_start3A_225 = arith.constant 0 : i32
      %dma_start3A_226 = tpu.memref_slice %arg7[%run_scoped3A_172, %dma_start3A_225] : memref<80x125xi32, #tpu.memory_space<vmem>> -> memref<1x125xi32, #tpu.memory_space<vmem>>
      %dma_start3A_227 = tpu.memref_squeeze %dma_start3A_226 : memref<1x125xi32, #tpu.memory_space<vmem>> -> memref<125xi32, #tpu.memory_space<vmem>>
      %dma_start3A_228 = arith.constant 0 : i32
      %dma_start3A_229 = arith.constant 0 : i32
      %dma_start3A_230 = tpu.memref_slice %arg9[%dma_start3A_228, %dma_start3A_229] : memref<10240x64xf32, #tpu.memory_space<vmem_shared>> -> memref<10240x64xf32, #tpu.memory_space<vmem_shared>>
      tpu.enqueue_indirect_dma source(%dma_start3A_224 : memref<125x64xf32, #tpu.memory_space<vmem>>) target(%dma_start3A_230 : memref<10240x64xf32, #tpu.memory_space<vmem_shared>>) offsets(%dma_start3A_227 : memref<125xi32, #tpu.memory_space<vmem>>) semaphore(%run_scoped3A_220 : memref<!tpu.dma_semaphore, #tpu.memory_space<semaphore_mem>>) {add = true}
      %dma_wait3A_231 = arith.constant 0 : i32
      %dma_wait3A_232 = arith.constant 0 : i32
      %dma_wait3A_233 = tpu.memref_slice %arg8[%run_scoped3A_171, %dma_wait3A_231, %dma_wait3A_232] : memref<8x125x64xf32, #tpu.memory_space<vmem>> -> memref<1x125x64xf32, #tpu.memory_space<vmem>>
      %dma_wait3A_234 = tpu.memref_squeeze %dma_wait3A_233 : memref<1x125x64xf32, #tpu.memory_space<vmem>> -> memref<125x64xf32, #tpu.memory_space<vmem>>
      %dma_wait3A_235 = arith.constant 0 : i32
      %dma_wait3A_236 = tpu.memref_slice %arg7[%run_scoped3A_172, %dma_wait3A_235] : memref<80x125xi32, #tpu.memory_space<vmem>> -> memref<1x125xi32, #tpu.memory_space<vmem>>
      %dma_wait3A_237 = tpu.memref_squeeze %dma_wait3A_236 : memref<1x125xi32, #tpu.memory_space<vmem>> -> memref<125xi32, #tpu.memory_space<vmem>>
      %dma_wait3A_238 = arith.constant 0 : i32
      %dma_wait3A_239 = arith.constant 0 : i32
      %dma_wait3A_240 = tpu.memref_slice %arg9[%dma_wait3A_238, %dma_wait3A_239] : memref<10240x64xf32, #tpu.memory_space<vmem_shared>> -> memref<10240x64xf32, #tpu.memory_space<vmem_shared>>
      tpu.wait_indirect_dma semaphore(%run_scoped3A_220 : memref<!tpu.dma_semaphore, #tpu.memory_space<semaphore_mem>>) src(%dma_wait3A_234 : memref<125x64xf32, #tpu.memory_space<vmem>>) dst(%dma_wait3A_240 : memref<10240x64xf32, #tpu.memory_space<vmem_shared>>)
      tpu.yield
    }) : () -> ()
    %dma_wait3A_173 = arith.constant 77 : i32
    %dma_wait3A_174 = arith.constant 5 : i32
    %dma_wait3A_175 = arith.constant 0 : i32
    %dma_wait3A_176 = arith.constant 0 : i32
    %dma_wait3A_177 = tpu.memref_slice %arg8[%dma_wait3A_174, %dma_wait3A_175, %dma_wait3A_176] : memref<8x125x64xf32, #tpu.memory_space<vmem>> -> memref<1x125x64xf32, #tpu.memory_space<vmem>>
    %dma_wait3A_178 = tpu.memref_squeeze %dma_wait3A_177 : memref<1x125x64xf32, #tpu.memory_space<vmem>> -> memref<125x64xf32, #tpu.memory_space<vmem>>
    %dma_wait3A_179 = arith.constant 0 : i32
    %dma_wait3A_180 = tpu.memref_slice %arg6[%dma_wait3A_173, %dma_wait3A_179] : memref<80x125xi32, #tpu.memory_space<vmem>> -> memref<1x125xi32, #tpu.memory_space<vmem>>
    %dma_wait3A_181 = tpu.memref_squeeze %dma_wait3A_180 : memref<1x125xi32, #tpu.memory_space<vmem>> -> memref<125xi32, #tpu.memory_space<vmem>>
    %dma_wait3A_182 = arith.constant 0 : i32
    %dma_wait3A_183 = arith.constant 0 : i32
    %dma_wait3A_184 = tpu.memref_slice %arg2[%dma_wait3A_182, %dma_wait3A_183] : memref<10240x64xf32, #tpu.memory_space<hbm>> -> memref<10240x64xf32, #tpu.memory_space<hbm>>
    tpu.wait_indirect_dma semaphore(%arg15 : memref<!tpu.dma_semaphore, #tpu.memory_space<semaphore_mem>>) src(%dma_wait3A_184 : memref<10240x64xf32, #tpu.memory_space<hbm>>) dst(%dma_wait3A_178 : memref<125x64xf32, #tpu.memory_space<vmem>>)
    %run_scoped3A_185 = arith.constant 5 : i32
    %run_scoped3A_186 = arith.constant 77 : i32
    "tpu.region"() ({
      %run_scoped3A_220 = tpu.sem_alloc : memref<!tpu.dma_semaphore, #tpu.memory_space<semaphore_mem>>
      %dma_start3A_221 = arith.constant 0 : i32
      %dma_start3A_222 = arith.constant 0 : i32
      %dma_start3A_223 = tpu.memref_slice %arg8[%run_scoped3A_185, %dma_start3A_221, %dma_start3A_222] : memref<8x125x64xf32, #tpu.memory_space<vmem>> -> memref<1x125x64xf32, #tpu.memory_space<vmem>>
      %dma_start3A_224 = tpu.memref_squeeze %dma_start3A_223 : memref<1x125x64xf32, #tpu.memory_space<vmem>> -> memref<125x64xf32, #tpu.memory_space<vmem>>
      %dma_start3A_225 = arith.constant 0 : i32
      %dma_start3A_226 = tpu.memref_slice %arg7[%run_scoped3A_186, %dma_start3A_225] : memref<80x125xi32, #tpu.memory_space<vmem>> -> memref<1x125xi32, #tpu.memory_space<vmem>>
      %dma_start3A_227 = tpu.memref_squeeze %dma_start3A_226 : memref<1x125xi32, #tpu.memory_space<vmem>> -> memref<125xi32, #tpu.memory_space<vmem>>
      %dma_start3A_228 = arith.constant 0 : i32
      %dma_start3A_229 = arith.constant 0 : i32
      %dma_start3A_230 = tpu.memref_slice %arg9[%dma_start3A_228, %dma_start3A_229] : memref<10240x64xf32, #tpu.memory_space<vmem_shared>> -> memref<10240x64xf32, #tpu.memory_space<vmem_shared>>
      tpu.enqueue_indirect_dma source(%dma_start3A_224 : memref<125x64xf32, #tpu.memory_space<vmem>>) target(%dma_start3A_230 : memref<10240x64xf32, #tpu.memory_space<vmem_shared>>) offsets(%dma_start3A_227 : memref<125xi32, #tpu.memory_space<vmem>>) semaphore(%run_scoped3A_220 : memref<!tpu.dma_semaphore, #tpu.memory_space<semaphore_mem>>) {add = true}
      %dma_wait3A_231 = arith.constant 0 : i32
      %dma_wait3A_232 = arith.constant 0 : i32
      %dma_wait3A_233 = tpu.memref_slice %arg8[%run_scoped3A_185, %dma_wait3A_231, %dma_wait3A_232] : memref<8x125x64xf32, #tpu.memory_space<vmem>> -> memref<1x125x64xf32, #tpu.memory_space<vmem>>
      %dma_wait3A_234 = tpu.memref_squeeze %dma_wait3A_233 : memref<1x125x64xf32, #tpu.memory_space<vmem>> -> memref<125x64xf32, #tpu.memory_space<vmem>>
      %dma_wait3A_235 = arith.constant 0 : i32
      %dma_wait3A_236 = tpu.memref_slice %arg7[%run_scoped3A_186, %dma_wait3A_235] : memref<80x125xi32, #tpu.memory_space<vmem>> -> memref<1x125xi32, #tpu.memory_space<vmem>>
      %dma_wait3A_237 = tpu.memref_squeeze %dma_wait3A_236 : memref<1x125xi32, #tpu.memory_space<vmem>> -> memref<125xi32, #tpu.memory_space<vmem>>
      %dma_wait3A_238 = arith.constant 0 : i32
      %dma_wait3A_239 = arith.constant 0 : i32
      %dma_wait3A_240 = tpu.memref_slice %arg9[%dma_wait3A_238, %dma_wait3A_239] : memref<10240x64xf32, #tpu.memory_space<vmem_shared>> -> memref<10240x64xf32, #tpu.memory_space<vmem_shared>>
      tpu.wait_indirect_dma semaphore(%run_scoped3A_220 : memref<!tpu.dma_semaphore, #tpu.memory_space<semaphore_mem>>) src(%dma_wait3A_234 : memref<125x64xf32, #tpu.memory_space<vmem>>) dst(%dma_wait3A_240 : memref<10240x64xf32, #tpu.memory_space<vmem_shared>>)
      tpu.yield
    }) : () -> ()
    %dma_wait3A_187 = arith.constant 78 : i32
    %dma_wait3A_188 = arith.constant 6 : i32
    %dma_wait3A_189 = arith.constant 0 : i32
    %dma_wait3A_190 = arith.constant 0 : i32
    %dma_wait3A_191 = tpu.memref_slice %arg8[%dma_wait3A_188, %dma_wait3A_189, %dma_wait3A_190] : memref<8x125x64xf32, #tpu.memory_space<vmem>> -> memref<1x125x64xf32, #tpu.memory_space<vmem>>
    %dma_wait3A_192 = tpu.memref_squeeze %dma_wait3A_191 : memref<1x125x64xf32, #tpu.memory_space<vmem>> -> memref<125x64xf32, #tpu.memory_space<vmem>>
    %dma_wait3A_193 = arith.constant 0 : i32
    %dma_wait3A_194 = tpu.memref_slice %arg6[%dma_wait3A_187, %dma_wait3A_193] : memref<80x125xi32, #tpu.memory_space<vmem>> -> memref<1x125xi32, #tpu.memory_space<vmem>>
    %dma_wait3A_195 = tpu.memref_squeeze %dma_wait3A_194 : memref<1x125xi32, #tpu.memory_space<vmem>> -> memref<125xi32, #tpu.memory_space<vmem>>
    %dma_wait3A_196 = arith.constant 0 : i32
    %dma_wait3A_197 = arith.constant 0 : i32
    %dma_wait3A_198 = tpu.memref_slice %arg2[%dma_wait3A_196, %dma_wait3A_197] : memref<10240x64xf32, #tpu.memory_space<hbm>> -> memref<10240x64xf32, #tpu.memory_space<hbm>>
    tpu.wait_indirect_dma semaphore(%arg16 : memref<!tpu.dma_semaphore, #tpu.memory_space<semaphore_mem>>) src(%dma_wait3A_198 : memref<10240x64xf32, #tpu.memory_space<hbm>>) dst(%dma_wait3A_192 : memref<125x64xf32, #tpu.memory_space<vmem>>)
    %run_scoped3A_199 = arith.constant 6 : i32
    %run_scoped3A_200 = arith.constant 78 : i32
    "tpu.region"() ({
      %run_scoped3A_220 = tpu.sem_alloc : memref<!tpu.dma_semaphore, #tpu.memory_space<semaphore_mem>>
      %dma_start3A_221 = arith.constant 0 : i32
      %dma_start3A_222 = arith.constant 0 : i32
      %dma_start3A_223 = tpu.memref_slice %arg8[%run_scoped3A_199, %dma_start3A_221, %dma_start3A_222] : memref<8x125x64xf32, #tpu.memory_space<vmem>> -> memref<1x125x64xf32, #tpu.memory_space<vmem>>
      %dma_start3A_224 = tpu.memref_squeeze %dma_start3A_223 : memref<1x125x64xf32, #tpu.memory_space<vmem>> -> memref<125x64xf32, #tpu.memory_space<vmem>>
      %dma_start3A_225 = arith.constant 0 : i32
      %dma_start3A_226 = tpu.memref_slice %arg7[%run_scoped3A_200, %dma_start3A_225] : memref<80x125xi32, #tpu.memory_space<vmem>> -> memref<1x125xi32, #tpu.memory_space<vmem>>
      %dma_start3A_227 = tpu.memref_squeeze %dma_start3A_226 : memref<1x125xi32, #tpu.memory_space<vmem>> -> memref<125xi32, #tpu.memory_space<vmem>>
      %dma_start3A_228 = arith.constant 0 : i32
      %dma_start3A_229 = arith.constant 0 : i32
      %dma_start3A_230 = tpu.memref_slice %arg9[%dma_start3A_228, %dma_start3A_229] : memref<10240x64xf32, #tpu.memory_space<vmem_shared>> -> memref<10240x64xf32, #tpu.memory_space<vmem_shared>>
      tpu.enqueue_indirect_dma source(%dma_start3A_224 : memref<125x64xf32, #tpu.memory_space<vmem>>) target(%dma_start3A_230 : memref<10240x64xf32, #tpu.memory_space<vmem_shared>>) offsets(%dma_start3A_227 : memref<125xi32, #tpu.memory_space<vmem>>) semaphore(%run_scoped3A_220 : memref<!tpu.dma_semaphore, #tpu.memory_space<semaphore_mem>>) {add = true}
      %dma_wait3A_231 = arith.constant 0 : i32
      %dma_wait3A_232 = arith.constant 0 : i32
      %dma_wait3A_233 = tpu.memref_slice %arg8[%run_scoped3A_199, %dma_wait3A_231, %dma_wait3A_232] : memref<8x125x64xf32, #tpu.memory_space<vmem>> -> memref<1x125x64xf32, #tpu.memory_space<vmem>>
      %dma_wait3A_234 = tpu.memref_squeeze %dma_wait3A_233 : memref<1x125x64xf32, #tpu.memory_space<vmem>> -> memref<125x64xf32, #tpu.memory_space<vmem>>
      %dma_wait3A_235 = arith.constant 0 : i32
      %dma_wait3A_236 = tpu.memref_slice %arg7[%run_scoped3A_200, %dma_wait3A_235] : memref<80x125xi32, #tpu.memory_space<vmem>> -> memref<1x125xi32, #tpu.memory_space<vmem>>
      %dma_wait3A_237 = tpu.memref_squeeze %dma_wait3A_236 : memref<1x125xi32, #tpu.memory_space<vmem>> -> memref<125xi32, #tpu.memory_space<vmem>>
      %dma_wait3A_238 = arith.constant 0 : i32
      %dma_wait3A_239 = arith.constant 0 : i32
      %dma_wait3A_240 = tpu.memref_slice %arg9[%dma_wait3A_238, %dma_wait3A_239] : memref<10240x64xf32, #tpu.memory_space<vmem_shared>> -> memref<10240x64xf32, #tpu.memory_space<vmem_shared>>
      tpu.wait_indirect_dma semaphore(%run_scoped3A_220 : memref<!tpu.dma_semaphore, #tpu.memory_space<semaphore_mem>>) src(%dma_wait3A_234 : memref<125x64xf32, #tpu.memory_space<vmem>>) dst(%dma_wait3A_240 : memref<10240x64xf32, #tpu.memory_space<vmem_shared>>)
      tpu.yield
    }) : () -> ()
    %dma_wait3A_201 = arith.constant 79 : i32
    %dma_wait3A_202 = arith.constant 7 : i32
    %dma_wait3A_203 = arith.constant 0 : i32
    %dma_wait3A_204 = arith.constant 0 : i32
    %dma_wait3A_205 = tpu.memref_slice %arg8[%dma_wait3A_202, %dma_wait3A_203, %dma_wait3A_204] : memref<8x125x64xf32, #tpu.memory_space<vmem>> -> memref<1x125x64xf32, #tpu.memory_space<vmem>>
    %dma_wait3A_206 = tpu.memref_squeeze %dma_wait3A_205 : memref<1x125x64xf32, #tpu.memory_space<vmem>> -> memref<125x64xf32, #tpu.memory_space<vmem>>
    %dma_wait3A_207 = arith.constant 0 : i32
    %dma_wait3A_208 = tpu.memref_slice %arg6[%dma_wait3A_201, %dma_wait3A_207] : memref<80x125xi32, #tpu.memory_space<vmem>> -> memref<1x125xi32, #tpu.memory_space<vmem>>
    %dma_wait3A_209 = tpu.memref_squeeze %dma_wait3A_208 : memref<1x125xi32, #tpu.memory_space<vmem>> -> memref<125xi32, #tpu.memory_space<vmem>>
    %dma_wait3A_210 = arith.constant 0 : i32
    %dma_wait3A_211 = arith.constant 0 : i32
    %dma_wait3A_212 = tpu.memref_slice %arg2[%dma_wait3A_210, %dma_wait3A_211] : memref<10240x64xf32, #tpu.memory_space<hbm>> -> memref<10240x64xf32, #tpu.memory_space<hbm>>
    tpu.wait_indirect_dma semaphore(%arg17 : memref<!tpu.dma_semaphore, #tpu.memory_space<semaphore_mem>>) src(%dma_wait3A_212 : memref<10240x64xf32, #tpu.memory_space<hbm>>) dst(%dma_wait3A_206 : memref<125x64xf32, #tpu.memory_space<vmem>>)
    %run_scoped3A_213 = arith.constant 7 : i32
    %run_scoped3A_214 = arith.constant 79 : i32
    "tpu.region"() ({
      %run_scoped3A_220 = tpu.sem_alloc : memref<!tpu.dma_semaphore, #tpu.memory_space<semaphore_mem>>
      %dma_start3A_221 = arith.constant 0 : i32
      %dma_start3A_222 = arith.constant 0 : i32
      %dma_start3A_223 = tpu.memref_slice %arg8[%run_scoped3A_213, %dma_start3A_221, %dma_start3A_222] : memref<8x125x64xf32, #tpu.memory_space<vmem>> -> memref<1x125x64xf32, #tpu.memory_space<vmem>>
      %dma_start3A_224 = tpu.memref_squeeze %dma_start3A_223 : memref<1x125x64xf32, #tpu.memory_space<vmem>> -> memref<125x64xf32, #tpu.memory_space<vmem>>
      %dma_start3A_225 = arith.constant 0 : i32
      %dma_start3A_226 = tpu.memref_slice %arg7[%run_scoped3A_214, %dma_start3A_225] : memref<80x125xi32, #tpu.memory_space<vmem>> -> memref<1x125xi32, #tpu.memory_space<vmem>>
      %dma_start3A_227 = tpu.memref_squeeze %dma_start3A_226 : memref<1x125xi32, #tpu.memory_space<vmem>> -> memref<125xi32, #tpu.memory_space<vmem>>
      %dma_start3A_228 = arith.constant 0 : i32
      %dma_start3A_229 = arith.constant 0 : i32
      %dma_start3A_230 = tpu.memref_slice %arg9[%dma_start3A_228, %dma_start3A_229] : memref<10240x64xf32, #tpu.memory_space<vmem_shared>> -> memref<10240x64xf32, #tpu.memory_space<vmem_shared>>
      tpu.enqueue_indirect_dma source(%dma_start3A_224 : memref<125x64xf32, #tpu.memory_space<vmem>>) target(%dma_start3A_230 : memref<10240x64xf32, #tpu.memory_space<vmem_shared>>) offsets(%dma_start3A_227 : memref<125xi32, #tpu.memory_space<vmem>>) semaphore(%run_scoped3A_220 : memref<!tpu.dma_semaphore, #tpu.memory_space<semaphore_mem>>) {add = true}
      %dma_wait3A_231 = arith.constant 0 : i32
      %dma_wait3A_232 = arith.constant 0 : i32
      %dma_wait3A_233 = tpu.memref_slice %arg8[%run_scoped3A_213, %dma_wait3A_231, %dma_wait3A_232] : memref<8x125x64xf32, #tpu.memory_space<vmem>> -> memref<1x125x64xf32, #tpu.memory_space<vmem>>
      %dma_wait3A_234 = tpu.memref_squeeze %dma_wait3A_233 : memref<1x125x64xf32, #tpu.memory_space<vmem>> -> memref<125x64xf32, #tpu.memory_space<vmem>>
      %dma_wait3A_235 = arith.constant 0 : i32
      %dma_wait3A_236 = tpu.memref_slice %arg7[%run_scoped3A_214, %dma_wait3A_235] : memref<80x125xi32, #tpu.memory_space<vmem>> -> memref<1x125xi32, #tpu.memory_space<vmem>>
      %dma_wait3A_237 = tpu.memref_squeeze %dma_wait3A_236 : memref<1x125xi32, #tpu.memory_space<vmem>> -> memref<125xi32, #tpu.memory_space<vmem>>
      %dma_wait3A_238 = arith.constant 0 : i32
      %dma_wait3A_239 = arith.constant 0 : i32
      %dma_wait3A_240 = tpu.memref_slice %arg9[%dma_wait3A_238, %dma_wait3A_239] : memref<10240x64xf32, #tpu.memory_space<vmem_shared>> -> memref<10240x64xf32, #tpu.memory_space<vmem_shared>>
      tpu.wait_indirect_dma semaphore(%run_scoped3A_220 : memref<!tpu.dma_semaphore, #tpu.memory_space<semaphore_mem>>) src(%dma_wait3A_234 : memref<125x64xf32, #tpu.memory_space<vmem>>) dst(%dma_wait3A_240 : memref<10240x64xf32, #tpu.memory_space<vmem_shared>>)
      tpu.yield
    }) : () -> ()
    %barrier3A_215 = arith.constant 0 : index
    tpu.barrier barrier_id(%barrier3A_215)
    %mul3A_216 = arith.constant 640 : i32
    %mul3A_217 = arith.muli %arg1, %mul3A_216 : i32
    %mul3A_218 = arith.constant 640 : i32
    %mul3A_219 = arith.muli %arg1, %mul3A_218 : i32
    "tpu.region"() ({
      %run_scoped3A_220 = tpu.sem_alloc : memref<!tpu.dma_semaphore, #tpu.memory_space<semaphore_mem>>
      %dma_start3A_221 = arith.constant 0 : i32
      %dma_start3A_222 = tpu.memref_slice %arg5[%arg0, %mul3A_219, %dma_start3A_221] : memref<2x10240x64xf32, #tpu.memory_space<hbm>> -> memref<1x640x64xf32, #tpu.memory_space<hbm>>
      %dma_start3A_223 = tpu.memref_squeeze %dma_start3A_222 : memref<1x640x64xf32, #tpu.memory_space<hbm>> -> memref<640x64xf32, #tpu.memory_space<hbm>>
      %dma_start3A_224 = arith.constant 0 : i32
      %dma_start3A_225 = tpu.memref_slice %arg9[%mul3A_217, %dma_start3A_224] : memref<10240x64xf32, #tpu.memory_space<vmem_shared>> -> memref<640x64xf32, #tpu.memory_space<vmem_shared>>
      tpu.enqueue_dma source(%dma_start3A_225 : memref<640x64xf32, #tpu.memory_space<vmem_shared>>) target(%dma_start3A_223 : memref<640x64xf32, #tpu.memory_space<hbm>>) target_semaphore(%run_scoped3A_220 : memref<!tpu.dma_semaphore, #tpu.memory_space<semaphore_mem>>)
      %dma_wait3A_226 = arith.constant 0 : i32
      %dma_wait3A_227 = tpu.memref_slice %arg5[%arg0, %mul3A_219, %dma_wait3A_226] : memref<2x10240x64xf32, #tpu.memory_space<hbm>> -> memref<1x640x64xf32, #tpu.memory_space<hbm>>
      %dma_wait3A_228 = tpu.memref_squeeze %dma_wait3A_227 : memref<1x640x64xf32, #tpu.memory_space<hbm>> -> memref<640x64xf32, #tpu.memory_space<hbm>>
      %dma_wait3A_229 = arith.constant 0 : i32
      %dma_wait3A_230 = tpu.memref_slice %arg9[%mul3A_217, %dma_wait3A_229] : memref<10240x64xf32, #tpu.memory_space<vmem_shared>> -> memref<640x64xf32, #tpu.memory_space<vmem_shared>>
      tpu.wait_dma2 semaphore(%run_scoped3A_220 : memref<!tpu.dma_semaphore, #tpu.memory_space<semaphore_mem>>) src(%dma_wait3A_230 : memref<640x64xf32, #tpu.memory_space<vmem_shared>>) dst(%dma_wait3A_228 : memref<640x64xf32, #tpu.memory_space<hbm>>)
      tpu.yield
    }) : () -> ()
    return
  }
}

module attributes {stable_mosaic.version = 14 : i64} {
  func.func @body(%arg0: i32, %arg1: memref<2560x128xf32, #tpu.memory_space<vmem>>, %arg2: memref<256x128xf32, #tpu.memory_space<vmem>>, %arg3: memref<1280x128xf32, #tpu.memory_space<vmem>>) attributes {dimension_semantics = [#tpu.dimension_semantics<arbitrary>], iteration_bounds = array<i64: 4>, scalar_prefetch = 0 : i64, scratch_operands = 0 : i64, tpu.core_type = #tpu.core_type<tc>, window_params = [{transform_indices = @transform_0, window_bounds = array<i64: 2560, 128>}, {pipeline_mode = #tpu.pipeline_mode<synchronous>, transform_indices = @transform_1, window_bounds = array<i64: 256, 128>}, {transform_indices = @transform_2, window_bounds = array<i64: 1280, 128>}]} {
    %get3A = arith.constant 0 : index
    %get3A_0 = arith.constant 0 : index
    %get3A_1 = vector.load %arg1[%get3A, %get3A_0] : memref<2560x128xf32, #tpu.memory_space<vmem>>, vector<2560x128xf32>
    %reshape3A = vector.shape_cast %get3A_1 : vector<2560x128xf32> to vector<1280x256xf32>
    %get3A_2 = arith.constant 0 : index
    %get3A_3 = arith.constant 0 : index
    %get3A_4 = vector.load %arg2[%get3A_2, %get3A_3] : memref<256x128xf32, #tpu.memory_space<vmem>>, vector<256x128xf32>
    %dot_general3A = arith.constant dense<0.000000e+00> : vector<1280x128xf32>
    %dot_general3A_5 = tpu.matmul %reshape3A, %get3A_4, %dot_general3A {dimension_numbers = #tpu.dot_dimension_numbers<[1], [0], [0], [1], [0, 0, 1, 1], [], []>, transpose_lhs_hint = false} : vector<1280x256xf32>, vector<256x128xf32>, vector<1280x128xf32> -> vector<1280x128xf32>
    %swap3A = arith.constant 0 : index
    %swap3A_6 = arith.constant 0 : index
    %swap3A_7 = vector.load %arg3[%swap3A, %swap3A_6] : memref<1280x128xf32, #tpu.memory_space<vmem>>, vector<1280x128xf32>
    tpu.vector_store %arg3[%swap3A, %swap3A_6], %dot_general3A_5 {strides = array<i32>} : memref<1280x128xf32, #tpu.memory_space<vmem>>, vector<1280x128xf32>,
    return
  }
  func.func @transform_0(%arg0: i32) -> (i32, i32) {
    %c0_i32 = arith.constant 0 : i32
    %c0_i32_0 = arith.constant 0 : i32
    return %arg0, %c0_i32 : i32, i32
  }
  func.func @transform_1(%arg0: i32) -> (i32, i32) {
    %c0_i32 = arith.constant 0 : i32
    %c0_i32_0 = arith.constant 0 : i32
    %c0_i32_1 = arith.constant 0 : i32
    return %c0_i32, %c0_i32_0 : i32, i32
  }
  func.func @transform_2(%arg0: i32) -> (i32, i32) {
    %c0_i32 = arith.constant 0 : i32
    %c0_i32_0 = arith.constant 0 : i32
    return %arg0, %c0_i32 : i32, i32
  }
}

module attributes {stable_mosaic.version = 14 : i64} {
  func.func @body(%arg0: i32, %arg1: memref<2x1280x128xf32, #tpu.memory_space<vmem>>, %arg2: memref<1280x128xf32, #tpu.memory_space<vmem>>, %arg3: memref<1280x128xf32, #tpu.memory_space<vmem>>, %arg4: memref<640x128xf32, #tpu.memory_space<vmem>>, %arg5: memref<1x128xf32, #tpu.memory_space<vmem>>, %arg6: memref<1x128xf32, #tpu.memory_space<vmem>>, %arg7: memref<1x128xf32, #tpu.memory_space<vmem>>, %arg8: memref<256x128xf32, #tpu.memory_space<vmem>>, %arg9: memref<640x128xf32, #tpu.memory_space<vmem>>) attributes {dimension_semantics = [#tpu.dimension_semantics<arbitrary>], iteration_bounds = array<i64: 4>, scalar_prefetch = 0 : i64, scratch_operands = 0 : i64, tpu.core_type = #tpu.core_type<tc>, window_params = [{transform_indices = @transform_0, window_bounds = array<i64: 2, 1280, 128>}, {transform_indices = @transform_1, window_bounds = array<i64: 1280, 128>}, {transform_indices = @transform_2, window_bounds = array<i64: 1280, 128>}, {transform_indices = @transform_3, window_bounds = array<i64: 640, 128>}, {pipeline_mode = #tpu.pipeline_mode<synchronous>, transform_indices = @transform_4, window_bounds = array<i64: 1, 128>}, {pipeline_mode = #tpu.pipeline_mode<synchronous>, transform_indices = @transform_5, window_bounds = array<i64: 1, 128>}, {pipeline_mode = #tpu.pipeline_mode<synchronous>, transform_indices = @transform_6, window_bounds = array<i64: 1, 128>}, {pipeline_mode = #tpu.pipeline_mode<synchronous>, transform_indices = @transform_7, window_bounds = array<i64: 256, 128>}, {transform_indices = @transform_8, window_bounds = array<i64: 640, 128>}]} {
    %get3A = arith.constant 0 : index
    %get3A_0 = arith.constant 0 : index
    %get3A_1 = arith.constant 0 : index
    %get3A_2 = vector.load %arg1[%get3A, %get3A_0, %get3A_1] : memref<2x1280x128xf32, #tpu.memory_space<vmem>>, vector<1x1280x128xf32>
    %get3A_3 = vector.shape_cast %get3A_2 : vector<1x1280x128xf32> to vector<1280x128xf32>
    %get3A_4 = arith.constant 1 : index
    %get3A_5 = arith.constant 0 : index
    %get3A_6 = arith.constant 0 : index
    %get3A_7 = vector.load %arg1[%get3A_4, %get3A_5, %get3A_6] : memref<2x1280x128xf32, #tpu.memory_space<vmem>>, vector<1x1280x128xf32>
    %get3A_8 = vector.shape_cast %get3A_7 : vector<1x1280x128xf32> to vector<1280x128xf32>
    %add3A = arith.addf %get3A_3, %get3A_8 : vector<1280x128xf32>
    %get3A_9 = arith.constant 0 : index
    %get3A_10 = arith.constant 0 : index
    %get3A_11 = vector.load %arg2[%get3A_9, %get3A_10] : memref<1280x128xf32, #tpu.memory_space<vmem>>, vector<1280x128xf32>
    %add3A_12 = arith.addf %add3A, %get3A_11 : vector<1280x128xf32>
    %get3A_13 = arith.constant 0 : index
    %get3A_14 = arith.constant 0 : index
    %get3A_15 = vector.load %arg3[%get3A_13, %get3A_14] : memref<1280x128xf32, #tpu.memory_space<vmem>>, vector<1280x128xf32>
    %mul3A = arith.mulf %add3A_12, %get3A_15 : vector<1280x128xf32>
    %get3A_16 = arith.constant 0 : index
    %get3A_17 = arith.constant 0 : index
    %get3A_18 = vector.load %arg5[%get3A_16, %get3A_17] : memref<1x128xf32, #tpu.memory_space<vmem>>, vector<1x128xf32>
    %add3A_19 = vector.broadcast %get3A_18 : vector<1x128xf32> to vector<1280x128xf32>
    %add3A_20 = arith.addf %mul3A, %add3A_19 : vector<1280x128xf32>
    %get3A_21 = arith.constant 0 : index
    %get3A_22 = arith.constant 0 : index
    %get3A_23 = vector.load %arg6[%get3A_21, %get3A_22] : memref<1x128xf32, #tpu.memory_space<vmem>>, vector<1x128xf32>
    %sqrt3A = arith.constant 1.000010e+00 : f32
    %sqrt3A_24 = math.sqrt %sqrt3A : f32
    %div3A = arith.constant 1.000000e+00 : f32
    %div3A_25 = arith.divf %div3A, %sqrt3A_24 : f32
    %mul3A_26 = vector.broadcast %div3A_25 : f32 to vector<1x128xf32>
    %mul3A_27 = arith.mulf %get3A_23, %mul3A_26 : vector<1x128xf32>
    %mul3A_28 = vector.broadcast %mul3A_27 : vector<1x128xf32> to vector<1280x128xf32>
    %mul3A_29 = arith.mulf %add3A_20, %mul3A_28 : vector<1280x128xf32>
    %get3A_30 = arith.constant 0 : index
    %get3A_31 = arith.constant 0 : index
    %get3A_32 = vector.load %arg7[%get3A_30, %get3A_31] : memref<1x128xf32, #tpu.memory_space<vmem>>, vector<1x128xf32>
    %add3A_33 = vector.broadcast %get3A_32 : vector<1x128xf32> to vector<1280x128xf32>
    %add3A_34 = arith.addf %mul3A_29, %add3A_33 : vector<1280x128xf32>
    %max3A = arith.constant 0.000000e+00 : f32
    %max3A_35 = vector.broadcast %max3A : f32 to vector<1280x128xf32>
    %max3A_36 = arith.maximumf %add3A_34, %max3A_35 : vector<1280x128xf32>
    %reshape3A = vector.shape_cast %max3A_36 : vector<1280x128xf32> to vector<640x256xf32>
    %get3A_37 = arith.constant 0 : index
    %get3A_38 = arith.constant 0 : index
    %get3A_39 = vector.load %arg8[%get3A_37, %get3A_38] : memref<256x128xf32, #tpu.memory_space<vmem>>, vector<256x128xf32>
    %dot_general3A = arith.constant dense<0.000000e+00> : vector<640x128xf32>
    %dot_general3A_40 = tpu.matmul %reshape3A, %get3A_39, %dot_general3A {dimension_numbers = #tpu.dot_dimension_numbers<[1], [0], [0], [1], [0, 0, 1, 1], [], []>, transpose_lhs_hint = false} : vector<640x256xf32>, vector<256x128xf32>, vector<640x128xf32> -> vector<640x128xf32>
    %get3A_41 = arith.constant 0 : index
    %get3A_42 = arith.constant 0 : index
    %get3A_43 = vector.load %arg4[%get3A_41, %get3A_42] : memref<640x128xf32, #tpu.memory_space<vmem>>, vector<640x128xf32>
    %mul3A_44 = arith.mulf %dot_general3A_40, %get3A_43 : vector<640x128xf32>
    %swap3A = arith.constant 0 : index
    %swap3A_45 = arith.constant 0 : index
    %swap3A_46 = vector.load %arg9[%swap3A, %swap3A_45] : memref<640x128xf32, #tpu.memory_space<vmem>>, vector<640x128xf32>
    tpu.vector_store %arg9[%swap3A, %swap3A_45], %mul3A_44 {strides = array<i32>} : memref<640x128xf32, #tpu.memory_space<vmem>>, vector<640x128xf32>,
    return
  }
  func.func @transform_0(%arg0: i32) -> (i32, i32, i32) {
    %c0_i32 = arith.constant 0 : i32
    %c0_i32_0 = arith.constant 0 : i32
    %c0_i32_1 = arith.constant 0 : i32
    return %c0_i32, %arg0, %c0_i32_0 : i32, i32, i32
  }
  func.func @transform_1(%arg0: i32) -> (i32, i32) {
    %c0_i32 = arith.constant 0 : i32
    %c0_i32_0 = arith.constant 0 : i32
    return %arg0, %c0_i32 : i32, i32
  }
  func.func @transform_2(%arg0: i32) -> (i32, i32) {
    %c0_i32 = arith.constant 0 : i32
    %c0_i32_0 = arith.constant 0 : i32
    return %arg0, %c0_i32 : i32, i32
  }
  func.func @transform_3(%arg0: i32) -> (i32, i32) {
    %c0_i32 = arith.constant 0 : i32
    %c0_i32_0 = arith.constant 0 : i32
    return %arg0, %c0_i32 : i32, i32
  }
  func.func @transform_4(%arg0: i32) -> (i32, i32) {
    %c0_i32 = arith.constant 0 : i32
    %c0_i32_0 = arith.constant 0 : i32
    %c0_i32_1 = arith.constant 0 : i32
    return %c0_i32, %c0_i32_0 : i32, i32
  }
  func.func @transform_5(%arg0: i32) -> (i32, i32) {
    %c0_i32 = arith.constant 0 : i32
    %c0_i32_0 = arith.constant 0 : i32
    %c0_i32_1 = arith.constant 0 : i32
    return %c0_i32, %c0_i32_0 : i32, i32
  }
  func.func @transform_6(%arg0: i32) -> (i32, i32) {
    %c0_i32 = arith.constant 0 : i32
    %c0_i32_0 = arith.constant 0 : i32
    %c0_i32_1 = arith.constant 0 : i32
    return %c0_i32, %c0_i32_0 : i32, i32
  }
  func.func @transform_7(%arg0: i32) -> (i32, i32) {
    %c0_i32 = arith.constant 0 : i32
    %c0_i32_0 = arith.constant 0 : i32
    %c0_i32_1 = arith.constant 0 : i32
    return %c0_i32, %c0_i32_0 : i32, i32
  }
  func.func @transform_8(%arg0: i32) -> (i32, i32) {
    %c0_i32 = arith.constant 0 : i32
    %c0_i32_0 = arith.constant 0 : i32
    return %arg0, %c0_i32 : i32, i32
  }
}

module attributes {stable_mosaic.version = 14 : i64} {
  func.func @body(%arg0: i32, %arg1: memref<2x640x128xf32, #tpu.memory_space<vmem>>, %arg2: memref<640x128xf32, #tpu.memory_space<vmem>>, %arg3: memref<640x128xf32, #tpu.memory_space<vmem>>, %arg4: memref<1x128xf32, #tpu.memory_space<vmem>>, %arg5: memref<1x128xf32, #tpu.memory_space<vmem>>, %arg6: memref<1x128xf32, #tpu.memory_space<vmem>>, %arg7: memref<128x8xf32, #tpu.memory_space<vmem>>, %arg8: memref<1x8xf32, #tpu.memory_space<vmem>>, %arg9: memref<640x8xf32, #tpu.memory_space<vmem>>) attributes {dimension_semantics = [#tpu.dimension_semantics<arbitrary>], iteration_bounds = array<i64: 4>, scalar_prefetch = 0 : i64, scratch_operands = 0 : i64, tpu.core_type = #tpu.core_type<tc>, window_params = [{transform_indices = @transform_0, window_bounds = array<i64: 2, 640, 128>}, {transform_indices = @transform_1, window_bounds = array<i64: 640, 128>}, {transform_indices = @transform_2, window_bounds = array<i64: 640, 128>}, {pipeline_mode = #tpu.pipeline_mode<synchronous>, transform_indices = @transform_3, window_bounds = array<i64: 1, 128>}, {pipeline_mode = #tpu.pipeline_mode<synchronous>, transform_indices = @transform_4, window_bounds = array<i64: 1, 128>}, {pipeline_mode = #tpu.pipeline_mode<synchronous>, transform_indices = @transform_5, window_bounds = array<i64: 1, 128>}, {pipeline_mode = #tpu.pipeline_mode<synchronous>, transform_indices = @transform_6, window_bounds = array<i64: 128, 8>}, {pipeline_mode = #tpu.pipeline_mode<synchronous>, transform_indices = @transform_7, window_bounds = array<i64: 1, 8>}, {transform_indices = @transform_8, window_bounds = array<i64: 640, 8>}]} {
    %get3A = arith.constant 0 : index
    %get3A_0 = arith.constant 0 : index
    %get3A_1 = arith.constant 0 : index
    %get3A_2 = vector.load %arg1[%get3A, %get3A_0, %get3A_1] : memref<2x640x128xf32, #tpu.memory_space<vmem>>, vector<1x640x128xf32>
    %get3A_3 = vector.shape_cast %get3A_2 : vector<1x640x128xf32> to vector<640x128xf32>
    %get3A_4 = arith.constant 1 : index
    %get3A_5 = arith.constant 0 : index
    %get3A_6 = arith.constant 0 : index
    %get3A_7 = vector.load %arg1[%get3A_4, %get3A_5, %get3A_6] : memref<2x640x128xf32, #tpu.memory_space<vmem>>, vector<1x640x128xf32>
    %get3A_8 = vector.shape_cast %get3A_7 : vector<1x640x128xf32> to vector<640x128xf32>
    %add3A = arith.addf %get3A_3, %get3A_8 : vector<640x128xf32>
    %get3A_9 = arith.constant 0 : index
    %get3A_10 = arith.constant 0 : index
    %get3A_11 = vector.load %arg2[%get3A_9, %get3A_10] : memref<640x128xf32, #tpu.memory_space<vmem>>, vector<640x128xf32>
    %add3A_12 = arith.addf %add3A, %get3A_11 : vector<640x128xf32>
    %get3A_13 = arith.constant 0 : index
    %get3A_14 = arith.constant 0 : index
    %get3A_15 = vector.load %arg3[%get3A_13, %get3A_14] : memref<640x128xf32, #tpu.memory_space<vmem>>, vector<640x128xf32>
    %mul3A = arith.mulf %add3A_12, %get3A_15 : vector<640x128xf32>
    %get3A_16 = arith.constant 0 : index
    %get3A_17 = arith.constant 0 : index
    %get3A_18 = vector.load %arg4[%get3A_16, %get3A_17] : memref<1x128xf32, #tpu.memory_space<vmem>>, vector<1x128xf32>
    %add3A_19 = vector.broadcast %get3A_18 : vector<1x128xf32> to vector<640x128xf32>
    %add3A_20 = arith.addf %mul3A, %add3A_19 : vector<640x128xf32>
    %get3A_21 = arith.constant 0 : index
    %get3A_22 = arith.constant 0 : index
    %get3A_23 = vector.load %arg5[%get3A_21, %get3A_22] : memref<1x128xf32, #tpu.memory_space<vmem>>, vector<1x128xf32>
    %sqrt3A = arith.constant 1.000010e+00 : f32
    %sqrt3A_24 = math.sqrt %sqrt3A : f32
    %div3A = arith.constant 1.000000e+00 : f32
    %div3A_25 = arith.divf %div3A, %sqrt3A_24 : f32
    %mul3A_26 = vector.broadcast %div3A_25 : f32 to vector<1x128xf32>
    %mul3A_27 = arith.mulf %get3A_23, %mul3A_26 : vector<1x128xf32>
    %mul3A_28 = vector.broadcast %mul3A_27 : vector<1x128xf32> to vector<640x128xf32>
    %mul3A_29 = arith.mulf %add3A_20, %mul3A_28 : vector<640x128xf32>
    %get3A_30 = arith.constant 0 : index
    %get3A_31 = arith.constant 0 : index
    %get3A_32 = vector.load %arg6[%get3A_30, %get3A_31] : memref<1x128xf32, #tpu.memory_space<vmem>>, vector<1x128xf32>
    %add3A_33 = vector.broadcast %get3A_32 : vector<1x128xf32> to vector<640x128xf32>
    %add3A_34 = arith.addf %mul3A_29, %add3A_33 : vector<640x128xf32>
    %max3A = arith.constant 0.000000e+00 : f32
    %max3A_35 = vector.broadcast %max3A : f32 to vector<640x128xf32>
    %max3A_36 = arith.maximumf %add3A_34, %max3A_35 : vector<640x128xf32>
    %get3A_37 = arith.constant 0 : index
    %get3A_38 = arith.constant 0 : index
    %get3A_39 = vector.load %arg7[%get3A_37, %get3A_38] : memref<128x8xf32, #tpu.memory_space<vmem>>, vector<128x8xf32>
    %dot_general3A = arith.constant dense<0.000000e+00> : vector<640x8xf32>
    %dot_general3A_40 = tpu.matmul %max3A_36, %get3A_39, %dot_general3A {dimension_numbers = #tpu.dot_dimension_numbers<[1], [0], [0], [1], [0, 0, 1, 1], [], []>, transpose_lhs_hint = false} : vector<640x128xf32>, vector<128x8xf32>, vector<640x8xf32> -> vector<640x8xf32>
    %get3A_41 = arith.constant 0 : index
    %get3A_42 = arith.constant 0 : index
    %get3A_43 = vector.load %arg8[%get3A_41, %get3A_42] : memref<1x8xf32, #tpu.memory_space<vmem>>, vector<1x8xf32>
    %add3A_44 = vector.broadcast %get3A_43 : vector<1x8xf32> to vector<640x8xf32>
    %add3A_45 = arith.addf %dot_general3A_40, %add3A_44 : vector<640x8xf32>
    %swap3A = arith.constant 0 : index
    %swap3A_46 = arith.constant 0 : index
    %swap3A_47 = vector.load %arg9[%swap3A, %swap3A_46] : memref<640x8xf32, #tpu.memory_space<vmem>>, vector<640x8xf32>
    tpu.vector_store %arg9[%swap3A, %swap3A_46], %add3A_45 {strides = array<i32>} : memref<640x8xf32, #tpu.memory_space<vmem>>, vector<640x8xf32>,
    return
  }
  func.func @transform_0(%arg0: i32) -> (i32, i32, i32) {
    %c0_i32 = arith.constant 0 : i32
    %c0_i32_0 = arith.constant 0 : i32
    %c0_i32_1 = arith.constant 0 : i32
    return %c0_i32, %arg0, %c0_i32_0 : i32, i32, i32
  }
  func.func @transform_1(%arg0: i32) -> (i32, i32) {
    %c0_i32 = arith.constant 0 : i32
    %c0_i32_0 = arith.constant 0 : i32
    return %arg0, %c0_i32 : i32, i32
  }
  func.func @transform_2(%arg0: i32) -> (i32, i32) {
    %c0_i32 = arith.constant 0 : i32
    %c0_i32_0 = arith.constant 0 : i32
    return %arg0, %c0_i32 : i32, i32
  }
  func.func @transform_3(%arg0: i32) -> (i32, i32) {
    %c0_i32 = arith.constant 0 : i32
    %c0_i32_0 = arith.constant 0 : i32
    %c0_i32_1 = arith.constant 0 : i32
    return %c0_i32, %c0_i32_0 : i32, i32
  }
  func.func @transform_4(%arg0: i32) -> (i32, i32) {
    %c0_i32 = arith.constant 0 : i32
    %c0_i32_0 = arith.constant 0 : i32
    %c0_i32_1 = arith.constant 0 : i32
    return %c0_i32, %c0_i32_0 : i32, i32
  }
  func.func @transform_5(%arg0: i32) -> (i32, i32) {
    %c0_i32 = arith.constant 0 : i32
    %c0_i32_0 = arith.constant 0 : i32
    %c0_i32_1 = arith.constant 0 : i32
    return %c0_i32, %c0_i32_0 : i32, i32
  }
  func.func @transform_6(%arg0: i32) -> (i32, i32) {
    %c0_i32 = arith.constant 0 : i32
    %c0_i32_0 = arith.constant 0 : i32
    %c0_i32_1 = arith.constant 0 : i32
    return %c0_i32, %c0_i32_0 : i32, i32
  }
  func.func @transform_7(%arg0: i32) -> (i32, i32) {
    %c0_i32 = arith.constant 0 : i32
    %c0_i32_0 = arith.constant 0 : i32
    %c0_i32_1 = arith.constant 0 : i32
    return %c0_i32, %c0_i32_0 : i32, i32
  }
  func.func @transform_8(%arg0: i32) -> (i32, i32) {
    %c0_i32 = arith.constant 0 : i32
    %c0_i32_0 = arith.constant 0 : i32
    return %arg0, %c0_i32 : i32, i32
  }
}

</mosaic_0001>

<sc_bundles>
// kernel: kernel.11.cloned.1.call-start
scs
__scs_entry_jumppad:
0x0: {  	(pc) =	sbr.rel $0x88, $3  }
0x1: {  	(tag) =	ssettag $0x0;
	lr =	simm.s32 $0x1  }
0x2: {  	[smem:$0x3F95] =	sst lr;
	_ =	strace $0xD0000000  }
0x3: {  	_ = 	snop  }
0x4: {  	_ = 	snop  }
0x5: {  	_ = 	snop  }
0x6: {  	_ = 	snop  }
0x7: {  	_ = 	snop  }
__scs_overlays_trampoline_lowered:
0x8: {  	[smem:$0x3FA4] =	sst s0  }
0x9: {  	[smem:$0x3FA5] =	sst s1  }
0xa: {  	[smem:$0x3FA6] =	sst s2  }
0xb: {  	[smem:$0x3FA7] =	sst s3  }
0xc: {  	[smem:$0x3FA8] =	sst s4  }
0xd: {  	[smem:$0x3FA9] =	sst s5  }
0xe: {  	[smem:$0x3FAA] =	sst s6  }
0xf: {  	[smem:$0x3FAB] =	sst s7  }
0x10: {  	[smem:$0x3FAC] =	sst s8  }
0x11: {  	[smem:$0x3FAD] =	sst s9;
	s0 =	simm.s32 @!p0 $0x0  }
0x12: {  	s1 =	sld [smem:$0x3F93];
	s0 =	simm.s32 @p0 $0x1  }
0x13: {  	[smem:$0x3FAE] =	sst s0;
	s0 =	simm.s32 @!p1 $0x0  }
0x14: {  	s2 =	sld [smem:$0x3F92];
	s0 =	simm.s32 @p1 $0x1  }
0x15: {  	[smem:$0x3FAF] =	sst s0;
	s0 =	simm.s32 @!p2 $0x0  }
0x16: {  	s3 =	sld [smem:$0x3FDB];
	s0 =	simm.s32 @p2 $0x1  }
0x17: {  	s4 =	simm.s32 $0x1BF5;
	[smem:$0x3FB1] =	sst s0  }
0x18: {  	s0 =	sld [smem:$0x3F94];
	_ =	swait.ge [sflag:s4], $0x0  }
0x19: {  	s7 =	sld [smem:$0x3F95]  }
0x1a: {  	s8 =	sadd.s32 $0xFFFFE003, lr  }
0x1b: {  	s9 =	sadd.s32 $0xFFFFFEF7, lr;
	s5 =	simm.s32 $0xFFFFFFFF;
	p2 =	slt.u32 s8, $0xFFFFF086  }
0x1c: {  	p1 =	slt.u32 s9, $0xF7A;
	s5 =	simm.s32 @!p2 $0x0  }
0x1d: {  	s5 =	simm.s32 @p1 $0x1;
	p0 =	seq.s32 s7, s2  }
0x1e: {  	s7 =	smul.u32 @!p0 $0xF7A, s2;
	p2 =	seq.s32 @!p0 s5, $0x0  }
0x1f: {  	s9 =	smul.u32 $0xF7A, s1;
	s8 =	simm.s32 @!p0 $0x1BF5;
	p2 =	por !p2, p0  }
0x20: {  	[sflag:s8] =	ssyncset.s32 @!p0 $0xFFFFF086;
	s6 =	sadd.s32 @!p0 s3, s7;
	s7 =	simm.s32 @!p0 $0x108  }
0x21: {  	s3 =	sadd.s32 s3, s9;
	s6 =	sadd.s32 @!p0 $0x88, s6;
	s7 =	simm.s32 @p2 $0x1082  }
0x22: {  	[simem:s7], [sflag:s8] =	dma.local @!p0 [hbm:s6], $0xF7A  }
0x23: {  	s9 =	sor.u32 $0xD0000000, s2;
	s6 =	simm.s32 $0x108;
	_ =	swait.ge @!p0 [sflag:s8], $0x0  }
0x24: {  	s3 =	sadd.s32 $0x88, s3;
	s6 =	simm.s32 @!p1 $0x1082;
	[sflag:s4] =	ssyncset.s32 $0xFFFFF086  }
0x25: {  	[simem:s6], [sflag:s4] =	dma.local [hbm:s3], $0xF7A  }
0x26: {  	[smem:$0x3F95] =	sst s1;
	(tag) =	ssettag s2;
	_ =	strace s9  }
0x27: {  	s1 =	sld [smem:$0x3FA5]  }
0x28: {  	s2 =	sld [smem:$0x3FA6]  }
0x29: {  	s4 =	sld [smem:$0x3FA8]  }
0x2a: {  	p0 =	seq.s32 s5, $0x0;
	s5 =	sld [smem:$0x3FA9]  }
0x2b: {  	s6 =	sld [smem:$0x3FAA]  }
0x2c: {  	s7 =	sld [smem:$0x3FAB]  }
0x2d: {  	s3 =	simm.s32 $0x108;
	s8 =	sld [smem:$0x3FAC]  }
0x2e: {  	s3 =	simm.s32 @!p0 $0x1082;
	s9 =	sld [smem:$0x3FAD]  }
0x2f: {  	lr =	sadd.s32 s0, s3;
	s0 =	sld [smem:$0x3FA4]  }
0x30: {  	s3 =	sld [smem:$0x3FA7]  }
0x31: {  	[smem:$0x3FB0] =	sst s10  }
0x32: {  	s10 =	sld [smem:$0x3FAE];
	_ =	sdelay $0x3  }
0x33: {  	p0 =	seq.s32 s10, $0x1;
	s10 =	sld [smem:$0x3FB0];
	_ =	sdelay $0x3  }
0x34: {  	[smem:$0x3FB0] =	sst s10  }
0x35: {  	s10 =	sld [smem:$0x3FAF];
	_ =	sdelay $0x3  }
0x36: {  	p1 =	seq.s32 s10, $0x1;
	s10 =	sld [smem:$0x3FB0];
	_ =	sdelay $0x3  }
0x37: {  	[smem:$0x3FB0] =	sst s10  }
0x38: {  	s10 =	sld [smem:$0x3FB1]  }
0x39: {  	_ = 	snop;
	(pc) =	sbr.ind lr, $3  }
0x3a: {  	_ = 	snop  }
0x3b: {  	_ = 	snop  }
0x3c: {  	p2 =	seq.s32 s10, $0x1;
	s10 =	sld [smem:$0x3FB0]  }
0x3d: {  	_ =	shalt  }
0x3e: {  	_ =	shalt  }
0x3f: {  	_ =	shalt  }
0x40: {  	_ =	shalt  }
0x41: {  	_ =	shalt  }
0x42: {  	_ =	shalt  }
0x43: {  	_ =	shalt  }
0x44: {  	_ =	shalt  }
0x45: {  	_ =	shalt  }
0x46: {  	_ =	shalt  }
0x47: {  	_ =	shalt  }
0x48: {  	_ =	shalt  }
0x49: {  	_ =	shalt  }
0x4a: {  	_ =	shalt  }
0x4b: {  	_ =	shalt  }
0x4c: {  	_ =	shalt  }
0x4d: {  	_ =	shalt  }
0x4e: {  	_ =	shalt  }
0x4f: {  	_ =	shalt  }
0x50: {  	_ =	shalt  }
0x51: {  	_ =	shalt  }
0x52: {  	_ =	shalt  }
0x53: {  	_ =	shalt  }
0x54: {  	_ =	shalt  }
0x55: {  	_ =	shalt  }
0x56: {  	_ =	shalt  }
0x57: {  	_ =	shalt  }
0x58: {  	_ =	shalt  }
0x59: {  	_ =	shalt  }
0x5a: {  	_ =	shalt  }
0x5b: {  	_ =	shalt  }
0x5c: {  	_ =	shalt  }
0x5d: {  	_ =	shalt  }
0x5e: {  	_ =	shalt  }
0x5f: {  	_ =	shalt  }
0x60: {  	_ =	shalt  }
0x61: {  	_ =	shalt  }
0x62: {  	_ =	shalt  }
0x63: {  	_ =	shalt  }
0x64: {  	_ =	shalt  }
0x65: {  	_ =	shalt  }
0x66: {  	_ =	shalt  }
0x67: {  	_ =	shalt  }
0x68: {  	_ =	shalt  }
0x69: {  	_ =	shalt  }
0x6a: {  	_ =	shalt  }
0x6b: {  	_ =	shalt  }
0x6c: {  	_ =	shalt  }
0x6d: {  	_ =	shalt  }
0x6e: {  	_ =	shalt  }
0x6f: {  	_ =	shalt  }
0x70: {  	_ =	shalt  }
0x71: {  	_ =	shalt  }
0x72: {  	_ =	shalt  }
0x73: {  	_ =	shalt  }
0x74: {  	_ =	shalt  }
0x75: {  	_ =	shalt  }
0x76: {  	_ =	shalt  }
0x77: {  	_ =	shalt  }
0x78: {  	_ =	shalt  }
0x79: {  	_ =	shalt  }
0x7a: {  	_ =	shalt  }
0x7b: {  	_ =	shalt  }
0x7c: {  	_ =	shalt  }
0x7d: {  	_ =	shalt  }
0x7e: {  	_ =	shalt  }
0x7f: {  	_ =	shalt  }
0x80: {  	_ =	shalt  }
0x81: {  	_ =	shalt  }
0x82: {  	_ =	shalt  }
0x83: {  	_ =	shalt  }
0x84: {  	_ =	shalt  }
0x85: {  	_ =	shalt  }
0x86: {  	_ =	shalt  }
0x87: {  	_ =	shalt  }
.Lfunc_end0:
.L_simem_size_0:
called_computation.1_lowered:
.L_overlay_start_0:
0x88: {  	s2 =	sld [smem:$0x3FD9]  }
0x89: {  	s3 =	sld [smem:$0x3FFE];
	_ =	sdelay $0x1  }
0x8a: {  	s1 =	srdreg.scid  }
0x8b: {  	s0 =	sand.u32 $0x1, s1  }
0x8c: {  	s16 =	sshll.u32 s0, $0xA;
	s2 =	sadd.s32 s3, s2  }
0x8d: {  	s2 =	sadd.s32 s2, s16  }
0x8e: {  	[smem:$0x3FBC] =	sst s2  }
0x8f: {  	_ = 	snop  }
0x90: {  	(tm) =	ssettm $0x1  }
0x91: {  	s17 =	sld [smem:$0x3FFB];
	_ =	sdelay $0x3  }
0x92: {  	_ =	strace s17  }
0x93: {  	s2 =	sld [smem:$0x3FFC];
	_ =	sdelay $0x3  }
0x94: {  	_ =	strace s2  }
0x95: {  	s2 =	sld [smem:$0x3FFD];
	_ =	sdelay $0x3  }
0x96: {  	_ =	strace s2  }
0x97: {  	_ =	strace $0x8FFFFFFF  }
0x98: {  	s18 =	sld [smem:$0x3FDB];
	_ =	sdelay $0x1  }
0x99: {  	s19 =	simm.s32 $_scs_section_size  }
0x9a: {  	s4 =	simm.s32 $_size__tile_overlayer_lowered;
	s5 =	simm.s32 $_tile_overlayer_lowered  }
0x9b: {  	s22 =	simm.s32 $0x1BFF;
	s21 =	sshll.u32 s5, $0x1;
	s2 =	sadd.s32 s19, s18  }
0x9c: {  	s6 =	simm.s32 $0x0;
	s20 =	sshll.u32 s4, $0x1;
	s4 =	sadd.s32 s21, s2  }
0x9d: {  	[timem:s6], [sflag:s22] =	dma.local [hbm:s4], s20  }
0x9e: {  	_ =	swait.ge [sflag:s22], s20  }
0x9f: {  	s3 =	ssub.s32 $0x0, s20;
	[sflag:s22] =	ssyncset.done $0x0  }
0xa0: {  	[sflag:s22] =	ssyncadd.s32 s3;
	_ =	sdelay $0x1  }
0xa1: {  	s23 =	simm.s32 $0x1B8B  }
0xa2: {  	_ =	swait.ge [sflag:s23], $0x1  }
0xa3: {  	[sflag:s23] =	ssyncset.done $0x0  }
0xa4: {  	s25 =	simm.s32 $0x1B8E;
	s24 =	sld [smem:$0x3FFE];
	[sflag:s23] =	ssyncadd.s32 $0xFFFFFFFF  }
0xa5: {  	s26 =	simm.s32 $execute0_lowered;
	[smem:$0x3FD2] =	sst s25  }
0xa6: {  	s4 =	sshll.u32 s26, $0x1;
	_ =	strace $0x80000049;
	[dreg:$0x1] =	wrdreg $0xFFFFFFFF  }
0xa7: {  	s28 =	simm.s32 $_size_execute0_lowered;
	s2 =	sadd.s32 s2, s4;
	[dreg:$0x0] =	wrdreg $0x0  }
0xa8: {  	s4 =	sshll.u32 s28, $0x1;
	[dreg:$0x2] =	wrdreg s2  }
0xa9: {  	[dreg:$0x3] =	wrdreg s4  }
0xaa: {  	[dreg:$0x4] =	wrdreg $0xC0  }
0xab: {  	_ =	task [dreg:s6], $0x5FFFF  }
0xac: {  	[dreg:$0x1] =	wrdreg $0xFFFFFFFF  }
0xad: {  	[dreg:$0x0] =	wrdreg $0x60  }
0xae: {  	[dreg:$0x2] =	wrdreg s24  }
0xaf: {  	[dreg:$0x3] =	wrdreg $0x14A000  }
0xb0: {  	[dreg:$0x4] =	wrdreg $0x9  }
0xb1: {  	_ =	task.clear_ibuf [dreg:s6], $0x5FFFF;
	_ =	strace $0x90000049  }
0xb2: {  	s29 =	simm.s32 $0x9;
	_ =	strace $0x8000004B  }
0xb3: {  	_ =	swait.ge [sflag:s29], $0x1  }
0xb4: {  	[sflag:s29] =	ssyncadd.s32 $0xFFFFFFFF  }
0xb5: {  	_ =	strace $0x9000004B  }
0xb6: {  	_ =	sfence  }
0xb7: {  	s30 =	sld [smem:$0x0];
	_ =	sdelay $0x2  }
0xb8: {  	s31 =	sshll.u32 s1, $0xD;
	s1 =	sshrl.u32 s1, $0x2  }
0xb9: {  	s3 =	sand.u32 $0x4000, s31;
	s1 =	sadd.s32 s1, s30  }
0xba: {  	s0 =	sor.u32 s3, s0;
	s1 =	sshll.u32 s1, $0x11  }
0xbb: {  	s0 =	sor.u32 s1, s0  }
0xbc: {  	s0 =	sadd.s32 $0x8F2B, s0  }
0xbd: {  	[sflag:s0] =	ssyncadd.remote.s32 $0x1  }
0xbe: {  	_ =	sfence.sel $0xFFFF  }
0xbf: {  	[dreg:$0x0] =	wrdreg $0xFFFFFFFF;
	(pc) =	sbr.abs _section_cstart, $3  }
0xc0: {  	[dreg:$0x1] =	wrdreg $0xFFFFFFFF  }
0xc1: {  	_ =	task.clear_ibuf [dreg:s6], $0x2FFFF;
	_ =	strace $0x9FFFFFFF  }
0xc2: {  	(tm) =	ssettm $0x7FFFFFFF  }
0xc3: {  	_ =	shalt  }
tec
execute0_lowered:
.L_overlay_start_1:
0x0: {  	(tag) =	ssettag $0x1  }
0x1: {  	s0 =	srdreg.scid;
	s5 =	rddreg [dreg:$0x0]  }
0x2: {  	s4 =	stileid.u32;
	s2 =	rddreg [dreg:$0x1]  }
0x3: {  	s3 =	simm.s32 $0x0;
	s11 =	simm.s32 $0x9;
	s13 =	simm.s32 $0x7D  }
0x4: {  	s14 =	simm.s32 $0x5000;
	s16 =	simm.s32 $0x6F40;
	s18 =	simm.s32 $0x8E80  }
0x5: {  	s20 =	simm.s32 $0xADC0;
	s22 =	simm.s32 $0xCD00;
	s24 =	simm.s32 $0xEC40  }
0x6: {  	s29 =	simm.s32 $0x12AC0;
	s30 =	simm.s32 $0x1;
	s31 =	simm.s32 $0x2  }
0x7: {  	s12 =	simm.s32 $0x4;
	s15 =	simm.s32 $0x6;
	s17 =	simm.s32 $0x7  }
0x8: {  	s19 =	simm.s32 $0x8;
	s21 =	simm.s32 $0x0;
	s0 =	sand.u32 $0x1, s0  }
0x9: {  	s8 =	smul.u32 $0xA000, s4;
	[smem:$0x7FF] =	sst s3;
	s7 =	sadd.s32 $0x2AE00, s5  }
0xa: {  	s1 =	sshll.u32 s0, $0x4;
	s6 =	smul.u32 $0xA0000, s0;
	_ =	strace $0x8000004A  }
0xb: {  	s0 =	ssub.s32 $0x2, s0;
	[dreg:$0x3] =	wrdreg s7;
	s1 =	sor.u32 s4, s1  }
0xc: {  	s4 =	sadd.s32 $0x16E00, s5;
	s26 =	sshrl.u32 s0, $0x1;
	s1 =	smul.u32 $0x2800, s1  }
0xd: {  	s6 =	sadd.s32 s8, s6;
	s0 =	ssub.s32 s0, s26;
	s8 =	sadd.s32 s8, s2  }
0xe: {  	s26 =	simm.s32 $0x10B80;
	s6 =	sshrl.u32 s6, $0x3;
	s1 =	sshrl.u32 s1, $0x3  }
0xf: {  	s10 =	smax.u32 s0, $0x1;
	s0 =	simm.s32 $0x5;
	s1 =	sadd.s32 s1, s5  }
0x10: {  	s5 =	sadd.s32 s6, s5;
	s28 =	sadd.s32 $0x2E00, s1;
	s7 =	sadd.s32 $0xCE00, s1  }
0x11: {  	s9 =	sadd.s32 $0x2C200, s5;
	s1 =	simm.s32 $0x3;
	[dreg:$0x4] =	wrdreg s28  }
.LBB2_1:
0x12: {  	s5 =	rddreg [dreg:$0x4]  }
0x13: {  	[tilespmem:s3], [sflag:$0x9] =	stream.linear.gather [hbm4b:s5+s3], $0x2800, $0x38;
	[tilespmem:$0x1EA00] =	vst v63  }
0x14: {  	_ =	swait.ge [sflag:s11], $0x2800  }
0x15: {  	[sflag:s11] =	ssyncset.done $0x0  }
0x16: {  	s6 =	simm.s32 $0x2800;
	[sflag:s11] =	ssyncadd.s32 $0xFFFFD800  }
0x17: {  	[tilespmem:s6], [sflag:$0x9] =	stream.linear.gather [hbm4b:s7+s3], $0x2800, $0x38;
	[tilespmem:$0x1EA00] =	vst v63  }
0x18: {  	_ =	swait.ge [sflag:s11], $0x2800  }
0x19: {  	[sflag:s11] =	ssyncset.done $0x0  }
0x1a: {  	[sflag:s11] =	ssyncadd.s32 $0xFFFFD800  }
0x1b: {  	[tilespmem:s14], [sflag:$0x1] =	stream.indirect.gather [hbm4b:s4+s13], $0x40, s3, s13, $0xb8;
	[tilespmem:$0x1EA00] =	vst v63  }
0x1c: {  	s23 =	simm.s32 $0x80  }
0x1d: {  	[tilespmem:s16], [sflag:$0x2] =	stream.indirect.gather [hbm4b:s4+s13], $0x40, s23, s13, $0xb8;
	[tilespmem:$0x1EA00] =	vst v63  }
0x1e: {  	s25 =	simm.s32 $0x100  }
0x1f: {  	[tilespmem:s18], [sflag:$0x3] =	stream.indirect.gather [hbm4b:s4+s13], $0x40, s25, s13, $0xb8;
	[tilespmem:$0x1EA00] =	vst v63  }
0x20: {  	s6 =	simm.s32 $0x180  }
0x21: {  	[tilespmem:s20], [sflag:$0x4] =	stream.indirect.gather [hbm4b:s4+s13], $0x40, s6, s13, $0xb8;
	[tilespmem:$0x1EA00] =	vst v63  }
0x22: {  	s23 =	simm.s32 $0x200  }
0x23: {  	[tilespmem:s22], [sflag:$0x5] =	stream.indirect.gather [hbm4b:s4+s13], $0x40, s23, s13, $0xb8;
	[tilespmem:$0x1EA00] =	vst v63  }
0x24: {  	s25 =	simm.s32 $0x280  }
0x25: {  	[tilespmem:s24], [sflag:$0x6] =	stream.indirect.gather [hbm4b:s4+s13], $0x40, s25, s13, $0xb8;
	[tilespmem:$0x1EA00] =	vst v63  }
0x26: {  	s6 =	simm.s32 $0x300;
	s25 =	stileid.u32  }
0x27: {  	[tilespmem:s26], [sflag:$0x7] =	stream.indirect.gather [hbm4b:s4+s13], $0x40, s6, s13, $0xb8;
	[tilespmem:$0x1EA00] =	vst v63  }
0x28: {  	s23 =	simm.s32 $0x380;
	s5 =	sshll.u32 s25, $0x6  }
0x29: {  	[tilespmem:s29], [sflag:$0x8] =	stream.indirect.gather [hbm4b:s4+s13], $0x40, s23, s13, $0xb8;
	[tilespmem:$0x1EA00] =	vst v63  }
0x2a: {  	s25 =	sshrl.u32 s8, $0x3;
	s6 =	rddreg [dreg:$0x3];
	s23 =	sor.u32 $0x1C09, s5  }
0x2b: {  	[spmem:s25], [sflag:s23] =	dma.local [hbm:s6], $0x1400  }
0x2c: {  	_ =	swait.ge [sflag:s11], $0x1400  }
0x2d: {  	[sflag:s11] =	ssyncset.done $0x0  }
0x2e: {  	[sflag:s11] =	ssyncadd.s32 $0xFFFFEC00  }
0x2f: {  	[bflag:$0x0] =	sbarrier.arrive $0xFFFF  }
0x30: {  	_ =	swait.ge [sflag:s30], $0x1F40  }
0x31: {  	[sflag:s30] =	ssyncset.done $0x0  }
0x32: {  	s6 =	simm.s32 $0x2800;
	[sflag:s30] =	ssyncadd.s32 $0xFFFFE0C0  }
0x33: {  	[spmem:s2] =	stream.indirect.scatter.add.f32 [tilespmem:s14], [sflag:$0x9], $0x40, s6, s13, $0xb8;
	[tilespmem:$0x1EA00] =	vst v63  }
0x34: {  	_ =	swait.ge [sflag:s11], $0x1F40  }
0x35: {  	[sflag:s11] =	ssyncset.done $0x0  }
0x36: {  	s6 =	simm.s32 $0x400;
	[sflag:s11] =	ssyncadd.s32 $0xFFFFE0C0  }
0x37: {  	[tilespmem:s14], [sflag:$0x1] =	stream.indirect.gather [hbm4b:s4+s13], $0x40, s6, s13, $0xb8;
	[tilespmem:$0x1EA00] =	vst v63  }
0x38: {  	_ =	swait.ge [sflag:s31], $0x1F40  }
0x39: {  	[sflag:s31] =	ssyncset.done $0x0  }
0x3a: {  	s6 =	simm.s32 $0x2880;
	[sflag:s31] =	ssyncadd.s32 $0xFFFFE0C0  }
0x3b: {  	[spmem:s2] =	stream.indirect.scatter.add.f32 [tilespmem:s16], [sflag:$0x9], $0x40, s6, s13, $0xb8;
	[tilespmem:$0x1EA00] =	vst v63  }
0x3c: {  	_ =	swait.ge [sflag:s11], $0x1F40  }
0x3d: {  	[sflag:s11] =	ssyncset.done $0x0  }
0x3e: {  	s6 =	simm.s32 $0x480;
	[sflag:s11] =	ssyncadd.s32 $0xFFFFE0C0  }
0x3f: {  	[tilespmem:s16], [sflag:$0x2] =	stream.indirect.gather [hbm4b:s4+s13], $0x40, s6, s13, $0xb8;
	[tilespmem:$0x1EA00] =	vst v63  }
0x40: {  	_ =	swait.ge [sflag:s1], $0x1F40  }
0x41: {  	[sflag:s1] =	ssyncset.done $0x0  }
0x42: {  	s6 =	simm.s32 $0x2900;
	[sflag:s1] =	ssyncadd.s32 $0xFFFFE0C0  }
0x43: {  	[spmem:s2] =	stream.indirect.scatter.add.f32 [tilespmem:s18], [sflag:$0x9], $0x40, s6, s13, $0xb8;
	[tilespmem:$0x1EA00] =	vst v63  }
0x44: {  	_ =	swait.ge [sflag:s11], $0x1F40  }
0x45: {  	[sflag:s11] =	ssyncset.done $0x0  }
0x46: {  	s6 =	simm.s32 $0x500;
	[sflag:s11] =	ssyncadd.s32 $0xFFFFE0C0  }
0x47: {  	[tilespmem:s18], [sflag:$0x3] =	stream.indirect.gather [hbm4b:s4+s13], $0x40, s6, s13, $0xb8;
	[tilespmem:$0x1EA00] =	vst v63  }
0x48: {  	_ =	swait.ge [sflag:s12], $0x1F40  }
0x49: {  	[sflag:s12] =	ssyncset.done $0x0  }
0x4a: {  	s6 =	simm.s32 $0x2980;
	[sflag:s12] =	ssyncadd.s32 $0xFFFFE0C0  }
0x4b: {  	[spmem:s2] =	stream.indirect.scatter.add.f32 [tilespmem:s20], [sflag:$0x9], $0x40, s6, s13, $0xb8;
	[tilespmem:$0x1EA00] =	vst v63  }
0x4c: {  	_ =	swait.ge [sflag:s11], $0x1F40  }
0x4d: {  	[sflag:s11] =	ssyncset.done $0x0  }
0x4e: {  	s6 =	simm.s32 $0x580;
	[sflag:s11] =	ssyncadd.s32 $0xFFFFE0C0  }
0x4f: {  	[tilespmem:s20], [sflag:$0x4] =	stream.indirect.gather [hbm4b:s4+s13], $0x40, s6, s13, $0xb8;
	[tilespmem:$0x1EA00] =	vst v63  }
0x50: {  	_ =	swait.ge [sflag:s0], $0x1F40  }
0x51: {  	[sflag:s0] =	ssyncset.done $0x0  }
0x52: {  	s6 =	simm.s32 $0x2A00;
	[sflag:s0] =	ssyncadd.s32 $0xFFFFE0C0  }
0x53: {  	[spmem:s2] =	stream.indirect.scatter.add.f32 [tilespmem:s22], [sflag:$0x9], $0x40, s6, s13, $0xb8;
	[tilespmem:$0x1EA00] =	vst v63  }
0x54: {  	_ =	swait.ge [sflag:s11], $0x1F40  }
0x55: {  	[sflag:s11] =	ssyncset.done $0x0  }
0x56: {  	s6 =	simm.s32 $0x600;
	[sflag:s11] =	ssyncadd.s32 $0xFFFFE0C0  }
0x57: {  	[tilespmem:s22], [sflag:$0x5] =	stream.indirect.gather [hbm4b:s4+s13], $0x40, s6, s13, $0xb8;
	[tilespmem:$0x1EA00] =	vst v63  }
0x58: {  	_ =	swait.ge [sflag:s15], $0x1F40  }
0x59: {  	[sflag:s15] =	ssyncset.done $0x0  }
0x5a: {  	s6 =	simm.s32 $0x2A80;
	[sflag:s15] =	ssyncadd.s32 $0xFFFFE0C0  }
0x5b: {  	[spmem:s2] =	stream.indirect.scatter.add.f32 [tilespmem:s24], [sflag:$0x9], $0x40, s6, s13, $0xb8;
	[tilespmem:$0x1EA00] =	vst v63  }
0x5c: {  	_ =	swait.ge [sflag:s11], $0x1F40  }
0x5d: {  	[sflag:s11] =	ssyncset.done $0x0  }
0x5e: {  	s6 =	simm.s32 $0x680;
	[sflag:s11] =	ssyncadd.s32 $0xFFFFE0C0  }
0x5f: {  	[tilespmem:s24], [sflag:$0x6] =	stream.indirect.gather [hbm4b:s4+s13], $0x40, s6, s13, $0xb8;
	[tilespmem:$0x1EA00] =	vst v63  }
0x60: {  	_ =	swait.ge [sflag:s17], $0x1F40  }
0x61: {  	[sflag:s17] =	ssyncset.done $0x0  }
0x62: {  	s6 =	simm.s32 $0x2B00;
	[sflag:s17] =	ssyncadd.s32 $0xFFFFE0C0  }
0x63: {  	[spmem:s2] =	stream.indirect.scatter.add.f32 [tilespmem:s26], [sflag:$0x9], $0x40, s6, s13, $0xb8;
	[tilespmem:$0x1EA00] =	vst v63  }
0x64: {  	_ =	swait.ge [sflag:s11], $0x1F40  }
0x65: {  	[sflag:s11] =	ssyncset.done $0x0  }
0x66: {  	s6 =	simm.s32 $0x700;
	[sflag:s11] =	ssyncadd.s32 $0xFFFFE0C0  }
0x67: {  	[tilespmem:s26], [sflag:$0x7] =	stream.indirect.gather [hbm4b:s4+s13], $0x40, s6, s13, $0xb8;
	[tilespmem:$0x1EA00] =	vst v63  }
0x68: {  	_ =	swait.ge [sflag:s19], $0x1F40  }
0x69: {  	[sflag:s19] =	ssyncset.done $0x0  }
0x6a: {  	s6 =	simm.s32 $0x2B80;
	[sflag:s19] =	ssyncadd.s32 $0xFFFFE0C0  }
0x6b: {  	[spmem:s2] =	stream.indirect.scatter.add.f32 [tilespmem:s29], [sflag:$0x9], $0x40, s6, s13, $0xb8;
	[tilespmem:$0x1EA00] =	vst v63  }
0x6c: {  	_ =	swait.ge [sflag:s11], $0x1F40  }
0x6d: {  	[sflag:s11] =	ssyncset.done $0x0  }
0x6e: {  	s28 =	simm.s32 $0x1000;
	s5 =	simm.s32 $0x780;
	[sflag:s11] =	ssyncadd.s32 $0xFFFFE0C0  }
.LBB2_2:
0x6f: {  	[tilespmem:s29], [sflag:$0x8] =	stream.indirect.gather [hbm4b:s4+s13], $0x40, s5, s13, $0xb8;
	[tilespmem:$0x1EA00] =	vst v63  }
0x70: {  	s5 =	smov.u32 s28  }
0x71: {  	p0 =	sne.s32 s28, $0x8000;
	s28 =	sadd.s32 $0x1000, s28;
	_ =	swait.ge [sflag:s30], $0x1F40  }
0x72: {  	s5 =	sshra.s32 s5, $0x2;
	[sflag:s30] =	ssyncset.done $0x0  }
0x73: {  	s6 =	sadd.s32 $0x2800, s5;
	[sflag:s30] =	ssyncadd.s32 $0xFFFFE0C0  }
0x74: {  	[spmem:s2] =	stream.indirect.scatter.add.f32 [tilespmem:s14], [sflag:$0x9], $0x40, s6, s13, $0xb8;
	[tilespmem:$0x1EA00] =	vst v63  }
0x75: {  	_ =	swait.ge [sflag:s11], $0x1F40  }
0x76: {  	[sflag:s11] =	ssyncset.done $0x0  }
0x77: {  	s6 =	sadd.s32 $0x400, s5;
	[sflag:s11] =	ssyncadd.s32 $0xFFFFE0C0  }
0x78: {  	[tilespmem:s14], [sflag:$0x1] =	stream.indirect.gather [hbm4b:s4+s13], $0x40, s6, s13, $0xb8;
	[tilespmem:$0x1EA00] =	vst v63  }
0x79: {  	_ =	swait.ge [sflag:s31], $0x1F40  }
0x7a: {  	[sflag:s31] =	ssyncset.done $0x0  }
0x7b: {  	s6 =	sadd.s32 $0x2880, s5;
	[sflag:s31] =	ssyncadd.s32 $0xFFFFE0C0  }
0x7c: {  	[spmem:s2] =	stream.indirect.scatter.add.f32 [tilespmem:s16], [sflag:$0x9], $0x40, s6, s13, $0xb8;
	[tilespmem:$0x1EA00] =	vst v63  }
0x7d: {  	_ =	swait.ge [sflag:s11], $0x1F40  }
0x7e: {  	[sflag:s11] =	ssyncset.done $0x0  }
0x7f: {  	s6 =	sadd.s32 $0x480, s5;
	[sflag:s11] =	ssyncadd.s32 $0xFFFFE0C0  }
0x80: {  	[tilespmem:s16], [sflag:$0x2] =	stream.indirect.gather [hbm4b:s4+s13], $0x40, s6, s13, $0xb8;
	[tilespmem:$0x1EA00] =	vst v63  }
0x81: {  	_ =	swait.ge [sflag:s1], $0x1F40  }
0x82: {  	[sflag:s1] =	ssyncset.done $0x0  }
0x83: {  	s6 =	sadd.s32 $0x2900, s5;
	[sflag:s1] =	ssyncadd.s32 $0xFFFFE0C0  }
0x84: {  	[spmem:s2] =	stream.indirect.scatter.add.f32 [tilespmem:s18], [sflag:$0x9], $0x40, s6, s13, $0xb8;
	[tilespmem:$0x1EA00] =	vst v63  }
0x85: {  	_ =	swait.ge [sflag:s11], $0x1F40  }
0x86: {  	[sflag:s11] =	ssyncset.done $0x0  }
0x87: {  	s6 =	sadd.s32 $0x500, s5;
	[sflag:s11] =	ssyncadd.s32 $0xFFFFE0C0  }
0x88: {  	[tilespmem:s18], [sflag:$0x3] =	stream.indirect.gather [hbm4b:s4+s13], $0x40, s6, s13, $0xb8;
	[tilespmem:$0x1EA00] =	vst v63  }
0x89: {  	_ =	swait.ge [sflag:s12], $0x1F40  }
0x8a: {  	[sflag:s12] =	ssyncset.done $0x0  }
0x8b: {  	s6 =	sadd.s32 $0x2980, s5;
	[sflag:s12] =	ssyncadd.s32 $0xFFFFE0C0  }
0x8c: {  	[spmem:s2] =	stream.indirect.scatter.add.f32 [tilespmem:s20], [sflag:$0x9], $0x40, s6, s13, $0xb8;
	[tilespmem:$0x1EA00] =	vst v63  }
0x8d: {  	_ =	swait.ge [sflag:s11], $0x1F40  }
0x8e: {  	[sflag:s11] =	ssyncset.done $0x0  }
0x8f: {  	s6 =	sadd.s32 $0x580, s5;
	[sflag:s11] =	ssyncadd.s32 $0xFFFFE0C0  }
0x90: {  	[tilespmem:s20], [sflag:$0x4] =	stream.indirect.gather [hbm4b:s4+s13], $0x40, s6, s13, $0xb8;
	[tilespmem:$0x1EA00] =	vst v63  }
0x91: {  	_ =	swait.ge [sflag:s0], $0x1F40  }
0x92: {  	[sflag:s0] =	ssyncset.done $0x0  }
0x93: {  	s6 =	sadd.s32 $0x2A00, s5;
	[sflag:s0] =	ssyncadd.s32 $0xFFFFE0C0  }
0x94: {  	[spmem:s2] =	stream.indirect.scatter.add.f32 [tilespmem:s22], [sflag:$0x9], $0x40, s6, s13, $0xb8;
	[tilespmem:$0x1EA00] =	vst v63  }
0x95: {  	_ =	swait.ge [sflag:s11], $0x1F40  }
0x96: {  	[sflag:s11] =	ssyncset.done $0x0  }
0x97: {  	s6 =	sadd.s32 $0x600, s5;
	[sflag:s11] =	ssyncadd.s32 $0xFFFFE0C0  }
0x98: {  	[tilespmem:s22], [sflag:$0x5] =	stream.indirect.gather [hbm4b:s4+s13], $0x40, s6, s13, $0xb8;
	[tilespmem:$0x1EA00] =	vst v63  }
0x99: {  	_ =	swait.ge [sflag:s15], $0x1F40  }
0x9a: {  	[sflag:s15] =	ssyncset.done $0x0  }
0x9b: {  	s6 =	sadd.s32 $0x2A80, s5;
	[sflag:s15] =	ssyncadd.s32 $0xFFFFE0C0  }
0x9c: {  	[spmem:s2] =	stream.indirect.scatter.add.f32 [tilespmem:s24], [sflag:$0x9], $0x40, s6, s13, $0xb8;
	[tilespmem:$0x1EA00] =	vst v63  }
0x9d: {  	_ =	swait.ge [sflag:s11], $0x1F40  }
0x9e: {  	[sflag:s11] =	ssyncset.done $0x0  }
0x9f: {  	s6 =	sadd.s32 $0x680, s5;
	[sflag:s11] =	ssyncadd.s32 $0xFFFFE0C0  }
0xa0: {  	[tilespmem:s24], [sflag:$0x6] =	stream.indirect.gather [hbm4b:s4+s13], $0x40, s6, s13, $0xb8;
	[tilespmem:$0x1EA00] =	vst v63  }
0xa1: {  	_ =	swait.ge [sflag:s17], $0x1F40  }
0xa2: {  	[sflag:s17] =	ssyncset.done $0x0  }
0xa3: {  	s6 =	sadd.s32 $0x2B00, s5;
	[sflag:s17] =	ssyncadd.s32 $0xFFFFE0C0  }
0xa4: {  	[spmem:s2] =	stream.indirect.scatter.add.f32 [tilespmem:s26], [sflag:$0x9], $0x40, s6, s13, $0xb8;
	[tilespmem:$0x1EA00] =	vst v63  }
0xa5: {  	_ =	swait.ge [sflag:s11], $0x1F40  }
0xa6: {  	[sflag:s11] =	ssyncset.done $0x0  }
0xa7: {  	s6 =	sadd.s32 $0x700, s5;
	[sflag:s11] =	ssyncadd.s32 $0xFFFFE0C0  }
0xa8: {  	[tilespmem:s26], [sflag:$0x7] =	stream.indirect.gather [hbm4b:s4+s13], $0x40, s6, s13, $0xb8;
	[tilespmem:$0x1EA00] =	vst v63  }
0xa9: {  	_ =	swait.ge [sflag:s19], $0x1F40  }
0xaa: {  	[sflag:s19] =	ssyncset.done $0x0  }
.Ltmp0:
0xab: {  	s6 =	sadd.s32 $0x2B80, s5;
	[sflag:s19] =	ssyncadd.s32 $0xFFFFE0C0;
	(pc) =	sbr.rel @p0 .LBB2_2-.Ltmp0, $4  }
0xac: {  	[spmem:s2] =	stream.indirect.scatter.add.f32 [tilespmem:s29], [sflag:$0x9], $0x40, s6, s13, $0xb8;
	[tilespmem:$0x1EA00] =	vst v63  }
0xad: {  	_ =	swait.ge [sflag:s11], $0x1F40  }
0xae: {  	[sflag:s11] =	ssyncset.done $0x0  }
0xaf: {  	s5 =	sadd.s32 $0x780, s5;
	[sflag:s11] =	ssyncadd.s32 $0xFFFFE0C0  }
0xb0: {  	[tilespmem:s29], [sflag:$0x8] =	stream.indirect.gather [hbm4b:s4+s13], $0x40, s5, s13, $0xb8;
	[tilespmem:$0x1EA00] =	vst v63  }
0xb1: {  	_ =	swait.ge [sflag:s30], $0x1F40  }
0xb2: {  	[sflag:s30] =	ssyncset.done $0x0  }
0xb3: {  	s6 =	simm.s32 $0x4C00;
	[sflag:s30] =	ssyncadd.s32 $0xFFFFE0C0  }
0xb4: {  	[spmem:s2] =	stream.indirect.scatter.add.f32 [tilespmem:s14], [sflag:$0x9], $0x40, s6, s13, $0xb8;
	[tilespmem:$0x1EA00] =	vst v63  }
0xb5: {  	_ =	swait.ge [sflag:s11], $0x1F40  }
0xb6: {  	[sflag:s11] =	ssyncset.done $0x0  }
0xb7: {  	[sflag:s11] =	ssyncadd.s32 $0xFFFFE0C0  }
0xb8: {  	_ =	swait.ge [sflag:s31], $0x1F40  }
0xb9: {  	[sflag:s31] =	ssyncset.done $0x0  }
0xba: {  	s28 =	simm.s32 $0x4C80;
	[sflag:s31] =	ssyncadd.s32 $0xFFFFE0C0  }
0xbb: {  	[spmem:s2] =	stream.indirect.scatter.add.f32 [tilespmem:s16], [sflag:$0x9], $0x40, s28, s13, $0xb8;
	[tilespmem:$0x1EA00] =	vst v63  }
0xbc: {  	_ =	swait.ge [sflag:s11], $0x1F40  }
0xbd: {  	[sflag:s11] =	ssyncset.done $0x0  }
0xbe: {  	[sflag:s11] =	ssyncadd.s32 $0xFFFFE0C0  }
0xbf: {  	_ =	swait.ge [sflag:s1], $0x1F40  }
0xc0: {  	[sflag:s1] =	ssyncset.done $0x0  }
0xc1: {  	s6 =	simm.s32 $0x4D00;
	[sflag:s1] =	ssyncadd.s32 $0xFFFFE0C0  }
0xc2: {  	[spmem:s2] =	stream.indirect.scatter.add.f32 [tilespmem:s18], [sflag:$0x9], $0x40, s6, s13, $0xb8;
	[tilespmem:$0x1EA00] =	vst v63  }
0xc3: {  	_ =	swait.ge [sflag:s11], $0x1F40  }
0xc4: {  	[sflag:s11] =	ssyncset.done $0x0  }
0xc5: {  	[sflag:s11] =	ssyncadd.s32 $0xFFFFE0C0  }
0xc6: {  	_ =	swait.ge [sflag:s12], $0x1F40  }
0xc7: {  	[sflag:s12] =	ssyncset.done $0x0  }
0xc8: {  	s28 =	simm.s32 $0x4D80;
	[sflag:s12] =	ssyncadd.s32 $0xFFFFE0C0  }
0xc9: {  	[spmem:s2] =	stream.indirect.scatter.add.f32 [tilespmem:s20], [sflag:$0x9], $0x40, s28, s13, $0xb8;
	[tilespmem:$0x1EA00] =	vst v63  }
0xca: {  	_ =	swait.ge [sflag:s11], $0x1F40  }
0xcb: {  	[sflag:s11] =	ssyncset.done $0x0  }
0xcc: {  	[sflag:s11] =	ssyncadd.s32 $0xFFFFE0C0  }
0xcd: {  	_ =	swait.ge [sflag:s0], $0x1F40  }
0xce: {  	[sflag:s0] =	ssyncset.done $0x0  }
0xcf: {  	s6 =	simm.s32 $0x4E00;
	[sflag:s0] =	ssyncadd.s32 $0xFFFFE0C0  }
0xd0: {  	[spmem:s2] =	stream.indirect.scatter.add.f32 [tilespmem:s22], [sflag:$0x9], $0x40, s6, s13, $0xb8;
	[tilespmem:$0x1EA00] =	vst v63  }
0xd1: {  	_ =	swait.ge [sflag:s11], $0x1F40  }
0xd2: {  	[sflag:s11] =	ssyncset.done $0x0  }
0xd3: {  	[sflag:s11] =	ssyncadd.s32 $0xFFFFE0C0  }
0xd4: {  	_ =	swait.ge [sflag:s15], $0x1F40  }
0xd5: {  	[sflag:s15] =	ssyncset.done $0x0  }
0xd6: {  	s28 =	simm.s32 $0x4E80;
	[sflag:s15] =	ssyncadd.s32 $0xFFFFE0C0  }
0xd7: {  	[spmem:s2] =	stream.indirect.scatter.add.f32 [tilespmem:s24], [sflag:$0x9], $0x40, s28, s13, $0xb8;
	[tilespmem:$0x1EA00] =	vst v63  }
0xd8: {  	_ =	swait.ge [sflag:s11], $0x1F40  }
0xd9: {  	[sflag:s11] =	ssyncset.done $0x0  }
0xda: {  	[sflag:s11] =	ssyncadd.s32 $0xFFFFE0C0  }
0xdb: {  	_ =	swait.ge [sflag:s17], $0x1F40  }
0xdc: {  	[sflag:s17] =	ssyncset.done $0x0  }
0xdd: {  	s6 =	simm.s32 $0x4F00;
	[sflag:s17] =	ssyncadd.s32 $0xFFFFE0C0  }
0xde: {  	[spmem:s2] =	stream.indirect.scatter.add.f32 [tilespmem:s26], [sflag:$0x9], $0x40, s6, s13, $0xb8;
	[tilespmem:$0x1EA00] =	vst v63  }
0xdf: {  	_ =	swait.ge [sflag:s11], $0x1F40  }
0xe0: {  	[sflag:s11] =	ssyncset.done $0x0  }
0xe1: {  	[sflag:s11] =	ssyncadd.s32 $0xFFFFE0C0  }
0xe2: {  	_ =	swait.ge [sflag:s19], $0x1F40  }
0xe3: {  	[sflag:s19] =	ssyncset.done $0x0  }
0xe4: {  	s28 =	simm.s32 $0x4F80;
	[sflag:s19] =	ssyncadd.s32 $0xFFFFE0C0  }
0xe5: {  	[spmem:s2] =	stream.indirect.scatter.add.f32 [tilespmem:s29], [sflag:$0x9], $0x40, s28, s13, $0xb8;
	[tilespmem:$0x1EA00] =	vst v63  }
0xe6: {  	_ =	swait.ge [sflag:s11], $0x1F40  }
0xe7: {  	s21 =	sadd.s32 $0x1, s21;
	[sflag:s11] =	ssyncset.done $0x0  }
0xe8: {  	p0 =	sne.s32 s21, s10;
	[sflag:s11] =	ssyncadd.s32 $0xFFFFE0C0  }
.Ltmp1:
0xe9: {  	[bflag:$0x0] =	sbarrier.arrive $0xFFFF;
	(pc) =	sbr.rel @p0 .LBB2_1-.Ltmp1, $4  }
0xea: {  	[hbm:s9], [sflag:s23] =	dma.local [spmem:s25], $0x1400  }
0xeb: {  	_ =	swait.ge [sflag:s11], $0x1400  }
0xec: {  	[sflag:s11] =	ssyncset.done $0x0  }
0xed: {  	[sflag:s11] =	ssyncadd.s32 $0xFFFFEC00  }
0xee: {  	_ =	sfence.sel $0x180000  }
0xef: {  	[bflag:$0x0] =	sbarrier.arrive $0xFFFF  }
0xf0: {  	_ =	strace $0x9000004A  }
0xf1: {  	s0 =	stileid.u32;
	[bflag:$0x2] =	sbarrier.arrive $0xFFFF  }
0xf2: {  	p0 =	sne.s32 s0, $0x0;
	s0 =	rddreg [dreg:$0x2]  }
0xf3: {  	s0 =	sadd.s32 @!p0 $0x100000, s0  }
0xf4: {  	[sflag:s0] =	ssyncadd.tile.s32 @!p0 $0x1;
	_ =	shalt  }
.Lfunc_end2:
_tile_overlayer_lowered:
.L_overlay_start_2:
0xf5: {  	(tag) =	ssettag $0x2  }
0xf6: {  	s0 =	rddreg [dreg:$0x0];
	s2 =	stileid.u32  }
0xf7: {  	s1 =	rddreg [dreg:$0x1];
	p0 =	sne.s32 s2, $0x0  }
0xf8: {  	s3 =	rddreg [dreg:$0x2];
	[bflag:$0x3] =	sbarrier.arrive $0xFFFF;
	s2 =	simm.s32 @!p0 $0x1C09  }
0xf9: {  	[timem:s3], [sflag:s2] =	dma.local @!p0 [hbm:s0], s1  }
0xfa: {  	s0 =	simm.s32 @!p0 $0x9  }
0xfb: {  	_ =	swait.ge @!p0 [sflag:s0], s1  }
0xfc: {  	s1 =	ssub.s32 @!p0 $0x0, s1;
	[sflag:s0] =	ssyncset.done @!p0 $0x0  }
0xfd: {  	[sflag:s0] =	ssyncadd.s32 @!p0 s1  }
0xfe: {  	[bflag:$0x3] =	sbarrier.arrive $0xFFFF  }
0xff: {  	_ =	shalt  }

// kernel: kernel.14.cloned.1.call-start
scs
__scs_entry_jumppad:
0x0: {  	(pc) =	sbr.rel $0x88, $3  }
0x1: {  	(tag) =	ssettag $0x0;
	lr =	simm.s32 $0x1  }
0x2: {  	[smem:$0x3F95] =	sst lr;
	_ =	strace $0xD0000000  }
0x3: {  	_ = 	snop  }
0x4: {  	_ = 	snop  }
0x5: {  	_ = 	snop  }
0x6: {  	_ = 	snop  }
0x7: {  	_ = 	snop  }
__scs_overlays_trampoline_lowered:
0x8: {  	[smem:$0x3FA4] =	sst s0  }
0x9: {  	[smem:$0x3FA5] =	sst s1  }
0xa: {  	[smem:$0x3FA6] =	sst s2  }
0xb: {  	[smem:$0x3FA7] =	sst s3  }
0xc: {  	[smem:$0x3FA8] =	sst s4  }
0xd: {  	[smem:$0x3FA9] =	sst s5  }
0xe: {  	[smem:$0x3FAA] =	sst s6  }
0xf: {  	[smem:$0x3FAB] =	sst s7  }
0x10: {  	[smem:$0x3FAC] =	sst s8  }
0x11: {  	[smem:$0x3FAD] =	sst s9;
	s0 =	simm.s32 @!p0 $0x0  }
0x12: {  	s1 =	sld [smem:$0x3F93];
	s0 =	simm.s32 @p0 $0x1  }
0x13: {  	[smem:$0x3FAE] =	sst s0;
	s0 =	simm.s32 @!p1 $0x0  }
0x14: {  	s2 =	sld [smem:$0x3F92];
	s0 =	simm.s32 @p1 $0x1  }
0x15: {  	[smem:$0x3FAF] =	sst s0;
	s0 =	simm.s32 @!p2 $0x0  }
0x16: {  	s3 =	sld [smem:$0x3FDB];
	s0 =	simm.s32 @p2 $0x1  }
0x17: {  	s4 =	simm.s32 $0x1BF5;
	[smem:$0x3FB1] =	sst s0  }
0x18: {  	s0 =	sld [smem:$0x3F94];
	_ =	swait.ge [sflag:s4], $0x0  }
0x19: {  	s7 =	sld [smem:$0x3F95]  }
0x1a: {  	s8 =	sadd.s32 $0xFFFFE003, lr  }
0x1b: {  	s9 =	sadd.s32 $0xFFFFFEF7, lr;
	s5 =	simm.s32 $0xFFFFFFFF;
	p2 =	slt.u32 s8, $0xFFFFF086  }
0x1c: {  	p1 =	slt.u32 s9, $0xF7A;
	s5 =	simm.s32 @!p2 $0x0  }
0x1d: {  	s5 =	simm.s32 @p1 $0x1;
	p0 =	seq.s32 s7, s2  }
0x1e: {  	s7 =	smul.u32 @!p0 $0xF7A, s2;
	p2 =	seq.s32 @!p0 s5, $0x0  }
0x1f: {  	s9 =	smul.u32 $0xF7A, s1;
	s8 =	simm.s32 @!p0 $0x1BF5;
	p2 =	por !p2, p0  }
0x20: {  	[sflag:s8] =	ssyncset.s32 @!p0 $0xFFFFF086;
	s6 =	sadd.s32 @!p0 s3, s7;
	s7 =	simm.s32 @!p0 $0x108  }
0x21: {  	s3 =	sadd.s32 s3, s9;
	s6 =	sadd.s32 @!p0 $0x88, s6;
	s7 =	simm.s32 @p2 $0x1082  }
0x22: {  	[simem:s7], [sflag:s8] =	dma.local @!p0 [hbm:s6], $0xF7A  }
0x23: {  	s9 =	sor.u32 $0xD0000000, s2;
	s6 =	simm.s32 $0x108;
	_ =	swait.ge @!p0 [sflag:s8], $0x0  }
0x24: {  	s3 =	sadd.s32 $0x88, s3;
	s6 =	simm.s32 @!p1 $0x1082;
	[sflag:s4] =	ssyncset.s32 $0xFFFFF086  }
0x25: {  	[simem:s6], [sflag:s4] =	dma.local [hbm:s3], $0xF7A  }
0x26: {  	[smem:$0x3F95] =	sst s1;
	(tag) =	ssettag s2;
	_ =	strace s9  }
0x27: {  	s1 =	sld [smem:$0x3FA5]  }
0x28: {  	s2 =	sld [smem:$0x3FA6]  }
0x29: {  	s4 =	sld [smem:$0x3FA8]  }
0x2a: {  	p0 =	seq.s32 s5, $0x0;
	s5 =	sld [smem:$0x3FA9]  }
0x2b: {  	s6 =	sld [smem:$0x3FAA]  }
0x2c: {  	s7 =	sld [smem:$0x3FAB]  }
0x2d: {  	s3 =	simm.s32 $0x108;
	s8 =	sld [smem:$0x3FAC]  }
0x2e: {  	s3 =	simm.s32 @!p0 $0x1082;
	s9 =	sld [smem:$0x3FAD]  }
0x2f: {  	lr =	sadd.s32 s0, s3;
	s0 =	sld [smem:$0x3FA4]  }
0x30: {  	s3 =	sld [smem:$0x3FA7]  }
0x31: {  	[smem:$0x3FB0] =	sst s10  }
0x32: {  	s10 =	sld [smem:$0x3FAE];
	_ =	sdelay $0x3  }
0x33: {  	p0 =	seq.s32 s10, $0x1;
	s10 =	sld [smem:$0x3FB0];
	_ =	sdelay $0x3  }
0x34: {  	[smem:$0x3FB0] =	sst s10  }
0x35: {  	s10 =	sld [smem:$0x3FAF];
	_ =	sdelay $0x3  }
0x36: {  	p1 =	seq.s32 s10, $0x1;
	s10 =	sld [smem:$0x3FB0];
	_ =	sdelay $0x3  }
0x37: {  	[smem:$0x3FB0] =	sst s10  }
0x38: {  	s10 =	sld [smem:$0x3FB1]  }
0x39: {  	_ = 	snop;
	(pc) =	sbr.ind lr, $3  }
0x3a: {  	_ = 	snop  }
0x3b: {  	_ = 	snop  }
0x3c: {  	p2 =	seq.s32 s10, $0x1;
	s10 =	sld [smem:$0x3FB0]  }
0x3d: {  	_ =	shalt  }
0x3e: {  	_ =	shalt  }
0x3f: {  	_ =	shalt  }
0x40: {  	_ =	shalt  }
0x41: {  	_ =	shalt  }
0x42: {  	_ =	shalt  }
0x43: {  	_ =	shalt  }
0x44: {  	_ =	shalt  }
0x45: {  	_ =	shalt  }
0x46: {  	_ =	shalt  }
0x47: {  	_ =	shalt  }
0x48: {  	_ =	shalt  }
0x49: {  	_ =	shalt  }
0x4a: {  	_ =	shalt  }
0x4b: {  	_ =	shalt  }
0x4c: {  	_ =	shalt  }
0x4d: {  	_ =	shalt  }
0x4e: {  	_ =	shalt  }
0x4f: {  	_ =	shalt  }
0x50: {  	_ =	shalt  }
0x51: {  	_ =	shalt  }
0x52: {  	_ =	shalt  }
0x53: {  	_ =	shalt  }
0x54: {  	_ =	shalt  }
0x55: {  	_ =	shalt  }
0x56: {  	_ =	shalt  }
0x57: {  	_ =	shalt  }
0x58: {  	_ =	shalt  }
0x59: {  	_ =	shalt  }
0x5a: {  	_ =	shalt  }
0x5b: {  	_ =	shalt  }
0x5c: {  	_ =	shalt  }
0x5d: {  	_ =	shalt  }
0x5e: {  	_ =	shalt  }
0x5f: {  	_ =	shalt  }
0x60: {  	_ =	shalt  }
0x61: {  	_ =	shalt  }
0x62: {  	_ =	shalt  }
0x63: {  	_ =	shalt  }
0x64: {  	_ =	shalt  }
0x65: {  	_ =	shalt  }
0x66: {  	_ =	shalt  }
0x67: {  	_ =	shalt  }
0x68: {  	_ =	shalt  }
0x69: {  	_ =	shalt  }
0x6a: {  	_ =	shalt  }
0x6b: {  	_ =	shalt  }
0x6c: {  	_ =	shalt  }
0x6d: {  	_ =	shalt  }
0x6e: {  	_ =	shalt  }
0x6f: {  	_ =	shalt  }
0x70: {  	_ =	shalt  }
0x71: {  	_ =	shalt  }
0x72: {  	_ =	shalt  }
0x73: {  	_ =	shalt  }
0x74: {  	_ =	shalt  }
0x75: {  	_ =	shalt  }
0x76: {  	_ =	shalt  }
0x77: {  	_ =	shalt  }
0x78: {  	_ =	shalt  }
0x79: {  	_ =	shalt  }
0x7a: {  	_ =	shalt  }
0x7b: {  	_ =	shalt  }
0x7c: {  	_ =	shalt  }
0x7d: {  	_ =	shalt  }
0x7e: {  	_ =	shalt  }
0x7f: {  	_ =	shalt  }
0x80: {  	_ =	shalt  }
0x81: {  	_ =	shalt  }
0x82: {  	_ =	shalt  }
0x83: {  	_ =	shalt  }
0x84: {  	_ =	shalt  }
0x85: {  	_ =	shalt  }
0x86: {  	_ =	shalt  }
0x87: {  	_ =	shalt  }
.Lfunc_end0:
.L_simem_size_0:
called_computation.2_lowered:
.L_overlay_start_0:
0x88: {  	s2 =	sld [smem:$0x3FD9]  }
0x89: {  	s3 =	sld [smem:$0x3FFE];
	_ =	sdelay $0x1  }
0x8a: {  	s1 =	srdreg.scid  }
0x8b: {  	s0 =	sand.u32 $0x1, s1  }
0x8c: {  	s16 =	sshll.u32 s0, $0xA;
	s2 =	sadd.s32 s3, s2  }
0x8d: {  	s2 =	sadd.s32 s2, s16  }
0x8e: {  	[smem:$0x3FBC] =	sst s2  }
0x8f: {  	_ = 	snop  }
0x90: {  	(tm) =	ssettm $0x1  }
0x91: {  	s17 =	sld [smem:$0x3FFB];
	_ =	sdelay $0x3  }
0x92: {  	_ =	strace s17  }
0x93: {  	s2 =	sld [smem:$0x3FFC];
	_ =	sdelay $0x3  }
0x94: {  	_ =	strace s2  }
0x95: {  	s2 =	sld [smem:$0x3FFD];
	_ =	sdelay $0x3  }
0x96: {  	_ =	strace s2  }
0x97: {  	_ =	strace $0x8FFFFFFF  }
0x98: {  	s18 =	sld [smem:$0x3FDB];
	_ =	sdelay $0x1  }
0x99: {  	s19 =	simm.s32 $_scs_section_size  }
0x9a: {  	s4 =	simm.s32 $_size__tile_overlayer_lowered;
	s5 =	simm.s32 $_tile_overlayer_lowered  }
0x9b: {  	s22 =	simm.s32 $0x1BFF;
	s21 =	sshll.u32 s5, $0x1;
	s2 =	sadd.s32 s19, s18  }
0x9c: {  	s6 =	simm.s32 $0x0;
	s20 =	sshll.u32 s4, $0x1;
	s4 =	sadd.s32 s21, s2  }
0x9d: {  	[timem:s6], [sflag:s22] =	dma.local [hbm:s4], s20  }
0x9e: {  	_ =	swait.ge [sflag:s22], s20  }
0x9f: {  	s3 =	ssub.s32 $0x0, s20;
	[sflag:s22] =	ssyncset.done $0x0  }
0xa0: {  	[sflag:s22] =	ssyncadd.s32 s3;
	_ =	sdelay $0x1  }
0xa1: {  	s23 =	simm.s32 $0x1B8B  }
0xa2: {  	_ =	swait.ge [sflag:s23], $0x1  }
0xa3: {  	[sflag:s23] =	ssyncset.done $0x0  }
0xa4: {  	s25 =	simm.s32 $0x1B8E;
	s24 =	sld [smem:$0x3FFE];
	[sflag:s23] =	ssyncadd.s32 $0xFFFFFFFF  }
0xa5: {  	s26 =	simm.s32 $execute0_lowered;
	[smem:$0x3FD2] =	sst s25  }
0xa6: {  	s4 =	sshll.u32 s26, $0x1;
	_ =	strace $0x8000004C;
	[dreg:$0x1] =	wrdreg $0xFFFFFFFF  }
0xa7: {  	s28 =	simm.s32 $_size_execute0_lowered;
	s2 =	sadd.s32 s2, s4;
	[dreg:$0x0] =	wrdreg $0x0  }
0xa8: {  	s4 =	sshll.u32 s28, $0x1;
	[dreg:$0x2] =	wrdreg s2  }
0xa9: {  	[dreg:$0x3] =	wrdreg s4  }
0xaa: {  	[dreg:$0x4] =	wrdreg $0xC0  }
0xab: {  	_ =	task [dreg:s6], $0x5FFFF  }
0xac: {  	[dreg:$0x1] =	wrdreg $0xFFFFFFFF  }
0xad: {  	[dreg:$0x0] =	wrdreg $0x60  }
0xae: {  	[dreg:$0x2] =	wrdreg s24  }
0xaf: {  	[dreg:$0x3] =	wrdreg $0x14A000  }
0xb0: {  	[dreg:$0x4] =	wrdreg $0x9  }
0xb1: {  	_ =	task.clear_ibuf [dreg:s6], $0x5FFFF;
	_ =	strace $0x9000004C  }
0xb2: {  	s29 =	simm.s32 $0x9;
	_ =	strace $0x8000004E  }
0xb3: {  	_ =	swait.ge [sflag:s29], $0x1  }
0xb4: {  	[sflag:s29] =	ssyncadd.s32 $0xFFFFFFFF  }
0xb5: {  	_ =	strace $0x9000004E  }
0xb6: {  	_ =	sfence  }
0xb7: {  	s30 =	sld [smem:$0x0];
	_ =	sdelay $0x2  }
0xb8: {  	s31 =	sshll.u32 s1, $0xD;
	s1 =	sshrl.u32 s1, $0x2  }
0xb9: {  	s3 =	sand.u32 $0x4000, s31;
	s1 =	sadd.s32 s1, s30  }
0xba: {  	s0 =	sor.u32 s3, s0;
	s1 =	sshll.u32 s1, $0x11  }
0xbb: {  	s0 =	sor.u32 s1, s0  }
0xbc: {  	s0 =	sadd.s32 $0x8F2B, s0  }
0xbd: {  	[sflag:s0] =	ssyncadd.remote.s32 $0x1  }
0xbe: {  	_ =	sfence.sel $0xFFFF  }
0xbf: {  	[dreg:$0x0] =	wrdreg $0xFFFFFFFF;
	(pc) =	sbr.abs _section_cstart, $3  }
0xc0: {  	[dreg:$0x1] =	wrdreg $0xFFFFFFFF  }
0xc1: {  	_ =	task.clear_ibuf [dreg:s6], $0x2FFFF;
	_ =	strace $0x9FFFFFFF  }
0xc2: {  	(tm) =	ssettm $0x7FFFFFFF  }
0xc3: {  	_ =	shalt  }
tec
execute0_lowered:
.L_overlay_start_1:
0x0: {  	(tag) =	ssettag $0x1  }
0x1: {  	s0 =	srdreg.scid  }
0x2: {  	s4 =	stileid.u32;
	s3 =	rddreg [dreg:$0x0]  }
0x3: {  	s2 =	rddreg [dreg:$0x1];
	s6 =	simm.s32 $0x0;
	s11 =	simm.s32 $0x11  }
0x4: {  	s13 =	simm.s32 $0x7D;
	s10 =	simm.s32 $0xA;
	s14 =	simm.s32 $0xC  }
0x5: {  	s16 =	simm.s32 $0xD;
	s18 =	simm.s32 $0xE;
	s20 =	simm.s32 $0xF  }
0x6: {  	s22 =	simm.s32 $0x10;
	s0 =	sand.u32 $0x1, s0;
	s5 =	smul.u32 $0x5000, s4  }
0x7: {  	[smem:$0x7FF] =	sst s6;
	s8 =	sadd.s32 $0x20E00, s3;
	s1 =	sshll.u32 s0, $0x4  }
0x8: {  	s26 =	smul.u32 $0x50000, s0;
	_ =	strace $0x8000004D;
	s1 =	sor.u32 s4, s1  }
0x9: {  	s0 =	ssub.s32 $0x2, s0;
	[dreg:$0x3] =	wrdreg s8;
	s1 =	smul.u32 $0x2800, s1  }
0xa: {  	s4 =	sadd.s32 $0x16E00, s3;
	s7 =	sshrl.u32 s0, $0x1;
	s29 =	sadd.s32 s5, s2  }
0xb: {  	s6 =	sadd.s32 s5, s26;
	s0 =	ssub.s32 s0, s7;
	s1 =	sshrl.u32 s1, $0x3  }
0xc: {  	[dreg:$0x6] =	wrdreg s29;
	s0 =	smax.u32 s0, $0x1;
	s1 =	sadd.s32 s1, s3  }
0xd: {  	s6 =	sshrl.u32 s6, $0x3;
	[dreg:$0x8] =	wrdreg s0;
	s28 =	sadd.s32 $0x2E00, s1  }
0xe: {  	s3 =	sadd.s32 s6, s3;
	s1 =	sadd.s32 $0xCE00, s1;
	[dreg:$0x4] =	wrdreg s28  }
0xf: {  	s31 =	simm.s32 $0x5000;
	s30 =	sadd.s32 $0x21800, s3;
	[dreg:$0x5] =	wrdreg s1  }
0x10: {  	s0 =	simm.s32 $0x0;
	s3 =	simm.s32 $0xB;
	[dreg:$0x7] =	wrdreg s30  }
.LBB2_1:
0x11: {  	[dreg:$0x9] =	wrdreg s0  }
0x12: {  	s24 =	simm.s32 $0x0;
	s26 =	rddreg [dreg:$0x4]  }
0x13: {  	[tilespmem:s24], [sflag:$0x11] =	stream.linear.gather [hbm4b:s26+s24], $0x2800, $0x38;
	[tilespmem:$0x19A00] =	vst v63  }
0x14: {  	_ =	swait.ge [sflag:s11], $0x2800  }
0x15: {  	[sflag:s11] =	ssyncset.done $0x0  }
0x16: {  	s29 =	simm.s32 $0x2800;
	s12 =	rddreg [dreg:$0x5];
	[sflag:s11] =	ssyncadd.s32 $0xFFFFD800  }
0x17: {  	[tilespmem:s29], [sflag:$0x11] =	stream.linear.gather [hbm4b:s12+s24], $0x2800, $0x38;
	[tilespmem:$0x19A00] =	vst v63  }
0x18: {  	_ =	swait.ge [sflag:s11], $0x2800  }
0x19: {  	[sflag:s11] =	ssyncset.done $0x0  }
0x1a: {  	s26 =	simm.s32 $0x5000;
	[sflag:s11] =	ssyncadd.s32 $0xFFFFD800  }
0x1b: {  	[tilespmem:s26], [sflag:$0x1] =	stream.indirect.gather [hbm4b:s4+s13], $0x20, s24, s13, $0xb8;
	[tilespmem:$0x19A00] =	vst v63  }
0x1c: {  	s12 =	simm.s32 $0x80;
	s29 =	simm.s32 $0x5FA0  }
0x1d: {  	[tilespmem:s29], [sflag:$0x2] =	stream.indirect.gather [hbm4b:s4+s13], $0x20, s12, s13, $0xb8;
	[tilespmem:$0x19A00] =	vst v63  }
0x1e: {  	s15 =	simm.s32 $0x100;
	s17 =	simm.s32 $0x6F40  }
0x1f: {  	[tilespmem:s17], [sflag:$0x3] =	stream.indirect.gather [hbm4b:s4+s13], $0x20, s15, s13, $0xb8;
	[tilespmem:$0x19A00] =	vst v63  }
0x20: {  	s19 =	simm.s32 $0x180;
	s21 =	simm.s32 $0x7EE0  }
0x21: {  	[tilespmem:s21], [sflag:$0x4] =	stream.indirect.gather [hbm4b:s4+s13], $0x20, s19, s13, $0xb8;
	[tilespmem:$0x19A00] =	vst v63  }
0x22: {  	s23 =	simm.s32 $0x200;
	s25 =	simm.s32 $0x8E80  }
0x23: {  	[tilespmem:s25], [sflag:$0x5] =	stream.indirect.gather [hbm4b:s4+s13], $0x20, s23, s13, $0xb8;
	[tilespmem:$0x19A00] =	vst v63  }
0x24: {  	s30 =	simm.s32 $0x9E20;
	s24 =	simm.s32 $0x280  }
0x25: {  	[tilespmem:s30], [sflag:$0x6] =	stream.indirect.gather [hbm4b:s4+s13], $0x20, s24, s13, $0xb8;
	[tilespmem:$0x19A00] =	vst v63  }
0x26: {  	s28 =	simm.s32 $0x300;
	s15 =	simm.s32 $0xADC0  }
0x27: {  	[tilespmem:s15], [sflag:$0x7] =	stream.indirect.gather [hbm4b:s4+s13], $0x20, s28, s13, $0xb8;
	[tilespmem:$0x19A00] =	vst v63  }
0x28: {  	s0 =	simm.s32 $0x380;
	s23 =	simm.s32 $0xBD60  }
0x29: {  	[tilespmem:s23], [sflag:$0x8] =	stream.indirect.gather [hbm4b:s4+s13], $0x20, s0, s13, $0xb8;
	[tilespmem:$0x19A00] =	vst v63  }
0x2a: {  	s1 =	simm.s32 $0x400;
	s28 =	simm.s32 $0xCD00  }
0x2b: {  	[tilespmem:s28], [sflag:$0x9] =	stream.indirect.gather [hbm4b:s4+s13], $0x20, s1, s13, $0xb8;
	[tilespmem:$0x19A00] =	vst v63  }
0x2c: {  	s12 =	simm.s32 $0xDCA0;
	s1 =	simm.s32 $0x480  }
0x2d: {  	[tilespmem:s12], [sflag:$0xA] =	stream.indirect.gather [hbm4b:s4+s13], $0x20, s1, s13, $0xb8;
	[tilespmem:$0x19A00] =	vst v63  }
0x2e: {  	s5 =	simm.s32 $0x500;
	s1 =	simm.s32 $0xEC40  }
0x2f: {  	[tilespmem:s1], [sflag:$0xB] =	stream.indirect.gather [hbm4b:s4+s13], $0x20, s5, s13, $0xb8;
	[tilespmem:$0x19A00] =	vst v63  }
0x30: {  	s6 =	simm.s32 $0x580;
	s19 =	simm.s32 $0xFBE0  }
0x31: {  	[tilespmem:s19], [sflag:$0xC] =	stream.indirect.gather [hbm4b:s4+s13], $0x20, s6, s13, $0xb8;
	[tilespmem:$0x19A00] =	vst v63  }
0x32: {  	s7 =	simm.s32 $0x600;
	s5 =	simm.s32 $0x10B80  }
0x33: {  	[tilespmem:s5], [sflag:$0xD] =	stream.indirect.gather [hbm4b:s4+s13], $0x20, s7, s13, $0xb8;
	[tilespmem:$0x19A00] =	vst v63  }
0x34: {  	s8 =	simm.s32 $0x680;
	s6 =	simm.s32 $0x11B20  }
0x35: {  	[tilespmem:s6], [sflag:$0xE] =	stream.indirect.gather [hbm4b:s4+s13], $0x20, s8, s13, $0xb8;
	[tilespmem:$0x19A00] =	vst v63  }
0x36: {  	s9 =	simm.s32 $0x700;
	s7 =	simm.s32 $0x12AC0  }
0x37: {  	[tilespmem:s7], [sflag:$0xF] =	stream.indirect.gather [hbm4b:s4+s13], $0x20, s9, s13, $0xb8;
	[tilespmem:$0x19A00] =	vst v63  }
0x38: {  	s24 =	simm.s32 $0x780;
	s9 =	rddreg [dreg:$0x6]  }
0x39: {  	s0 =	stileid.u32;
	s8 =	simm.s32 $0x13A60;
	s9 =	sshrl.u32 s9, $0x3  }
0x3a: {  	[tilespmem:s8], [sflag:$0x10] =	stream.indirect.gather [hbm4b:s4+s13], $0x20, s24, s13, $0xb8;
	[tilespmem:$0x19A00] =	vst v63  }
0x3b: {  	s24 =	sshll.u32 s0, $0x6;
	[dreg:$0xb] =	wrdreg s9  }
0x3c: {  	s0 =	sor.u32 $0x1C11, s24;
	s24 =	rddreg [dreg:$0x3]  }
0x3d: {  	[dreg:$0xa] =	wrdreg s0  }
0x3e: {  	[spmem:s9], [sflag:s0] =	dma.local [hbm:s24], $0xA00  }
0x3f: {  	_ =	swait.ge [sflag:s11], $0xA00  }
0x40: {  	[sflag:s11] =	ssyncset.done $0x0  }
0x41: {  	[sflag:s11] =	ssyncadd.s32 $0xFFFFF600  }
0x42: {  	s24 =	simm.s32 $0x1;
	[bflag:$0x0] =	sbarrier.arrive $0xFFFF  }
0x43: {  	_ =	swait.ge [sflag:s24], $0xFA0  }
0x44: {  	[sflag:s24] =	ssyncset.done $0x0  }
0x45: {  	s0 =	simm.s32 $0x2800;
	[sflag:s24] =	ssyncadd.s32 $0xFFFFF060  }
0x46: {  	[spmem:s2] =	stream.indirect.scatter.add.f32 [tilespmem:s26], [sflag:$0x11], $0x20, s0, s13, $0xb8;
	[tilespmem:$0x19A00] =	vst v63  }
0x47: {  	_ =	swait.ge [sflag:s11], $0xFA0  }
0x48: {  	[sflag:s11] =	ssyncset.done $0x0  }
0x49: {  	s9 =	simm.s32 $0x800;
	[sflag:s11] =	ssyncadd.s32 $0xFFFFF060  }
0x4a: {  	[tilespmem:s26], [sflag:$0x1] =	stream.indirect.gather [hbm4b:s4+s13], $0x20, s9, s13, $0xb8;
	[tilespmem:$0x19A00] =	vst v63  }
0x4b: {  	s26 =	simm.s32 $0x2  }
0x4c: {  	_ =	swait.ge [sflag:s26], $0xFA0  }
0x4d: {  	[sflag:s26] =	ssyncset.done $0x0  }
0x4e: {  	s9 =	simm.s32 $0x2880;
	[sflag:s26] =	ssyncadd.s32 $0xFFFFF060  }
0x4f: {  	[spmem:s2] =	stream.indirect.scatter.add.f32 [tilespmem:s29], [sflag:$0x11], $0x20, s9, s13, $0xb8;
	[tilespmem:$0x19A00] =	vst v63  }
0x50: {  	_ =	swait.ge [sflag:s11], $0xFA0  }
0x51: {  	[sflag:s11] =	ssyncset.done $0x0  }
0x52: {  	s26 =	simm.s32 $0x880;
	[sflag:s11] =	ssyncadd.s32 $0xFFFFF060  }
0x53: {  	[tilespmem:s29], [sflag:$0x2] =	stream.indirect.gather [hbm4b:s4+s13], $0x20, s26, s13, $0xb8;
	[tilespmem:$0x19A00] =	vst v63  }
0x54: {  	s29 =	simm.s32 $0x3  }
0x55: {  	_ =	swait.ge [sflag:s29], $0xFA0  }
0x56: {  	[sflag:s29] =	ssyncset.done $0x0  }
0x57: {  	s0 =	simm.s32 $0x2900;
	[sflag:s29] =	ssyncadd.s32 $0xFFFFF060  }
0x58: {  	[spmem:s2] =	stream.indirect.scatter.add.f32 [tilespmem:s17], [sflag:$0x11], $0x20, s0, s13, $0xb8;
	[tilespmem:$0x19A00] =	vst v63  }
0x59: {  	_ =	swait.ge [sflag:s11], $0xFA0  }
0x5a: {  	[sflag:s11] =	ssyncset.done $0x0  }
0x5b: {  	s9 =	simm.s32 $0x900;
	s26 =	simm.s32 $0x4;
	[sflag:s11] =	ssyncadd.s32 $0xFFFFF060  }
0x5c: {  	[tilespmem:s17], [sflag:$0x3] =	stream.indirect.gather [hbm4b:s4+s13], $0x20, s9, s13, $0xb8;
	[tilespmem:$0x19A00] =	vst v63  }
0x5d: {  	_ =	swait.ge [sflag:s26], $0xFA0  }
0x5e: {  	[sflag:s26] =	ssyncset.done $0x0  }
0x5f: {  	s29 =	simm.s32 $0x2980;
	[sflag:s26] =	ssyncadd.s32 $0xFFFFF060  }
0x60: {  	[spmem:s2] =	stream.indirect.scatter.add.f32 [tilespmem:s21], [sflag:$0x11], $0x20, s29, s13, $0xb8;
	[tilespmem:$0x19A00] =	vst v63  }
0x61: {  	_ =	swait.ge [sflag:s11], $0xFA0  }
0x62: {  	[sflag:s11] =	ssyncset.done $0x0  }
0x63: {  	s0 =	simm.s32 $0x980;
	s9 =	simm.s32 $0x5;
	[sflag:s11] =	ssyncadd.s32 $0xFFFFF060  }
0x64: {  	[tilespmem:s21], [sflag:$0x4] =	stream.indirect.gather [hbm4b:s4+s13], $0x20, s0, s13, $0xb8;
	[tilespmem:$0x19A00] =	vst v63  }
0x65: {  	_ =	swait.ge [sflag:s9], $0xFA0  }
0x66: {  	[sflag:s9] =	ssyncset.done $0x0  }
0x67: {  	s17 =	simm.s32 $0x2A00;
	[sflag:s9] =	ssyncadd.s32 $0xFFFFF060  }
0x68: {  	[spmem:s2] =	stream.indirect.scatter.add.f32 [tilespmem:s25], [sflag:$0x11], $0x20, s17, s13, $0xb8;
	[tilespmem:$0x19A00] =	vst v63  }
0x69: {  	_ =	swait.ge [sflag:s11], $0xFA0  }
0x6a: {  	[sflag:s11] =	ssyncset.done $0x0  }
0x6b: {  	s21 =	simm.s32 $0xA00;
	[sflag:s11] =	ssyncadd.s32 $0xFFFFF060  }
0x6c: {  	[tilespmem:s25], [sflag:$0x5] =	stream.indirect.gather [hbm4b:s4+s13], $0x20, s21, s13, $0xb8;
	[tilespmem:$0x19A00] =	vst v63  }
0x6d: {  	s25 =	simm.s32 $0x6  }
0x6e: {  	_ =	swait.ge [sflag:s25], $0xFA0  }
0x6f: {  	[sflag:s25] =	ssyncset.done $0x0  }
0x70: {  	s26 =	simm.s32 $0x2A80;
	[sflag:s25] =	ssyncadd.s32 $0xFFFFF060  }
0x71: {  	[spmem:s2] =	stream.indirect.scatter.add.f32 [tilespmem:s30], [sflag:$0x11], $0x20, s26, s13, $0xb8;
	[tilespmem:$0x19A00] =	vst v63  }
0x72: {  	_ =	swait.ge [sflag:s11], $0xFA0  }
0x73: {  	[sflag:s11] =	ssyncset.done $0x0  }
0x74: {  	s29 =	simm.s32 $0xA80;
	[sflag:s11] =	ssyncadd.s32 $0xFFFFF060  }
0x75: {  	[tilespmem:s30], [sflag:$0x6] =	stream.indirect.gather [hbm4b:s4+s13], $0x20, s29, s13, $0xb8;
	[tilespmem:$0x19A00] =	vst v63  }
0x76: {  	s30 =	simm.s32 $0x7  }
0x77: {  	_ =	swait.ge [sflag:s30], $0xFA0  }
0x78: {  	[sflag:s30] =	ssyncset.done $0x0  }
0x79: {  	s0 =	simm.s32 $0x2B00;
	[sflag:s30] =	ssyncadd.s32 $0xFFFFF060  }
0x7a: {  	[spmem:s2] =	stream.indirect.scatter.add.f32 [tilespmem:s15], [sflag:$0x11], $0x20, s0, s13, $0xb8;
	[tilespmem:$0x19A00] =	vst v63  }
0x7b: {  	_ =	swait.ge [sflag:s11], $0xFA0  }
0x7c: {  	[sflag:s11] =	ssyncset.done $0x0  }
0x7d: {  	s9 =	simm.s32 $0xB00;
	[sflag:s11] =	ssyncadd.s32 $0xFFFFF060  }
0x7e: {  	[tilespmem:s15], [sflag:$0x7] =	stream.indirect.gather [hbm4b:s4+s13], $0x20, s9, s13, $0xb8;
	[tilespmem:$0x19A00] =	vst v63  }
0x7f: {  	s15 =	simm.s32 $0x8  }
0x80: {  	_ =	swait.ge [sflag:s15], $0xFA0  }
0x81: {  	[sflag:s15] =	ssyncset.done $0x0  }
0x82: {  	s17 =	simm.s32 $0x2B80;
	[sflag:s15] =	ssyncadd.s32 $0xFFFFF060  }
0x83: {  	[spmem:s2] =	stream.indirect.scatter.add.f32 [tilespmem:s23], [sflag:$0x11], $0x20, s17, s13, $0xb8;
	[tilespmem:$0x19A00] =	vst v63  }
0x84: {  	_ =	swait.ge [sflag:s11], $0xFA0  }
0x85: {  	[sflag:s11] =	ssyncset.done $0x0  }
0x86: {  	s21 =	simm.s32 $0xB80;
	s25 =	simm.s32 $0x9;
	[sflag:s11] =	ssyncadd.s32 $0xFFFFF060  }
0x87: {  	[tilespmem:s23], [sflag:$0x8] =	stream.indirect.gather [hbm4b:s4+s13], $0x20, s21, s13, $0xb8;
	[tilespmem:$0x19A00] =	vst v63  }
0x88: {  	_ =	swait.ge [sflag:s25], $0xFA0  }
0x89: {  	[sflag:s25] =	ssyncset.done $0x0  }
0x8a: {  	s26 =	simm.s32 $0x2C00;
	[sflag:s25] =	ssyncadd.s32 $0xFFFFF060  }
0x8b: {  	[spmem:s2] =	stream.indirect.scatter.add.f32 [tilespmem:s28], [sflag:$0x11], $0x20, s26, s13, $0xb8;
	[tilespmem:$0x19A00] =	vst v63  }
0x8c: {  	_ =	swait.ge [sflag:s11], $0xFA0  }
0x8d: {  	[sflag:s11] =	ssyncset.done $0x0  }
0x8e: {  	s29 =	simm.s32 $0xC00;
	[sflag:s11] =	ssyncadd.s32 $0xFFFFF060  }
0x8f: {  	[tilespmem:s28], [sflag:$0x9] =	stream.indirect.gather [hbm4b:s4+s13], $0x20, s29, s13, $0xb8;
	[tilespmem:$0x19A00] =	vst v63  }
0x90: {  	_ =	swait.ge [sflag:s10], $0xFA0  }
0x91: {  	[sflag:s10] =	ssyncset.done $0x0  }
0x92: {  	s30 =	simm.s32 $0x2C80;
	[sflag:s10] =	ssyncadd.s32 $0xFFFFF060  }
0x93: {  	[spmem:s2] =	stream.indirect.scatter.add.f32 [tilespmem:s12], [sflag:$0x11], $0x20, s30, s13, $0xb8;
	[tilespmem:$0x19A00] =	vst v63  }
0x94: {  	_ =	swait.ge [sflag:s11], $0xFA0  }
0x95: {  	[sflag:s11] =	ssyncset.done $0x0  }
0x96: {  	s0 =	simm.s32 $0xC80;
	[sflag:s11] =	ssyncadd.s32 $0xFFFFF060  }
0x97: {  	[tilespmem:s12], [sflag:$0xA] =	stream.indirect.gather [hbm4b:s4+s13], $0x20, s0, s13, $0xb8;
	[tilespmem:$0x19A00] =	vst v63  }
0x98: {  	_ =	swait.ge [sflag:s3], $0xFA0  }
0x99: {  	[sflag:s3] =	ssyncset.done $0x0  }
0x9a: {  	s9 =	simm.s32 $0x2D00;
	[sflag:s3] =	ssyncadd.s32 $0xFFFFF060  }
0x9b: {  	[spmem:s2] =	stream.indirect.scatter.add.f32 [tilespmem:s1], [sflag:$0x11], $0x20, s9, s13, $0xb8;
	[tilespmem:$0x19A00] =	vst v63  }
0x9c: {  	_ =	swait.ge [sflag:s11], $0xFA0  }
0x9d: {  	[sflag:s11] =	ssyncset.done $0x0  }
0x9e: {  	s12 =	simm.s32 $0xD00;
	[sflag:s11] =	ssyncadd.s32 $0xFFFFF060  }
0x9f: {  	[tilespmem:s1], [sflag:$0xB] =	stream.indirect.gather [hbm4b:s4+s13], $0x20, s12, s13, $0xb8;
	[tilespmem:$0x19A00] =	vst v63  }
0xa0: {  	_ =	swait.ge [sflag:s14], $0xFA0  }
0xa1: {  	[sflag:s14] =	ssyncset.done $0x0  }
0xa2: {  	s15 =	simm.s32 $0x2D80;
	[sflag:s14] =	ssyncadd.s32 $0xFFFFF060  }
0xa3: {  	[spmem:s2] =	stream.indirect.scatter.add.f32 [tilespmem:s19], [sflag:$0x11], $0x20, s15, s13, $0xb8;
	[tilespmem:$0x19A00] =	vst v63  }
0xa4: {  	_ =	swait.ge [sflag:s11], $0xFA0  }
0xa5: {  	[sflag:s11] =	ssyncset.done $0x0  }
0xa6: {  	s17 =	simm.s32 $0xD80;
	[sflag:s11] =	ssyncadd.s32 $0xFFFFF060  }
0xa7: {  	[tilespmem:s19], [sflag:$0xC] =	stream.indirect.gather [hbm4b:s4+s13], $0x20, s17, s13, $0xb8;
	[tilespmem:$0x19A00] =	vst v63  }
0xa8: {  	_ =	swait.ge [sflag:s16], $0xFA0  }
0xa9: {  	[sflag:s16] =	ssyncset.done $0x0  }
0xaa: {  	s21 =	simm.s32 $0x2E00;
	[sflag:s16] =	ssyncadd.s32 $0xFFFFF060  }
0xab: {  	[spmem:s2] =	stream.indirect.scatter.add.f32 [tilespmem:s5], [sflag:$0x11], $0x20, s21, s13, $0xb8;
	[tilespmem:$0x19A00] =	vst v63  }
0xac: {  	_ =	swait.ge [sflag:s11], $0xFA0  }
0xad: {  	[sflag:s11] =	ssyncset.done $0x0  }
0xae: {  	s23 =	simm.s32 $0xE00;
	[sflag:s11] =	ssyncadd.s32 $0xFFFFF060  }
0xaf: {  	[tilespmem:s5], [sflag:$0xD] =	stream.indirect.gather [hbm4b:s4+s13], $0x20, s23, s13, $0xb8;
	[tilespmem:$0x19A00] =	vst v63  }
0xb0: {  	_ =	swait.ge [sflag:s18], $0xFA0  }
0xb1: {  	[sflag:s18] =	ssyncset.done $0x0  }
0xb2: {  	s25 =	simm.s32 $0x2E80;
	[sflag:s18] =	ssyncadd.s32 $0xFFFFF060  }
0xb3: {  	[spmem:s2] =	stream.indirect.scatter.add.f32 [tilespmem:s6], [sflag:$0x11], $0x20, s25, s13, $0xb8;
	[tilespmem:$0x19A00] =	vst v63  }
0xb4: {  	_ =	swait.ge [sflag:s11], $0xFA0  }
0xb5: {  	[sflag:s11] =	ssyncset.done $0x0  }
0xb6: {  	s26 =	simm.s32 $0xE80;
	[sflag:s11] =	ssyncadd.s32 $0xFFFFF060  }
0xb7: {  	[tilespmem:s6], [sflag:$0xE] =	stream.indirect.gather [hbm4b:s4+s13], $0x20, s26, s13, $0xb8;
	[tilespmem:$0x19A00] =	vst v63  }
0xb8: {  	_ =	swait.ge [sflag:s20], $0xFA0  }
0xb9: {  	[sflag:s20] =	ssyncset.done $0x0  }
0xba: {  	s28 =	simm.s32 $0x2F00;
	[sflag:s20] =	ssyncadd.s32 $0xFFFFF060  }
0xbb: {  	[spmem:s2] =	stream.indirect.scatter.add.f32 [tilespmem:s7], [sflag:$0x11], $0x20, s28, s13, $0xb8;
	[tilespmem:$0x19A00] =	vst v63  }
0xbc: {  	_ =	swait.ge [sflag:s11], $0xFA0  }
0xbd: {  	[sflag:s11] =	ssyncset.done $0x0  }
0xbe: {  	s29 =	simm.s32 $0xF00;
	[sflag:s11] =	ssyncadd.s32 $0xFFFFF060  }
0xbf: {  	[tilespmem:s7], [sflag:$0xF] =	stream.indirect.gather [hbm4b:s4+s13], $0x20, s29, s13, $0xb8;
	[tilespmem:$0x19A00] =	vst v63  }
0xc0: {  	_ =	swait.ge [sflag:s22], $0xFA0  }
0xc1: {  	[sflag:s22] =	ssyncset.done $0x0  }
0xc2: {  	s30 =	simm.s32 $0x2F80;
	[sflag:s22] =	ssyncadd.s32 $0xFFFFF060  }
0xc3: {  	[spmem:s2] =	stream.indirect.scatter.add.f32 [tilespmem:s8], [sflag:$0x11], $0x20, s30, s13, $0xb8;
	[tilespmem:$0x19A00] =	vst v63  }
0xc4: {  	_ =	swait.ge [sflag:s11], $0xFA0  }
0xc5: {  	[sflag:s11] =	ssyncset.done $0x0  }
0xc6: {  	s24 =	simm.s32 $0x2000;
	s26 =	simm.s32 $0xF80;
	[sflag:s11] =	ssyncadd.s32 $0xFFFFF060  }
.LBB2_2:
0xc7: {  	s9 =	simm.s32 $0x13A60  }
0xc8: {  	[tilespmem:s9], [sflag:$0x10] =	stream.indirect.gather [hbm4b:s4+s13], $0x20, s26, s13, $0xb8;
	[tilespmem:$0x19A00] =	vst v63  }
0xc9: {  	s0 =	simm.s32 $0x1;
	s26 =	smov.u32 s24  }
0xca: {  	p0 =	sne.s32 s24, $0x6000;
	s24 =	sadd.s32 $0x2000, s24;
	_ =	swait.ge [sflag:s0], $0xFA0  }
0xcb: {  	s26 =	sshra.s32 s26, $0x2;
	[sflag:s0] =	ssyncset.done $0x0  }
0xcc: {  	s12 =	simm.s32 $0x5000;
	s29 =	sadd.s32 $0x2800, s26;
	[sflag:s0] =	ssyncadd.s32 $0xFFFFF060  }
0xcd: {  	[spmem:s2] =	stream.indirect.scatter.add.f32 [tilespmem:s12], [sflag:$0x11], $0x20, s29, s13, $0xb8;
	[tilespmem:$0x19A00] =	vst v63  }
0xce: {  	_ =	swait.ge [sflag:s11], $0xFA0  }
0xcf: {  	[sflag:s11] =	ssyncset.done $0x0  }
0xd0: {  	s0 =	simm.s32 $0x2;
	s29 =	sadd.s32 $0x800, s26;
	[sflag:s11] =	ssyncadd.s32 $0xFFFFF060  }
0xd1: {  	[tilespmem:s12], [sflag:$0x1] =	stream.indirect.gather [hbm4b:s4+s13], $0x20, s29, s13, $0xb8;
	[tilespmem:$0x19A00] =	vst v63  }
0xd2: {  	_ =	swait.ge [sflag:s0], $0xFA0  }
0xd3: {  	[sflag:s0] =	ssyncset.done $0x0  }
0xd4: {  	s17 =	simm.s32 $0x5FA0;
	s29 =	sadd.s32 $0x2880, s26;
	[sflag:s0] =	ssyncadd.s32 $0xFFFFF060  }
0xd5: {  	[spmem:s2] =	stream.indirect.scatter.add.f32 [tilespmem:s17], [sflag:$0x11], $0x20, s29, s13, $0xb8;
	[tilespmem:$0x19A00] =	vst v63  }
0xd6: {  	_ =	swait.ge [sflag:s11], $0xFA0  }
0xd7: {  	s12 =	simm.s32 $0x5FA0;
	[sflag:s11] =	ssyncset.done $0x0  }
0xd8: {  	s0 =	simm.s32 $0x3;
	s29 =	sadd.s32 $0x880, s26;
	[sflag:s11] =	ssyncadd.s32 $0xFFFFF060  }
0xd9: {  	[tilespmem:s17], [sflag:$0x2] =	stream.indirect.gather [hbm4b:s4+s13], $0x20, s29, s13, $0xb8;
	[tilespmem:$0x19A00] =	vst v63  }
0xda: {  	_ =	swait.ge [sflag:s0], $0xFA0  }
0xdb: {  	[sflag:s0] =	ssyncset.done $0x0  }
0xdc: {  	s21 =	simm.s32 $0x6F40;
	s29 =	sadd.s32 $0x2900, s26;
	[sflag:s0] =	ssyncadd.s32 $0xFFFFF060  }
0xdd: {  	[spmem:s2] =	stream.indirect.scatter.add.f32 [tilespmem:s21], [sflag:$0x11], $0x20, s29, s13, $0xb8;
	[tilespmem:$0x19A00] =	vst v63  }
0xde: {  	_ =	swait.ge [sflag:s11], $0xFA0  }
0xdf: {  	s17 =	simm.s32 $0x6F40;
	[sflag:s11] =	ssyncset.done $0x0  }
0xe0: {  	s0 =	simm.s32 $0x4;
	s29 =	sadd.s32 $0x900, s26;
	[sflag:s11] =	ssyncadd.s32 $0xFFFFF060  }
0xe1: {  	[tilespmem:s21], [sflag:$0x3] =	stream.indirect.gather [hbm4b:s4+s13], $0x20, s29, s13, $0xb8;
	[tilespmem:$0x19A00] =	vst v63  }
0xe2: {  	_ =	swait.ge [sflag:s0], $0xFA0  }
0xe3: {  	[sflag:s0] =	ssyncset.done $0x0  }
0xe4: {  	s25 =	simm.s32 $0x7EE0;
	s29 =	sadd.s32 $0x2980, s26;
	[sflag:s0] =	ssyncadd.s32 $0xFFFFF060  }
0xe5: {  	[spmem:s2] =	stream.indirect.scatter.add.f32 [tilespmem:s25], [sflag:$0x11], $0x20, s29, s13, $0xb8;
	[tilespmem:$0x19A00] =	vst v63  }
0xe6: {  	_ =	swait.ge [sflag:s11], $0xFA0  }
0xe7: {  	s21 =	simm.s32 $0x7EE0;
	[sflag:s11] =	ssyncset.done $0x0  }
0xe8: {  	s0 =	simm.s32 $0x5;
	s29 =	sadd.s32 $0x980, s26;
	[sflag:s11] =	ssyncadd.s32 $0xFFFFF060  }
0xe9: {  	[tilespmem:s25], [sflag:$0x4] =	stream.indirect.gather [hbm4b:s4+s13], $0x20, s29, s13, $0xb8;
	[tilespmem:$0x19A00] =	vst v63  }
0xea: {  	_ =	swait.ge [sflag:s0], $0xFA0  }
0xeb: {  	[sflag:s0] =	ssyncset.done $0x0  }
0xec: {  	s30 =	simm.s32 $0x8E80;
	s29 =	sadd.s32 $0x2A00, s26;
	[sflag:s0] =	ssyncadd.s32 $0xFFFFF060  }
0xed: {  	[spmem:s2] =	stream.indirect.scatter.add.f32 [tilespmem:s30], [sflag:$0x11], $0x20, s29, s13, $0xb8;
	[tilespmem:$0x19A00] =	vst v63  }
0xee: {  	_ =	swait.ge [sflag:s11], $0xFA0  }
0xef: {  	s25 =	simm.s32 $0x8E80;
	[sflag:s11] =	ssyncset.done $0x0  }
0xf0: {  	s0 =	simm.s32 $0x6;
	s29 =	sadd.s32 $0xA00, s26;
	[sflag:s11] =	ssyncadd.s32 $0xFFFFF060  }
0xf1: {  	[tilespmem:s30], [sflag:$0x5] =	stream.indirect.gather [hbm4b:s4+s13], $0x20, s29, s13, $0xb8;
	[tilespmem:$0x19A00] =	vst v63  }
0xf2: {  	_ =	swait.ge [sflag:s0], $0xFA0  }
0xf3: {  	[sflag:s0] =	ssyncset.done $0x0  }
0xf4: {  	s15 =	simm.s32 $0x9E20;
	s29 =	sadd.s32 $0x2A80, s26;
	[sflag:s0] =	ssyncadd.s32 $0xFFFFF060  }
0xf5: {  	[spmem:s2] =	stream.indirect.scatter.add.f32 [tilespmem:s15], [sflag:$0x11], $0x20, s29, s13, $0xb8;
	[tilespmem:$0x19A00] =	vst v63  }
0xf6: {  	_ =	swait.ge [sflag:s11], $0xFA0  }
0xf7: {  	s30 =	simm.s32 $0x9E20;
	[sflag:s11] =	ssyncset.done $0x0  }
0xf8: {  	s0 =	simm.s32 $0x7;
	s29 =	sadd.s32 $0xA80, s26;
	[sflag:s11] =	ssyncadd.s32 $0xFFFFF060  }
0xf9: {  	[tilespmem:s15], [sflag:$0x6] =	stream.indirect.gather [hbm4b:s4+s13], $0x20, s29, s13, $0xb8;
	[tilespmem:$0x19A00] =	vst v63  }
0xfa: {  	_ =	swait.ge [sflag:s0], $0xFA0  }
0xfb: {  	[sflag:s0] =	ssyncset.done $0x0  }
0xfc: {  	s23 =	simm.s32 $0xADC0;
	s29 =	sadd.s32 $0x2B00, s26;
	[sflag:s0] =	ssyncadd.s32 $0xFFFFF060  }
0xfd: {  	[spmem:s2] =	stream.indirect.scatter.add.f32 [tilespmem:s23], [sflag:$0x11], $0x20, s29, s13, $0xb8;
	[tilespmem:$0x19A00] =	vst v63  }
0xfe: {  	_ =	swait.ge [sflag:s11], $0xFA0  }
0xff: {  	s15 =	simm.s32 $0xADC0;
	[sflag:s11] =	ssyncset.done $0x0  }
0x100: {  	s0 =	simm.s32 $0x8;
	s29 =	sadd.s32 $0xB00, s26;
	[sflag:s11] =	ssyncadd.s32 $0xFFFFF060  }
0x101: {  	[tilespmem:s23], [sflag:$0x7] =	stream.indirect.gather [hbm4b:s4+s13], $0x20, s29, s13, $0xb8;
	[tilespmem:$0x19A00] =	vst v63  }
0x102: {  	_ =	swait.ge [sflag:s0], $0xFA0  }
0x103: {  	[sflag:s0] =	ssyncset.done $0x0  }
0x104: {  	s28 =	simm.s32 $0xBD60;
	s29 =	sadd.s32 $0x2B80, s26;
	[sflag:s0] =	ssyncadd.s32 $0xFFFFF060  }
0x105: {  	[spmem:s2] =	stream.indirect.scatter.add.f32 [tilespmem:s28], [sflag:$0x11], $0x20, s29, s13, $0xb8;
	[tilespmem:$0x19A00] =	vst v63  }
0x106: {  	_ =	swait.ge [sflag:s11], $0xFA0  }
0x107: {  	s23 =	simm.s32 $0xBD60;
	[sflag:s11] =	ssyncset.done $0x0  }
0x108: {  	s0 =	simm.s32 $0x9;
	s29 =	sadd.s32 $0xB80, s26;
	[sflag:s11] =	ssyncadd.s32 $0xFFFFF060  }
0x109: {  	[tilespmem:s28], [sflag:$0x8] =	stream.indirect.gather [hbm4b:s4+s13], $0x20, s29, s13, $0xb8;
	[tilespmem:$0x19A00] =	vst v63  }
0x10a: {  	_ =	swait.ge [sflag:s0], $0xFA0  }
0x10b: {  	[sflag:s0] =	ssyncset.done $0x0  }
0x10c: {  	s1 =	simm.s32 $0xCD00;
	s29 =	sadd.s32 $0x2C00, s26;
	[sflag:s0] =	ssyncadd.s32 $0xFFFFF060  }
0x10d: {  	[spmem:s2] =	stream.indirect.scatter.add.f32 [tilespmem:s1], [sflag:$0x11], $0x20, s29, s13, $0xb8;
	[tilespmem:$0x19A00] =	vst v63  }
0x10e: {  	_ =	swait.ge [sflag:s11], $0xFA0  }
0x10f: {  	[sflag:s11] =	ssyncset.done $0x0  }
0x110: {  	s28 =	simm.s32 $0xCD00;
	s29 =	sadd.s32 $0xC00, s26;
	[sflag:s11] =	ssyncadd.s32 $0xFFFFF060  }
0x111: {  	[tilespmem:s1], [sflag:$0x9] =	stream.indirect.gather [hbm4b:s4+s13], $0x20, s29, s13, $0xb8;
	[tilespmem:$0x19A00] =	vst v63  }
0x112: {  	_ =	swait.ge [sflag:s10], $0xFA0  }
0x113: {  	[sflag:s10] =	ssyncset.done $0x0  }
0x114: {  	s0 =	simm.s32 $0xDCA0;
	s29 =	sadd.s32 $0x2C80, s26;
	[sflag:s10] =	ssyncadd.s32 $0xFFFFF060  }
0x115: {  	[spmem:s2] =	stream.indirect.scatter.add.f32 [tilespmem:s0], [sflag:$0x11], $0x20, s29, s13, $0xb8;
	[tilespmem:$0x19A00] =	vst v63  }
0x116: {  	_ =	swait.ge [sflag:s11], $0xFA0  }
0x117: {  	[sflag:s11] =	ssyncset.done $0x0  }
0x118: {  	s1 =	simm.s32 $0xDCA0;
	s29 =	sadd.s32 $0xC80, s26;
	[sflag:s11] =	ssyncadd.s32 $0xFFFFF060  }
0x119: {  	[tilespmem:s0], [sflag:$0xA] =	stream.indirect.gather [hbm4b:s4+s13], $0x20, s29, s13, $0xb8;
	[tilespmem:$0x19A00] =	vst v63  }
0x11a: {  	_ =	swait.ge [sflag:s3], $0xFA0  }
0x11b: {  	[sflag:s3] =	ssyncset.done $0x0  }
0x11c: {  	s19 =	simm.s32 $0xEC40;
	s29 =	sadd.s32 $0x2D00, s26;
	[sflag:s3] =	ssyncadd.s32 $0xFFFFF060  }
0x11d: {  	[spmem:s2] =	stream.indirect.scatter.add.f32 [tilespmem:s19], [sflag:$0x11], $0x20, s29, s13, $0xb8;
	[tilespmem:$0x19A00] =	vst v63  }
0x11e: {  	_ =	swait.ge [sflag:s11], $0xFA0  }
0x11f: {  	[sflag:s11] =	ssyncset.done $0x0  }
0x120: {  	s0 =	simm.s32 $0xEC40;
	s29 =	sadd.s32 $0xD00, s26;
	[sflag:s11] =	ssyncadd.s32 $0xFFFFF060  }
0x121: {  	[tilespmem:s19], [sflag:$0xB] =	stream.indirect.gather [hbm4b:s4+s13], $0x20, s29, s13, $0xb8;
	[tilespmem:$0x19A00] =	vst v63  }
0x122: {  	_ =	swait.ge [sflag:s14], $0xFA0  }
0x123: {  	[sflag:s14] =	ssyncset.done $0x0  }
0x124: {  	s5 =	simm.s32 $0xFBE0;
	s29 =	sadd.s32 $0x2D80, s26;
	[sflag:s14] =	ssyncadd.s32 $0xFFFFF060  }
0x125: {  	[spmem:s2] =	stream.indirect.scatter.add.f32 [tilespmem:s5], [sflag:$0x11], $0x20, s29, s13, $0xb8;
	[tilespmem:$0x19A00] =	vst v63  }
0x126: {  	_ =	swait.ge [sflag:s11], $0xFA0  }
0x127: {  	[sflag:s11] =	ssyncset.done $0x0  }
0x128: {  	s19 =	simm.s32 $0xFBE0;
	s29 =	sadd.s32 $0xD80, s26;
	[sflag:s11] =	ssyncadd.s32 $0xFFFFF060  }
0x129: {  	[tilespmem:s5], [sflag:$0xC] =	stream.indirect.gather [hbm4b:s4+s13], $0x20, s29, s13, $0xb8;
	[tilespmem:$0x19A00] =	vst v63  }
0x12a: {  	_ =	swait.ge [sflag:s16], $0xFA0  }
0x12b: {  	[sflag:s16] =	ssyncset.done $0x0  }
0x12c: {  	s6 =	simm.s32 $0x10B80;
	s29 =	sadd.s32 $0x2E00, s26;
	[sflag:s16] =	ssyncadd.s32 $0xFFFFF060  }
0x12d: {  	[spmem:s2] =	stream.indirect.scatter.add.f32 [tilespmem:s6], [sflag:$0x11], $0x20, s29, s13, $0xb8;
	[tilespmem:$0x19A00] =	vst v63  }
0x12e: {  	_ =	swait.ge [sflag:s11], $0xFA0  }
0x12f: {  	[sflag:s11] =	ssyncset.done $0x0  }
0x130: {  	s5 =	simm.s32 $0x10B80;
	s29 =	sadd.s32 $0xE00, s26;
	[sflag:s11] =	ssyncadd.s32 $0xFFFFF060  }
0x131: {  	[tilespmem:s6], [sflag:$0xD] =	stream.indirect.gather [hbm4b:s4+s13], $0x20, s29, s13, $0xb8;
	[tilespmem:$0x19A00] =	vst v63  }
0x132: {  	_ =	swait.ge [sflag:s18], $0xFA0  }
0x133: {  	[sflag:s18] =	ssyncset.done $0x0  }
0x134: {  	s7 =	simm.s32 $0x11B20;
	s29 =	sadd.s32 $0x2E80, s26;
	[sflag:s18] =	ssyncadd.s32 $0xFFFFF060  }
0x135: {  	[spmem:s2] =	stream.indirect.scatter.add.f32 [tilespmem:s7], [sflag:$0x11], $0x20, s29, s13, $0xb8;
	[tilespmem:$0x19A00] =	vst v63  }
0x136: {  	_ =	swait.ge [sflag:s11], $0xFA0  }
0x137: {  	[sflag:s11] =	ssyncset.done $0x0  }
0x138: {  	s6 =	simm.s32 $0x11B20;
	s29 =	sadd.s32 $0xE80, s26;
	[sflag:s11] =	ssyncadd.s32 $0xFFFFF060  }
0x139: {  	[tilespmem:s7], [sflag:$0xE] =	stream.indirect.gather [hbm4b:s4+s13], $0x20, s29, s13, $0xb8;
	[tilespmem:$0x19A00] =	vst v63  }
0x13a: {  	_ =	swait.ge [sflag:s20], $0xFA0  }
0x13b: {  	[sflag:s20] =	ssyncset.done $0x0  }
0x13c: {  	s8 =	simm.s32 $0x12AC0;
	s29 =	sadd.s32 $0x2F00, s26;
	[sflag:s20] =	ssyncadd.s32 $0xFFFFF060  }
0x13d: {  	[spmem:s2] =	stream.indirect.scatter.add.f32 [tilespmem:s8], [sflag:$0x11], $0x20, s29, s13, $0xb8;
	[tilespmem:$0x19A00] =	vst v63  }
0x13e: {  	_ =	swait.ge [sflag:s11], $0xFA0  }
0x13f: {  	[sflag:s11] =	ssyncset.done $0x0  }
0x140: {  	s7 =	simm.s32 $0x12AC0;
	s29 =	sadd.s32 $0xF00, s26;
	[sflag:s11] =	ssyncadd.s32 $0xFFFFF060  }
0x141: {  	[tilespmem:s8], [sflag:$0xF] =	stream.indirect.gather [hbm4b:s4+s13], $0x20, s29, s13, $0xb8;
	[tilespmem:$0x19A00] =	vst v63  }
0x142: {  	_ =	swait.ge [sflag:s22], $0xFA0  }
0x143: {  	[sflag:s22] =	ssyncset.done $0x0  }
.Ltmp0:
0x144: {  	s29 =	sadd.s32 $0x2F80, s26;
	[sflag:s22] =	ssyncadd.s32 $0xFFFFF060;
	(pc) =	sbr.rel @p0 .LBB2_2-.Ltmp0, $4  }
0x145: {  	[spmem:s2] =	stream.indirect.scatter.add.f32 [tilespmem:s9], [sflag:$0x11], $0x20, s29, s13, $0xb8;
	[tilespmem:$0x19A00] =	vst v63  }
0x146: {  	_ =	swait.ge [sflag:s11], $0xFA0  }
0x147: {  	[sflag:s11] =	ssyncset.done $0x0  }
0x148: {  	s26 =	sadd.s32 $0xF80, s26;
	[sflag:s11] =	ssyncadd.s32 $0xFFFFF060  }
0x149: {  	s8 =	simm.s32 $0x13A60;
	s9 =	simm.s32 $0x1  }
0x14a: {  	[tilespmem:s8], [sflag:$0x10] =	stream.indirect.gather [hbm4b:s4+s13], $0x20, s26, s13, $0xb8;
	[tilespmem:$0x19A00] =	vst v63  }
0x14b: {  	_ =	swait.ge [sflag:s9], $0xFA0  }
0x14c: {  	[sflag:s9] =	ssyncset.done $0x0  }
0x14d: {  	s29 =	simm.s32 $0x4800;
	[sflag:s9] =	ssyncadd.s32 $0xFFFFF060  }
0x14e: {  	[spmem:s2] =	stream.indirect.scatter.add.f32 [tilespmem:s31], [sflag:$0x11], $0x20, s29, s13, $0xb8;
	[tilespmem:$0x19A00] =	vst v63  }
0x14f: {  	_ =	swait.ge [sflag:s11], $0xFA0  }
0x150: {  	[sflag:s11] =	ssyncset.done $0x0  }
0x151: {  	s24 =	simm.s32 $0x2;
	[sflag:s11] =	ssyncadd.s32 $0xFFFFF060  }
0x152: {  	_ =	swait.ge [sflag:s24], $0xFA0  }
0x153: {  	[sflag:s24] =	ssyncset.done $0x0  }
0x154: {  	s26 =	simm.s32 $0x4880;
	[sflag:s24] =	ssyncadd.s32 $0xFFFFF060  }
0x155: {  	[spmem:s2] =	stream.indirect.scatter.add.f32 [tilespmem:s12], [sflag:$0x11], $0x20, s26, s13, $0xb8;
	[tilespmem:$0x19A00] =	vst v63  }
0x156: {  	_ =	swait.ge [sflag:s11], $0xFA0  }
0x157: {  	[sflag:s11] =	ssyncset.done $0x0  }
0x158: {  	s29 =	simm.s32 $0x3;
	[sflag:s11] =	ssyncadd.s32 $0xFFFFF060  }
0x159: {  	_ =	swait.ge [sflag:s29], $0xFA0  }
0x15a: {  	[sflag:s29] =	ssyncset.done $0x0  }
0x15b: {  	s12 =	simm.s32 $0x4900;
	[sflag:s29] =	ssyncadd.s32 $0xFFFFF060  }
0x15c: {  	[spmem:s2] =	stream.indirect.scatter.add.f32 [tilespmem:s17], [sflag:$0x11], $0x20, s12, s13, $0xb8;
	[tilespmem:$0x19A00] =	vst v63  }
0x15d: {  	_ =	swait.ge [sflag:s11], $0xFA0  }
0x15e: {  	[sflag:s11] =	ssyncset.done $0x0  }
0x15f: {  	s17 =	simm.s32 $0x4;
	[sflag:s11] =	ssyncadd.s32 $0xFFFFF060  }
0x160: {  	_ =	swait.ge [sflag:s17], $0xFA0  }
0x161: {  	[sflag:s17] =	ssyncset.done $0x0  }
0x162: {  	s24 =	simm.s32 $0x4980;
	[sflag:s17] =	ssyncadd.s32 $0xFFFFF060  }
0x163: {  	[spmem:s2] =	stream.indirect.scatter.add.f32 [tilespmem:s21], [sflag:$0x11], $0x20, s24, s13, $0xb8;
	[tilespmem:$0x19A00] =	vst v63  }
0x164: {  	_ =	swait.ge [sflag:s11], $0xFA0  }
0x165: {  	[sflag:s11] =	ssyncset.done $0x0  }
0x166: {  	s26 =	simm.s32 $0x5;
	[sflag:s11] =	ssyncadd.s32 $0xFFFFF060  }
0x167: {  	_ =	swait.ge [sflag:s26], $0xFA0  }
0x168: {  	[sflag:s26] =	ssyncset.done $0x0  }
0x169: {  	s29 =	simm.s32 $0x4A00;
	[sflag:s26] =	ssyncadd.s32 $0xFFFFF060  }
0x16a: {  	[spmem:s2] =	stream.indirect.scatter.add.f32 [tilespmem:s25], [sflag:$0x11], $0x20, s29, s13, $0xb8;
	[tilespmem:$0x19A00] =	vst v63  }
0x16b: {  	_ =	swait.ge [sflag:s11], $0xFA0  }
0x16c: {  	[sflag:s11] =	ssyncset.done $0x0  }
0x16d: {  	s12 =	simm.s32 $0x6;
	[sflag:s11] =	ssyncadd.s32 $0xFFFFF060  }
0x16e: {  	_ =	swait.ge [sflag:s12], $0xFA0  }
0x16f: {  	[sflag:s12] =	ssyncset.done $0x0  }
0x170: {  	s17 =	simm.s32 $0x4A80;
	[sflag:s12] =	ssyncadd.s32 $0xFFFFF060  }
0x171: {  	[spmem:s2] =	stream.indirect.scatter.add.f32 [tilespmem:s30], [sflag:$0x11], $0x20, s17, s13, $0xb8;
	[tilespmem:$0x19A00] =	vst v63  }
0x172: {  	_ =	swait.ge [sflag:s11], $0xFA0  }
0x173: {  	[sflag:s11] =	ssyncset.done $0x0  }
0x174: {  	s21 =	simm.s32 $0x7;
	[sflag:s11] =	ssyncadd.s32 $0xFFFFF060  }
0x175: {  	_ =	swait.ge [sflag:s21], $0xFA0  }
0x176: {  	[sflag:s21] =	ssyncset.done $0x0  }
0x177: {  	s24 =	simm.s32 $0x4B00;
	[sflag:s21] =	ssyncadd.s32 $0xFFFFF060  }
0x178: {  	[spmem:s2] =	stream.indirect.scatter.add.f32 [tilespmem:s15], [sflag:$0x11], $0x20, s24, s13, $0xb8;
	[tilespmem:$0x19A00] =	vst v63  }
0x179: {  	_ =	swait.ge [sflag:s11], $0xFA0  }
0x17a: {  	[sflag:s11] =	ssyncset.done $0x0  }
0x17b: {  	s25 =	simm.s32 $0x8;
	[sflag:s11] =	ssyncadd.s32 $0xFFFFF060  }
0x17c: {  	_ =	swait.ge [sflag:s25], $0xFA0  }
0x17d: {  	[sflag:s25] =	ssyncset.done $0x0  }
0x17e: {  	s26 =	simm.s32 $0x4B80;
	[sflag:s25] =	ssyncadd.s32 $0xFFFFF060  }
0x17f: {  	[spmem:s2] =	stream.indirect.scatter.add.f32 [tilespmem:s23], [sflag:$0x11], $0x20, s26, s13, $0xb8;
	[tilespmem:$0x19A00] =	vst v63  }
0x180: {  	_ =	swait.ge [sflag:s11], $0xFA0  }
0x181: {  	[sflag:s11] =	ssyncset.done $0x0  }
0x182: {  	s29 =	simm.s32 $0x9;
	[sflag:s11] =	ssyncadd.s32 $0xFFFFF060  }
0x183: {  	_ =	swait.ge [sflag:s29], $0xFA0  }
0x184: {  	[sflag:s29] =	ssyncset.done $0x0  }
0x185: {  	s30 =	simm.s32 $0x4C00;
	[sflag:s29] =	ssyncadd.s32 $0xFFFFF060  }
0x186: {  	[spmem:s2] =	stream.indirect.scatter.add.f32 [tilespmem:s28], [sflag:$0x11], $0x20, s30, s13, $0xb8;
	[tilespmem:$0x19A00] =	vst v63  }
0x187: {  	_ =	swait.ge [sflag:s11], $0xFA0  }
0x188: {  	[sflag:s11] =	ssyncset.done $0x0  }
0x189: {  	[sflag:s11] =	ssyncadd.s32 $0xFFFFF060  }
0x18a: {  	_ =	swait.ge [sflag:s10], $0xFA0  }
0x18b: {  	[sflag:s10] =	ssyncset.done $0x0  }
0x18c: {  	s12 =	simm.s32 $0x4C80;
	[sflag:s10] =	ssyncadd.s32 $0xFFFFF060  }
0x18d: {  	[spmem:s2] =	stream.indirect.scatter.add.f32 [tilespmem:s1], [sflag:$0x11], $0x20, s12, s13, $0xb8;
	[tilespmem:$0x19A00] =	vst v63  }
0x18e: {  	_ =	swait.ge [sflag:s11], $0xFA0  }
0x18f: {  	[sflag:s11] =	ssyncset.done $0x0  }
0x190: {  	[sflag:s11] =	ssyncadd.s32 $0xFFFFF060  }
0x191: {  	_ =	swait.ge [sflag:s3], $0xFA0  }
0x192: {  	[sflag:s3] =	ssyncset.done $0x0  }
0x193: {  	s15 =	simm.s32 $0x4D00;
	[sflag:s3] =	ssyncadd.s32 $0xFFFFF060  }
0x194: {  	[spmem:s2] =	stream.indirect.scatter.add.f32 [tilespmem:s0], [sflag:$0x11], $0x20, s15, s13, $0xb8;
	[tilespmem:$0x19A00] =	vst v63  }
0x195: {  	_ =	swait.ge [sflag:s11], $0xFA0  }
0x196: {  	[sflag:s11] =	ssyncset.done $0x0  }
0x197: {  	[sflag:s11] =	ssyncadd.s32 $0xFFFFF060  }
0x198: {  	_ =	swait.ge [sflag:s14], $0xFA0  }
0x199: {  	[sflag:s14] =	ssyncset.done $0x0  }
0x19a: {  	s17 =	simm.s32 $0x4D80;
	[sflag:s14] =	ssyncadd.s32 $0xFFFFF060  }
0x19b: {  	[spmem:s2] =	stream.indirect.scatter.add.f32 [tilespmem:s19], [sflag:$0x11], $0x20, s17, s13, $0xb8;
	[tilespmem:$0x19A00] =	vst v63  }
0x19c: {  	_ =	swait.ge [sflag:s11], $0xFA0  }
0x19d: {  	[sflag:s11] =	ssyncset.done $0x0  }
0x19e: {  	[sflag:s11] =	ssyncadd.s32 $0xFFFFF060  }
0x19f: {  	_ =	swait.ge [sflag:s16], $0xFA0  }
0x1a0: {  	[sflag:s16] =	ssyncset.done $0x0  }
0x1a1: {  	s21 =	simm.s32 $0x4E00;
	[sflag:s16] =	ssyncadd.s32 $0xFFFFF060  }
0x1a2: {  	[spmem:s2] =	stream.indirect.scatter.add.f32 [tilespmem:s5], [sflag:$0x11], $0x20, s21, s13, $0xb8;
	[tilespmem:$0x19A00] =	vst v63  }
0x1a3: {  	_ =	swait.ge [sflag:s11], $0xFA0  }
0x1a4: {  	[sflag:s11] =	ssyncset.done $0x0  }
0x1a5: {  	[sflag:s11] =	ssyncadd.s32 $0xFFFFF060  }
0x1a6: {  	_ =	swait.ge [sflag:s18], $0xFA0  }
0x1a7: {  	[sflag:s18] =	ssyncset.done $0x0  }
0x1a8: {  	s23 =	simm.s32 $0x4E80;
	[sflag:s18] =	ssyncadd.s32 $0xFFFFF060  }
0x1a9: {  	[spmem:s2] =	stream.indirect.scatter.add.f32 [tilespmem:s6], [sflag:$0x11], $0x20, s23, s13, $0xb8;
	[tilespmem:$0x19A00] =	vst v63  }
0x1aa: {  	_ =	swait.ge [sflag:s11], $0xFA0  }
0x1ab: {  	[sflag:s11] =	ssyncset.done $0x0  }
0x1ac: {  	[sflag:s11] =	ssyncadd.s32 $0xFFFFF060  }
0x1ad: {  	_ =	swait.ge [sflag:s20], $0xFA0  }
0x1ae: {  	[sflag:s20] =	ssyncset.done $0x0  }
0x1af: {  	s24 =	simm.s32 $0x4F00;
	[sflag:s20] =	ssyncadd.s32 $0xFFFFF060  }
0x1b0: {  	[spmem:s2] =	stream.indirect.scatter.add.f32 [tilespmem:s7], [sflag:$0x11], $0x20, s24, s13, $0xb8;
	[tilespmem:$0x19A00] =	vst v63  }
0x1b1: {  	_ =	swait.ge [sflag:s11], $0xFA0  }
0x1b2: {  	[sflag:s11] =	ssyncset.done $0x0  }
0x1b3: {  	[sflag:s11] =	ssyncadd.s32 $0xFFFFF060  }
0x1b4: {  	_ =	swait.ge [sflag:s22], $0xFA0  }
0x1b5: {  	[sflag:s22] =	ssyncset.done $0x0  }
0x1b6: {  	s25 =	simm.s32 $0x4F80;
	[sflag:s22] =	ssyncadd.s32 $0xFFFFF060  }
0x1b7: {  	[spmem:s2] =	stream.indirect.scatter.add.f32 [tilespmem:s8], [sflag:$0x11], $0x20, s25, s13, $0xb8;
	[tilespmem:$0x19A00] =	vst v63  }
0x1b8: {  	_ =	swait.ge [sflag:s11], $0xFA0  }
0x1b9: {  	[sflag:s11] =	ssyncset.done $0x0  }
0x1ba: {  	[sflag:s11] =	ssyncadd.s32 $0xFFFFF060  }
0x1bb: {  	[bflag:$0x0] =	sbarrier.arrive $0xFFFF  }
0x1bc: {  	s24 =	rddreg [dreg:$0x7]  }
0x1bd: {  	s26 =	rddreg [dreg:$0xa]  }
0x1be: {  	s28 =	rddreg [dreg:$0xb]  }
0x1bf: {  	[hbm:s24], [sflag:s26] =	dma.local [spmem:s28], $0xA00  }
0x1c0: {  	_ =	swait.ge [sflag:s11], $0xA00  }
0x1c1: {  	s29 =	rddreg [dreg:$0x9]  }
0x1c2: {  	s30 =	rddreg [dreg:$0x8];
	s0 =	sadd.s32 $0x1, s29  }
0x1c3: {  	p0 =	sne.s32 s0, s30  }
.Ltmp1:
0x1c4: {  	_ = 	snop;
	(pc) =	sbr.rel @p0 .LBB2_1-.Ltmp1, $3  }
0x1c5: {  	_ =	sdelay $0x1  }
0x1c6: {  	[sflag:s11] =	ssyncset.done $0x0  }
0x1c7: {  	[sflag:s11] =	ssyncadd.s32 $0xFFFFF600  }
0x1c8: {  	_ =	sfence.sel $0x180000  }
0x1c9: {  	[bflag:$0x0] =	sbarrier.arrive $0xFFFF  }
0x1ca: {  	_ =	strace $0x9000004D  }
0x1cb: {  	s0 =	stileid.u32;
	[bflag:$0x2] =	sbarrier.arrive $0xFFFF  }
0x1cc: {  	p0 =	sne.s32 s0, $0x0;
	s0 =	rddreg [dreg:$0x2]  }
0x1cd: {  	s0 =	sadd.s32 @!p0 $0x100000, s0  }
0x1ce: {  	[sflag:s0] =	ssyncadd.tile.s32 @!p0 $0x1;
	_ =	shalt  }
.Lfunc_end2:
_tile_overlayer_lowered:
.L_overlay_start_2:
0x1cf: {  	(tag) =	ssettag $0x2  }
0x1d0: {  	s0 =	rddreg [dreg:$0x0];
	s2 =	stileid.u32  }
0x1d1: {  	s1 =	rddreg [dreg:$0x1];
	p0 =	sne.s32 s2, $0x0  }
0x1d2: {  	s3 =	rddreg [dreg:$0x2];
	[bflag:$0x3] =	sbarrier.arrive $0xFFFF;
	s2 =	simm.s32 @!p0 $0x1C11  }
0x1d3: {  	[timem:s3], [sflag:s2] =	dma.local @!p0 [hbm:s0], s1  }
0x1d4: {  	s0 =	simm.s32 @!p0 $0x11  }
0x1d5: {  	_ =	swait.ge @!p0 [sflag:s0], s1  }
0x1d6: {  	s1 =	ssub.s32 @!p0 $0x0, s1;
	[sflag:s0] =	ssyncset.done @!p0 $0x0  }
0x1d7: {  	[sflag:s0] =	ssyncadd.s32 @!p0 s1  }
0x1d8: {  	[bflag:$0x3] =	sbarrier.arrive $0xFFFF  }
0x1d9: {  	_ =	shalt  }

// kernel: kernel.8.cloned.1.call-start
scs
__scs_entry_jumppad:
0x0: {  	(pc) =	sbr.rel $0x88, $3  }
0x1: {  	(tag) =	ssettag $0x0;
	lr =	simm.s32 $0x1  }
0x2: {  	[smem:$0x3F95] =	sst lr;
	_ =	strace $0xD0000000  }
0x3: {  	_ = 	snop  }
0x4: {  	_ = 	snop  }
0x5: {  	_ = 	snop  }
0x6: {  	_ = 	snop  }
0x7: {  	_ = 	snop  }
__scs_overlays_trampoline_lowered:
0x8: {  	[smem:$0x3FA4] =	sst s0  }
0x9: {  	[smem:$0x3FA5] =	sst s1  }
0xa: {  	[smem:$0x3FA6] =	sst s2  }
0xb: {  	[smem:$0x3FA7] =	sst s3  }
0xc: {  	[smem:$0x3FA8] =	sst s4  }
0xd: {  	[smem:$0x3FA9] =	sst s5  }
0xe: {  	[smem:$0x3FAA] =	sst s6  }
0xf: {  	[smem:$0x3FAB] =	sst s7  }
0x10: {  	[smem:$0x3FAC] =	sst s8  }
0x11: {  	[smem:$0x3FAD] =	sst s9;
	s0 =	simm.s32 @!p0 $0x0  }
0x12: {  	s1 =	sld [smem:$0x3F93];
	s0 =	simm.s32 @p0 $0x1  }
0x13: {  	[smem:$0x3FAE] =	sst s0;
	s0 =	simm.s32 @!p1 $0x0  }
0x14: {  	s2 =	sld [smem:$0x3F92];
	s0 =	simm.s32 @p1 $0x1  }
0x15: {  	[smem:$0x3FAF] =	sst s0;
	s0 =	simm.s32 @!p2 $0x0  }
0x16: {  	s3 =	sld [smem:$0x3FDB];
	s0 =	simm.s32 @p2 $0x1  }
0x17: {  	s4 =	simm.s32 $0x1BF5;
	[smem:$0x3FB1] =	sst s0  }
0x18: {  	s0 =	sld [smem:$0x3F94];
	_ =	swait.ge [sflag:s4], $0x0  }
0x19: {  	s7 =	sld [smem:$0x3F95]  }
0x1a: {  	s8 =	sadd.s32 $0xFFFFE003, lr  }
0x1b: {  	s9 =	sadd.s32 $0xFFFFFEF7, lr;
	s5 =	simm.s32 $0xFFFFFFFF;
	p2 =	slt.u32 s8, $0xFFFFF086  }
0x1c: {  	p1 =	slt.u32 s9, $0xF7A;
	s5 =	simm.s32 @!p2 $0x0  }
0x1d: {  	s5 =	simm.s32 @p1 $0x1;
	p0 =	seq.s32 s7, s2  }
0x1e: {  	s7 =	smul.u32 @!p0 $0xF7A, s2;
	p2 =	seq.s32 @!p0 s5, $0x0  }
0x1f: {  	s9 =	smul.u32 $0xF7A, s1;
	s8 =	simm.s32 @!p0 $0x1BF5;
	p2 =	por !p2, p0  }
0x20: {  	[sflag:s8] =	ssyncset.s32 @!p0 $0xFFFFF086;
	s6 =	sadd.s32 @!p0 s3, s7;
	s7 =	simm.s32 @!p0 $0x108  }
0x21: {  	s3 =	sadd.s32 s3, s9;
	s6 =	sadd.s32 @!p0 $0x88, s6;
	s7 =	simm.s32 @p2 $0x1082  }
0x22: {  	[simem:s7], [sflag:s8] =	dma.local @!p0 [hbm:s6], $0xF7A  }
0x23: {  	s9 =	sor.u32 $0xD0000000, s2;
	s6 =	simm.s32 $0x108;
	_ =	swait.ge @!p0 [sflag:s8], $0x0  }
0x24: {  	s3 =	sadd.s32 $0x88, s3;
	s6 =	simm.s32 @!p1 $0x1082;
	[sflag:s4] =	ssyncset.s32 $0xFFFFF086  }
0x25: {  	[simem:s6], [sflag:s4] =	dma.local [hbm:s3], $0xF7A  }
0x26: {  	[smem:$0x3F95] =	sst s1;
	(tag) =	ssettag s2;
	_ =	strace s9  }
0x27: {  	s1 =	sld [smem:$0x3FA5]  }
0x28: {  	s2 =	sld [smem:$0x3FA6]  }
0x29: {  	s4 =	sld [smem:$0x3FA8]  }
0x2a: {  	p0 =	seq.s32 s5, $0x0;
	s5 =	sld [smem:$0x3FA9]  }
0x2b: {  	s6 =	sld [smem:$0x3FAA]  }
0x2c: {  	s7 =	sld [smem:$0x3FAB]  }
0x2d: {  	s3 =	simm.s32 $0x108;
	s8 =	sld [smem:$0x3FAC]  }
0x2e: {  	s3 =	simm.s32 @!p0 $0x1082;
	s9 =	sld [smem:$0x3FAD]  }
0x2f: {  	lr =	sadd.s32 s0, s3;
	s0 =	sld [smem:$0x3FA4]  }
0x30: {  	s3 =	sld [smem:$0x3FA7]  }
0x31: {  	[smem:$0x3FB0] =	sst s10  }
0x32: {  	s10 =	sld [smem:$0x3FAE];
	_ =	sdelay $0x3  }
0x33: {  	p0 =	seq.s32 s10, $0x1;
	s10 =	sld [smem:$0x3FB0];
	_ =	sdelay $0x3  }
0x34: {  	[smem:$0x3FB0] =	sst s10  }
0x35: {  	s10 =	sld [smem:$0x3FAF];
	_ =	sdelay $0x3  }
0x36: {  	p1 =	seq.s32 s10, $0x1;
	s10 =	sld [smem:$0x3FB0];
	_ =	sdelay $0x3  }
0x37: {  	[smem:$0x3FB0] =	sst s10  }
0x38: {  	s10 =	sld [smem:$0x3FB1]  }
0x39: {  	_ = 	snop;
	(pc) =	sbr.ind lr, $3  }
0x3a: {  	_ = 	snop  }
0x3b: {  	_ = 	snop  }
0x3c: {  	p2 =	seq.s32 s10, $0x1;
	s10 =	sld [smem:$0x3FB0]  }
0x3d: {  	_ =	shalt  }
0x3e: {  	_ =	shalt  }
0x3f: {  	_ =	shalt  }
0x40: {  	_ =	shalt  }
0x41: {  	_ =	shalt  }
0x42: {  	_ =	shalt  }
0x43: {  	_ =	shalt  }
0x44: {  	_ =	shalt  }
0x45: {  	_ =	shalt  }
0x46: {  	_ =	shalt  }
0x47: {  	_ =	shalt  }
0x48: {  	_ =	shalt  }
0x49: {  	_ =	shalt  }
0x4a: {  	_ =	shalt  }
0x4b: {  	_ =	shalt  }
0x4c: {  	_ =	shalt  }
0x4d: {  	_ =	shalt  }
0x4e: {  	_ =	shalt  }
0x4f: {  	_ =	shalt  }
0x50: {  	_ =	shalt  }
0x51: {  	_ =	shalt  }
0x52: {  	_ =	shalt  }
0x53: {  	_ =	shalt  }
0x54: {  	_ =	shalt  }
0x55: {  	_ =	shalt  }
0x56: {  	_ =	shalt  }
0x57: {  	_ =	shalt  }
0x58: {  	_ =	shalt  }
0x59: {  	_ =	shalt  }
0x5a: {  	_ =	shalt  }
0x5b: {  	_ =	shalt  }
0x5c: {  	_ =	shalt  }
0x5d: {  	_ =	shalt  }
0x5e: {  	_ =	shalt  }
0x5f: {  	_ =	shalt  }
0x60: {  	_ =	shalt  }
0x61: {  	_ =	shalt  }
0x62: {  	_ =	shalt  }
0x63: {  	_ =	shalt  }
0x64: {  	_ =	shalt  }
0x65: {  	_ =	shalt  }
0x66: {  	_ =	shalt  }
0x67: {  	_ =	shalt  }
0x68: {  	_ =	shalt  }
0x69: {  	_ =	shalt  }
0x6a: {  	_ =	shalt  }
0x6b: {  	_ =	shalt  }
0x6c: {  	_ =	shalt  }
0x6d: {  	_ =	shalt  }
0x6e: {  	_ =	shalt  }
0x6f: {  	_ =	shalt  }
0x70: {  	_ =	shalt  }
0x71: {  	_ =	shalt  }
0x72: {  	_ =	shalt  }
0x73: {  	_ =	shalt  }
0x74: {  	_ =	shalt  }
0x75: {  	_ =	shalt  }
0x76: {  	_ =	shalt  }
0x77: {  	_ =	shalt  }
0x78: {  	_ =	shalt  }
0x79: {  	_ =	shalt  }
0x7a: {  	_ =	shalt  }
0x7b: {  	_ =	shalt  }
0x7c: {  	_ =	shalt  }
0x7d: {  	_ =	shalt  }
0x7e: {  	_ =	shalt  }
0x7f: {  	_ =	shalt  }
0x80: {  	_ =	shalt  }
0x81: {  	_ =	shalt  }
0x82: {  	_ =	shalt  }
0x83: {  	_ =	shalt  }
0x84: {  	_ =	shalt  }
0x85: {  	_ =	shalt  }
0x86: {  	_ =	shalt  }
0x87: {  	_ =	shalt  }
.Lfunc_end0:
.L_simem_size_0:
called_computation_lowered:
.L_overlay_start_0:
0x88: {  	s2 =	sld [smem:$0x3FD9]  }
0x89: {  	s3 =	sld [smem:$0x3FFE];
	_ =	sdelay $0x1  }
0x8a: {  	s1 =	srdreg.scid  }
0x8b: {  	s0 =	sand.u32 $0x1, s1  }
0x8c: {  	s17 =	sshll.u32 s0, $0xA;
	s2 =	sadd.s32 s3, s2  }
0x8d: {  	s2 =	sadd.s32 s2, s17  }
0x8e: {  	[smem:$0x3FBC] =	sst s2  }
0x8f: {  	_ = 	snop  }
0x90: {  	s2 =	sld [smem:$0x3FD0];
	(tm) =	ssettm $0x1  }
0x91: {  	s18 =	sld [smem:$0x3FFB];
	_ =	sdelay $0x3  }
0x92: {  	_ =	strace s18  }
0x93: {  	s3 =	sld [smem:$0x3FFC];
	_ =	sdelay $0x3  }
0x94: {  	_ =	strace s3  }
0x95: {  	s3 =	sld [smem:$0x3FFD];
	_ =	sdelay $0x3  }
0x96: {  	_ =	strace s3  }
0x97: {  	_ =	strace $0x8FFFFFFF  }
0x98: {  	s19 =	sld [smem:$0x3FDB];
	_ =	sdelay $0x1  }
0x99: {  	s4 =	simm.s32 $_scs_section_size  }
0x9a: {  	s5 =	simm.s32 $_size__tile_overlayer_lowered;
	s6 =	simm.s32 $_tile_overlayer_lowered  }
0x9b: {  	s22 =	simm.s32 $0x1BFF;
	s21 =	sshll.u32 s6, $0x1;
	s3 =	sadd.s32 s4, s19  }
0x9c: {  	s7 =	simm.s32 $0x0;
	s20 =	sshll.u32 s5, $0x1;
	s5 =	sadd.s32 s21, s3  }
0x9d: {  	[timem:s7], [sflag:s22] =	dma.local [hbm:s5], s20  }
0x9e: {  	_ =	swait.ge [sflag:s22], s20  }
0x9f: {  	s4 =	ssub.s32 $0x0, s20;
	[sflag:s22] =	ssyncset.done $0x0  }
0xa0: {  	[sflag:s22] =	ssyncadd.s32 s4;
	_ =	sdelay $0x1  }
0xa1: {  	s23 =	simm.s32 $0x1B8B  }
0xa2: {  	_ =	swait.ge [sflag:s23], $0x1  }
0xa3: {  	[sflag:s23] =	ssyncset.done $0x0  }
0xa4: {  	s25 =	simm.s32 $0x1B8E;
	s24 =	sld [smem:$0x3FFE];
	[sflag:s23] =	ssyncadd.s32 $0xFFFFFFFF  }
0xa5: {  	s26 =	simm.s32 $execute0_lowered;
	[smem:$0x3FD2] =	sst s25  }
0xa6: {  	s5 =	sshll.u32 s26, $0x1;
	_ =	strace $0x80000046;
	[dreg:$0x1] =	wrdreg $0xFFFFFFFF  }
0xa7: {  	s28 =	simm.s32 $_size_execute0_lowered;
	s3 =	sadd.s32 s3, s5;
	[dreg:$0x0] =	wrdreg $0x0  }
0xa8: {  	s5 =	sshll.u32 s28, $0x1;
	[dreg:$0x2] =	wrdreg s3  }
0xa9: {  	[dreg:$0x3] =	wrdreg s5  }
0xaa: {  	[dreg:$0x4] =	wrdreg $0xC0  }
0xab: {  	_ =	task [dreg:s7], $0x5FFFF  }
0xac: {  	[dreg:$0x1] =	wrdreg $0xFFFFFFFF  }
0xad: {  	[dreg:$0x0] =	wrdreg $0x60  }
0xae: {  	[dreg:$0x2] =	wrdreg s24  }
0xaf: {  	[dreg:$0x3] =	wrdreg s2  }
0xb0: {  	[dreg:$0x4] =	wrdreg $0x2BE80  }
0xb1: {  	[dreg:$0x5] =	wrdreg $0x9  }
0xb2: {  	_ =	task.clear_ibuf [dreg:s7], $0x6FFFF;
	_ =	strace $0x90000046  }
0xb3: {  	s29 =	simm.s32 $0x9;
	_ =	strace $0x80000048  }
0xb4: {  	_ =	swait.ge [sflag:s29], $0x1  }
0xb5: {  	[sflag:s29] =	ssyncadd.s32 $0xFFFFFFFF  }
0xb6: {  	_ =	strace $0x90000048  }
0xb7: {  	_ =	sfence  }
0xb8: {  	s30 =	sld [smem:$0x0];
	_ =	sdelay $0x2  }
0xb9: {  	s31 =	sshll.u32 s1, $0xD;
	s1 =	sshrl.u32 s1, $0x2  }
0xba: {  	s3 =	sand.u32 $0x4000, s31;
	s1 =	sadd.s32 s1, s30  }
0xbb: {  	s0 =	sor.u32 s3, s0;
	s1 =	sshll.u32 s1, $0x11  }
0xbc: {  	s0 =	sor.u32 s1, s0  }
0xbd: {  	s0 =	sadd.s32 $0x8F2B, s0  }
0xbe: {  	[sflag:s0] =	ssyncadd.remote.s32 $0x1  }
0xbf: {  	_ =	sfence.sel $0xFFFF  }
0xc0: {  	[dreg:$0x0] =	wrdreg $0xFFFFFFFF;
	(pc) =	sbr.abs _section_cstart, $3  }
0xc1: {  	[dreg:$0x1] =	wrdreg $0xFFFFFFFF  }
0xc2: {  	_ =	task.clear_ibuf [dreg:s7], $0x2FFFF;
	_ =	strace $0x9FFFFFFF  }
0xc3: {  	(tm) =	ssettm $0x7FFFFFFF  }
tec
execute0_lowered:
.L_overlay_start_1:
0x0: {  	(tag) =	ssettag $0x1  }
0x1: {  	s6 =	rddreg [dreg:$0x0]  }
0x2: {  	s2 =	rddreg [dreg:$0x1]  }
0x3: {  	s3 =	rddreg [dreg:$0x2];
	s4 =	srdreg.scid  }
0x4: {  	s0 =	rddreg [dreg:$0x3];
	s1 =	stileid.u32  }
0x5: {  	s13 =	simm.s32 $0x7D;
	s14 =	simm.s32 $0x1;
	s15 =	simm.s32 $0x0  }
0x6: {  	s7 =	sand.u32 $0x1, s4;
	s4 =	simm.s32 $0x0;
	s8 =	smul.u32 $0x1400, s1  }
0x7: {  	s31 =	sshll.u32 s1, $0x6;
	s5 =	sshll.u32 s7, $0x4;
	[smem:$0x7FF] =	sst s4  }
0x8: {  	s9 =	smul.u32 $0x14000, s7;
	s7 =	ssub.s32 $0x2, s7;
	s5 =	sor.u32 s1, s5  }
0x9: {  	_ =	strace $0x80000047;
	s11 =	sshrl.u32 s7, $0x1;
	s12 =	sadd.s32 s8, s3  }
0xa: {  	s10 =	smul.u32 $0x2800, s5;
	s5 =	sadd.s32 $0x16E00, s6;
	s9 =	sadd.s32 s8, s9  }
0xb: {  	s11 =	ssub.s32 s7, s11;
	s12 =	sshrl.u32 s12, $0x3;
	s9 =	sshrl.u32 s9, $0x3  }
0xc: {  	s8 =	smax.u32 s11, $0x1;
	s10 =	sshrl.u32 s10, $0x3;
	s9 =	sadd.s32 s9, s6  }
0xd: {  	s11 =	sor.u32 $0x1C02, s31;
	s6 =	sadd.s32 s6, s10;
	s7 =	sadd.s32 $0x17000, s9  }
0xe: {  	s9 =	simm.s32 $0x2;
	s10 =	simm.s32 $0x2800;
	s6 =	sadd.s32 $0xCE00, s6  }
.LBB2_1:
0xf: {  	[tilespmem:s4], [sflag:$0x2] =	stream.linear.gather [hbm4b:s6+s4], $0x2800, $0x38;
	[tilespmem:$0x3FE8] =	vst v63  }
0x10: {  	_ =	swait.ge [sflag:s9], $0x2800  }
0x11: {  	[sflag:s9] =	ssyncset.done $0x0  }
0x12: {  	[sflag:s9] =	ssyncadd.s32 $0xFFFFD800  }
0x13: {  	[tilespmem:s10], [sflag:$0x2] =	stream.linear.gather [hbm4b:s5+s4], $0x3E8, $0x38;
	[tilespmem:$0x3FE8] =	vst v63  }
0x14: {  	_ =	swait.ge [sflag:s9], $0x3E8  }
0x15: {  	[sflag:s9] =	ssyncset.done $0x0  }
0x16: {  	[sflag:s9] =	ssyncadd.s32 $0xFFFFFC18  }
0x17: {  	[spmem:s12], [sflag:s11] =	dma.local [hbm:s2], $0x280  }
0x18: {  	_ =	swait.ge [sflag:s9], $0x280  }
0x19: {  	[sflag:s9] =	ssyncset.done $0x0  }
0x1a: {  	[sflag:s9] =	ssyncadd.s32 $0xFFFFFD80  }
0x1b: {  	s16 =	simm.s32 $0x0;
	[bflag:$0x0] =	sbarrier.arrive $0xFFFF  }
.LBB2_2:
0x1c: {  	p0 =	sne.s32 s16, $0x9E00  }
.Ltmp0:
0x1d: {  	_ = 	snop;
	(pc) =	sbr.rel @p0 .LBB2_2-.Ltmp0, $3  }
0x1e: {  	_ =	sdelay $0x1  }
0x1f: {  	s17 =	sshra.s32 s16, $0x2;
	s16 =	sadd.s32 $0x200, s16  }
0x20: {  	[spmem:s3] =	stream.indirect.scatter.add.f32 [tilespmem:s10], [sflag:$0x1], $0x8, s17, s13, $0xb8;
	[tilespmem:$0x3FE8] =	vst v63  }
0x21: {  	_ =	swait.ge [sflag:s14], $0x3E8  }
0x22: {  	s16 =	simm.s32 $0x4F;
	[sflag:s14] =	ssyncset.done $0x0  }
.LBB2_4:
0x23: {  	p0 =	sne.s32 s16, $0x1;
	s16 =	sadd.s32 $0xFFFFFFFF, s16;
	[sflag:s14] =	ssyncadd.s32 $0xFFFFFC18  }
.Ltmp1:
0x24: {  	(pc) =	sbr.rel @p0 .LBB2_4-.Ltmp1, $3  }
0x25: {  	_ =	sdelay $0x1  }
0x26: {  	_ =	swait.ge [sflag:s14], $0x3E8  }
0x27: {  	[sflag:s14] =	ssyncset.done $0x0  }
0x28: {  	s15 =	sadd.s32 $0x1, s15  }
0x29: {  	[sflag:s14] =	ssyncadd.s32 $0xFFFFFC18;
	p0 =	sne.s32 s15, s8  }
.Ltmp2:
0x2a: {  	[bflag:$0x0] =	sbarrier.arrive $0xFFFF;
	(pc) =	sbr.rel @p0 .LBB2_1-.Ltmp2, $4  }
0x2b: {  	[hbm:s7], [sflag:s11] =	dma.local [spmem:s12], $0x280  }
0x2c: {  	_ =	swait.ge [sflag:s9], $0x280  }
0x2d: {  	[sflag:s9] =	ssyncset.done $0x0  }
0x2e: {  	[sflag:s9] =	ssyncadd.s32 $0xFFFFFD80  }
0x2f: {  	_ =	sfence.sel $0x180000  }
0x30: {  	[bflag:$0x0] =	sbarrier.arrive $0xFFFF  }
0x31: {  	p0 =	sne.s32 s1, $0x0;
	_ =	strace $0x90000047  }
0x32: {  	s0 =	sadd.s32 @!p0 $0x100000, s0;
	[bflag:$0x2] =	sbarrier.arrive $0xFFFF  }
0x33: {  	[sflag:s0] =	ssyncadd.tile.s32 @!p0 $0x1;
	_ =	shalt  }
.Lfunc_end2:
_tile_overlayer_lowered:
.L_overlay_start_2:
0x34: {  	(tag) =	ssettag $0x2  }
0x35: {  	s0 =	rddreg [dreg:$0x0];
	s2 =	stileid.u32  }
0x36: {  	s1 =	rddreg [dreg:$0x1];
	p0 =	sne.s32 s2, $0x0  }
0x37: {  	s3 =	rddreg [dreg:$0x2];
	[bflag:$0x3] =	sbarrier.arrive $0xFFFF;
	s2 =	simm.s32 @!p0 $0x1C02  }
0x38: {  	[timem:s3], [sflag:s2] =	dma.local @!p0 [hbm:s0], s1  }
0x39: {  	s0 =	simm.s32 @!p0 $0x2  }
0x3a: {  	_ =	swait.ge @!p0 [sflag:s0], s1  }
0x3b: {  	s1 =	ssub.s32 @!p0 $0x0, s1;
	[sflag:s0] =	ssyncset.done @!p0 $0x0  }
0x3c: {  	[sflag:s0] =	ssyncadd.s32 @!p0 s1  }
0x3d: {  	[bflag:$0x3] =	sbarrier.arrive $0xFFFF  }
0x3e: {  	_ =	shalt  }

</sc_bundles>
